<compile_context>
chip_gen: v7x
topology: tpu7x:2x2x1
jax: 0.10.2.dev20260603
libtpu: 0.0.44.dev20260713+nightly
codegen_flags: <defaults>
</compile_context>

<pallas_src>
import functools

import jax
import jax.numpy as jnp
from jax import lax
from jax.experimental import pallas as pl
from jax.experimental.pallas import tpu as pltpu
from jax.experimental.pallas import tpu_sc as plsc

_NC = 2
_NS = 16
_NW = _NC * _NS
_L = 16
_CA = 64
_CB = 96

_F32 = jnp.float32
_I32 = jnp.int32



def _mm_bias_body(a_ref, w_ref, b_ref, o_ref):
    o_ref[...] = (
        jnp.dot(a_ref[...], w_ref[...], preferred_element_type=_F32)
        + b_ref[...]
    ).astype(o_ref.dtype)


def _rows_mm_bias(a, w, b2d, block_rows, out_dtype):
    m, k = a.shape
    h = w.shape[1]
    assert m % block_rows == 0
    return pl.pallas_call(
        _mm_bias_body,
        grid=(m // block_rows,),
        in_specs=[
            pl.BlockSpec((block_rows, k), lambda i: (i, 0)),
            pl.BlockSpec((k, h), lambda i: (0, 0)),
            pl.BlockSpec((1, h), lambda i: (0, 0)),
        ],
        out_specs=pl.BlockSpec((block_rows, h), lambda i: (i, 0)),
        out_shape=jax.ShapeDtypeStruct((m, h), out_dtype),
    )(a, w, b2d)


def _emb_body(x_ref, a0_ref, a1_ref, w1_ref, w2_ref, b1_ref,
              wps_ref, wpo_ref, g1_ref, g2_ref):
    aggr = a0_ref[0] + a1_ref[0]
    emb = jnp.maximum(
        jnp.dot(x_ref[...], w1_ref[...], preferred_element_type=_F32)
        + jnp.dot(aggr, w2_ref[...], preferred_element_type=_F32)
        + b1_ref[...],
        0.0,
    )
    g1_ref[...] = jnp.dot(emb, wps_ref[...], preferred_element_type=_F32)
    g2_ref[...] = jnp.dot(emb, wpo_ref[...], preferred_element_type=_F32)


def _emb_g1_g2(x, aggr2, w1, w2, b1_2d, wps, wpo, block_rows):
    n, d = x.shape
    h = wps.shape[1]
    assert n % block_rows == 0
    full = lambda i: (0, 0)
    row_blk = lambda i: (i, 0)
    return pl.pallas_call(
        _emb_body,
        grid=(n // block_rows,),
        in_specs=[
            pl.BlockSpec((block_rows, d), row_blk),
            pl.BlockSpec((1, block_rows, d), lambda i: (0, i, 0)),
            pl.BlockSpec((1, block_rows, d), lambda i: (1, i, 0)),
            pl.BlockSpec((d, d), full),
            pl.BlockSpec((d, d), full),
            pl.BlockSpec((1, d), full),
            pl.BlockSpec((d, h), full),
            pl.BlockSpec((d, h), full),
        ],
        out_specs=[
            pl.BlockSpec((block_rows, h), row_blk),
            pl.BlockSpec((block_rows, h), row_blk),
        ],
        out_shape=[
            jax.ShapeDtypeStruct((n, h), _F32),
            jax.ShapeDtypeStruct((n, h), _F32),
        ],
    )(x, aggr2, aggr2, w1, w2, b1_2d, wps, wpo)



def _make_stage_a(n_nodes, e, d):
    assert e % _CA == 0
    nch = e // _CA
    nka = (nch + _NW - 1) // _NW
    npos = nka + 2
    npos += (-npos) % 3
    kcol = d // _L
    nfull = n_nodes // _CA
    ntail = n_nodes % _CA

    @functools.partial(
        pl.kernel,
        out_type=jax.ShapeDtypeStruct((2 * n_nodes, d), _F32),
        mesh=plsc.VectorSubcoreMesh(core_axis_name="c", subcore_axis_name="s"),
        scratch_types=[
            pltpu.VMEM((3, _CA, d), _F32),
            pltpu.VMEM((3, _CA, d), _F32),
            pltpu.VMEM((3, _CA), _I32),
            pltpu.VMEM((3, _CA), _I32),
            pltpu.VMEM_SHARED((n_nodes, d), _F32),
        ] + [pltpu.SemaphoreType.DMA] * 12,
        compiler_params=pltpu.CompilerParams(needs_layout_passes=False),
    )
    def stage_a(x_hbm, src_hbm, dst_hbm, p_hbm, z_hbm, out_hbm,
                pbuf, xbuf, sidx, didx, aggr_s, *sems):
        semi = sems[0:3]
        semp = sems[3:6]
        semg = sems[6:9]
        semsc = sems[9:12]
        cid = lax.axis_index("c")
        sid = lax.axis_index("s")
        wid = sid * _NC + cid

        pltpu.sync_copy(z_hbm, xbuf.at[0])

        def zbody(kk, carry):
            chunk = sid + kk * _NS

            @pl.when(chunk < nfull)
            def _():
                pltpu.sync_copy(xbuf.at[0],
                                aggr_s.at[pl.ds(chunk * _CA, _CA), :])

            return carry

        lax.fori_loop(0, (nfull + _NS - 1) // _NS, zbody, 0)
        if ntail:
            @pl.when(sid == _NS - 1)
            def _():
                pltpu.sync_copy(xbuf.at[0, pl.ds(0, ntail), :],
                                aggr_s.at[pl.ds(nfull * _CA, ntail), :])
        plsc.subcore_barrier()

        def d_sidx(kk, u):
            base = (kk * _NW + wid) * _CA
            return pltpu.make_async_copy(
                src_hbm.at[pl.ds(base, _CA)], sidx.at[u], semi[u])

        def d_didx(kk, u):
            base = (kk * _NW + wid) * _CA
            return pltpu.make_async_copy(
                dst_hbm.at[pl.ds(base, _CA)], didx.at[u], semi[u])

        def d_p(kk, u):
            base = (kk * _NW + wid) * _CA
            return pltpu.make_async_copy(
                p_hbm.at[pl.ds(base, _CA), :], pbuf.at[u], semp[u])

        def d_gather(u):
            return pltpu.make_async_copy(
                x_hbm.at[sidx.at[u]], xbuf.at[u], semg[u])

        def d_scat(u):
            return pltpu.make_async_copy(
                xbuf.at[u], aggr_s.at[didx.at[u]], semsc[u])

        def s1(kk, u):
            c = kk * _NW + wid
            valid = c < nch

            @pl.when((kk >= 3) & valid)
            def _():
                d_scat(u).wait()

            @pl.when(valid)
            def _():
                d_sidx(kk, u).start()
                d_didx(kk, u).start()
                d_p(kk, u).start()

        def g(kk, u):
            c = kk * _NW + wid

            @pl.when((kk >= 0) & (c < nch))
            def _():
                d_sidx(kk, u).wait()
                d_didx(kk, u).wait()
                d_gather(u).start()

        def f(kk, u):
            c = kk * _NW + wid

            @pl.when((kk >= 0) & (c < nch))
            def _():
                d_gather(u).wait()
                d_p(kk, u).wait()

                def crow(row, carry2):
                    for k in range(kcol):
                        sl = pl.ds(k * _L, _L)
                        v = xbuf[u, row, sl] + pbuf[u, row, sl]
                        xbuf[u, row, sl] = jnp.maximum(v, 0.0)
                    return carry2

                lax.fori_loop(0, _CA, crow, 0)
                pltpu.async_copy(xbuf.at[u], aggr_s.at[didx.at[u]],
                                 semsc[u], add=True)

        def mainloop(q, carry):
            i0 = q * 3
            for uu in range(3):
                i = i0 + uu
                g(i - 1, (uu + 2) % 3)
                s1(i, uu)
                f(i - 2, (uu + 1) % 3)
            return carry

        lax.fori_loop(0, npos // 3, mainloop, 0)
        for u in range(3):
            d_scat(u).wait()
        plsc.subcore_barrier()

        def obody(kk, carry):
            chunk = sid + kk * _NS

            @pl.when(chunk < nfull)
            def _():
                pltpu.sync_copy(
                    aggr_s.at[pl.ds(chunk * _CA, _CA), :],
                    out_hbm.at[pl.ds(cid * n_nodes + chunk * _CA, _CA), :])

            return carry

        lax.fori_loop(0, (nfull + _NS - 1) // _NS, obody, 0)
        if ntail:
            @pl.when(sid == _NS - 1)
            def _():
                pltpu.sync_copy(
                    aggr_s.at[pl.ds(nfull * _CA, ntail), :],
                    out_hbm.at[pl.ds(cid * n_nodes + nfull * _CA, ntail), :])

    return stage_a



def _make_stage_b(t, d):
    nfullb = t // _CB
    tb = t % _CB
    assert tb % 8 == 0
    ntotb = nfullb + (1 if tb else 0)
    nkb = (ntotb + _NW - 1) // _NW
    npos = nkb + 2
    npos += (-npos) % 3
    kcol = d // _L
    tailw = nfullb % _NW
    tail_slot = ((ntotb - 1 - tailw) // _NW) % 3

    @functools.partial(
        pl.kernel,
        out_type=jax.ShapeDtypeStruct((t,), _F32),
        mesh=plsc.VectorSubcoreMesh(core_axis_name="c", subcore_axis_name="s"),
        scratch_types=[
            pltpu.VMEM((3, _CB, d), _F32),
            pltpu.VMEM((3, _CB, d), _F32),
            pltpu.VMEM((3, _CB, d), _F32),
            pltpu.VMEM((3, _CB), _I32),
            pltpu.VMEM((3, _CB), _I32),
            pltpu.VMEM((3, _CB), _F32),
            pltpu.VMEM((d + _L,), _F32),
        ] + [pltpu.SemaphoreType.DMA] * 15,
        compiler_params=pltpu.CompilerParams(needs_layout_passes=False),
    )
    def stage_b(g1_hbm, g2_hbm, s_hbm, o_hbm, r_hbm, wb_hbm, out_hbm,
                g1buf, g2buf, rbuf, sidx, oidx, obuf, wbuf, *sems):
        semi = sems[0:3]
        semr = sems[3:6]
        semg1 = sems[6:9]
        semg2 = sems[9:12]
        semo = sems[12:15]
        cid = lax.axis_index("c")
        sid = lax.axis_index("s")
        wid = sid * _NC + cid

        pltpu.sync_copy(wb_hbm, wbuf)
        w2 = [wbuf[pl.ds(k * _L, _L)] for k in range(kcol)]
        b2v = wbuf[pl.ds(d, _L)]
        iota = lax.iota(_I32, _L)
        zero = jnp.zeros((_L,), _F32)

        def d_sidx(kk, u, n):
            base = (kk * _NW + wid) * _CB
            return pltpu.make_async_copy(
                s_hbm.at[pl.ds(base, n)],
                sidx.at[u, pl.ds(0, n)], semi[u])

        def d_oidx(kk, u, n):
            base = (kk * _NW + wid) * _CB
            return pltpu.make_async_copy(
                o_hbm.at[pl.ds(base, n)],
                oidx.at[u, pl.ds(0, n)], semi[u])

        def d_r(kk, u, n):
            base = (kk * _NW + wid) * _CB
            return pltpu.make_async_copy(
                r_hbm.at[pl.ds(base, n), :],
                rbuf.at[u, pl.ds(0, n), :], semr[u])

        def d_g1(u, n):
            return pltpu.make_async_copy(
                g1_hbm.at[sidx.at[u, pl.ds(0, n)]],
                g1buf.at[u, pl.ds(0, n), :], semg1[u])

        def d_g2(u, n):
            return pltpu.make_async_copy(
                g2_hbm.at[oidx.at[u, pl.ds(0, n)]],
                g2buf.at[u, pl.ds(0, n), :], semg2[u])

        def d_o(kk, u, n):
            base = (kk * _NW + wid) * _CB
            return pltpu.make_async_copy(
                obuf.at[u, pl.ds(0, n)],
                out_hbm.at[pl.ds(base, n)], semo[u])

        def both(cond_full, cond_tail, fn):
            if tb:
                @pl.when(cond_full)
                def _():
                    fn(_CB)

                @pl.when(cond_tail)
                def _():
                    fn(tb)
            else:
                @pl.when(cond_full)
                def _():
                    fn(_CB)

        def s1(kk, u):
            c = kk * _NW + wid

            @pl.when((kk >= 3) & (c < ntotb))
            def _():
                d_o(kk - 3, u, _CB).wait()

            def start(n):
                d_sidx(kk, u, n).start()
                d_oidx(kk, u, n).start()
                d_r(kk, u, n).start()

            both(c < nfullb, c == nfullb, start)

        def g(kk, u):
            ok = kk >= 0
            c = kk * _NW + wid

            def fire(n):
                d_sidx(kk, u, n).wait()
                d_oidx(kk, u, n).wait()
                d_g1(u, n).start()
                d_g2(u, n).start()

            both(ok & (c < nfullb), ok & (c == nfullb), fire)

        def f(kk, u):
            ok = kk >= 0
            c = kk * _NW + wid

            def waits(n):
                d_g1(u, n).wait()
                d_g2(u, n).wait()
                d_r(kk, u, n).wait()

            both(ok & (c < nfullb), ok & (c == nfullb), waits)

            @pl.when(ok & (c < ntotb))
            def _():
                nrows = jnp.where(c == nfullb, tb, _CB) if tb else _CB

                def ebody(row, s):
                    acc = zero
                    for k in range(kcol):
                        sl = pl.ds(k * _L, _L)
                        v = (g1buf[u, row, sl] + g2buf[u, row, sl]
                             + rbuf[u, row, sl])
                        acc = acc + jnp.maximum(v, 0.0) * w2[k]
                    tot = jnp.sum(acc)
                    lane = lax.rem(row, _L)
                    s = jnp.where(iota == lane, tot, s)

                    @pl.when(lane == _L - 1)
                    def _():
                        obuf[u, pl.ds(row - (_L - 1), _L)] = s

                    return jnp.where(lane == _L - 1, b2v, s)

                lax.fori_loop(0, nrows, ebody, b2v)

            both(ok & (c < nfullb), ok & (c == nfullb),
                 lambda n: d_o(kk, u, n).start())

        def mainloop(q, carry):
            i0 = q * 3
            for uu in range(3):
                i = i0 + uu
                g(i - 1, (uu + 2) % 3)
                s1(i, uu)
                f(i - 2, (uu + 1) % 3)
            return carry

        lax.fori_loop(0, npos // 3, mainloop, 0)
        for u in range(3):
            if tb and u == tail_slot:
                @pl.when(wid == tailw)
                def _():
                    d_o(0, u, tb).wait()

                @pl.when(wid != tailw)
                def _():
                    d_o(0, u, _CB).wait()
            else:
                d_o(0, u, _CB).wait()

    return stage_b



def kernel(x, edge_index, edge_attr, target_edges, target_edge_attrs,
           We, W1, W2, b1, Wp1, bp1, Wp2, bp2):
    n_nodes, d = x.shape
    h = Wp1.shape[1]
    e = edge_index.shape[1]
    t = target_edges.shape[1]

    ei = edge_index.astype(_I32)
    te = target_edges.astype(_I32)

    wp1_s = Wp1[:d]
    wp1_m = Wp1[d:d + target_edge_attrs.shape[1]]
    wp1_o = Wp1[d + target_edge_attrs.shape[1]:]

    p = _rows_mm_bias(edge_attr, We, jnp.zeros((1, d), _F32),
                      block_rows=8000, out_dtype=_F32)
    r = _rows_mm_bias(target_edge_attrs, wp1_m, bp1.reshape(1, h),
                      block_rows=8000, out_dtype=_F32)

    stage_a = _make_stage_a(n_nodes, e, d)
    zeros_chunk = jnp.zeros((_CA, d), _F32)
    aggr2 = stage_a(x, ei[0], ei[1], p, zeros_chunk).reshape(2, n_nodes, d)

    g1, g2 = _emb_g1_g2(x, aggr2, W1, W2, b1.reshape(1, d),
                        wp1_s, wp1_o, block_rows=400)

    wb = jnp.concatenate([Wp2[:, 0], jnp.broadcast_to(bp2, (_L,))])
    stage_b = _make_stage_b(t, h)
    return stage_b(g1, g2, te[0], te[1], r, wb)

# --- scband reference (transcript-rebuilt; emitter-appended) ---
"""Pipeline reference for scband-model-62706522521976 (READ-ONLY COPY).

The authoritative reference and input builder live on the scoring server;
editing this copy changes nothing except your own understanding.
"""

import jax, jax.numpy as jnp
import numpy as np

N = 10000
E = 320000
T = 200000
D = 128
DE = 16
H = 128

def setup_inputs(seed: int = 0) -> dict:
    key = jax.random.key(seed)
    ks = jax.random.split(key, 14)
    x = jax.random.normal(ks[0], (N, D), dtype=jnp.float32)
    edge_index = jax.random.randint(ks[1], (2, E), 0, N, dtype=jnp.int64)
    edge_attr = jax.random.normal(ks[2], (E, DE), dtype=jnp.float32)
    target_edges = jax.random.randint(ks[3], (2, T), 0, N, dtype=jnp.int64)
    target_edge_attrs = jax.random.normal(ks[4], (T, DE), dtype=jnp.float32)
    # node_embedder params (GINE-like conv)
    We = jax.random.normal(ks[5], (DE, D), dtype=jnp.float32) * 0.05
    W1 = jax.random.normal(ks[6], (D, D), dtype=jnp.float32) * 0.05
    W2 = jax.random.normal(ks[7], (D, D), dtype=jnp.float32) * 0.05
    b1 = jnp.zeros((D,), dtype=jnp.float32)
    # link_predictor params (concat MLP: [xs, xr, xo] -> hidden -> 1)
    Wp1 = jax.random.normal(ks[8], (2 * D + DE, H), dtype=jnp.float32) * 0.05
    bp1 = jnp.zeros((H,), dtype=jnp.float32)
    Wp2 = jax.random.normal(ks[9], (H, 1), dtype=jnp.float32) * 0.05
    bp2 = jnp.zeros((1,), dtype=jnp.float32)
    return {
        "x": x, "edge_index": edge_index, "edge_attr": edge_attr,
        "target_edges": target_edges, "target_edge_attrs": target_edge_attrs,
        "We": We, "W1": W1, "W2": W2, "b1": b1,
        "Wp1": Wp1, "bp1": bp1, "Wp2": Wp2, "bp2": bp2,
    }

def reference(x, edge_index, edge_attr, target_edges, target_edge_attrs,
              We, W1, W2, b1, Wp1, bp1, Wp2, bp2):
    n_nodes = x.shape[0]
    src = edge_index[0]
    dst = edge_index[1]
    # node_embedder: message = relu(x[src] + proj(edge_attr)); aggregate by dst (scatter-add)
    msg = jax.nn.relu(jnp.take(x, src, axis=0) + edge_attr @ We)
    aggr = jax.ops.segment_sum(msg, dst, num_segments=n_nodes)
    emb = jax.nn.relu(x @ W1 + aggr @ W2 + b1)
    # embedding lookups for link prediction pairs
    xs = jnp.take(emb, target_edges[0], axis=0)
    xo = jnp.take(emb, target_edges[1], axis=0)
    xr = target_edge_attrs
    # link_predictor: MLP over concat(xs, xr, xo)
    z = jnp.concatenate([xs, xr, xo], axis=-1)
    h = jax.nn.relu(z @ Wp1 + bp1)
    preds = (h @ Wp2 + bp2).squeeze(-1)
    return preds

if False:  # reference __main__ guard neutralized (emitter)
    out = reference(**setup_inputs())
    print(out.shape, out.dtype)

if __name__ == "__main__":
    import jax
    _d = setup_inputs()
    print(jax.jit(kernel)(*tuple(_d.values())))

</pallas_src>

<mosaic_0001>
#map = affine_map<(d0, d1) -> (0, 0)>
#map1 = affine_map<(d0, d1) -> (0)>
module attributes {stable_mosaic.version = 14 : i64} {
  func.func @stage_a(%arg0: i32, %arg1: i32, %arg2: memref<10000x128xf32, #tpu.memory_space<hbm>>, %arg3: memref<320000xi32, #tpu.memory_space<hbm>>, %arg4: memref<320000xi32, #tpu.memory_space<hbm>>, %arg5: memref<320000x128xf32, #tpu.memory_space<hbm>>, %arg6: memref<64x128xf32, #tpu.memory_space<hbm>>, %arg7: memref<20000x128xf32, #tpu.memory_space<hbm>>, %arg8: memref<3x64x128xf32, #tpu.memory_space<vmem>>, %arg9: memref<3x64x128xf32, #tpu.memory_space<vmem>>, %arg10: memref<3x64xi32, #tpu.memory_space<vmem>>, %arg11: memref<3x64xi32, #tpu.memory_space<vmem>>, %arg12: memref<10000x128xf32, #tpu.memory_space<vmem_shared>>, %arg13: memref<!tpu.dma_semaphore, #tpu.memory_space<semaphore_mem>>, %arg14: memref<!tpu.dma_semaphore, #tpu.memory_space<semaphore_mem>>, %arg15: memref<!tpu.dma_semaphore, #tpu.memory_space<semaphore_mem>>, %arg16: memref<!tpu.dma_semaphore, #tpu.memory_space<semaphore_mem>>, %arg17: memref<!tpu.dma_semaphore, #tpu.memory_space<semaphore_mem>>, %arg18: memref<!tpu.dma_semaphore, #tpu.memory_space<semaphore_mem>>, %arg19: memref<!tpu.dma_semaphore, #tpu.memory_space<semaphore_mem>>, %arg20: memref<!tpu.dma_semaphore, #tpu.memory_space<semaphore_mem>>, %arg21: memref<!tpu.dma_semaphore, #tpu.memory_space<semaphore_mem>>, %arg22: memref<!tpu.dma_semaphore, #tpu.memory_space<semaphore_mem>>, %arg23: memref<!tpu.dma_semaphore, #tpu.memory_space<semaphore_mem>>, %arg24: memref<!tpu.dma_semaphore, #tpu.memory_space<semaphore_mem>>) attributes {dimension_semantics = [#tpu.dimension_semantics<core_parallel>, #tpu.dimension_semantics<subcore_parallel>], iteration_bounds = array<i64: 2, 16>, scalar_prefetch = 0 : i64, scratch_operands = 17 : i64, tpu.core_type = #tpu.core_type<sc_vector_subcore>, window_params = [{transform_indices = #map}, {transform_indices = #map1}, {transform_indices = #map1}, {transform_indices = #map}, {transform_indices = #map}, {transform_indices = #map}]} {
    %mul3A = arith.constant 2 : i32
    %mul3A_0 = arith.muli %arg1, %mul3A : i32
    %add3A = arith.addi %mul3A_0, %arg0 : i32
    %run_scoped3A = arith.constant 0 : i32
    "tpu.region"() ({
      %run_scoped3A_61 = tpu.sem_alloc : memref<!tpu.dma_semaphore, #tpu.memory_space<semaphore_mem>>
      %dma_start3A = arith.constant 0 : i32
      %dma_start3A_62 = arith.constant 0 : i32
      %dma_start3A_63 = tpu.memref_slice %arg9[%run_scoped3A, %dma_start3A, %dma_start3A_62] : memref<3x64x128xf32, #tpu.memory_space<vmem>> -> memref<1x64x128xf32, #tpu.memory_space<vmem>>
      %dma_start3A_64 = tpu.memref_squeeze %dma_start3A_63 : memref<1x64x128xf32, #tpu.memory_space<vmem>> -> memref<64x128xf32, #tpu.memory_space<vmem>>
      %dma_start3A_65 = arith.constant 0 : i32
      %dma_start3A_66 = arith.constant 0 : i32
      %dma_start3A_67 = tpu.memref_slice %arg9[%run_scoped3A, %dma_start3A_65, %dma_start3A_66] : memref<3x64x128xf32, #tpu.memory_space<vmem>> -> memref<1x64x128xf32, #tpu.memory_space<vmem>>
      %dma_start3A_68 = tpu.memref_squeeze %dma_start3A_67 : memref<1x64x128xf32, #tpu.memory_space<vmem>> -> memref<64x128xf32, #tpu.memory_space<vmem>>
      tpu.enqueue_dma source(%arg6 : memref<64x128xf32, #tpu.memory_space<hbm>>) target(%dma_start3A_68 : memref<64x128xf32, #tpu.memory_space<vmem>>) target_semaphore(%run_scoped3A_61 : memref<!tpu.dma_semaphore, #tpu.memory_space<semaphore_mem>>)
      %dma_wait3A_69 = arith.constant 0 : i32
      %dma_wait3A_70 = arith.constant 0 : i32
      %dma_wait3A_71 = tpu.memref_slice %arg9[%run_scoped3A, %dma_wait3A_69, %dma_wait3A_70] : memref<3x64x128xf32, #tpu.memory_space<vmem>> -> memref<1x64x128xf32, #tpu.memory_space<vmem>>
      %dma_wait3A_72 = tpu.memref_squeeze %dma_wait3A_71 : memref<1x64x128xf32, #tpu.memory_space<vmem>> -> memref<64x128xf32, #tpu.memory_space<vmem>>
      %dma_wait3A_73 = arith.constant 0 : i32
      %dma_wait3A_74 = arith.constant 0 : i32
      %dma_wait3A_75 = tpu.memref_slice %arg9[%run_scoped3A, %dma_wait3A_73, %dma_wait3A_74] : memref<3x64x128xf32, #tpu.memory_space<vmem>> -> memref<1x64x128xf32, #tpu.memory_space<vmem>>
      %dma_wait3A_76 = tpu.memref_squeeze %dma_wait3A_75 : memref<1x64x128xf32, #tpu.memory_space<vmem>> -> memref<64x128xf32, #tpu.memory_space<vmem>>
      tpu.wait_dma2 semaphore(%run_scoped3A_61 : memref<!tpu.dma_semaphore, #tpu.memory_space<semaphore_mem>>) src(%arg6 : memref<64x128xf32, #tpu.memory_space<hbm>>) dst(%dma_wait3A_76 : memref<64x128xf32, #tpu.memory_space<vmem>>)
      tpu.yield
    }) : () -> ()
    %scan3A = arith.constant 0 : i32
    %scan3A_1 = arith.constant 0 : i32
    %scan3A_2 = arith.constant 10 : i32
    %scan3A_3 = arith.addi %scan3A_1, %scan3A_2 : i32
    %scan3A_4 = arith.constant 1 : i32
    scf.for %scan3A_61 = %scan3A_1 to %scan3A_3 step %scan3A_4  : i32 {
      %mul3A_62 = arith.constant 16 : i32
      %mul3A_63 = arith.muli %scan3A_61, %mul3A_62 : i32
      %add3A_64 = arith.addi %arg1, %mul3A_63 : i32
      %lt3A = arith.constant 156 : i32
      %lt3A_65 = arith.cmpi slt, %add3A_64, %lt3A : i32
      %convert_element_type3A_66 = arith.extui %lt3A_65 : i1 to i32
      %cond3A_67 = arith.constant 0 : i32
      %cond3A_68 = arith.cmpi ne, %convert_element_type3A_66, %cond3A_67 : i32
      scf.if %cond3A_68 {
        %mul3A_69 = arith.constant 64 : i32
        %mul3A_70 = arith.muli %add3A_64, %mul3A_69 : i32
        %run_scoped3A_71 = arith.constant 0 : i32
        "tpu.region"() ({
          %run_scoped3A_72 = tpu.sem_alloc : memref<!tpu.dma_semaphore, #tpu.memory_space<semaphore_mem>>
          %dma_start3A = arith.constant 0 : i32
          %dma_start3A_73 = arith.constant 0 : i32
          %dma_start3A_74 = tpu.memref_slice %arg9[%run_scoped3A_71, %dma_start3A, %dma_start3A_73] : memref<3x64x128xf32, #tpu.memory_space<vmem>> -> memref<1x64x128xf32, #tpu.memory_space<vmem>>
          %dma_start3A_75 = tpu.memref_squeeze %dma_start3A_74 : memref<1x64x128xf32, #tpu.memory_space<vmem>> -> memref<64x128xf32, #tpu.memory_space<vmem>>
          %dma_start3A_76 = arith.constant 0 : i32
          %dma_start3A_77 = tpu.memref_slice %arg12[%mul3A_70, %dma_start3A_76] : memref<10000x128xf32, #tpu.memory_space<vmem_shared>> -> memref<64x128xf32, #tpu.memory_space<vmem_shared>>
          %dma_start3A_78 = arith.constant 0 : i32
          %dma_start3A_79 = tpu.memref_slice %arg12[%mul3A_70, %dma_start3A_78] : memref<10000x128xf32, #tpu.memory_space<vmem_shared>> -> memref<64x128xf32, #tpu.memory_space<vmem_shared>>
          %dma_start3A_80 = arith.constant 0 : i32
          %dma_start3A_81 = arith.constant 0 : i32
          %dma_start3A_82 = tpu.memref_slice %arg9[%run_scoped3A_71, %dma_start3A_80, %dma_start3A_81] : memref<3x64x128xf32, #tpu.memory_space<vmem>> -> memref<1x64x128xf32, #tpu.memory_space<vmem>>
          %dma_start3A_83 = tpu.memref_squeeze %dma_start3A_82 : memref<1x64x128xf32, #tpu.memory_space<vmem>> -> memref<64x128xf32, #tpu.memory_space<vmem>>
          tpu.enqueue_dma source(%dma_start3A_83 : memref<64x128xf32, #tpu.memory_space<vmem>>) target(%dma_start3A_79 : memref<64x128xf32, #tpu.memory_space<vmem_shared>>) target_semaphore(%run_scoped3A_72 : memref<!tpu.dma_semaphore, #tpu.memory_space<semaphore_mem>>)
          %dma_wait3A_84 = arith.constant 0 : i32
          %dma_wait3A_85 = arith.constant 0 : i32
          %dma_wait3A_86 = tpu.memref_slice %arg9[%run_scoped3A_71, %dma_wait3A_84, %dma_wait3A_85] : memref<3x64x128xf32, #tpu.memory_space<vmem>> -> memref<1x64x128xf32, #tpu.memory_space<vmem>>
          %dma_wait3A_87 = tpu.memref_squeeze %dma_wait3A_86 : memref<1x64x128xf32, #tpu.memory_space<vmem>> -> memref<64x128xf32, #tpu.memory_space<vmem>>
          %dma_wait3A_88 = arith.constant 0 : i32
          %dma_wait3A_89 = tpu.memref_slice %arg12[%mul3A_70, %dma_wait3A_88] : memref<10000x128xf32, #tpu.memory_space<vmem_shared>> -> memref<64x128xf32, #tpu.memory_space<vmem_shared>>
          %dma_wait3A_90 = arith.constant 0 : i32
          %dma_wait3A_91 = tpu.memref_slice %arg12[%mul3A_70, %dma_wait3A_90] : memref<10000x128xf32, #tpu.memory_space<vmem_shared>> -> memref<64x128xf32, #tpu.memory_space<vmem_shared>>
          %dma_wait3A_92 = arith.constant 0 : i32
          %dma_wait3A_93 = arith.constant 0 : i32
          %dma_wait3A_94 = tpu.memref_slice %arg9[%run_scoped3A_71, %dma_wait3A_92, %dma_wait3A_93] : memref<3x64x128xf32, #tpu.memory_space<vmem>> -> memref<1x64x128xf32, #tpu.memory_space<vmem>>
          %dma_wait3A_95 = tpu.memref_squeeze %dma_wait3A_94 : memref<1x64x128xf32, #tpu.memory_space<vmem>> -> memref<64x128xf32, #tpu.memory_space<vmem>>
          tpu.wait_dma2 semaphore(%run_scoped3A_72 : memref<!tpu.dma_semaphore, #tpu.memory_space<semaphore_mem>>) src(%dma_wait3A_95 : memref<64x128xf32, #tpu.memory_space<vmem>>) dst(%dma_wait3A_91 : memref<64x128xf32, #tpu.memory_space<vmem_shared>>)
          tpu.yield
        }) : () -> ()
      } else {
      }
    }
    %scan3A_5 = arith.constant 10 : i32
    %eq3A = arith.constant 15 : i32
    %eq3A_6 = arith.cmpi eq, %arg1, %eq3A : i32
    %convert_element_type3A = arith.extui %eq3A_6 : i1 to i32
    %cond3A = arith.constant 0 : i32
    %cond3A_7 = arith.cmpi ne, %convert_element_type3A, %cond3A : i32
    scf.if %cond3A_7 {
      %run_scoped3A_61 = arith.constant 0 : i32
      "tpu.region"() ({
        %run_scoped3A_62 = tpu.sem_alloc : memref<!tpu.dma_semaphore, #tpu.memory_space<semaphore_mem>>
        %dma_start3A = arith.constant 0 : i32
        %dma_start3A_63 = arith.constant 0 : i32
        %dma_start3A_64 = tpu.memref_slice %arg9[%run_scoped3A_61, %dma_start3A, %dma_start3A_63] : memref<3x64x128xf32, #tpu.memory_space<vmem>> -> memref<1x16x128xf32, #tpu.memory_space<vmem>>
        %dma_start3A_65 = tpu.memref_squeeze %dma_start3A_64 : memref<1x16x128xf32, #tpu.memory_space<vmem>> -> memref<16x128xf32, #tpu.memory_space<vmem>>
        %dma_start3A_66 = arith.constant 9984 : i32
        %dma_start3A_67 = arith.constant 0 : i32
        %dma_start3A_68 = tpu.memref_slice %arg12[%dma_start3A_66, %dma_start3A_67] : memref<10000x128xf32, #tpu.memory_space<vmem_shared>> -> memref<16x128xf32, #tpu.memory_space<vmem_shared>>
        %dma_start3A_69 = arith.constant 9984 : i32
        %dma_start3A_70 = arith.constant 0 : i32
        %dma_start3A_71 = tpu.memref_slice %arg12[%dma_start3A_69, %dma_start3A_70] : memref<10000x128xf32, #tpu.memory_space<vmem_shared>> -> memref<16x128xf32, #tpu.memory_space<vmem_shared>>
        %dma_start3A_72 = arith.constant 0 : i32
        %dma_start3A_73 = arith.constant 0 : i32
        %dma_start3A_74 = tpu.memref_slice %arg9[%run_scoped3A_61, %dma_start3A_72, %dma_start3A_73] : memref<3x64x128xf32, #tpu.memory_space<vmem>> -> memref<1x16x128xf32, #tpu.memory_space<vmem>>
        %dma_start3A_75 = tpu.memref_squeeze %dma_start3A_74 : memref<1x16x128xf32, #tpu.memory_space<vmem>> -> memref<16x128xf32, #tpu.memory_space<vmem>>
        tpu.enqueue_dma source(%dma_start3A_75 : memref<16x128xf32, #tpu.memory_space<vmem>>) target(%dma_start3A_71 : memref<16x128xf32, #tpu.memory_space<vmem_shared>>) target_semaphore(%run_scoped3A_62 : memref<!tpu.dma_semaphore, #tpu.memory_space<semaphore_mem>>)
        %dma_wait3A_76 = arith.constant 0 : i32
        %dma_wait3A_77 = arith.constant 0 : i32
        %dma_wait3A_78 = tpu.memref_slice %arg9[%run_scoped3A_61, %dma_wait3A_76, %dma_wait3A_77] : memref<3x64x128xf32, #tpu.memory_space<vmem>> -> memref<1x16x128xf32, #tpu.memory_space<vmem>>
        %dma_wait3A_79 = tpu.memref_squeeze %dma_wait3A_78 : memref<1x16x128xf32, #tpu.memory_space<vmem>> -> memref<16x128xf32, #tpu.memory_space<vmem>>
        %dma_wait3A_80 = arith.constant 9984 : i32
        %dma_wait3A_81 = arith.constant 0 : i32
        %dma_wait3A_82 = tpu.memref_slice %arg12[%dma_wait3A_80, %dma_wait3A_81] : memref<10000x128xf32, #tpu.memory_space<vmem_shared>> -> memref<16x128xf32, #tpu.memory_space<vmem_shared>>
        %dma_wait3A_83 = arith.constant 9984 : i32
        %dma_wait3A_84 = arith.constant 0 : i32
        %dma_wait3A_85 = tpu.memref_slice %arg12[%dma_wait3A_83, %dma_wait3A_84] : memref<10000x128xf32, #tpu.memory_space<vmem_shared>> -> memref<16x128xf32, #tpu.memory_space<vmem_shared>>
        %dma_wait3A_86 = arith.constant 0 : i32
        %dma_wait3A_87 = arith.constant 0 : i32
        %dma_wait3A_88 = tpu.memref_slice %arg9[%run_scoped3A_61, %dma_wait3A_86, %dma_wait3A_87] : memref<3x64x128xf32, #tpu.memory_space<vmem>> -> memref<1x16x128xf32, #tpu.memory_space<vmem>>
        %dma_wait3A_89 = tpu.memref_squeeze %dma_wait3A_88 : memref<1x16x128xf32, #tpu.memory_space<vmem>> -> memref<16x128xf32, #tpu.memory_space<vmem>>
        tpu.wait_dma2 semaphore(%run_scoped3A_62 : memref<!tpu.dma_semaphore, #tpu.memory_space<semaphore_mem>>) src(%dma_wait3A_89 : memref<16x128xf32, #tpu.memory_space<vmem>>) dst(%dma_wait3A_85 : memref<16x128xf32, #tpu.memory_space<vmem_shared>>)
        tpu.yield
      }) : () -> ()
    } else {
    }
    %barrier3A = arith.constant 0 : index
    tpu.barrier barrier_id(%barrier3A)
    %scan3A_8 = arith.constant 0 : i32
    %scan3A_9 = arith.constant 0 : i32
    %scan3A_10 = arith.constant 53 : i32
    %scan3A_11 = arith.addi %scan3A_9, %scan3A_10 : i32
    %scan3A_12 = arith.constant 1 : i32
    scf.for %scan3A_61 = %scan3A_9 to %scan3A_11 step %scan3A_12  : i32 {
      %mul3A_62 = arith.constant 3 : i32
      %mul3A_63 = arith.muli %scan3A_61, %mul3A_62 : i32
      %add3A_64 = arith.constant 0 : i32
      %add3A_65 = arith.addi %mul3A_63, %add3A_64 : i32
      %sub3A = arith.constant 1 : i32
      %sub3A_66 = arith.subi %add3A_65, %sub3A : i32
      %mul3A_67 = arith.constant 32 : i32
      %mul3A_68 = arith.muli %sub3A_66, %mul3A_67 : i32
      %add3A_69 = arith.addi %mul3A_68, %add3A : i32
      %ge3A = arith.constant 0 : i32
      %ge3A_70 = arith.cmpi sge, %sub3A_66, %ge3A : i32
      %lt3A = arith.constant 5000 : i32
      %lt3A_71 = arith.cmpi slt, %add3A_69, %lt3A : i32
      %and3A = arith.andi %ge3A_70, %lt3A_71 : i1
      %convert_element_type3A_72 = arith.extui %and3A : i1 to i32
      %cond3A_73 = arith.constant 0 : i32
      %cond3A_74 = arith.cmpi ne, %convert_element_type3A_72, %cond3A_73 : i32
      scf.if %cond3A_74 {
        %mul3A_186 = arith.constant 32 : i32
        %mul3A_187 = arith.muli %sub3A_66, %mul3A_186 : i32
        %add3A_188 = arith.addi %mul3A_187, %add3A : i32
        %mul3A_189 = arith.constant 64 : i32
        %mul3A_190 = arith.muli %add3A_188, %mul3A_189 : i32
        %dma_wait3A_191 = arith.constant 2 : i32
        %dma_wait3A_192 = arith.constant 0 : i32
        %dma_wait3A_193 = tpu.memref_slice %arg10[%dma_wait3A_191, %dma_wait3A_192] : memref<3x64xi32, #tpu.memory_space<vmem>> -> memref<1x64xi32, #tpu.memory_space<vmem>>
        %dma_wait3A_194 = tpu.memref_squeeze %dma_wait3A_193 : memref<1x64xi32, #tpu.memory_space<vmem>> -> memref<64xi32, #tpu.memory_space<vmem>>
        %dma_wait3A_195 = tpu.memref_slice %arg3[%mul3A_190] : memref<320000xi32, #tpu.memory_space<hbm>> -> memref<64xi32, #tpu.memory_space<hbm>>
        %dma_wait3A_196 = arith.constant 0 : i32
        %dma_wait3A_197 = tpu.memref_slice %arg10[%dma_wait3A_191, %dma_wait3A_196] : memref<3x64xi32, #tpu.memory_space<vmem>> -> memref<1x64xi32, #tpu.memory_space<vmem>>
        %dma_wait3A_198 = tpu.memref_squeeze %dma_wait3A_197 : memref<1x64xi32, #tpu.memory_space<vmem>> -> memref<64xi32, #tpu.memory_space<vmem>>
        %dma_wait3A_199 = tpu.memref_slice %arg3[%mul3A_190] : memref<320000xi32, #tpu.memory_space<hbm>> -> memref<64xi32, #tpu.memory_space<hbm>>
        tpu.wait_dma2 semaphore(%arg15 : memref<!tpu.dma_semaphore, #tpu.memory_space<semaphore_mem>>) src(%dma_wait3A_199 : memref<64xi32, #tpu.memory_space<hbm>>) dst(%dma_wait3A_198 : memref<64xi32, #tpu.memory_space<vmem>>)
        %mul3A_200 = arith.constant 32 : i32
        %mul3A_201 = arith.muli %sub3A_66, %mul3A_200 : i32
        %add3A_202 = arith.addi %mul3A_201, %add3A : i32
        %mul3A_203 = arith.constant 64 : i32
        %mul3A_204 = arith.muli %add3A_202, %mul3A_203 : i32
        %dma_wait3A_205 = arith.constant 2 : i32
        %dma_wait3A_206 = arith.constant 0 : i32
        %dma_wait3A_207 = tpu.memref_slice %arg11[%dma_wait3A_205, %dma_wait3A_206] : memref<3x64xi32, #tpu.memory_space<vmem>> -> memref<1x64xi32, #tpu.memory_space<vmem>>
        %dma_wait3A_208 = tpu.memref_squeeze %dma_wait3A_207 : memref<1x64xi32, #tpu.memory_space<vmem>> -> memref<64xi32, #tpu.memory_space<vmem>>
        %dma_wait3A_209 = tpu.memref_slice %arg4[%mul3A_204] : memref<320000xi32, #tpu.memory_space<hbm>> -> memref<64xi32, #tpu.memory_space<hbm>>
        %dma_wait3A_210 = arith.constant 0 : i32
        %dma_wait3A_211 = tpu.memref_slice %arg11[%dma_wait3A_205, %dma_wait3A_210] : memref<3x64xi32, #tpu.memory_space<vmem>> -> memref<1x64xi32, #tpu.memory_space<vmem>>
        %dma_wait3A_212 = tpu.memref_squeeze %dma_wait3A_211 : memref<1x64xi32, #tpu.memory_space<vmem>> -> memref<64xi32, #tpu.memory_space<vmem>>
        %dma_wait3A_213 = tpu.memref_slice %arg4[%mul3A_204] : memref<320000xi32, #tpu.memory_space<hbm>> -> memref<64xi32, #tpu.memory_space<hbm>>
        tpu.wait_dma2 semaphore(%arg15 : memref<!tpu.dma_semaphore, #tpu.memory_space<semaphore_mem>>) src(%dma_wait3A_213 : memref<64xi32, #tpu.memory_space<hbm>>) dst(%dma_wait3A_212 : memref<64xi32, #tpu.memory_space<vmem>>)
        %dma_start3A = arith.constant 2 : i32
        %dma_start3A_214 = arith.constant 2 : i32
        %dma_start3A_215 = arith.constant 0 : i32
        %dma_start3A_216 = arith.constant 0 : i32
        %dma_start3A_217 = tpu.memref_slice %arg9[%dma_start3A_214, %dma_start3A_215, %dma_start3A_216] : memref<3x64x128xf32, #tpu.memory_space<vmem>> -> memref<1x64x128xf32, #tpu.memory_space<vmem>>
        %dma_start3A_218 = tpu.memref_squeeze %dma_start3A_217 : memref<1x64x128xf32, #tpu.memory_space<vmem>> -> memref<64x128xf32, #tpu.memory_space<vmem>>
        %dma_start3A_219 = arith.constant 0 : i32
        %dma_start3A_220 = tpu.memref_slice %arg10[%dma_start3A, %dma_start3A_219] : memref<3x64xi32, #tpu.memory_space<vmem>> -> memref<1x64xi32, #tpu.memory_space<vmem>>
        %dma_start3A_221 = tpu.memref_squeeze %dma_start3A_220 : memref<1x64xi32, #tpu.memory_space<vmem>> -> memref<64xi32, #tpu.memory_space<vmem>>
        %dma_start3A_222 = arith.constant 0 : i32
        %dma_start3A_223 = arith.constant 0 : i32
        %dma_start3A_224 = tpu.memref_slice %arg2[%dma_start3A_222, %dma_start3A_223] : memref<10000x128xf32, #tpu.memory_space<hbm>> -> memref<10000x128xf32, #tpu.memory_space<hbm>>
        tpu.enqueue_indirect_dma source(%dma_start3A_224 : memref<10000x128xf32, #tpu.memory_space<hbm>>) target(%dma_start3A_218 : memref<64x128xf32, #tpu.memory_space<vmem>>) offsets(%dma_start3A_221 : memref<64xi32, #tpu.memory_space<vmem>>) semaphore(%arg21 : memref<!tpu.dma_semaphore, #tpu.memory_space<semaphore_mem>>)
      } else {
      }
      %mul3A_75 = arith.constant 32 : i32
      %mul3A_76 = arith.muli %add3A_65, %mul3A_75 : i32
      %add3A_77 = arith.addi %mul3A_76, %add3A : i32
      %lt3A_78 = arith.constant 5000 : i32
      %lt3A_79 = arith.cmpi slt, %add3A_77, %lt3A_78 : i32
      %ge3A_80 = arith.constant 3 : i32
      %ge3A_81 = arith.cmpi sge, %add3A_65, %ge3A_80 : i32
      %and3A_82 = arith.andi %ge3A_81, %lt3A_79 : i1
      %convert_element_type3A_83 = arith.extui %and3A_82 : i1 to i32
      %cond3A_84 = arith.constant 0 : i32
      %cond3A_85 = arith.cmpi ne, %convert_element_type3A_83, %cond3A_84 : i32
      scf.if %cond3A_85 {
        %dma_wait3A_186 = arith.constant 0 : i32
        %dma_wait3A_187 = arith.constant 0 : i32
        %dma_wait3A_188 = arith.constant 0 : i32
        %dma_wait3A_189 = arith.constant 0 : i32
        %dma_wait3A_190 = tpu.memref_slice %arg9[%dma_wait3A_186, %dma_wait3A_188, %dma_wait3A_189] : memref<3x64x128xf32, #tpu.memory_space<vmem>> -> memref<1x64x128xf32, #tpu.memory_space<vmem>>
        %dma_wait3A_191 = tpu.memref_squeeze %dma_wait3A_190 : memref<1x64x128xf32, #tpu.memory_space<vmem>> -> memref<64x128xf32, #tpu.memory_space<vmem>>
        %dma_wait3A_192 = arith.constant 0 : i32
        %dma_wait3A_193 = tpu.memref_slice %arg11[%dma_wait3A_187, %dma_wait3A_192] : memref<3x64xi32, #tpu.memory_space<vmem>> -> memref<1x64xi32, #tpu.memory_space<vmem>>
        %dma_wait3A_194 = tpu.memref_squeeze %dma_wait3A_193 : memref<1x64xi32, #tpu.memory_space<vmem>> -> memref<64xi32, #tpu.memory_space<vmem>>
        %dma_wait3A_195 = arith.constant 0 : i32
        %dma_wait3A_196 = arith.constant 0 : i32
        %dma_wait3A_197 = tpu.memref_slice %arg12[%dma_wait3A_195, %dma_wait3A_196] : memref<10000x128xf32, #tpu.memory_space<vmem_shared>> -> memref<10000x128xf32, #tpu.memory_space<vmem_shared>>
        tpu.wait_indirect_dma semaphore(%arg22 : memref<!tpu.dma_semaphore, #tpu.memory_space<semaphore_mem>>) src(%dma_wait3A_191 : memref<64x128xf32, #tpu.memory_space<vmem>>) dst(%dma_wait3A_197 : memref<10000x128xf32, #tpu.memory_space<vmem_shared>>)
      } else {
      }
      %convert_element_type3A_86 = arith.extui %lt3A_79 : i1 to i32
      %cond3A_87 = arith.constant 0 : i32
      %cond3A_88 = arith.cmpi ne, %convert_element_type3A_86, %cond3A_87 : i32
      scf.if %cond3A_88 {
        %mul3A_186 = arith.constant 32 : i32
        %mul3A_187 = arith.muli %add3A_65, %mul3A_186 : i32
        %add3A_188 = arith.addi %mul3A_187, %add3A : i32
        %mul3A_189 = arith.constant 64 : i32
        %mul3A_190 = arith.muli %add3A_188, %mul3A_189 : i32
        %dma_start3A = arith.constant 0 : i32
        %dma_start3A_191 = arith.constant 0 : i32
        %dma_start3A_192 = tpu.memref_slice %arg10[%dma_start3A, %dma_start3A_191] : memref<3x64xi32, #tpu.memory_space<vmem>> -> memref<1x64xi32, #tpu.memory_space<vmem>>
        %dma_start3A_193 = tpu.memref_squeeze %dma_start3A_192 : memref<1x64xi32, #tpu.memory_space<vmem>> -> memref<64xi32, #tpu.memory_space<vmem>>
        %dma_start3A_194 = tpu.memref_slice %arg3[%mul3A_190] : memref<320000xi32, #tpu.memory_space<hbm>> -> memref<64xi32, #tpu.memory_space<hbm>>
        %dma_start3A_195 = arith.constant 0 : i32
        %dma_start3A_196 = tpu.memref_slice %arg10[%dma_start3A, %dma_start3A_195] : memref<3x64xi32, #tpu.memory_space<vmem>> -> memref<1x64xi32, #tpu.memory_space<vmem>>
        %dma_start3A_197 = tpu.memref_squeeze %dma_start3A_196 : memref<1x64xi32, #tpu.memory_space<vmem>> -> memref<64xi32, #tpu.memory_space<vmem>>
        %dma_start3A_198 = tpu.memref_slice %arg3[%mul3A_190] : memref<320000xi32, #tpu.memory_space<hbm>> -> memref<64xi32, #tpu.memory_space<hbm>>
        tpu.enqueue_dma source(%dma_start3A_198 : memref<64xi32, #tpu.memory_space<hbm>>) target(%dma_start3A_197 : memref<64xi32, #tpu.memory_space<vmem>>) target_semaphore(%arg13 : memref<!tpu.dma_semaphore, #tpu.memory_space<semaphore_mem>>)
        %mul3A_199 = arith.constant 32 : i32
        %mul3A_200 = arith.muli %add3A_65, %mul3A_199 : i32
        %add3A_201 = arith.addi %mul3A_200, %add3A : i32
        %mul3A_202 = arith.constant 64 : i32
        %mul3A_203 = arith.muli %add3A_201, %mul3A_202 : i32
        %dma_start3A_204 = arith.constant 0 : i32
        %dma_start3A_205 = arith.constant 0 : i32
        %dma_start3A_206 = tpu.memref_slice %arg11[%dma_start3A_204, %dma_start3A_205] : memref<3x64xi32, #tpu.memory_space<vmem>> -> memref<1x64xi32, #tpu.memory_space<vmem>>
        %dma_start3A_207 = tpu.memref_squeeze %dma_start3A_206 : memref<1x64xi32, #tpu.memory_space<vmem>> -> memref<64xi32, #tpu.memory_space<vmem>>
        %dma_start3A_208 = tpu.memref_slice %arg4[%mul3A_203] : memref<320000xi32, #tpu.memory_space<hbm>> -> memref<64xi32, #tpu.memory_space<hbm>>
        %dma_start3A_209 = arith.constant 0 : i32
        %dma_start3A_210 = tpu.memref_slice %arg11[%dma_start3A_204, %dma_start3A_209] : memref<3x64xi32, #tpu.memory_space<vmem>> -> memref<1x64xi32, #tpu.memory_space<vmem>>
        %dma_start3A_211 = tpu.memref_squeeze %dma_start3A_210 : memref<1x64xi32, #tpu.memory_space<vmem>> -> memref<64xi32, #tpu.memory_space<vmem>>
        %dma_start3A_212 = tpu.memref_slice %arg4[%mul3A_203] : memref<320000xi32, #tpu.memory_space<hbm>> -> memref<64xi32, #tpu.memory_space<hbm>>
        tpu.enqueue_dma source(%dma_start3A_212 : memref<64xi32, #tpu.memory_space<hbm>>) target(%dma_start3A_211 : memref<64xi32, #tpu.memory_space<vmem>>) target_semaphore(%arg13 : memref<!tpu.dma_semaphore, #tpu.memory_space<semaphore_mem>>)
        %mul3A_213 = arith.constant 32 : i32
        %mul3A_214 = arith.muli %add3A_65, %mul3A_213 : i32
        %add3A_215 = arith.addi %mul3A_214, %add3A : i32
        %mul3A_216 = arith.constant 64 : i32
        %mul3A_217 = arith.muli %add3A_215, %mul3A_216 : i32
        %dma_start3A_218 = arith.constant 0 : i32
        %dma_start3A_219 = arith.constant 0 : i32
        %dma_start3A_220 = arith.constant 0 : i32
        %dma_start3A_221 = tpu.memref_slice %arg8[%dma_start3A_218, %dma_start3A_219, %dma_start3A_220] : memref<3x64x128xf32, #tpu.memory_space<vmem>> -> memref<1x64x128xf32, #tpu.memory_space<vmem>>
        %dma_start3A_222 = tpu.memref_squeeze %dma_start3A_221 : memref<1x64x128xf32, #tpu.memory_space<vmem>> -> memref<64x128xf32, #tpu.memory_space<vmem>>
        %dma_start3A_223 = arith.constant 0 : i32
        %dma_start3A_224 = tpu.memref_slice %arg5[%mul3A_217, %dma_start3A_223] : memref<320000x128xf32, #tpu.memory_space<hbm>> -> memref<64x128xf32, #tpu.memory_space<hbm>>
        %dma_start3A_225 = arith.constant 0 : i32
        %dma_start3A_226 = arith.constant 0 : i32
        %dma_start3A_227 = tpu.memref_slice %arg8[%dma_start3A_218, %dma_start3A_225, %dma_start3A_226] : memref<3x64x128xf32, #tpu.memory_space<vmem>> -> memref<1x64x128xf32, #tpu.memory_space<vmem>>
        %dma_start3A_228 = tpu.memref_squeeze %dma_start3A_227 : memref<1x64x128xf32, #tpu.memory_space<vmem>> -> memref<64x128xf32, #tpu.memory_space<vmem>>
        %dma_start3A_229 = arith.constant 0 : i32
        %dma_start3A_230 = tpu.memref_slice %arg5[%mul3A_217, %dma_start3A_229] : memref<320000x128xf32, #tpu.memory_space<hbm>> -> memref<64x128xf32, #tpu.memory_space<hbm>>
        tpu.enqueue_dma source(%dma_start3A_230 : memref<64x128xf32, #tpu.memory_space<hbm>>) target(%dma_start3A_228 : memref<64x128xf32, #tpu.memory_space<vmem>>) target_semaphore(%arg16 : memref<!tpu.dma_semaphore, #tpu.memory_space<semaphore_mem>>)
      } else {
      }
      %sub3A_89 = arith.constant 2 : i32
      %sub3A_90 = arith.subi %add3A_65, %sub3A_89 : i32
      %mul3A_91 = arith.constant 32 : i32
      %mul3A_92 = arith.muli %sub3A_90, %mul3A_91 : i32
      %add3A_93 = arith.addi %mul3A_92, %add3A : i32
      %ge3A_94 = arith.constant 0 : i32
      %ge3A_95 = arith.cmpi sge, %sub3A_90, %ge3A_94 : i32
      %lt3A_96 = arith.constant 5000 : i32
      %lt3A_97 = arith.cmpi slt, %add3A_93, %lt3A_96 : i32
      %and3A_98 = arith.andi %ge3A_95, %lt3A_97 : i1
      %convert_element_type3A_99 = arith.extui %and3A_98 : i1 to i32
      %cond3A_100 = arith.constant 0 : i32
      %cond3A_101 = arith.cmpi ne, %convert_element_type3A_99, %cond3A_100 : i32
      scf.if %cond3A_101 {
        %dma_wait3A_186 = arith.constant 1 : i32
        %dma_wait3A_187 = arith.constant 1 : i32
        %dma_wait3A_188 = arith.constant 0 : i32
        %dma_wait3A_189 = arith.constant 0 : i32
        %dma_wait3A_190 = tpu.memref_slice %arg9[%dma_wait3A_187, %dma_wait3A_188, %dma_wait3A_189] : memref<3x64x128xf32, #tpu.memory_space<vmem>> -> memref<1x64x128xf32, #tpu.memory_space<vmem>>
        %dma_wait3A_191 = tpu.memref_squeeze %dma_wait3A_190 : memref<1x64x128xf32, #tpu.memory_space<vmem>> -> memref<64x128xf32, #tpu.memory_space<vmem>>
        %dma_wait3A_192 = arith.constant 0 : i32
        %dma_wait3A_193 = tpu.memref_slice %arg10[%dma_wait3A_186, %dma_wait3A_192] : memref<3x64xi32, #tpu.memory_space<vmem>> -> memref<1x64xi32, #tpu.memory_space<vmem>>
        %dma_wait3A_194 = tpu.memref_squeeze %dma_wait3A_193 : memref<1x64xi32, #tpu.memory_space<vmem>> -> memref<64xi32, #tpu.memory_space<vmem>>
        %dma_wait3A_195 = arith.constant 0 : i32
        %dma_wait3A_196 = arith.constant 0 : i32
        %dma_wait3A_197 = tpu.memref_slice %arg2[%dma_wait3A_195, %dma_wait3A_196] : memref<10000x128xf32, #tpu.memory_space<hbm>> -> memref<10000x128xf32, #tpu.memory_space<hbm>>
        tpu.wait_indirect_dma semaphore(%arg20 : memref<!tpu.dma_semaphore, #tpu.memory_space<semaphore_mem>>) src(%dma_wait3A_197 : memref<10000x128xf32, #tpu.memory_space<hbm>>) dst(%dma_wait3A_191 : memref<64x128xf32, #tpu.memory_space<vmem>>)
        %mul3A_198 = arith.constant 32 : i32
        %mul3A_199 = arith.muli %sub3A_90, %mul3A_198 : i32
        %add3A_200 = arith.addi %mul3A_199, %add3A : i32
        %mul3A_201 = arith.constant 64 : i32
        %mul3A_202 = arith.muli %add3A_200, %mul3A_201 : i32
        %dma_wait3A_203 = arith.constant 1 : i32
        %dma_wait3A_204 = arith.constant 0 : i32
        %dma_wait3A_205 = arith.constant 0 : i32
        %dma_wait3A_206 = tpu.memref_slice %arg8[%dma_wait3A_203, %dma_wait3A_204, %dma_wait3A_205] : memref<3x64x128xf32, #tpu.memory_space<vmem>> -> memref<1x64x128xf32, #tpu.memory_space<vmem>>
        %dma_wait3A_207 = tpu.memref_squeeze %dma_wait3A_206 : memref<1x64x128xf32, #tpu.memory_space<vmem>> -> memref<64x128xf32, #tpu.memory_space<vmem>>
        %dma_wait3A_208 = arith.constant 0 : i32
        %dma_wait3A_209 = tpu.memref_slice %arg5[%mul3A_202, %dma_wait3A_208] : memref<320000x128xf32, #tpu.memory_space<hbm>> -> memref<64x128xf32, #tpu.memory_space<hbm>>
        %dma_wait3A_210 = arith.constant 0 : i32
        %dma_wait3A_211 = arith.constant 0 : i32
        %dma_wait3A_212 = tpu.memref_slice %arg8[%dma_wait3A_203, %dma_wait3A_210, %dma_wait3A_211] : memref<3x64x128xf32, #tpu.memory_space<vmem>> -> memref<1x64x128xf32, #tpu.memory_space<vmem>>
        %dma_wait3A_213 = tpu.memref_squeeze %dma_wait3A_212 : memref<1x64x128xf32, #tpu.memory_space<vmem>> -> memref<64x128xf32, #tpu.memory_space<vmem>>
        %dma_wait3A_214 = arith.constant 0 : i32
        %dma_wait3A_215 = tpu.memref_slice %arg5[%mul3A_202, %dma_wait3A_214] : memref<320000x128xf32, #tpu.memory_space<hbm>> -> memref<64x128xf32, #tpu.memory_space<hbm>>
        tpu.wait_dma2 semaphore(%arg17 : memref<!tpu.dma_semaphore, #tpu.memory_space<semaphore_mem>>) src(%dma_wait3A_215 : memref<64x128xf32, #tpu.memory_space<hbm>>) dst(%dma_wait3A_213 : memref<64x128xf32, #tpu.memory_space<vmem>>)
        %scan3A_216 = arith.constant 0 : i32
        %scan3A_217 = arith.constant 0 : i32
        %scan3A_218 = arith.constant 64 : i32
        %scan3A_219 = arith.addi %scan3A_217, %scan3A_218 : i32
        %scan3A_220 = arith.constant 1 : i32
        scf.for %scan3A_233 = %scan3A_217 to %scan3A_219 step %scan3A_220  : i32 {
          %get3A = arith.constant 1 : i32
          %get3A_234 = arith.index_cast %get3A : i32 to index
          %get3A_235 = arith.index_cast %scan3A_233 : i32 to index
          %get3A_236 = arith.constant 0 : index
          %get3A_237 = tpu.vector_load %arg9[%get3A_234, %get3A_235, %get3A_236] {strides = array<i32>} : memref<3x64x128xf32, #tpu.memory_space<vmem>>, vector<16xf32>,
          %get3A_238 = arith.constant 1 : i32
          %get3A_239 = arith.index_cast %get3A_238 : i32 to index
          %get3A_240 = arith.index_cast %scan3A_233 : i32 to index
          %get3A_241 = arith.constant 0 : index
          %get3A_242 = tpu.vector_load %arg8[%get3A_239, %get3A_240, %get3A_241] {strides = array<i32>} : memref<3x64x128xf32, #tpu.memory_space<vmem>>, vector<16xf32>,
          %add3A_243 = arith.addf %get3A_237, %get3A_242 : vector<16xf32>
          %max3A = arith.constant 0.000000e+00 : f32
          %max3A_244 = vector.broadcast %max3A : f32 to vector<16xf32>
          %max3A_245 = arith.maximumf %add3A_243, %max3A_244 : vector<16xf32>
          %swap3A = arith.constant 1 : i32
          %swap3A_246 = arith.index_cast %swap3A : i32 to index
          %swap3A_247 = arith.index_cast %scan3A_233 : i32 to index
          %swap3A_248 = arith.constant 0 : index
          %swap3A_249 = tpu.vector_load %arg9[%swap3A_246, %swap3A_247, %swap3A_248] {strides = array<i32>} : memref<3x64x128xf32, #tpu.memory_space<vmem>>, vector<16xf32>,
          tpu.vector_store %arg9[%swap3A_246, %swap3A_247, %swap3A_248], %max3A_245 {strides = array<i32>} : memref<3x64x128xf32, #tpu.memory_space<vmem>>, vector<16xf32>,
          %get3A_250 = arith.constant 1 : i32
          %get3A_251 = arith.index_cast %get3A_250 : i32 to index
          %get3A_252 = arith.index_cast %scan3A_233 : i32 to index
          %get3A_253 = arith.constant 16 : index
          %get3A_254 = tpu.vector_load %arg9[%get3A_251, %get3A_252, %get3A_253] {strides = array<i32>} : memref<3x64x128xf32, #tpu.memory_space<vmem>>, vector<16xf32>,
          %get3A_255 = arith.constant 1 : i32
          %get3A_256 = arith.index_cast %get3A_255 : i32 to index
          %get3A_257 = arith.index_cast %scan3A_233 : i32 to index
          %get3A_258 = arith.constant 16 : index
          %get3A_259 = tpu.vector_load %arg8[%get3A_256, %get3A_257, %get3A_258] {strides = array<i32>} : memref<3x64x128xf32, #tpu.memory_space<vmem>>, vector<16xf32>,
          %add3A_260 = arith.addf %get3A_254, %get3A_259 : vector<16xf32>
          %max3A_261 = arith.constant 0.000000e+00 : f32
          %max3A_262 = vector.broadcast %max3A_261 : f32 to vector<16xf32>
          %max3A_263 = arith.maximumf %add3A_260, %max3A_262 : vector<16xf32>
          %swap3A_264 = arith.constant 1 : i32
          %swap3A_265 = arith.index_cast %swap3A_264 : i32 to index
          %swap3A_266 = arith.index_cast %scan3A_233 : i32 to index
          %swap3A_267 = arith.constant 16 : index
          %swap3A_268 = tpu.vector_load %arg9[%swap3A_265, %swap3A_266, %swap3A_267] {strides = array<i32>} : memref<3x64x128xf32, #tpu.memory_space<vmem>>, vector<16xf32>,
          tpu.vector_store %arg9[%swap3A_265, %swap3A_266, %swap3A_267], %max3A_263 {strides = array<i32>} : memref<3x64x128xf32, #tpu.memory_space<vmem>>, vector<16xf32>,
          %get3A_269 = arith.constant 1 : i32
          %get3A_270 = arith.index_cast %get3A_269 : i32 to index
          %get3A_271 = arith.index_cast %scan3A_233 : i32 to index
          %get3A_272 = arith.constant 32 : index
          %get3A_273 = tpu.vector_load %arg9[%get3A_270, %get3A_271, %get3A_272] {strides = array<i32>} : memref<3x64x128xf32, #tpu.memory_space<vmem>>, vector<16xf32>,
          %get3A_274 = arith.constant 1 : i32
          %get3A_275 = arith.index_cast %get3A_274 : i32 to index
          %get3A_276 = arith.index_cast %scan3A_233 : i32 to index
          %get3A_277 = arith.constant 32 : index
          %get3A_278 = tpu.vector_load %arg8[%get3A_275, %get3A_276, %get3A_277] {strides = array<i32>} : memref<3x64x128xf32, #tpu.memory_space<vmem>>, vector<16xf32>,
          %add3A_279 = arith.addf %get3A_273, %get3A_278 : vector<16xf32>
          %max3A_280 = arith.constant 0.000000e+00 : f32
          %max3A_281 = vector.broadcast %max3A_280 : f32 to vector<16xf32>
          %max3A_282 = arith.maximumf %add3A_279, %max3A_281 : vector<16xf32>
          %swap3A_283 = arith.constant 1 : i32
          %swap3A_284 = arith.index_cast %swap3A_283 : i32 to index
          %swap3A_285 = arith.index_cast %scan3A_233 : i32 to index
          %swap3A_286 = arith.constant 32 : index
          %swap3A_287 = tpu.vector_load %arg9[%swap3A_284, %swap3A_285, %swap3A_286] {strides = array<i32>} : memref<3x64x128xf32, #tpu.memory_space<vmem>>, vector<16xf32>,
          tpu.vector_store %arg9[%swap3A_284, %swap3A_285, %swap3A_286], %max3A_282 {strides = array<i32>} : memref<3x64x128xf32, #tpu.memory_space<vmem>>, vector<16xf32>,
          %get3A_288 = arith.constant 1 : i32
          %get3A_289 = arith.index_cast %get3A_288 : i32 to index
          %get3A_290 = arith.index_cast %scan3A_233 : i32 to index
          %get3A_291 = arith.constant 48 : index
          %get3A_292 = tpu.vector_load %arg9[%get3A_289, %get3A_290, %get3A_291] {strides = array<i32>} : memref<3x64x128xf32, #tpu.memory_space<vmem>>, vector<16xf32>,
          %get3A_293 = arith.constant 1 : i32
          %get3A_294 = arith.index_cast %get3A_293 : i32 to index
          %get3A_295 = arith.index_cast %scan3A_233 : i32 to index
          %get3A_296 = arith.constant 48 : index
          %get3A_297 = tpu.vector_load %arg8[%get3A_294, %get3A_295, %get3A_296] {strides = array<i32>} : memref<3x64x128xf32, #tpu.memory_space<vmem>>, vector<16xf32>,
          %add3A_298 = arith.addf %get3A_292, %get3A_297 : vector<16xf32>
          %max3A_299 = arith.constant 0.000000e+00 : f32
          %max3A_300 = vector.broadcast %max3A_299 : f32 to vector<16xf32>
          %max3A_301 = arith.maximumf %add3A_298, %max3A_300 : vector<16xf32>
          %swap3A_302 = arith.constant 1 : i32
          %swap3A_303 = arith.index_cast %swap3A_302 : i32 to index
          %swap3A_304 = arith.index_cast %scan3A_233 : i32 to index
          %swap3A_305 = arith.constant 48 : index
          %swap3A_306 = tpu.vector_load %arg9[%swap3A_303, %swap3A_304, %swap3A_305] {strides = array<i32>} : memref<3x64x128xf32, #tpu.memory_space<vmem>>, vector<16xf32>,
          tpu.vector_store %arg9[%swap3A_303, %swap3A_304, %swap3A_305], %max3A_301 {strides = array<i32>} : memref<3x64x128xf32, #tpu.memory_space<vmem>>, vector<16xf32>,
          %get3A_307 = arith.constant 1 : i32
          %get3A_308 = arith.index_cast %get3A_307 : i32 to index
          %get3A_309 = arith.index_cast %scan3A_233 : i32 to index
          %get3A_310 = arith.constant 64 : index
          %get3A_311 = tpu.vector_load %arg9[%get3A_308, %get3A_309, %get3A_310] {strides = array<i32>} : memref<3x64x128xf32, #tpu.memory_space<vmem>>, vector<16xf32>,
          %get3A_312 = arith.constant 1 : i32
          %get3A_313 = arith.index_cast %get3A_312 : i32 to index
          %get3A_314 = arith.index_cast %scan3A_233 : i32 to index
          %get3A_315 = arith.constant 64 : index
          %get3A_316 = tpu.vector_load %arg8[%get3A_313, %get3A_314, %get3A_315] {strides = array<i32>} : memref<3x64x128xf32, #tpu.memory_space<vmem>>, vector<16xf32>,
          %add3A_317 = arith.addf %get3A_311, %get3A_316 : vector<16xf32>
          %max3A_318 = arith.constant 0.000000e+00 : f32
          %max3A_319 = vector.broadcast %max3A_318 : f32 to vector<16xf32>
          %max3A_320 = arith.maximumf %add3A_317, %max3A_319 : vector<16xf32>
          %swap3A_321 = arith.constant 1 : i32
          %swap3A_322 = arith.index_cast %swap3A_321 : i32 to index
          %swap3A_323 = arith.index_cast %scan3A_233 : i32 to index
          %swap3A_324 = arith.constant 64 : index
          %swap3A_325 = tpu.vector_load %arg9[%swap3A_322, %swap3A_323, %swap3A_324] {strides = array<i32>} : memref<3x64x128xf32, #tpu.memory_space<vmem>>, vector<16xf32>,
          tpu.vector_store %arg9[%swap3A_322, %swap3A_323, %swap3A_324], %max3A_320 {strides = array<i32>} : memref<3x64x128xf32, #tpu.memory_space<vmem>>, vector<16xf32>,
          %get3A_326 = arith.constant 1 : i32
          %get3A_327 = arith.index_cast %get3A_326 : i32 to index
          %get3A_328 = arith.index_cast %scan3A_233 : i32 to index
          %get3A_329 = arith.constant 80 : index
          %get3A_330 = tpu.vector_load %arg9[%get3A_327, %get3A_328, %get3A_329] {strides = array<i32>} : memref<3x64x128xf32, #tpu.memory_space<vmem>>, vector<16xf32>,
          %get3A_331 = arith.constant 1 : i32
          %get3A_332 = arith.index_cast %get3A_331 : i32 to index
          %get3A_333 = arith.index_cast %scan3A_233 : i32 to index
          %get3A_334 = arith.constant 80 : index
          %get3A_335 = tpu.vector_load %arg8[%get3A_332, %get3A_333, %get3A_334] {strides = array<i32>} : memref<3x64x128xf32, #tpu.memory_space<vmem>>, vector<16xf32>,
          %add3A_336 = arith.addf %get3A_330, %get3A_335 : vector<16xf32>
          %max3A_337 = arith.constant 0.000000e+00 : f32
          %max3A_338 = vector.broadcast %max3A_337 : f32 to vector<16xf32>
          %max3A_339 = arith.maximumf %add3A_336, %max3A_338 : vector<16xf32>
          %swap3A_340 = arith.constant 1 : i32
          %swap3A_341 = arith.index_cast %swap3A_340 : i32 to index
          %swap3A_342 = arith.index_cast %scan3A_233 : i32 to index
          %swap3A_343 = arith.constant 80 : index
          %swap3A_344 = tpu.vector_load %arg9[%swap3A_341, %swap3A_342, %swap3A_343] {strides = array<i32>} : memref<3x64x128xf32, #tpu.memory_space<vmem>>, vector<16xf32>,
          tpu.vector_store %arg9[%swap3A_341, %swap3A_342, %swap3A_343], %max3A_339 {strides = array<i32>} : memref<3x64x128xf32, #tpu.memory_space<vmem>>, vector<16xf32>,
          %get3A_345 = arith.constant 1 : i32
          %get3A_346 = arith.index_cast %get3A_345 : i32 to index
          %get3A_347 = arith.index_cast %scan3A_233 : i32 to index
          %get3A_348 = arith.constant 96 : index
          %get3A_349 = tpu.vector_load %arg9[%get3A_346, %get3A_347, %get3A_348] {strides = array<i32>} : memref<3x64x128xf32, #tpu.memory_space<vmem>>, vector<16xf32>,
          %get3A_350 = arith.constant 1 : i32
          %get3A_351 = arith.index_cast %get3A_350 : i32 to index
          %get3A_352 = arith.index_cast %scan3A_233 : i32 to index
          %get3A_353 = arith.constant 96 : index
          %get3A_354 = tpu.vector_load %arg8[%get3A_351, %get3A_352, %get3A_353] {strides = array<i32>} : memref<3x64x128xf32, #tpu.memory_space<vmem>>, vector<16xf32>,
          %add3A_355 = arith.addf %get3A_349, %get3A_354 : vector<16xf32>
          %max3A_356 = arith.constant 0.000000e+00 : f32
          %max3A_357 = vector.broadcast %max3A_356 : f32 to vector<16xf32>
          %max3A_358 = arith.maximumf %add3A_355, %max3A_357 : vector<16xf32>
          %swap3A_359 = arith.constant 1 : i32
          %swap3A_360 = arith.index_cast %swap3A_359 : i32 to index
          %swap3A_361 = arith.index_cast %scan3A_233 : i32 to index
          %swap3A_362 = arith.constant 96 : index
          %swap3A_363 = tpu.vector_load %arg9[%swap3A_360, %swap3A_361, %swap3A_362] {strides = array<i32>} : memref<3x64x128xf32, #tpu.memory_space<vmem>>, vector<16xf32>,
          tpu.vector_store %arg9[%swap3A_360, %swap3A_361, %swap3A_362], %max3A_358 {strides = array<i32>} : memref<3x64x128xf32, #tpu.memory_space<vmem>>, vector<16xf32>,
          %get3A_364 = arith.constant 1 : i32
          %get3A_365 = arith.index_cast %get3A_364 : i32 to index
          %get3A_366 = arith.index_cast %scan3A_233 : i32 to index
          %get3A_367 = arith.constant 112 : index
          %get3A_368 = tpu.vector_load %arg9[%get3A_365, %get3A_366, %get3A_367] {strides = array<i32>} : memref<3x64x128xf32, #tpu.memory_space<vmem>>, vector<16xf32>,
          %get3A_369 = arith.constant 1 : i32
          %get3A_370 = arith.index_cast %get3A_369 : i32 to index
          %get3A_371 = arith.index_cast %scan3A_233 : i32 to index
          %get3A_372 = arith.constant 112 : index
          %get3A_373 = tpu.vector_load %arg8[%get3A_370, %get3A_371, %get3A_372] {strides = array<i32>} : memref<3x64x128xf32, #tpu.memory_space<vmem>>, vector<16xf32>,
          %add3A_374 = arith.addf %get3A_368, %get3A_373 : vector<16xf32>
          %max3A_375 = arith.constant 0.000000e+00 : f32
          %max3A_376 = vector.broadcast %max3A_375 : f32 to vector<16xf32>
          %max3A_377 = arith.maximumf %add3A_374, %max3A_376 : vector<16xf32>
          %swap3A_378 = arith.constant 1 : i32
          %swap3A_379 = arith.index_cast %swap3A_378 : i32 to index
          %swap3A_380 = arith.index_cast %scan3A_233 : i32 to index
          %swap3A_381 = arith.constant 112 : index
          %swap3A_382 = tpu.vector_load %arg9[%swap3A_379, %swap3A_380, %swap3A_381] {strides = array<i32>} : memref<3x64x128xf32, #tpu.memory_space<vmem>>, vector<16xf32>,
          tpu.vector_store %arg9[%swap3A_379, %swap3A_380, %swap3A_381], %max3A_377 {strides = array<i32>} : memref<3x64x128xf32, #tpu.memory_space<vmem>>, vector<16xf32>,
        }
        %scan3A_221 = arith.constant 64 : i32
        %dma_start3A = arith.constant 1 : i32
        %dma_start3A_222 = arith.constant 1 : i32
        %dma_start3A_223 = arith.constant 0 : i32
        %dma_start3A_224 = arith.constant 0 : i32
        %dma_start3A_225 = tpu.memref_slice %arg9[%dma_start3A, %dma_start3A_223, %dma_start3A_224] : memref<3x64x128xf32, #tpu.memory_space<vmem>> -> memref<1x64x128xf32, #tpu.memory_space<vmem>>
        %dma_start3A_226 = tpu.memref_squeeze %dma_start3A_225 : memref<1x64x128xf32, #tpu.memory_space<vmem>> -> memref<64x128xf32, #tpu.memory_space<vmem>>
        %dma_start3A_227 = arith.constant 0 : i32
        %dma_start3A_228 = tpu.memref_slice %arg11[%dma_start3A_222, %dma_start3A_227] : memref<3x64xi32, #tpu.memory_space<vmem>> -> memref<1x64xi32, #tpu.memory_space<vmem>>
        %dma_start3A_229 = tpu.memref_squeeze %dma_start3A_228 : memref<1x64xi32, #tpu.memory_space<vmem>> -> memref<64xi32, #tpu.memory_space<vmem>>
        %dma_start3A_230 = arith.constant 0 : i32
        %dma_start3A_231 = arith.constant 0 : i32
        %dma_start3A_232 = tpu.memref_slice %arg12[%dma_start3A_230, %dma_start3A_231] : memref<10000x128xf32, #tpu.memory_space<vmem_shared>> -> memref<10000x128xf32, #tpu.memory_space<vmem_shared>>
        tpu.enqueue_indirect_dma source(%dma_start3A_226 : memref<64x128xf32, #tpu.memory_space<vmem>>) target(%dma_start3A_232 : memref<10000x128xf32, #tpu.memory_space<vmem_shared>>) offsets(%dma_start3A_229 : memref<64xi32, #tpu.memory_space<vmem>>) semaphore(%arg23 : memref<!tpu.dma_semaphore, #tpu.memory_space<semaphore_mem>>) {add = true}
      } else {
      }
      %add3A_102 = arith.constant 1 : i32
      %add3A_103 = arith.addi %mul3A_63, %add3A_102 : i32
      %sub3A_104 = arith.constant 1 : i32
      %sub3A_105 = arith.subi %add3A_103, %sub3A_104 : i32
      %mul3A_106 = arith.constant 32 : i32
      %mul3A_107 = arith.muli %sub3A_105, %mul3A_106 : i32
      %add3A_108 = arith.addi %mul3A_107, %add3A : i32
      %ge3A_109 = arith.constant 0 : i32
      %ge3A_110 = arith.cmpi sge, %sub3A_105, %ge3A_109 : i32
      %lt3A_111 = arith.constant 5000 : i32
      %lt3A_112 = arith.cmpi slt, %add3A_108, %lt3A_111 : i32
      %and3A_113 = arith.andi %ge3A_110, %lt3A_112 : i1
      %convert_element_type3A_114 = arith.extui %and3A_113 : i1 to i32
      %cond3A_115 = arith.constant 0 : i32
      %cond3A_116 = arith.cmpi ne, %convert_element_type3A_114, %cond3A_115 : i32
      scf.if %cond3A_116 {
        %mul3A_186 = arith.constant 32 : i32
        %mul3A_187 = arith.muli %sub3A_105, %mul3A_186 : i32
        %add3A_188 = arith.addi %mul3A_187, %add3A : i32
        %mul3A_189 = arith.constant 64 : i32
        %mul3A_190 = arith.muli %add3A_188, %mul3A_189 : i32
        %dma_wait3A_191 = arith.constant 0 : i32
        %dma_wait3A_192 = arith.constant 0 : i32
        %dma_wait3A_193 = tpu.memref_slice %arg10[%dma_wait3A_191, %dma_wait3A_192] : memref<3x64xi32, #tpu.memory_space<vmem>> -> memref<1x64xi32, #tpu.memory_space<vmem>>
        %dma_wait3A_194 = tpu.memref_squeeze %dma_wait3A_193 : memref<1x64xi32, #tpu.memory_space<vmem>> -> memref<64xi32, #tpu.memory_space<vmem>>
        %dma_wait3A_195 = tpu.memref_slice %arg3[%mul3A_190] : memref<320000xi32, #tpu.memory_space<hbm>> -> memref<64xi32, #tpu.memory_space<hbm>>
        %dma_wait3A_196 = arith.constant 0 : i32
        %dma_wait3A_197 = tpu.memref_slice %arg10[%dma_wait3A_191, %dma_wait3A_196] : memref<3x64xi32, #tpu.memory_space<vmem>> -> memref<1x64xi32, #tpu.memory_space<vmem>>
        %dma_wait3A_198 = tpu.memref_squeeze %dma_wait3A_197 : memref<1x64xi32, #tpu.memory_space<vmem>> -> memref<64xi32, #tpu.memory_space<vmem>>
        %dma_wait3A_199 = tpu.memref_slice %arg3[%mul3A_190] : memref<320000xi32, #tpu.memory_space<hbm>> -> memref<64xi32, #tpu.memory_space<hbm>>
        tpu.wait_dma2 semaphore(%arg13 : memref<!tpu.dma_semaphore, #tpu.memory_space<semaphore_mem>>) src(%dma_wait3A_199 : memref<64xi32, #tpu.memory_space<hbm>>) dst(%dma_wait3A_198 : memref<64xi32, #tpu.memory_space<vmem>>)
        %mul3A_200 = arith.constant 32 : i32
        %mul3A_201 = arith.muli %sub3A_105, %mul3A_200 : i32
        %add3A_202 = arith.addi %mul3A_201, %add3A : i32
        %mul3A_203 = arith.constant 64 : i32
        %mul3A_204 = arith.muli %add3A_202, %mul3A_203 : i32
        %dma_wait3A_205 = arith.constant 0 : i32
        %dma_wait3A_206 = arith.constant 0 : i32
        %dma_wait3A_207 = tpu.memref_slice %arg11[%dma_wait3A_205, %dma_wait3A_206] : memref<3x64xi32, #tpu.memory_space<vmem>> -> memref<1x64xi32, #tpu.memory_space<vmem>>
        %dma_wait3A_208 = tpu.memref_squeeze %dma_wait3A_207 : memref<1x64xi32, #tpu.memory_space<vmem>> -> memref<64xi32, #tpu.memory_space<vmem>>
        %dma_wait3A_209 = tpu.memref_slice %arg4[%mul3A_204] : memref<320000xi32, #tpu.memory_space<hbm>> -> memref<64xi32, #tpu.memory_space<hbm>>
        %dma_wait3A_210 = arith.constant 0 : i32
        %dma_wait3A_211 = tpu.memref_slice %arg11[%dma_wait3A_205, %dma_wait3A_210] : memref<3x64xi32, #tpu.memory_space<vmem>> -> memref<1x64xi32, #tpu.memory_space<vmem>>
        %dma_wait3A_212 = tpu.memref_squeeze %dma_wait3A_211 : memref<1x64xi32, #tpu.memory_space<vmem>> -> memref<64xi32, #tpu.memory_space<vmem>>
        %dma_wait3A_213 = tpu.memref_slice %arg4[%mul3A_204] : memref<320000xi32, #tpu.memory_space<hbm>> -> memref<64xi32, #tpu.memory_space<hbm>>
        tpu.wait_dma2 semaphore(%arg13 : memref<!tpu.dma_semaphore, #tpu.memory_space<semaphore_mem>>) src(%dma_wait3A_213 : memref<64xi32, #tpu.memory_space<hbm>>) dst(%dma_wait3A_212 : memref<64xi32, #tpu.memory_space<vmem>>)
        %dma_start3A = arith.constant 0 : i32
        %dma_start3A_214 = arith.constant 0 : i32
        %dma_start3A_215 = arith.constant 0 : i32
        %dma_start3A_216 = arith.constant 0 : i32
        %dma_start3A_217 = tpu.memref_slice %arg9[%dma_start3A_214, %dma_start3A_215, %dma_start3A_216] : memref<3x64x128xf32, #tpu.memory_space<vmem>> -> memref<1x64x128xf32, #tpu.memory_space<vmem>>
        %dma_start3A_218 = tpu.memref_squeeze %dma_start3A_217 : memref<1x64x128xf32, #tpu.memory_space<vmem>> -> memref<64x128xf32, #tpu.memory_space<vmem>>
        %dma_start3A_219 = arith.constant 0 : i32
        %dma_start3A_220 = tpu.memref_slice %arg10[%dma_start3A, %dma_start3A_219] : memref<3x64xi32, #tpu.memory_space<vmem>> -> memref<1x64xi32, #tpu.memory_space<vmem>>
        %dma_start3A_221 = tpu.memref_squeeze %dma_start3A_220 : memref<1x64xi32, #tpu.memory_space<vmem>> -> memref<64xi32, #tpu.memory_space<vmem>>
        %dma_start3A_222 = arith.constant 0 : i32
        %dma_start3A_223 = arith.constant 0 : i32
        %dma_start3A_224 = tpu.memref_slice %arg2[%dma_start3A_222, %dma_start3A_223] : memref<10000x128xf32, #tpu.memory_space<hbm>> -> memref<10000x128xf32, #tpu.memory_space<hbm>>
        tpu.enqueue_indirect_dma source(%dma_start3A_224 : memref<10000x128xf32, #tpu.memory_space<hbm>>) target(%dma_start3A_218 : memref<64x128xf32, #tpu.memory_space<vmem>>) offsets(%dma_start3A_221 : memref<64xi32, #tpu.memory_space<vmem>>) semaphore(%arg19 : memref<!tpu.dma_semaphore, #tpu.memory_space<semaphore_mem>>)
      } else {
      }
      %mul3A_117 = arith.constant 32 : i32
      %mul3A_118 = arith.muli %add3A_103, %mul3A_117 : i32
      %add3A_119 = arith.addi %mul3A_118, %add3A : i32
      %lt3A_120 = arith.constant 5000 : i32
      %lt3A_121 = arith.cmpi slt, %add3A_119, %lt3A_120 : i32
      %ge3A_122 = arith.constant 3 : i32
      %ge3A_123 = arith.cmpi sge, %add3A_103, %ge3A_122 : i32
      %and3A_124 = arith.andi %ge3A_123, %lt3A_121 : i1
      %convert_element_type3A_125 = arith.extui %and3A_124 : i1 to i32
      %cond3A_126 = arith.constant 0 : i32
      %cond3A_127 = arith.cmpi ne, %convert_element_type3A_125, %cond3A_126 : i32
      scf.if %cond3A_127 {
        %dma_wait3A_186 = arith.constant 1 : i32
        %dma_wait3A_187 = arith.constant 1 : i32
        %dma_wait3A_188 = arith.constant 0 : i32
        %dma_wait3A_189 = arith.constant 0 : i32
        %dma_wait3A_190 = tpu.memref_slice %arg9[%dma_wait3A_186, %dma_wait3A_188, %dma_wait3A_189] : memref<3x64x128xf32, #tpu.memory_space<vmem>> -> memref<1x64x128xf32, #tpu.memory_space<vmem>>
        %dma_wait3A_191 = tpu.memref_squeeze %dma_wait3A_190 : memref<1x64x128xf32, #tpu.memory_space<vmem>> -> memref<64x128xf32, #tpu.memory_space<vmem>>
        %dma_wait3A_192 = arith.constant 0 : i32
        %dma_wait3A_193 = tpu.memref_slice %arg11[%dma_wait3A_187, %dma_wait3A_192] : memref<3x64xi32, #tpu.memory_space<vmem>> -> memref<1x64xi32, #tpu.memory_space<vmem>>
        %dma_wait3A_194 = tpu.memref_squeeze %dma_wait3A_193 : memref<1x64xi32, #tpu.memory_space<vmem>> -> memref<64xi32, #tpu.memory_space<vmem>>
        %dma_wait3A_195 = arith.constant 0 : i32
        %dma_wait3A_196 = arith.constant 0 : i32
        %dma_wait3A_197 = tpu.memref_slice %arg12[%dma_wait3A_195, %dma_wait3A_196] : memref<10000x128xf32, #tpu.memory_space<vmem_shared>> -> memref<10000x128xf32, #tpu.memory_space<vmem_shared>>
        tpu.wait_indirect_dma semaphore(%arg23 : memref<!tpu.dma_semaphore, #tpu.memory_space<semaphore_mem>>) src(%dma_wait3A_191 : memref<64x128xf32, #tpu.memory_space<vmem>>) dst(%dma_wait3A_197 : memref<10000x128xf32, #tpu.memory_space<vmem_shared>>)
      } else {
      }
      %convert_element_type3A_128 = arith.extui %lt3A_121 : i1 to i32
      %cond3A_129 = arith.constant 0 : i32
      %cond3A_130 = arith.cmpi ne, %convert_element_type3A_128, %cond3A_129 : i32
      scf.if %cond3A_130 {
        %mul3A_186 = arith.constant 32 : i32
        %mul3A_187 = arith.muli %add3A_103, %mul3A_186 : i32
        %add3A_188 = arith.addi %mul3A_187, %add3A : i32
        %mul3A_189 = arith.constant 64 : i32
        %mul3A_190 = arith.muli %add3A_188, %mul3A_189 : i32
        %dma_start3A = arith.constant 1 : i32
        %dma_start3A_191 = arith.constant 0 : i32
        %dma_start3A_192 = tpu.memref_slice %arg10[%dma_start3A, %dma_start3A_191] : memref<3x64xi32, #tpu.memory_space<vmem>> -> memref<1x64xi32, #tpu.memory_space<vmem>>
        %dma_start3A_193 = tpu.memref_squeeze %dma_start3A_192 : memref<1x64xi32, #tpu.memory_space<vmem>> -> memref<64xi32, #tpu.memory_space<vmem>>
        %dma_start3A_194 = tpu.memref_slice %arg3[%mul3A_190] : memref<320000xi32, #tpu.memory_space<hbm>> -> memref<64xi32, #tpu.memory_space<hbm>>
        %dma_start3A_195 = arith.constant 0 : i32
        %dma_start3A_196 = tpu.memref_slice %arg10[%dma_start3A, %dma_start3A_195] : memref<3x64xi32, #tpu.memory_space<vmem>> -> memref<1x64xi32, #tpu.memory_space<vmem>>
        %dma_start3A_197 = tpu.memref_squeeze %dma_start3A_196 : memref<1x64xi32, #tpu.memory_space<vmem>> -> memref<64xi32, #tpu.memory_space<vmem>>
        %dma_start3A_198 = tpu.memref_slice %arg3[%mul3A_190] : memref<320000xi32, #tpu.memory_space<hbm>> -> memref<64xi32, #tpu.memory_space<hbm>>
        tpu.enqueue_dma source(%dma_start3A_198 : memref<64xi32, #tpu.memory_space<hbm>>) target(%dma_start3A_197 : memref<64xi32, #tpu.memory_space<vmem>>) target_semaphore(%arg14 : memref<!tpu.dma_semaphore, #tpu.memory_space<semaphore_mem>>)
        %mul3A_199 = arith.constant 32 : i32
        %mul3A_200 = arith.muli %add3A_103, %mul3A_199 : i32
        %add3A_201 = arith.addi %mul3A_200, %add3A : i32
        %mul3A_202 = arith.constant 64 : i32
        %mul3A_203 = arith.muli %add3A_201, %mul3A_202 : i32
        %dma_start3A_204 = arith.constant 1 : i32
        %dma_start3A_205 = arith.constant 0 : i32
        %dma_start3A_206 = tpu.memref_slice %arg11[%dma_start3A_204, %dma_start3A_205] : memref<3x64xi32, #tpu.memory_space<vmem>> -> memref<1x64xi32, #tpu.memory_space<vmem>>
        %dma_start3A_207 = tpu.memref_squeeze %dma_start3A_206 : memref<1x64xi32, #tpu.memory_space<vmem>> -> memref<64xi32, #tpu.memory_space<vmem>>
        %dma_start3A_208 = tpu.memref_slice %arg4[%mul3A_203] : memref<320000xi32, #tpu.memory_space<hbm>> -> memref<64xi32, #tpu.memory_space<hbm>>
        %dma_start3A_209 = arith.constant 0 : i32
        %dma_start3A_210 = tpu.memref_slice %arg11[%dma_start3A_204, %dma_start3A_209] : memref<3x64xi32, #tpu.memory_space<vmem>> -> memref<1x64xi32, #tpu.memory_space<vmem>>
        %dma_start3A_211 = tpu.memref_squeeze %dma_start3A_210 : memref<1x64xi32, #tpu.memory_space<vmem>> -> memref<64xi32, #tpu.memory_space<vmem>>
        %dma_start3A_212 = tpu.memref_slice %arg4[%mul3A_203] : memref<320000xi32, #tpu.memory_space<hbm>> -> memref<64xi32, #tpu.memory_space<hbm>>
        tpu.enqueue_dma source(%dma_start3A_212 : memref<64xi32, #tpu.memory_space<hbm>>) target(%dma_start3A_211 : memref<64xi32, #tpu.memory_space<vmem>>) target_semaphore(%arg14 : memref<!tpu.dma_semaphore, #tpu.memory_space<semaphore_mem>>)
        %mul3A_213 = arith.constant 32 : i32
        %mul3A_214 = arith.muli %add3A_103, %mul3A_213 : i32
        %add3A_215 = arith.addi %mul3A_214, %add3A : i32
        %mul3A_216 = arith.constant 64 : i32
        %mul3A_217 = arith.muli %add3A_215, %mul3A_216 : i32
        %dma_start3A_218 = arith.constant 1 : i32
        %dma_start3A_219 = arith.constant 0 : i32
        %dma_start3A_220 = arith.constant 0 : i32
        %dma_start3A_221 = tpu.memref_slice %arg8[%dma_start3A_218, %dma_start3A_219, %dma_start3A_220] : memref<3x64x128xf32, #tpu.memory_space<vmem>> -> memref<1x64x128xf32, #tpu.memory_space<vmem>>
        %dma_start3A_222 = tpu.memref_squeeze %dma_start3A_221 : memref<1x64x128xf32, #tpu.memory_space<vmem>> -> memref<64x128xf32, #tpu.memory_space<vmem>>
        %dma_start3A_223 = arith.constant 0 : i32
        %dma_start3A_224 = tpu.memref_slice %arg5[%mul3A_217, %dma_start3A_223] : memref<320000x128xf32, #tpu.memory_space<hbm>> -> memref<64x128xf32, #tpu.memory_space<hbm>>
        %dma_start3A_225 = arith.constant 0 : i32
        %dma_start3A_226 = arith.constant 0 : i32
        %dma_start3A_227 = tpu.memref_slice %arg8[%dma_start3A_218, %dma_start3A_225, %dma_start3A_226] : memref<3x64x128xf32, #tpu.memory_space<vmem>> -> memref<1x64x128xf32, #tpu.memory_space<vmem>>
        %dma_start3A_228 = tpu.memref_squeeze %dma_start3A_227 : memref<1x64x128xf32, #tpu.memory_space<vmem>> -> memref<64x128xf32, #tpu.memory_space<vmem>>
        %dma_start3A_229 = arith.constant 0 : i32
        %dma_start3A_230 = tpu.memref_slice %arg5[%mul3A_217, %dma_start3A_229] : memref<320000x128xf32, #tpu.memory_space<hbm>> -> memref<64x128xf32, #tpu.memory_space<hbm>>
        tpu.enqueue_dma source(%dma_start3A_230 : memref<64x128xf32, #tpu.memory_space<hbm>>) target(%dma_start3A_228 : memref<64x128xf32, #tpu.memory_space<vmem>>) target_semaphore(%arg17 : memref<!tpu.dma_semaphore, #tpu.memory_space<semaphore_mem>>)
      } else {
      }
      %sub3A_131 = arith.constant 2 : i32
      %sub3A_132 = arith.subi %add3A_103, %sub3A_131 : i32
      %mul3A_133 = arith.constant 32 : i32
      %mul3A_134 = arith.muli %sub3A_132, %mul3A_133 : i32
      %add3A_135 = arith.addi %mul3A_134, %add3A : i32
      %ge3A_136 = arith.constant 0 : i32
      %ge3A_137 = arith.cmpi sge, %sub3A_132, %ge3A_136 : i32
      %lt3A_138 = arith.constant 5000 : i32
      %lt3A_139 = arith.cmpi slt, %add3A_135, %lt3A_138 : i32
      %and3A_140 = arith.andi %ge3A_137, %lt3A_139 : i1
      %convert_element_type3A_141 = arith.extui %and3A_140 : i1 to i32
      %cond3A_142 = arith.constant 0 : i32
      %cond3A_143 = arith.cmpi ne, %convert_element_type3A_141, %cond3A_142 : i32
      scf.if %cond3A_143 {
        %dma_wait3A_186 = arith.constant 2 : i32
        %dma_wait3A_187 = arith.constant 2 : i32
        %dma_wait3A_188 = arith.constant 0 : i32
        %dma_wait3A_189 = arith.constant 0 : i32
        %dma_wait3A_190 = tpu.memref_slice %arg9[%dma_wait3A_187, %dma_wait3A_188, %dma_wait3A_189] : memref<3x64x128xf32, #tpu.memory_space<vmem>> -> memref<1x64x128xf32, #tpu.memory_space<vmem>>
        %dma_wait3A_191 = tpu.memref_squeeze %dma_wait3A_190 : memref<1x64x128xf32, #tpu.memory_space<vmem>> -> memref<64x128xf32, #tpu.memory_space<vmem>>
        %dma_wait3A_192 = arith.constant 0 : i32
        %dma_wait3A_193 = tpu.memref_slice %arg10[%dma_wait3A_186, %dma_wait3A_192] : memref<3x64xi32, #tpu.memory_space<vmem>> -> memref<1x64xi32, #tpu.memory_space<vmem>>
        %dma_wait3A_194 = tpu.memref_squeeze %dma_wait3A_193 : memref<1x64xi32, #tpu.memory_space<vmem>> -> memref<64xi32, #tpu.memory_space<vmem>>
        %dma_wait3A_195 = arith.constant 0 : i32
        %dma_wait3A_196 = arith.constant 0 : i32
        %dma_wait3A_197 = tpu.memref_slice %arg2[%dma_wait3A_195, %dma_wait3A_196] : memref<10000x128xf32, #tpu.memory_space<hbm>> -> memref<10000x128xf32, #tpu.memory_space<hbm>>
        tpu.wait_indirect_dma semaphore(%arg21 : memref<!tpu.dma_semaphore, #tpu.memory_space<semaphore_mem>>) src(%dma_wait3A_197 : memref<10000x128xf32, #tpu.memory_space<hbm>>) dst(%dma_wait3A_191 : memref<64x128xf32, #tpu.memory_space<vmem>>)
        %mul3A_198 = arith.constant 32 : i32
        %mul3A_199 = arith.muli %sub3A_132, %mul3A_198 : i32
        %add3A_200 = arith.addi %mul3A_199, %add3A : i32
        %mul3A_201 = arith.constant 64 : i32
        %mul3A_202 = arith.muli %add3A_200, %mul3A_201 : i32
        %dma_wait3A_203 = arith.constant 2 : i32
        %dma_wait3A_204 = arith.constant 0 : i32
        %dma_wait3A_205 = arith.constant 0 : i32
        %dma_wait3A_206 = tpu.memref_slice %arg8[%dma_wait3A_203, %dma_wait3A_204, %dma_wait3A_205] : memref<3x64x128xf32, #tpu.memory_space<vmem>> -> memref<1x64x128xf32, #tpu.memory_space<vmem>>
        %dma_wait3A_207 = tpu.memref_squeeze %dma_wait3A_206 : memref<1x64x128xf32, #tpu.memory_space<vmem>> -> memref<64x128xf32, #tpu.memory_space<vmem>>
        %dma_wait3A_208 = arith.constant 0 : i32
        %dma_wait3A_209 = tpu.memref_slice %arg5[%mul3A_202, %dma_wait3A_208] : memref<320000x128xf32, #tpu.memory_space<hbm>> -> memref<64x128xf32, #tpu.memory_space<hbm>>
        %dma_wait3A_210 = arith.constant 0 : i32
        %dma_wait3A_211 = arith.constant 0 : i32
        %dma_wait3A_212 = tpu.memref_slice %arg8[%dma_wait3A_203, %dma_wait3A_210, %dma_wait3A_211] : memref<3x64x128xf32, #tpu.memory_space<vmem>> -> memref<1x64x128xf32, #tpu.memory_space<vmem>>
        %dma_wait3A_213 = tpu.memref_squeeze %dma_wait3A_212 : memref<1x64x128xf32, #tpu.memory_space<vmem>> -> memref<64x128xf32, #tpu.memory_space<vmem>>
        %dma_wait3A_214 = arith.constant 0 : i32
        %dma_wait3A_215 = tpu.memref_slice %arg5[%mul3A_202, %dma_wait3A_214] : memref<320000x128xf32, #tpu.memory_space<hbm>> -> memref<64x128xf32, #tpu.memory_space<hbm>>
        tpu.wait_dma2 semaphore(%arg18 : memref<!tpu.dma_semaphore, #tpu.memory_space<semaphore_mem>>) src(%dma_wait3A_215 : memref<64x128xf32, #tpu.memory_space<hbm>>) dst(%dma_wait3A_213 : memref<64x128xf32, #tpu.memory_space<vmem>>)
        %scan3A_216 = arith.constant 0 : i32
        %scan3A_217 = arith.constant 0 : i32
        %scan3A_218 = arith.constant 64 : i32
        %scan3A_219 = arith.addi %scan3A_217, %scan3A_218 : i32
        %scan3A_220 = arith.constant 1 : i32
        scf.for %scan3A_233 = %scan3A_217 to %scan3A_219 step %scan3A_220  : i32 {
          %get3A = arith.constant 2 : i32
          %get3A_234 = arith.index_cast %get3A : i32 to index
          %get3A_235 = arith.index_cast %scan3A_233 : i32 to index
          %get3A_236 = arith.constant 0 : index
          %get3A_237 = tpu.vector_load %arg9[%get3A_234, %get3A_235, %get3A_236] {strides = array<i32>} : memref<3x64x128xf32, #tpu.memory_space<vmem>>, vector<16xf32>,
          %get3A_238 = arith.constant 2 : i32
          %get3A_239 = arith.index_cast %get3A_238 : i32 to index
          %get3A_240 = arith.index_cast %scan3A_233 : i32 to index
          %get3A_241 = arith.constant 0 : index
          %get3A_242 = tpu.vector_load %arg8[%get3A_239, %get3A_240, %get3A_241] {strides = array<i32>} : memref<3x64x128xf32, #tpu.memory_space<vmem>>, vector<16xf32>,
          %add3A_243 = arith.addf %get3A_237, %get3A_242 : vector<16xf32>
          %max3A = arith.constant 0.000000e+00 : f32
          %max3A_244 = vector.broadcast %max3A : f32 to vector<16xf32>
          %max3A_245 = arith.maximumf %add3A_243, %max3A_244 : vector<16xf32>
          %swap3A = arith.constant 2 : i32
          %swap3A_246 = arith.index_cast %swap3A : i32 to index
          %swap3A_247 = arith.index_cast %scan3A_233 : i32 to index
          %swap3A_248 = arith.constant 0 : index
          %swap3A_249 = tpu.vector_load %arg9[%swap3A_246, %swap3A_247, %swap3A_248] {strides = array<i32>} : memref<3x64x128xf32, #tpu.memory_space<vmem>>, vector<16xf32>,
          tpu.vector_store %arg9[%swap3A_246, %swap3A_247, %swap3A_248], %max3A_245 {strides = array<i32>} : memref<3x64x128xf32, #tpu.memory_space<vmem>>, vector<16xf32>,
          %get3A_250 = arith.constant 2 : i32
          %get3A_251 = arith.index_cast %get3A_250 : i32 to index
          %get3A_252 = arith.index_cast %scan3A_233 : i32 to index
          %get3A_253 = arith.constant 16 : index
          %get3A_254 = tpu.vector_load %arg9[%get3A_251, %get3A_252, %get3A_253] {strides = array<i32>} : memref<3x64x128xf32, #tpu.memory_space<vmem>>, vector<16xf32>,
          %get3A_255 = arith.constant 2 : i32
          %get3A_256 = arith.index_cast %get3A_255 : i32 to index
          %get3A_257 = arith.index_cast %scan3A_233 : i32 to index
          %get3A_258 = arith.constant 16 : index
          %get3A_259 = tpu.vector_load %arg8[%get3A_256, %get3A_257, %get3A_258] {strides = array<i32>} : memref<3x64x128xf32, #tpu.memory_space<vmem>>, vector<16xf32>,
          %add3A_260 = arith.addf %get3A_254, %get3A_259 : vector<16xf32>
          %max3A_261 = arith.constant 0.000000e+00 : f32
          %max3A_262 = vector.broadcast %max3A_261 : f32 to vector<16xf32>
          %max3A_263 = arith.maximumf %add3A_260, %max3A_262 : vector<16xf32>
          %swap3A_264 = arith.constant 2 : i32
          %swap3A_265 = arith.index_cast %swap3A_264 : i32 to index
          %swap3A_266 = arith.index_cast %scan3A_233 : i32 to index
          %swap3A_267 = arith.constant 16 : index
          %swap3A_268 = tpu.vector_load %arg9[%swap3A_265, %swap3A_266, %swap3A_267] {strides = array<i32>} : memref<3x64x128xf32, #tpu.memory_space<vmem>>, vector<16xf32>,
          tpu.vector_store %arg9[%swap3A_265, %swap3A_266, %swap3A_267], %max3A_263 {strides = array<i32>} : memref<3x64x128xf32, #tpu.memory_space<vmem>>, vector<16xf32>,
          %get3A_269 = arith.constant 2 : i32
          %get3A_270 = arith.index_cast %get3A_269 : i32 to index
          %get3A_271 = arith.index_cast %scan3A_233 : i32 to index
          %get3A_272 = arith.constant 32 : index
          %get3A_273 = tpu.vector_load %arg9[%get3A_270, %get3A_271, %get3A_272] {strides = array<i32>} : memref<3x64x128xf32, #tpu.memory_space<vmem>>, vector<16xf32>,
          %get3A_274 = arith.constant 2 : i32
          %get3A_275 = arith.index_cast %get3A_274 : i32 to index
          %get3A_276 = arith.index_cast %scan3A_233 : i32 to index
          %get3A_277 = arith.constant 32 : index
          %get3A_278 = tpu.vector_load %arg8[%get3A_275, %get3A_276, %get3A_277] {strides = array<i32>} : memref<3x64x128xf32, #tpu.memory_space<vmem>>, vector<16xf32>,
          %add3A_279 = arith.addf %get3A_273, %get3A_278 : vector<16xf32>
          %max3A_280 = arith.constant 0.000000e+00 : f32
          %max3A_281 = vector.broadcast %max3A_280 : f32 to vector<16xf32>
          %max3A_282 = arith.maximumf %add3A_279, %max3A_281 : vector<16xf32>
          %swap3A_283 = arith.constant 2 : i32
          %swap3A_284 = arith.index_cast %swap3A_283 : i32 to index
          %swap3A_285 = arith.index_cast %scan3A_233 : i32 to index
          %swap3A_286 = arith.constant 32 : index
          %swap3A_287 = tpu.vector_load %arg9[%swap3A_284, %swap3A_285, %swap3A_286] {strides = array<i32>} : memref<3x64x128xf32, #tpu.memory_space<vmem>>, vector<16xf32>,
          tpu.vector_store %arg9[%swap3A_284, %swap3A_285, %swap3A_286], %max3A_282 {strides = array<i32>} : memref<3x64x128xf32, #tpu.memory_space<vmem>>, vector<16xf32>,
          %get3A_288 = arith.constant 2 : i32
          %get3A_289 = arith.index_cast %get3A_288 : i32 to index
          %get3A_290 = arith.index_cast %scan3A_233 : i32 to index
          %get3A_291 = arith.constant 48 : index
          %get3A_292 = tpu.vector_load %arg9[%get3A_289, %get3A_290, %get3A_291] {strides = array<i32>} : memref<3x64x128xf32, #tpu.memory_space<vmem>>, vector<16xf32>,
          %get3A_293 = arith.constant 2 : i32
          %get3A_294 = arith.index_cast %get3A_293 : i32 to index
          %get3A_295 = arith.index_cast %scan3A_233 : i32 to index
          %get3A_296 = arith.constant 48 : index
          %get3A_297 = tpu.vector_load %arg8[%get3A_294, %get3A_295, %get3A_296] {strides = array<i32>} : memref<3x64x128xf32, #tpu.memory_space<vmem>>, vector<16xf32>,
          %add3A_298 = arith.addf %get3A_292, %get3A_297 : vector<16xf32>
          %max3A_299 = arith.constant 0.000000e+00 : f32
          %max3A_300 = vector.broadcast %max3A_299 : f32 to vector<16xf32>
          %max3A_301 = arith.maximumf %add3A_298, %max3A_300 : vector<16xf32>
          %swap3A_302 = arith.constant 2 : i32
          %swap3A_303 = arith.index_cast %swap3A_302 : i32 to index
          %swap3A_304 = arith.index_cast %scan3A_233 : i32 to index
          %swap3A_305 = arith.constant 48 : index
          %swap3A_306 = tpu.vector_load %arg9[%swap3A_303, %swap3A_304, %swap3A_305] {strides = array<i32>} : memref<3x64x128xf32, #tpu.memory_space<vmem>>, vector<16xf32>,
          tpu.vector_store %arg9[%swap3A_303, %swap3A_304, %swap3A_305], %max3A_301 {strides = array<i32>} : memref<3x64x128xf32, #tpu.memory_space<vmem>>, vector<16xf32>,
          %get3A_307 = arith.constant 2 : i32
          %get3A_308 = arith.index_cast %get3A_307 : i32 to index
          %get3A_309 = arith.index_cast %scan3A_233 : i32 to index
          %get3A_310 = arith.constant 64 : index
          %get3A_311 = tpu.vector_load %arg9[%get3A_308, %get3A_309, %get3A_310] {strides = array<i32>} : memref<3x64x128xf32, #tpu.memory_space<vmem>>, vector<16xf32>,
          %get3A_312 = arith.constant 2 : i32
          %get3A_313 = arith.index_cast %get3A_312 : i32 to index
          %get3A_314 = arith.index_cast %scan3A_233 : i32 to index
          %get3A_315 = arith.constant 64 : index
          %get3A_316 = tpu.vector_load %arg8[%get3A_313, %get3A_314, %get3A_315] {strides = array<i32>} : memref<3x64x128xf32, #tpu.memory_space<vmem>>, vector<16xf32>,
          %add3A_317 = arith.addf %get3A_311, %get3A_316 : vector<16xf32>
          %max3A_318 = arith.constant 0.000000e+00 : f32
          %max3A_319 = vector.broadcast %max3A_318 : f32 to vector<16xf32>
          %max3A_320 = arith.maximumf %add3A_317, %max3A_319 : vector<16xf32>
          %swap3A_321 = arith.constant 2 : i32
          %swap3A_322 = arith.index_cast %swap3A_321 : i32 to index
          %swap3A_323 = arith.index_cast %scan3A_233 : i32 to index
          %swap3A_324 = arith.constant 64 : index
          %swap3A_325 = tpu.vector_load %arg9[%swap3A_322, %swap3A_323, %swap3A_324] {strides = array<i32>} : memref<3x64x128xf32, #tpu.memory_space<vmem>>, vector<16xf32>,
          tpu.vector_store %arg9[%swap3A_322, %swap3A_323, %swap3A_324], %max3A_320 {strides = array<i32>} : memref<3x64x128xf32, #tpu.memory_space<vmem>>, vector<16xf32>,
          %get3A_326 = arith.constant 2 : i32
          %get3A_327 = arith.index_cast %get3A_326 : i32 to index
          %get3A_328 = arith.index_cast %scan3A_233 : i32 to index
          %get3A_329 = arith.constant 80 : index
          %get3A_330 = tpu.vector_load %arg9[%get3A_327, %get3A_328, %get3A_329] {strides = array<i32>} : memref<3x64x128xf32, #tpu.memory_space<vmem>>, vector<16xf32>,
          %get3A_331 = arith.constant 2 : i32
          %get3A_332 = arith.index_cast %get3A_331 : i32 to index
          %get3A_333 = arith.index_cast %scan3A_233 : i32 to index
          %get3A_334 = arith.constant 80 : index
          %get3A_335 = tpu.vector_load %arg8[%get3A_332, %get3A_333, %get3A_334] {strides = array<i32>} : memref<3x64x128xf32, #tpu.memory_space<vmem>>, vector<16xf32>,
          %add3A_336 = arith.addf %get3A_330, %get3A_335 : vector<16xf32>
          %max3A_337 = arith.constant 0.000000e+00 : f32
          %max3A_338 = vector.broadcast %max3A_337 : f32 to vector<16xf32>
          %max3A_339 = arith.maximumf %add3A_336, %max3A_338 : vector<16xf32>
          %swap3A_340 = arith.constant 2 : i32
          %swap3A_341 = arith.index_cast %swap3A_340 : i32 to index
          %swap3A_342 = arith.index_cast %scan3A_233 : i32 to index
          %swap3A_343 = arith.constant 80 : index
          %swap3A_344 = tpu.vector_load %arg9[%swap3A_341, %swap3A_342, %swap3A_343] {strides = array<i32>} : memref<3x64x128xf32, #tpu.memory_space<vmem>>, vector<16xf32>,
          tpu.vector_store %arg9[%swap3A_341, %swap3A_342, %swap3A_343], %max3A_339 {strides = array<i32>} : memref<3x64x128xf32, #tpu.memory_space<vmem>>, vector<16xf32>,
          %get3A_345 = arith.constant 2 : i32
          %get3A_346 = arith.index_cast %get3A_345 : i32 to index
          %get3A_347 = arith.index_cast %scan3A_233 : i32 to index
          %get3A_348 = arith.constant 96 : index
          %get3A_349 = tpu.vector_load %arg9[%get3A_346, %get3A_347, %get3A_348] {strides = array<i32>} : memref<3x64x128xf32, #tpu.memory_space<vmem>>, vector<16xf32>,
          %get3A_350 = arith.constant 2 : i32
          %get3A_351 = arith.index_cast %get3A_350 : i32 to index
          %get3A_352 = arith.index_cast %scan3A_233 : i32 to index
          %get3A_353 = arith.constant 96 : index
          %get3A_354 = tpu.vector_load %arg8[%get3A_351, %get3A_352, %get3A_353] {strides = array<i32>} : memref<3x64x128xf32, #tpu.memory_space<vmem>>, vector<16xf32>,
          %add3A_355 = arith.addf %get3A_349, %get3A_354 : vector<16xf32>
          %max3A_356 = arith.constant 0.000000e+00 : f32
          %max3A_357 = vector.broadcast %max3A_356 : f32 to vector<16xf32>
          %max3A_358 = arith.maximumf %add3A_355, %max3A_357 : vector<16xf32>
          %swap3A_359 = arith.constant 2 : i32
          %swap3A_360 = arith.index_cast %swap3A_359 : i32 to index
          %swap3A_361 = arith.index_cast %scan3A_233 : i32 to index
          %swap3A_362 = arith.constant 96 : index
          %swap3A_363 = tpu.vector_load %arg9[%swap3A_360, %swap3A_361, %swap3A_362] {strides = array<i32>} : memref<3x64x128xf32, #tpu.memory_space<vmem>>, vector<16xf32>,
          tpu.vector_store %arg9[%swap3A_360, %swap3A_361, %swap3A_362], %max3A_358 {strides = array<i32>} : memref<3x64x128xf32, #tpu.memory_space<vmem>>, vector<16xf32>,
          %get3A_364 = arith.constant 2 : i32
          %get3A_365 = arith.index_cast %get3A_364 : i32 to index
          %get3A_366 = arith.index_cast %scan3A_233 : i32 to index
          %get3A_367 = arith.constant 112 : index
          %get3A_368 = tpu.vector_load %arg9[%get3A_365, %get3A_366, %get3A_367] {strides = array<i32>} : memref<3x64x128xf32, #tpu.memory_space<vmem>>, vector<16xf32>,
          %get3A_369 = arith.constant 2 : i32
          %get3A_370 = arith.index_cast %get3A_369 : i32 to index
          %get3A_371 = arith.index_cast %scan3A_233 : i32 to index
          %get3A_372 = arith.constant 112 : index
          %get3A_373 = tpu.vector_load %arg8[%get3A_370, %get3A_371, %get3A_372] {strides = array<i32>} : memref<3x64x128xf32, #tpu.memory_space<vmem>>, vector<16xf32>,
          %add3A_374 = arith.addf %get3A_368, %get3A_373 : vector<16xf32>
          %max3A_375 = arith.constant 0.000000e+00 : f32
          %max3A_376 = vector.broadcast %max3A_375 : f32 to vector<16xf32>
          %max3A_377 = arith.maximumf %add3A_374, %max3A_376 : vector<16xf32>
          %swap3A_378 = arith.constant 2 : i32
          %swap3A_379 = arith.index_cast %swap3A_378 : i32 to index
          %swap3A_380 = arith.index_cast %scan3A_233 : i32 to index
          %swap3A_381 = arith.constant 112 : index
          %swap3A_382 = tpu.vector_load %arg9[%swap3A_379, %swap3A_380, %swap3A_381] {strides = array<i32>} : memref<3x64x128xf32, #tpu.memory_space<vmem>>, vector<16xf32>,
          tpu.vector_store %arg9[%swap3A_379, %swap3A_380, %swap3A_381], %max3A_377 {strides = array<i32>} : memref<3x64x128xf32, #tpu.memory_space<vmem>>, vector<16xf32>,
        }
        %scan3A_221 = arith.constant 64 : i32
        %dma_start3A = arith.constant 2 : i32
        %dma_start3A_222 = arith.constant 2 : i32
        %dma_start3A_223 = arith.constant 0 : i32
        %dma_start3A_224 = arith.constant 0 : i32
        %dma_start3A_225 = tpu.memref_slice %arg9[%dma_start3A, %dma_start3A_223, %dma_start3A_224] : memref<3x64x128xf32, #tpu.memory_space<vmem>> -> memref<1x64x128xf32, #tpu.memory_space<vmem>>
        %dma_start3A_226 = tpu.memref_squeeze %dma_start3A_225 : memref<1x64x128xf32, #tpu.memory_space<vmem>> -> memref<64x128xf32, #tpu.memory_space<vmem>>
        %dma_start3A_227 = arith.constant 0 : i32
        %dma_start3A_228 = tpu.memref_slice %arg11[%dma_start3A_222, %dma_start3A_227] : memref<3x64xi32, #tpu.memory_space<vmem>> -> memref<1x64xi32, #tpu.memory_space<vmem>>
        %dma_start3A_229 = tpu.memref_squeeze %dma_start3A_228 : memref<1x64xi32, #tpu.memory_space<vmem>> -> memref<64xi32, #tpu.memory_space<vmem>>
        %dma_start3A_230 = arith.constant 0 : i32
        %dma_start3A_231 = arith.constant 0 : i32
        %dma_start3A_232 = tpu.memref_slice %arg12[%dma_start3A_230, %dma_start3A_231] : memref<10000x128xf32, #tpu.memory_space<vmem_shared>> -> memref<10000x128xf32, #tpu.memory_space<vmem_shared>>
        tpu.enqueue_indirect_dma source(%dma_start3A_226 : memref<64x128xf32, #tpu.memory_space<vmem>>) target(%dma_start3A_232 : memref<10000x128xf32, #tpu.memory_space<vmem_shared>>) offsets(%dma_start3A_229 : memref<64xi32, #tpu.memory_space<vmem>>) semaphore(%arg24 : memref<!tpu.dma_semaphore, #tpu.memory_space<semaphore_mem>>) {add = true}
      } else {
      }
      %add3A_144 = arith.constant 2 : i32
      %add3A_145 = arith.addi %mul3A_63, %add3A_144 : i32
      %sub3A_146 = arith.constant 1 : i32
      %sub3A_147 = arith.subi %add3A_145, %sub3A_146 : i32
      %mul3A_148 = arith.constant 32 : i32
      %mul3A_149 = arith.muli %sub3A_147, %mul3A_148 : i32
      %add3A_150 = arith.addi %mul3A_149, %add3A : i32
      %ge3A_151 = arith.constant 0 : i32
      %ge3A_152 = arith.cmpi sge, %sub3A_147, %ge3A_151 : i32
      %lt3A_153 = arith.constant 5000 : i32
      %lt3A_154 = arith.cmpi slt, %add3A_150, %lt3A_153 : i32
      %and3A_155 = arith.andi %ge3A_152, %lt3A_154 : i1
      %convert_element_type3A_156 = arith.extui %and3A_155 : i1 to i32
      %cond3A_157 = arith.constant 0 : i32
      %cond3A_158 = arith.cmpi ne, %convert_element_type3A_156, %cond3A_157 : i32
      scf.if %cond3A_158 {
        %mul3A_186 = arith.constant 32 : i32
        %mul3A_187 = arith.muli %sub3A_147, %mul3A_186 : i32
        %add3A_188 = arith.addi %mul3A_187, %add3A : i32
        %mul3A_189 = arith.constant 64 : i32
        %mul3A_190 = arith.muli %add3A_188, %mul3A_189 : i32
        %dma_wait3A_191 = arith.constant 1 : i32
        %dma_wait3A_192 = arith.constant 0 : i32
        %dma_wait3A_193 = tpu.memref_slice %arg10[%dma_wait3A_191, %dma_wait3A_192] : memref<3x64xi32, #tpu.memory_space<vmem>> -> memref<1x64xi32, #tpu.memory_space<vmem>>
        %dma_wait3A_194 = tpu.memref_squeeze %dma_wait3A_193 : memref<1x64xi32, #tpu.memory_space<vmem>> -> memref<64xi32, #tpu.memory_space<vmem>>
        %dma_wait3A_195 = tpu.memref_slice %arg3[%mul3A_190] : memref<320000xi32, #tpu.memory_space<hbm>> -> memref<64xi32, #tpu.memory_space<hbm>>
        %dma_wait3A_196 = arith.constant 0 : i32
        %dma_wait3A_197 = tpu.memref_slice %arg10[%dma_wait3A_191, %dma_wait3A_196] : memref<3x64xi32, #tpu.memory_space<vmem>> -> memref<1x64xi32, #tpu.memory_space<vmem>>
        %dma_wait3A_198 = tpu.memref_squeeze %dma_wait3A_197 : memref<1x64xi32, #tpu.memory_space<vmem>> -> memref<64xi32, #tpu.memory_space<vmem>>
        %dma_wait3A_199 = tpu.memref_slice %arg3[%mul3A_190] : memref<320000xi32, #tpu.memory_space<hbm>> -> memref<64xi32, #tpu.memory_space<hbm>>
        tpu.wait_dma2 semaphore(%arg14 : memref<!tpu.dma_semaphore, #tpu.memory_space<semaphore_mem>>) src(%dma_wait3A_199 : memref<64xi32, #tpu.memory_space<hbm>>) dst(%dma_wait3A_198 : memref<64xi32, #tpu.memory_space<vmem>>)
        %mul3A_200 = arith.constant 32 : i32
        %mul3A_201 = arith.muli %sub3A_147, %mul3A_200 : i32
        %add3A_202 = arith.addi %mul3A_201, %add3A : i32
        %mul3A_203 = arith.constant 64 : i32
        %mul3A_204 = arith.muli %add3A_202, %mul3A_203 : i32
        %dma_wait3A_205 = arith.constant 1 : i32
        %dma_wait3A_206 = arith.constant 0 : i32
        %dma_wait3A_207 = tpu.memref_slice %arg11[%dma_wait3A_205, %dma_wait3A_206] : memref<3x64xi32, #tpu.memory_space<vmem>> -> memref<1x64xi32, #tpu.memory_space<vmem>>
        %dma_wait3A_208 = tpu.memref_squeeze %dma_wait3A_207 : memref<1x64xi32, #tpu.memory_space<vmem>> -> memref<64xi32, #tpu.memory_space<vmem>>
        %dma_wait3A_209 = tpu.memref_slice %arg4[%mul3A_204] : memref<320000xi32, #tpu.memory_space<hbm>> -> memref<64xi32, #tpu.memory_space<hbm>>
        %dma_wait3A_210 = arith.constant 0 : i32
        %dma_wait3A_211 = tpu.memref_slice %arg11[%dma_wait3A_205, %dma_wait3A_210] : memref<3x64xi32, #tpu.memory_space<vmem>> -> memref<1x64xi32, #tpu.memory_space<vmem>>
        %dma_wait3A_212 = tpu.memref_squeeze %dma_wait3A_211 : memref<1x64xi32, #tpu.memory_space<vmem>> -> memref<64xi32, #tpu.memory_space<vmem>>
        %dma_wait3A_213 = tpu.memref_slice %arg4[%mul3A_204] : memref<320000xi32, #tpu.memory_space<hbm>> -> memref<64xi32, #tpu.memory_space<hbm>>
        tpu.wait_dma2 semaphore(%arg14 : memref<!tpu.dma_semaphore, #tpu.memory_space<semaphore_mem>>) src(%dma_wait3A_213 : memref<64xi32, #tpu.memory_space<hbm>>) dst(%dma_wait3A_212 : memref<64xi32, #tpu.memory_space<vmem>>)
        %dma_start3A = arith.constant 1 : i32
        %dma_start3A_214 = arith.constant 1 : i32
        %dma_start3A_215 = arith.constant 0 : i32
        %dma_start3A_216 = arith.constant 0 : i32
        %dma_start3A_217 = tpu.memref_slice %arg9[%dma_start3A_214, %dma_start3A_215, %dma_start3A_216] : memref<3x64x128xf32, #tpu.memory_space<vmem>> -> memref<1x64x128xf32, #tpu.memory_space<vmem>>
        %dma_start3A_218 = tpu.memref_squeeze %dma_start3A_217 : memref<1x64x128xf32, #tpu.memory_space<vmem>> -> memref<64x128xf32, #tpu.memory_space<vmem>>
        %dma_start3A_219 = arith.constant 0 : i32
        %dma_start3A_220 = tpu.memref_slice %arg10[%dma_start3A, %dma_start3A_219] : memref<3x64xi32, #tpu.memory_space<vmem>> -> memref<1x64xi32, #tpu.memory_space<vmem>>
        %dma_start3A_221 = tpu.memref_squeeze %dma_start3A_220 : memref<1x64xi32, #tpu.memory_space<vmem>> -> memref<64xi32, #tpu.memory_space<vmem>>
        %dma_start3A_222 = arith.constant 0 : i32
        %dma_start3A_223 = arith.constant 0 : i32
        %dma_start3A_224 = tpu.memref_slice %arg2[%dma_start3A_222, %dma_start3A_223] : memref<10000x128xf32, #tpu.memory_space<hbm>> -> memref<10000x128xf32, #tpu.memory_space<hbm>>
        tpu.enqueue_indirect_dma source(%dma_start3A_224 : memref<10000x128xf32, #tpu.memory_space<hbm>>) target(%dma_start3A_218 : memref<64x128xf32, #tpu.memory_space<vmem>>) offsets(%dma_start3A_221 : memref<64xi32, #tpu.memory_space<vmem>>) semaphore(%arg20 : memref<!tpu.dma_semaphore, #tpu.memory_space<semaphore_mem>>)
      } else {
      }
      %mul3A_159 = arith.constant 32 : i32
      %mul3A_160 = arith.muli %add3A_145, %mul3A_159 : i32
      %add3A_161 = arith.addi %mul3A_160, %add3A : i32
      %lt3A_162 = arith.constant 5000 : i32
      %lt3A_163 = arith.cmpi slt, %add3A_161, %lt3A_162 : i32
      %ge3A_164 = arith.constant 3 : i32
      %ge3A_165 = arith.cmpi sge, %add3A_145, %ge3A_164 : i32
      %and3A_166 = arith.andi %ge3A_165, %lt3A_163 : i1
      %convert_element_type3A_167 = arith.extui %and3A_166 : i1 to i32
      %cond3A_168 = arith.constant 0 : i32
      %cond3A_169 = arith.cmpi ne, %convert_element_type3A_167, %cond3A_168 : i32
      scf.if %cond3A_169 {
        %dma_wait3A_186 = arith.constant 2 : i32
        %dma_wait3A_187 = arith.constant 2 : i32
        %dma_wait3A_188 = arith.constant 0 : i32
        %dma_wait3A_189 = arith.constant 0 : i32
        %dma_wait3A_190 = tpu.memref_slice %arg9[%dma_wait3A_186, %dma_wait3A_188, %dma_wait3A_189] : memref<3x64x128xf32, #tpu.memory_space<vmem>> -> memref<1x64x128xf32, #tpu.memory_space<vmem>>
        %dma_wait3A_191 = tpu.memref_squeeze %dma_wait3A_190 : memref<1x64x128xf32, #tpu.memory_space<vmem>> -> memref<64x128xf32, #tpu.memory_space<vmem>>
        %dma_wait3A_192 = arith.constant 0 : i32
        %dma_wait3A_193 = tpu.memref_slice %arg11[%dma_wait3A_187, %dma_wait3A_192] : memref<3x64xi32, #tpu.memory_space<vmem>> -> memref<1x64xi32, #tpu.memory_space<vmem>>
        %dma_wait3A_194 = tpu.memref_squeeze %dma_wait3A_193 : memref<1x64xi32, #tpu.memory_space<vmem>> -> memref<64xi32, #tpu.memory_space<vmem>>
        %dma_wait3A_195 = arith.constant 0 : i32
        %dma_wait3A_196 = arith.constant 0 : i32
        %dma_wait3A_197 = tpu.memref_slice %arg12[%dma_wait3A_195, %dma_wait3A_196] : memref<10000x128xf32, #tpu.memory_space<vmem_shared>> -> memref<10000x128xf32, #tpu.memory_space<vmem_shared>>
        tpu.wait_indirect_dma semaphore(%arg24 : memref<!tpu.dma_semaphore, #tpu.memory_space<semaphore_mem>>) src(%dma_wait3A_191 : memref<64x128xf32, #tpu.memory_space<vmem>>) dst(%dma_wait3A_197 : memref<10000x128xf32, #tpu.memory_space<vmem_shared>>)
      } else {
      }
      %convert_element_type3A_170 = arith.extui %lt3A_163 : i1 to i32
      %cond3A_171 = arith.constant 0 : i32
      %cond3A_172 = arith.cmpi ne, %convert_element_type3A_170, %cond3A_171 : i32
      scf.if %cond3A_172 {
        %mul3A_186 = arith.constant 32 : i32
        %mul3A_187 = arith.muli %add3A_145, %mul3A_186 : i32
        %add3A_188 = arith.addi %mul3A_187, %add3A : i32
        %mul3A_189 = arith.constant 64 : i32
        %mul3A_190 = arith.muli %add3A_188, %mul3A_189 : i32
        %dma_start3A = arith.constant 2 : i32
        %dma_start3A_191 = arith.constant 0 : i32
        %dma_start3A_192 = tpu.memref_slice %arg10[%dma_start3A, %dma_start3A_191] : memref<3x64xi32, #tpu.memory_space<vmem>> -> memref<1x64xi32, #tpu.memory_space<vmem>>
        %dma_start3A_193 = tpu.memref_squeeze %dma_start3A_192 : memref<1x64xi32, #tpu.memory_space<vmem>> -> memref<64xi32, #tpu.memory_space<vmem>>
        %dma_start3A_194 = tpu.memref_slice %arg3[%mul3A_190] : memref<320000xi32, #tpu.memory_space<hbm>> -> memref<64xi32, #tpu.memory_space<hbm>>
        %dma_start3A_195 = arith.constant 0 : i32
        %dma_start3A_196 = tpu.memref_slice %arg10[%dma_start3A, %dma_start3A_195] : memref<3x64xi32, #tpu.memory_space<vmem>> -> memref<1x64xi32, #tpu.memory_space<vmem>>
        %dma_start3A_197 = tpu.memref_squeeze %dma_start3A_196 : memref<1x64xi32, #tpu.memory_space<vmem>> -> memref<64xi32, #tpu.memory_space<vmem>>
        %dma_start3A_198 = tpu.memref_slice %arg3[%mul3A_190] : memref<320000xi32, #tpu.memory_space<hbm>> -> memref<64xi32, #tpu.memory_space<hbm>>
        tpu.enqueue_dma source(%dma_start3A_198 : memref<64xi32, #tpu.memory_space<hbm>>) target(%dma_start3A_197 : memref<64xi32, #tpu.memory_space<vmem>>) target_semaphore(%arg15 : memref<!tpu.dma_semaphore, #tpu.memory_space<semaphore_mem>>)
        %mul3A_199 = arith.constant 32 : i32
        %mul3A_200 = arith.muli %add3A_145, %mul3A_199 : i32
        %add3A_201 = arith.addi %mul3A_200, %add3A : i32
        %mul3A_202 = arith.constant 64 : i32
        %mul3A_203 = arith.muli %add3A_201, %mul3A_202 : i32
        %dma_start3A_204 = arith.constant 2 : i32
        %dma_start3A_205 = arith.constant 0 : i32
        %dma_start3A_206 = tpu.memref_slice %arg11[%dma_start3A_204, %dma_start3A_205] : memref<3x64xi32, #tpu.memory_space<vmem>> -> memref<1x64xi32, #tpu.memory_space<vmem>>
        %dma_start3A_207 = tpu.memref_squeeze %dma_start3A_206 : memref<1x64xi32, #tpu.memory_space<vmem>> -> memref<64xi32, #tpu.memory_space<vmem>>
        %dma_start3A_208 = tpu.memref_slice %arg4[%mul3A_203] : memref<320000xi32, #tpu.memory_space<hbm>> -> memref<64xi32, #tpu.memory_space<hbm>>
        %dma_start3A_209 = arith.constant 0 : i32
        %dma_start3A_210 = tpu.memref_slice %arg11[%dma_start3A_204, %dma_start3A_209] : memref<3x64xi32, #tpu.memory_space<vmem>> -> memref<1x64xi32, #tpu.memory_space<vmem>>
        %dma_start3A_211 = tpu.memref_squeeze %dma_start3A_210 : memref<1x64xi32, #tpu.memory_space<vmem>> -> memref<64xi32, #tpu.memory_space<vmem>>
        %dma_start3A_212 = tpu.memref_slice %arg4[%mul3A_203] : memref<320000xi32, #tpu.memory_space<hbm>> -> memref<64xi32, #tpu.memory_space<hbm>>
        tpu.enqueue_dma source(%dma_start3A_212 : memref<64xi32, #tpu.memory_space<hbm>>) target(%dma_start3A_211 : memref<64xi32, #tpu.memory_space<vmem>>) target_semaphore(%arg15 : memref<!tpu.dma_semaphore, #tpu.memory_space<semaphore_mem>>)
        %mul3A_213 = arith.constant 32 : i32
        %mul3A_214 = arith.muli %add3A_145, %mul3A_213 : i32
        %add3A_215 = arith.addi %mul3A_214, %add3A : i32
        %mul3A_216 = arith.constant 64 : i32
        %mul3A_217 = arith.muli %add3A_215, %mul3A_216 : i32
        %dma_start3A_218 = arith.constant 2 : i32
        %dma_start3A_219 = arith.constant 0 : i32
        %dma_start3A_220 = arith.constant 0 : i32
        %dma_start3A_221 = tpu.memref_slice %arg8[%dma_start3A_218, %dma_start3A_219, %dma_start3A_220] : memref<3x64x128xf32, #tpu.memory_space<vmem>> -> memref<1x64x128xf32, #tpu.memory_space<vmem>>
        %dma_start3A_222 = tpu.memref_squeeze %dma_start3A_221 : memref<1x64x128xf32, #tpu.memory_space<vmem>> -> memref<64x128xf32, #tpu.memory_space<vmem>>
        %dma_start3A_223 = arith.constant 0 : i32
        %dma_start3A_224 = tpu.memref_slice %arg5[%mul3A_217, %dma_start3A_223] : memref<320000x128xf32, #tpu.memory_space<hbm>> -> memref<64x128xf32, #tpu.memory_space<hbm>>
        %dma_start3A_225 = arith.constant 0 : i32
        %dma_start3A_226 = arith.constant 0 : i32
        %dma_start3A_227 = tpu.memref_slice %arg8[%dma_start3A_218, %dma_start3A_225, %dma_start3A_226] : memref<3x64x128xf32, #tpu.memory_space<vmem>> -> memref<1x64x128xf32, #tpu.memory_space<vmem>>
        %dma_start3A_228 = tpu.memref_squeeze %dma_start3A_227 : memref<1x64x128xf32, #tpu.memory_space<vmem>> -> memref<64x128xf32, #tpu.memory_space<vmem>>
        %dma_start3A_229 = arith.constant 0 : i32
        %dma_start3A_230 = tpu.memref_slice %arg5[%mul3A_217, %dma_start3A_229] : memref<320000x128xf32, #tpu.memory_space<hbm>> -> memref<64x128xf32, #tpu.memory_space<hbm>>
        tpu.enqueue_dma source(%dma_start3A_230 : memref<64x128xf32, #tpu.memory_space<hbm>>) target(%dma_start3A_228 : memref<64x128xf32, #tpu.memory_space<vmem>>) target_semaphore(%arg18 : memref<!tpu.dma_semaphore, #tpu.memory_space<semaphore_mem>>)
      } else {
      }
      %sub3A_173 = arith.constant 2 : i32
      %sub3A_174 = arith.subi %add3A_145, %sub3A_173 : i32
      %mul3A_175 = arith.constant 32 : i32
      %mul3A_176 = arith.muli %sub3A_174, %mul3A_175 : i32
      %add3A_177 = arith.addi %mul3A_176, %add3A : i32
      %ge3A_178 = arith.constant 0 : i32
      %ge3A_179 = arith.cmpi sge, %sub3A_174, %ge3A_178 : i32
      %lt3A_180 = arith.constant 5000 : i32
      %lt3A_181 = arith.cmpi slt, %add3A_177, %lt3A_180 : i32
      %and3A_182 = arith.andi %ge3A_179, %lt3A_181 : i1
      %convert_element_type3A_183 = arith.extui %and3A_182 : i1 to i32
      %cond3A_184 = arith.constant 0 : i32
      %cond3A_185 = arith.cmpi ne, %convert_element_type3A_183, %cond3A_184 : i32
      scf.if %cond3A_185 {
        %dma_wait3A_186 = arith.constant 0 : i32
        %dma_wait3A_187 = arith.constant 0 : i32
        %dma_wait3A_188 = arith.constant 0 : i32
        %dma_wait3A_189 = arith.constant 0 : i32
        %dma_wait3A_190 = tpu.memref_slice %arg9[%dma_wait3A_187, %dma_wait3A_188, %dma_wait3A_189] : memref<3x64x128xf32, #tpu.memory_space<vmem>> -> memref<1x64x128xf32, #tpu.memory_space<vmem>>
        %dma_wait3A_191 = tpu.memref_squeeze %dma_wait3A_190 : memref<1x64x128xf32, #tpu.memory_space<vmem>> -> memref<64x128xf32, #tpu.memory_space<vmem>>
        %dma_wait3A_192 = arith.constant 0 : i32
        %dma_wait3A_193 = tpu.memref_slice %arg10[%dma_wait3A_186, %dma_wait3A_192] : memref<3x64xi32, #tpu.memory_space<vmem>> -> memref<1x64xi32, #tpu.memory_space<vmem>>
        %dma_wait3A_194 = tpu.memref_squeeze %dma_wait3A_193 : memref<1x64xi32, #tpu.memory_space<vmem>> -> memref<64xi32, #tpu.memory_space<vmem>>
        %dma_wait3A_195 = arith.constant 0 : i32
        %dma_wait3A_196 = arith.constant 0 : i32
        %dma_wait3A_197 = tpu.memref_slice %arg2[%dma_wait3A_195, %dma_wait3A_196] : memref<10000x128xf32, #tpu.memory_space<hbm>> -> memref<10000x128xf32, #tpu.memory_space<hbm>>
        tpu.wait_indirect_dma semaphore(%arg19 : memref<!tpu.dma_semaphore, #tpu.memory_space<semaphore_mem>>) src(%dma_wait3A_197 : memref<10000x128xf32, #tpu.memory_space<hbm>>) dst(%dma_wait3A_191 : memref<64x128xf32, #tpu.memory_space<vmem>>)
        %mul3A_198 = arith.constant 32 : i32
        %mul3A_199 = arith.muli %sub3A_174, %mul3A_198 : i32
        %add3A_200 = arith.addi %mul3A_199, %add3A : i32
        %mul3A_201 = arith.constant 64 : i32
        %mul3A_202 = arith.muli %add3A_200, %mul3A_201 : i32
        %dma_wait3A_203 = arith.constant 0 : i32
        %dma_wait3A_204 = arith.constant 0 : i32
        %dma_wait3A_205 = arith.constant 0 : i32
        %dma_wait3A_206 = tpu.memref_slice %arg8[%dma_wait3A_203, %dma_wait3A_204, %dma_wait3A_205] : memref<3x64x128xf32, #tpu.memory_space<vmem>> -> memref<1x64x128xf32, #tpu.memory_space<vmem>>
        %dma_wait3A_207 = tpu.memref_squeeze %dma_wait3A_206 : memref<1x64x128xf32, #tpu.memory_space<vmem>> -> memref<64x128xf32, #tpu.memory_space<vmem>>
        %dma_wait3A_208 = arith.constant 0 : i32
        %dma_wait3A_209 = tpu.memref_slice %arg5[%mul3A_202, %dma_wait3A_208] : memref<320000x128xf32, #tpu.memory_space<hbm>> -> memref<64x128xf32, #tpu.memory_space<hbm>>
        %dma_wait3A_210 = arith.constant 0 : i32
        %dma_wait3A_211 = arith.constant 0 : i32
        %dma_wait3A_212 = tpu.memref_slice %arg8[%dma_wait3A_203, %dma_wait3A_210, %dma_wait3A_211] : memref<3x64x128xf32, #tpu.memory_space<vmem>> -> memref<1x64x128xf32, #tpu.memory_space<vmem>>
        %dma_wait3A_213 = tpu.memref_squeeze %dma_wait3A_212 : memref<1x64x128xf32, #tpu.memory_space<vmem>> -> memref<64x128xf32, #tpu.memory_space<vmem>>
        %dma_wait3A_214 = arith.constant 0 : i32
        %dma_wait3A_215 = tpu.memref_slice %arg5[%mul3A_202, %dma_wait3A_214] : memref<320000x128xf32, #tpu.memory_space<hbm>> -> memref<64x128xf32, #tpu.memory_space<hbm>>
        tpu.wait_dma2 semaphore(%arg16 : memref<!tpu.dma_semaphore, #tpu.memory_space<semaphore_mem>>) src(%dma_wait3A_215 : memref<64x128xf32, #tpu.memory_space<hbm>>) dst(%dma_wait3A_213 : memref<64x128xf32, #tpu.memory_space<vmem>>)
        %scan3A_216 = arith.constant 0 : i32
        %scan3A_217 = arith.constant 0 : i32
        %scan3A_218 = arith.constant 64 : i32
        %scan3A_219 = arith.addi %scan3A_217, %scan3A_218 : i32
        %scan3A_220 = arith.constant 1 : i32
        scf.for %scan3A_233 = %scan3A_217 to %scan3A_219 step %scan3A_220  : i32 {
          %get3A = arith.constant 0 : i32
          %get3A_234 = arith.index_cast %get3A : i32 to index
          %get3A_235 = arith.index_cast %scan3A_233 : i32 to index
          %get3A_236 = arith.constant 0 : index
          %get3A_237 = tpu.vector_load %arg9[%get3A_234, %get3A_235, %get3A_236] {strides = array<i32>} : memref<3x64x128xf32, #tpu.memory_space<vmem>>, vector<16xf32>,
          %get3A_238 = arith.constant 0 : i32
          %get3A_239 = arith.index_cast %get3A_238 : i32 to index
          %get3A_240 = arith.index_cast %scan3A_233 : i32 to index
          %get3A_241 = arith.constant 0 : index
          %get3A_242 = tpu.vector_load %arg8[%get3A_239, %get3A_240, %get3A_241] {strides = array<i32>} : memref<3x64x128xf32, #tpu.memory_space<vmem>>, vector<16xf32>,
          %add3A_243 = arith.addf %get3A_237, %get3A_242 : vector<16xf32>
          %max3A = arith.constant 0.000000e+00 : f32
          %max3A_244 = vector.broadcast %max3A : f32 to vector<16xf32>
          %max3A_245 = arith.maximumf %add3A_243, %max3A_244 : vector<16xf32>
          %swap3A = arith.constant 0 : i32
          %swap3A_246 = arith.index_cast %swap3A : i32 to index
          %swap3A_247 = arith.index_cast %scan3A_233 : i32 to index
          %swap3A_248 = arith.constant 0 : index
          %swap3A_249 = tpu.vector_load %arg9[%swap3A_246, %swap3A_247, %swap3A_248] {strides = array<i32>} : memref<3x64x128xf32, #tpu.memory_space<vmem>>, vector<16xf32>,
          tpu.vector_store %arg9[%swap3A_246, %swap3A_247, %swap3A_248], %max3A_245 {strides = array<i32>} : memref<3x64x128xf32, #tpu.memory_space<vmem>>, vector<16xf32>,
          %get3A_250 = arith.constant 0 : i32
          %get3A_251 = arith.index_cast %get3A_250 : i32 to index
          %get3A_252 = arith.index_cast %scan3A_233 : i32 to index
          %get3A_253 = arith.constant 16 : index
          %get3A_254 = tpu.vector_load %arg9[%get3A_251, %get3A_252, %get3A_253] {strides = array<i32>} : memref<3x64x128xf32, #tpu.memory_space<vmem>>, vector<16xf32>,
          %get3A_255 = arith.constant 0 : i32
          %get3A_256 = arith.index_cast %get3A_255 : i32 to index
          %get3A_257 = arith.index_cast %scan3A_233 : i32 to index
          %get3A_258 = arith.constant 16 : index
          %get3A_259 = tpu.vector_load %arg8[%get3A_256, %get3A_257, %get3A_258] {strides = array<i32>} : memref<3x64x128xf32, #tpu.memory_space<vmem>>, vector<16xf32>,
          %add3A_260 = arith.addf %get3A_254, %get3A_259 : vector<16xf32>
          %max3A_261 = arith.constant 0.000000e+00 : f32
          %max3A_262 = vector.broadcast %max3A_261 : f32 to vector<16xf32>
          %max3A_263 = arith.maximumf %add3A_260, %max3A_262 : vector<16xf32>
          %swap3A_264 = arith.constant 0 : i32
          %swap3A_265 = arith.index_cast %swap3A_264 : i32 to index
          %swap3A_266 = arith.index_cast %scan3A_233 : i32 to index
          %swap3A_267 = arith.constant 16 : index
          %swap3A_268 = tpu.vector_load %arg9[%swap3A_265, %swap3A_266, %swap3A_267] {strides = array<i32>} : memref<3x64x128xf32, #tpu.memory_space<vmem>>, vector<16xf32>,
          tpu.vector_store %arg9[%swap3A_265, %swap3A_266, %swap3A_267], %max3A_263 {strides = array<i32>} : memref<3x64x128xf32, #tpu.memory_space<vmem>>, vector<16xf32>,
          %get3A_269 = arith.constant 0 : i32
          %get3A_270 = arith.index_cast %get3A_269 : i32 to index
          %get3A_271 = arith.index_cast %scan3A_233 : i32 to index
          %get3A_272 = arith.constant 32 : index
          %get3A_273 = tpu.vector_load %arg9[%get3A_270, %get3A_271, %get3A_272] {strides = array<i32>} : memref<3x64x128xf32, #tpu.memory_space<vmem>>, vector<16xf32>,
          %get3A_274 = arith.constant 0 : i32
          %get3A_275 = arith.index_cast %get3A_274 : i32 to index
          %get3A_276 = arith.index_cast %scan3A_233 : i32 to index
          %get3A_277 = arith.constant 32 : index
          %get3A_278 = tpu.vector_load %arg8[%get3A_275, %get3A_276, %get3A_277] {strides = array<i32>} : memref<3x64x128xf32, #tpu.memory_space<vmem>>, vector<16xf32>,
          %add3A_279 = arith.addf %get3A_273, %get3A_278 : vector<16xf32>
          %max3A_280 = arith.constant 0.000000e+00 : f32
          %max3A_281 = vector.broadcast %max3A_280 : f32 to vector<16xf32>
          %max3A_282 = arith.maximumf %add3A_279, %max3A_281 : vector<16xf32>
          %swap3A_283 = arith.constant 0 : i32
          %swap3A_284 = arith.index_cast %swap3A_283 : i32 to index
          %swap3A_285 = arith.index_cast %scan3A_233 : i32 to index
          %swap3A_286 = arith.constant 32 : index
          %swap3A_287 = tpu.vector_load %arg9[%swap3A_284, %swap3A_285, %swap3A_286] {strides = array<i32>} : memref<3x64x128xf32, #tpu.memory_space<vmem>>, vector<16xf32>,
          tpu.vector_store %arg9[%swap3A_284, %swap3A_285, %swap3A_286], %max3A_282 {strides = array<i32>} : memref<3x64x128xf32, #tpu.memory_space<vmem>>, vector<16xf32>,
          %get3A_288 = arith.constant 0 : i32
          %get3A_289 = arith.index_cast %get3A_288 : i32 to index
          %get3A_290 = arith.index_cast %scan3A_233 : i32 to index
          %get3A_291 = arith.constant 48 : index
          %get3A_292 = tpu.vector_load %arg9[%get3A_289, %get3A_290, %get3A_291] {strides = array<i32>} : memref<3x64x128xf32, #tpu.memory_space<vmem>>, vector<16xf32>,
          %get3A_293 = arith.constant 0 : i32
          %get3A_294 = arith.index_cast %get3A_293 : i32 to index
          %get3A_295 = arith.index_cast %scan3A_233 : i32 to index
          %get3A_296 = arith.constant 48 : index
          %get3A_297 = tpu.vector_load %arg8[%get3A_294, %get3A_295, %get3A_296] {strides = array<i32>} : memref<3x64x128xf32, #tpu.memory_space<vmem>>, vector<16xf32>,
          %add3A_298 = arith.addf %get3A_292, %get3A_297 : vector<16xf32>
          %max3A_299 = arith.constant 0.000000e+00 : f32
          %max3A_300 = vector.broadcast %max3A_299 : f32 to vector<16xf32>
          %max3A_301 = arith.maximumf %add3A_298, %max3A_300 : vector<16xf32>
          %swap3A_302 = arith.constant 0 : i32
          %swap3A_303 = arith.index_cast %swap3A_302 : i32 to index
          %swap3A_304 = arith.index_cast %scan3A_233 : i32 to index
          %swap3A_305 = arith.constant 48 : index
          %swap3A_306 = tpu.vector_load %arg9[%swap3A_303, %swap3A_304, %swap3A_305] {strides = array<i32>} : memref<3x64x128xf32, #tpu.memory_space<vmem>>, vector<16xf32>,
          tpu.vector_store %arg9[%swap3A_303, %swap3A_304, %swap3A_305], %max3A_301 {strides = array<i32>} : memref<3x64x128xf32, #tpu.memory_space<vmem>>, vector<16xf32>,
          %get3A_307 = arith.constant 0 : i32
          %get3A_308 = arith.index_cast %get3A_307 : i32 to index
          %get3A_309 = arith.index_cast %scan3A_233 : i32 to index
          %get3A_310 = arith.constant 64 : index
          %get3A_311 = tpu.vector_load %arg9[%get3A_308, %get3A_309, %get3A_310] {strides = array<i32>} : memref<3x64x128xf32, #tpu.memory_space<vmem>>, vector<16xf32>,
          %get3A_312 = arith.constant 0 : i32
          %get3A_313 = arith.index_cast %get3A_312 : i32 to index
          %get3A_314 = arith.index_cast %scan3A_233 : i32 to index
          %get3A_315 = arith.constant 64 : index
          %get3A_316 = tpu.vector_load %arg8[%get3A_313, %get3A_314, %get3A_315] {strides = array<i32>} : memref<3x64x128xf32, #tpu.memory_space<vmem>>, vector<16xf32>,
          %add3A_317 = arith.addf %get3A_311, %get3A_316 : vector<16xf32>
          %max3A_318 = arith.constant 0.000000e+00 : f32
          %max3A_319 = vector.broadcast %max3A_318 : f32 to vector<16xf32>
          %max3A_320 = arith.maximumf %add3A_317, %max3A_319 : vector<16xf32>
          %swap3A_321 = arith.constant 0 : i32
          %swap3A_322 = arith.index_cast %swap3A_321 : i32 to index
          %swap3A_323 = arith.index_cast %scan3A_233 : i32 to index
          %swap3A_324 = arith.constant 64 : index
          %swap3A_325 = tpu.vector_load %arg9[%swap3A_322, %swap3A_323, %swap3A_324] {strides = array<i32>} : memref<3x64x128xf32, #tpu.memory_space<vmem>>, vector<16xf32>,
          tpu.vector_store %arg9[%swap3A_322, %swap3A_323, %swap3A_324], %max3A_320 {strides = array<i32>} : memref<3x64x128xf32, #tpu.memory_space<vmem>>, vector<16xf32>,
          %get3A_326 = arith.constant 0 : i32
          %get3A_327 = arith.index_cast %get3A_326 : i32 to index
          %get3A_328 = arith.index_cast %scan3A_233 : i32 to index
          %get3A_329 = arith.constant 80 : index
          %get3A_330 = tpu.vector_load %arg9[%get3A_327, %get3A_328, %get3A_329] {strides = array<i32>} : memref<3x64x128xf32, #tpu.memory_space<vmem>>, vector<16xf32>,
          %get3A_331 = arith.constant 0 : i32
          %get3A_332 = arith.index_cast %get3A_331 : i32 to index
          %get3A_333 = arith.index_cast %scan3A_233 : i32 to index
          %get3A_334 = arith.constant 80 : index
          %get3A_335 = tpu.vector_load %arg8[%get3A_332, %get3A_333, %get3A_334] {strides = array<i32>} : memref<3x64x128xf32, #tpu.memory_space<vmem>>, vector<16xf32>,
          %add3A_336 = arith.addf %get3A_330, %get3A_335 : vector<16xf32>
          %max3A_337 = arith.constant 0.000000e+00 : f32
          %max3A_338 = vector.broadcast %max3A_337 : f32 to vector<16xf32>
          %max3A_339 = arith.maximumf %add3A_336, %max3A_338 : vector<16xf32>
          %swap3A_340 = arith.constant 0 : i32
          %swap3A_341 = arith.index_cast %swap3A_340 : i32 to index
          %swap3A_342 = arith.index_cast %scan3A_233 : i32 to index
          %swap3A_343 = arith.constant 80 : index
          %swap3A_344 = tpu.vector_load %arg9[%swap3A_341, %swap3A_342, %swap3A_343] {strides = array<i32>} : memref<3x64x128xf32, #tpu.memory_space<vmem>>, vector<16xf32>,
          tpu.vector_store %arg9[%swap3A_341, %swap3A_342, %swap3A_343], %max3A_339 {strides = array<i32>} : memref<3x64x128xf32, #tpu.memory_space<vmem>>, vector<16xf32>,
          %get3A_345 = arith.constant 0 : i32
          %get3A_346 = arith.index_cast %get3A_345 : i32 to index
          %get3A_347 = arith.index_cast %scan3A_233 : i32 to index
          %get3A_348 = arith.constant 96 : index
          %get3A_349 = tpu.vector_load %arg9[%get3A_346, %get3A_347, %get3A_348] {strides = array<i32>} : memref<3x64x128xf32, #tpu.memory_space<vmem>>, vector<16xf32>,
          %get3A_350 = arith.constant 0 : i32
          %get3A_351 = arith.index_cast %get3A_350 : i32 to index
          %get3A_352 = arith.index_cast %scan3A_233 : i32 to index
          %get3A_353 = arith.constant 96 : index
          %get3A_354 = tpu.vector_load %arg8[%get3A_351, %get3A_352, %get3A_353] {strides = array<i32>} : memref<3x64x128xf32, #tpu.memory_space<vmem>>, vector<16xf32>,
          %add3A_355 = arith.addf %get3A_349, %get3A_354 : vector<16xf32>
          %max3A_356 = arith.constant 0.000000e+00 : f32
          %max3A_357 = vector.broadcast %max3A_356 : f32 to vector<16xf32>
          %max3A_358 = arith.maximumf %add3A_355, %max3A_357 : vector<16xf32>
          %swap3A_359 = arith.constant 0 : i32
          %swap3A_360 = arith.index_cast %swap3A_359 : i32 to index
          %swap3A_361 = arith.index_cast %scan3A_233 : i32 to index
          %swap3A_362 = arith.constant 96 : index
          %swap3A_363 = tpu.vector_load %arg9[%swap3A_360, %swap3A_361, %swap3A_362] {strides = array<i32>} : memref<3x64x128xf32, #tpu.memory_space<vmem>>, vector<16xf32>,
          tpu.vector_store %arg9[%swap3A_360, %swap3A_361, %swap3A_362], %max3A_358 {strides = array<i32>} : memref<3x64x128xf32, #tpu.memory_space<vmem>>, vector<16xf32>,
          %get3A_364 = arith.constant 0 : i32
          %get3A_365 = arith.index_cast %get3A_364 : i32 to index
          %get3A_366 = arith.index_cast %scan3A_233 : i32 to index
          %get3A_367 = arith.constant 112 : index
          %get3A_368 = tpu.vector_load %arg9[%get3A_365, %get3A_366, %get3A_367] {strides = array<i32>} : memref<3x64x128xf32, #tpu.memory_space<vmem>>, vector<16xf32>,
          %get3A_369 = arith.constant 0 : i32
          %get3A_370 = arith.index_cast %get3A_369 : i32 to index
          %get3A_371 = arith.index_cast %scan3A_233 : i32 to index
          %get3A_372 = arith.constant 112 : index
          %get3A_373 = tpu.vector_load %arg8[%get3A_370, %get3A_371, %get3A_372] {strides = array<i32>} : memref<3x64x128xf32, #tpu.memory_space<vmem>>, vector<16xf32>,
          %add3A_374 = arith.addf %get3A_368, %get3A_373 : vector<16xf32>
          %max3A_375 = arith.constant 0.000000e+00 : f32
          %max3A_376 = vector.broadcast %max3A_375 : f32 to vector<16xf32>
          %max3A_377 = arith.maximumf %add3A_374, %max3A_376 : vector<16xf32>
          %swap3A_378 = arith.constant 0 : i32
          %swap3A_379 = arith.index_cast %swap3A_378 : i32 to index
          %swap3A_380 = arith.index_cast %scan3A_233 : i32 to index
          %swap3A_381 = arith.constant 112 : index
          %swap3A_382 = tpu.vector_load %arg9[%swap3A_379, %swap3A_380, %swap3A_381] {strides = array<i32>} : memref<3x64x128xf32, #tpu.memory_space<vmem>>, vector<16xf32>,
          tpu.vector_store %arg9[%swap3A_379, %swap3A_380, %swap3A_381], %max3A_377 {strides = array<i32>} : memref<3x64x128xf32, #tpu.memory_space<vmem>>, vector<16xf32>,
        }
        %scan3A_221 = arith.constant 64 : i32
        %dma_start3A = arith.constant 0 : i32
        %dma_start3A_222 = arith.constant 0 : i32
        %dma_start3A_223 = arith.constant 0 : i32
        %dma_start3A_224 = arith.constant 0 : i32
        %dma_start3A_225 = tpu.memref_slice %arg9[%dma_start3A, %dma_start3A_223, %dma_start3A_224] : memref<3x64x128xf32, #tpu.memory_space<vmem>> -> memref<1x64x128xf32, #tpu.memory_space<vmem>>
        %dma_start3A_226 = tpu.memref_squeeze %dma_start3A_225 : memref<1x64x128xf32, #tpu.memory_space<vmem>> -> memref<64x128xf32, #tpu.memory_space<vmem>>
        %dma_start3A_227 = arith.constant 0 : i32
        %dma_start3A_228 = tpu.memref_slice %arg11[%dma_start3A_222, %dma_start3A_227] : memref<3x64xi32, #tpu.memory_space<vmem>> -> memref<1x64xi32, #tpu.memory_space<vmem>>
        %dma_start3A_229 = tpu.memref_squeeze %dma_start3A_228 : memref<1x64xi32, #tpu.memory_space<vmem>> -> memref<64xi32, #tpu.memory_space<vmem>>
        %dma_start3A_230 = arith.constant 0 : i32
        %dma_start3A_231 = arith.constant 0 : i32
        %dma_start3A_232 = tpu.memref_slice %arg12[%dma_start3A_230, %dma_start3A_231] : memref<10000x128xf32, #tpu.memory_space<vmem_shared>> -> memref<10000x128xf32, #tpu.memory_space<vmem_shared>>
        tpu.enqueue_indirect_dma source(%dma_start3A_226 : memref<64x128xf32, #tpu.memory_space<vmem>>) target(%dma_start3A_232 : memref<10000x128xf32, #tpu.memory_space<vmem_shared>>) offsets(%dma_start3A_229 : memref<64xi32, #tpu.memory_space<vmem>>) semaphore(%arg22 : memref<!tpu.dma_semaphore, #tpu.memory_space<semaphore_mem>>) {add = true}
      } else {
      }
    }
    %scan3A_13 = arith.constant 53 : i32
    %dma_wait3A = arith.constant 0 : i32
    %dma_wait3A_14 = arith.constant 0 : i32
    %dma_wait3A_15 = arith.constant 0 : i32
    %dma_wait3A_16 = arith.constant 0 : i32
    %dma_wait3A_17 = tpu.memref_slice %arg9[%dma_wait3A, %dma_wait3A_15, %dma_wait3A_16] : memref<3x64x128xf32, #tpu.memory_space<vmem>> -> memref<1x64x128xf32, #tpu.memory_space<vmem>>
    %dma_wait3A_18 = tpu.memref_squeeze %dma_wait3A_17 : memref<1x64x128xf32, #tpu.memory_space<vmem>> -> memref<64x128xf32, #tpu.memory_space<vmem>>
    %dma_wait3A_19 = arith.constant 0 : i32
    %dma_wait3A_20 = tpu.memref_slice %arg11[%dma_wait3A_14, %dma_wait3A_19] : memref<3x64xi32, #tpu.memory_space<vmem>> -> memref<1x64xi32, #tpu.memory_space<vmem>>
    %dma_wait3A_21 = tpu.memref_squeeze %dma_wait3A_20 : memref<1x64xi32, #tpu.memory_space<vmem>> -> memref<64xi32, #tpu.memory_space<vmem>>
    %dma_wait3A_22 = arith.constant 0 : i32
    %dma_wait3A_23 = arith.constant 0 : i32
    %dma_wait3A_24 = tpu.memref_slice %arg12[%dma_wait3A_22, %dma_wait3A_23] : memref<10000x128xf32, #tpu.memory_space<vmem_shared>> -> memref<10000x128xf32, #tpu.memory_space<vmem_shared>>
    tpu.wait_indirect_dma semaphore(%arg22 : memref<!tpu.dma_semaphore, #tpu.memory_space<semaphore_mem>>) src(%dma_wait3A_18 : memref<64x128xf32, #tpu.memory_space<vmem>>) dst(%dma_wait3A_24 : memref<10000x128xf32, #tpu.memory_space<vmem_shared>>)
    %dma_wait3A_25 = arith.constant 1 : i32
    %dma_wait3A_26 = arith.constant 1 : i32
    %dma_wait3A_27 = arith.constant 0 : i32
    %dma_wait3A_28 = arith.constant 0 : i32
    %dma_wait3A_29 = tpu.memref_slice %arg9[%dma_wait3A_25, %dma_wait3A_27, %dma_wait3A_28] : memref<3x64x128xf32, #tpu.memory_space<vmem>> -> memref<1x64x128xf32, #tpu.memory_space<vmem>>
    %dma_wait3A_30 = tpu.memref_squeeze %dma_wait3A_29 : memref<1x64x128xf32, #tpu.memory_space<vmem>> -> memref<64x128xf32, #tpu.memory_space<vmem>>
    %dma_wait3A_31 = arith.constant 0 : i32
    %dma_wait3A_32 = tpu.memref_slice %arg11[%dma_wait3A_26, %dma_wait3A_31] : memref<3x64xi32, #tpu.memory_space<vmem>> -> memref<1x64xi32, #tpu.memory_space<vmem>>
    %dma_wait3A_33 = tpu.memref_squeeze %dma_wait3A_32 : memref<1x64xi32, #tpu.memory_space<vmem>> -> memref<64xi32, #tpu.memory_space<vmem>>
    %dma_wait3A_34 = arith.constant 0 : i32
    %dma_wait3A_35 = arith.constant 0 : i32
    %dma_wait3A_36 = tpu.memref_slice %arg12[%dma_wait3A_34, %dma_wait3A_35] : memref<10000x128xf32, #tpu.memory_space<vmem_shared>> -> memref<10000x128xf32, #tpu.memory_space<vmem_shared>>
    tpu.wait_indirect_dma semaphore(%arg23 : memref<!tpu.dma_semaphore, #tpu.memory_space<semaphore_mem>>) src(%dma_wait3A_30 : memref<64x128xf32, #tpu.memory_space<vmem>>) dst(%dma_wait3A_36 : memref<10000x128xf32, #tpu.memory_space<vmem_shared>>)
    %dma_wait3A_37 = arith.constant 2 : i32
    %dma_wait3A_38 = arith.constant 2 : i32
    %dma_wait3A_39 = arith.constant 0 : i32
    %dma_wait3A_40 = arith.constant 0 : i32
    %dma_wait3A_41 = tpu.memref_slice %arg9[%dma_wait3A_37, %dma_wait3A_39, %dma_wait3A_40] : memref<3x64x128xf32, #tpu.memory_space<vmem>> -> memref<1x64x128xf32, #tpu.memory_space<vmem>>
    %dma_wait3A_42 = tpu.memref_squeeze %dma_wait3A_41 : memref<1x64x128xf32, #tpu.memory_space<vmem>> -> memref<64x128xf32, #tpu.memory_space<vmem>>
    %dma_wait3A_43 = arith.constant 0 : i32
    %dma_wait3A_44 = tpu.memref_slice %arg11[%dma_wait3A_38, %dma_wait3A_43] : memref<3x64xi32, #tpu.memory_space<vmem>> -> memref<1x64xi32, #tpu.memory_space<vmem>>
    %dma_wait3A_45 = tpu.memref_squeeze %dma_wait3A_44 : memref<1x64xi32, #tpu.memory_space<vmem>> -> memref<64xi32, #tpu.memory_space<vmem>>
    %dma_wait3A_46 = arith.constant 0 : i32
    %dma_wait3A_47 = arith.constant 0 : i32
    %dma_wait3A_48 = tpu.memref_slice %arg12[%dma_wait3A_46, %dma_wait3A_47] : memref<10000x128xf32, #tpu.memory_space<vmem_shared>> -> memref<10000x128xf32, #tpu.memory_space<vmem_shared>>
    tpu.wait_indirect_dma semaphore(%arg24 : memref<!tpu.dma_semaphore, #tpu.memory_space<semaphore_mem>>) src(%dma_wait3A_42 : memref<64x128xf32, #tpu.memory_space<vmem>>) dst(%dma_wait3A_48 : memref<10000x128xf32, #tpu.memory_space<vmem_shared>>)
    %barrier3A_49 = arith.constant 0 : index
    tpu.barrier barrier_id(%barrier3A_49)
    %scan3A_50 = arith.constant 0 : i32
    %scan3A_51 = arith.constant 0 : i32
    %scan3A_52 = arith.constant 10 : i32
    %scan3A_53 = arith.addi %scan3A_51, %scan3A_52 : i32
    %scan3A_54 = arith.constant 1 : i32
    scf.for %scan3A_61 = %scan3A_51 to %scan3A_53 step %scan3A_54  : i32 {
      %mul3A_62 = arith.constant 16 : i32
      %mul3A_63 = arith.muli %scan3A_61, %mul3A_62 : i32
      %add3A_64 = arith.addi %arg1, %mul3A_63 : i32
      %lt3A = arith.constant 156 : i32
      %lt3A_65 = arith.cmpi slt, %add3A_64, %lt3A : i32
      %convert_element_type3A_66 = arith.extui %lt3A_65 : i1 to i32
      %cond3A_67 = arith.constant 0 : i32
      %cond3A_68 = arith.cmpi ne, %convert_element_type3A_66, %cond3A_67 : i32
      scf.if %cond3A_68 {
        %mul3A_69 = arith.constant 64 : i32
        %mul3A_70 = arith.muli %add3A_64, %mul3A_69 : i32
        %mul3A_71 = arith.constant 10000 : i32
        %mul3A_72 = arith.muli %arg0, %mul3A_71 : i32
        %mul3A_73 = arith.constant 64 : i32
        %mul3A_74 = arith.muli %add3A_64, %mul3A_73 : i32
        %add3A_75 = arith.addi %mul3A_72, %mul3A_74 : i32
        "tpu.region"() ({
          %run_scoped3A_76 = tpu.sem_alloc : memref<!tpu.dma_semaphore, #tpu.memory_space<semaphore_mem>>
          %dma_start3A = arith.constant 0 : i32
          %dma_start3A_77 = tpu.memref_slice %arg7[%add3A_75, %dma_start3A] : memref<20000x128xf32, #tpu.memory_space<hbm>> -> memref<64x128xf32, #tpu.memory_space<hbm>>
          %dma_start3A_78 = arith.constant 0 : i32
          %dma_start3A_79 = tpu.memref_slice %arg12[%mul3A_70, %dma_start3A_78] : memref<10000x128xf32, #tpu.memory_space<vmem_shared>> -> memref<64x128xf32, #tpu.memory_space<vmem_shared>>
          tpu.enqueue_dma source(%dma_start3A_79 : memref<64x128xf32, #tpu.memory_space<vmem_shared>>) target(%dma_start3A_77 : memref<64x128xf32, #tpu.memory_space<hbm>>) target_semaphore(%run_scoped3A_76 : memref<!tpu.dma_semaphore, #tpu.memory_space<semaphore_mem>>)
          %dma_wait3A_80 = arith.constant 0 : i32
          %dma_wait3A_81 = tpu.memref_slice %arg7[%add3A_75, %dma_wait3A_80] : memref<20000x128xf32, #tpu.memory_space<hbm>> -> memref<64x128xf32, #tpu.memory_space<hbm>>
          %dma_wait3A_82 = arith.constant 0 : i32
          %dma_wait3A_83 = tpu.memref_slice %arg12[%mul3A_70, %dma_wait3A_82] : memref<10000x128xf32, #tpu.memory_space<vmem_shared>> -> memref<64x128xf32, #tpu.memory_space<vmem_shared>>
          tpu.wait_dma2 semaphore(%run_scoped3A_76 : memref<!tpu.dma_semaphore, #tpu.memory_space<semaphore_mem>>) src(%dma_wait3A_83 : memref<64x128xf32, #tpu.memory_space<vmem_shared>>) dst(%dma_wait3A_81 : memref<64x128xf32, #tpu.memory_space<hbm>>)
          tpu.yield
        }) : () -> ()
      } else {
      }
    }
    %scan3A_55 = arith.constant 10 : i32
    %eq3A_56 = arith.constant 15 : i32
    %eq3A_57 = arith.cmpi eq, %arg1, %eq3A_56 : i32
    %convert_element_type3A_58 = arith.extui %eq3A_57 : i1 to i32
    %cond3A_59 = arith.constant 0 : i32
    %cond3A_60 = arith.cmpi ne, %convert_element_type3A_58, %cond3A_59 : i32
    scf.if %cond3A_60 {
      %mul3A_61 = arith.constant 10000 : i32
      %mul3A_62 = arith.muli %arg0, %mul3A_61 : i32
      %add3A_63 = arith.constant 9984 : i32
      %add3A_64 = arith.addi %mul3A_62, %add3A_63 : i32
      "tpu.region"() ({
        %run_scoped3A_65 = tpu.sem_alloc : memref<!tpu.dma_semaphore, #tpu.memory_space<semaphore_mem>>
        %dma_start3A = arith.constant 0 : i32
        %dma_start3A_66 = tpu.memref_slice %arg7[%add3A_64, %dma_start3A] : memref<20000x128xf32, #tpu.memory_space<hbm>> -> memref<16x128xf32, #tpu.memory_space<hbm>>
        %dma_start3A_67 = arith.constant 9984 : i32
        %dma_start3A_68 = arith.constant 0 : i32
        %dma_start3A_69 = tpu.memref_slice %arg12[%dma_start3A_67, %dma_start3A_68] : memref<10000x128xf32, #tpu.memory_space<vmem_shared>> -> memref<16x128xf32, #tpu.memory_space<vmem_shared>>
        tpu.enqueue_dma source(%dma_start3A_69 : memref<16x128xf32, #tpu.memory_space<vmem_shared>>) target(%dma_start3A_66 : memref<16x128xf32, #tpu.memory_space<hbm>>) target_semaphore(%run_scoped3A_65 : memref<!tpu.dma_semaphore, #tpu.memory_space<semaphore_mem>>)
        %dma_wait3A_70 = arith.constant 0 : i32
        %dma_wait3A_71 = tpu.memref_slice %arg7[%add3A_64, %dma_wait3A_70] : memref<20000x128xf32, #tpu.memory_space<hbm>> -> memref<16x128xf32, #tpu.memory_space<hbm>>
        %dma_wait3A_72 = arith.constant 9984 : i32
        %dma_wait3A_73 = arith.constant 0 : i32
        %dma_wait3A_74 = tpu.memref_slice %arg12[%dma_wait3A_72, %dma_wait3A_73] : memref<10000x128xf32, #tpu.memory_space<vmem_shared>> -> memref<16x128xf32, #tpu.memory_space<vmem_shared>>
        tpu.wait_dma2 semaphore(%run_scoped3A_65 : memref<!tpu.dma_semaphore, #tpu.memory_space<semaphore_mem>>) src(%dma_wait3A_74 : memref<16x128xf32, #tpu.memory_space<vmem_shared>>) dst(%dma_wait3A_71 : memref<16x128xf32, #tpu.memory_space<hbm>>)
        tpu.yield
      }) : () -> ()
    } else {
    }
    return
  }
}

#map = affine_map<(d0, d1) -> (0, 0)>
#map1 = affine_map<(d0, d1) -> (0)>
module attributes {stable_mosaic.version = 14 : i64} {
  func.func @stage_b(%arg0: i32, %arg1: i32, %arg2: memref<10000x128xf32, #tpu.memory_space<hbm>>, %arg3: memref<10000x128xf32, #tpu.memory_space<hbm>>, %arg4: memref<200000xi32, #tpu.memory_space<hbm>>, %arg5: memref<200000xi32, #tpu.memory_space<hbm>>, %arg6: memref<200000x128xf32, #tpu.memory_space<hbm>>, %arg7: memref<144xf32, #tpu.memory_space<hbm>>, %arg8: memref<200000xf32, #tpu.memory_space<hbm>>, %arg9: memref<3x96x128xf32, #tpu.memory_space<vmem>>, %arg10: memref<3x96x128xf32, #tpu.memory_space<vmem>>, %arg11: memref<3x96x128xf32, #tpu.memory_space<vmem>>, %arg12: memref<3x96xi32, #tpu.memory_space<vmem>>, %arg13: memref<3x96xi32, #tpu.memory_space<vmem>>, %arg14: memref<3x96xf32, #tpu.memory_space<vmem>>, %arg15: memref<144xf32, #tpu.memory_space<vmem>>, %arg16: memref<!tpu.dma_semaphore, #tpu.memory_space<semaphore_mem>>, %arg17: memref<!tpu.dma_semaphore, #tpu.memory_space<semaphore_mem>>, %arg18: memref<!tpu.dma_semaphore, #tpu.memory_space<semaphore_mem>>, %arg19: memref<!tpu.dma_semaphore, #tpu.memory_space<semaphore_mem>>, %arg20: memref<!tpu.dma_semaphore, #tpu.memory_space<semaphore_mem>>, %arg21: memref<!tpu.dma_semaphore, #tpu.memory_space<semaphore_mem>>, %arg22: memref<!tpu.dma_semaphore, #tpu.memory_space<semaphore_mem>>, %arg23: memref<!tpu.dma_semaphore, #tpu.memory_space<semaphore_mem>>, %arg24: memref<!tpu.dma_semaphore, #tpu.memory_space<semaphore_mem>>, %arg25: memref<!tpu.dma_semaphore, #tpu.memory_space<semaphore_mem>>, %arg26: memref<!tpu.dma_semaphore, #tpu.memory_space<semaphore_mem>>, %arg27: memref<!tpu.dma_semaphore, #tpu.memory_space<semaphore_mem>>, %arg28: memref<!tpu.dma_semaphore, #tpu.memory_space<semaphore_mem>>, %arg29: memref<!tpu.dma_semaphore, #tpu.memory_space<semaphore_mem>>, %arg30: memref<!tpu.dma_semaphore, #tpu.memory_space<semaphore_mem>>) attributes {dimension_semantics = [#tpu.dimension_semantics<core_parallel>, #tpu.dimension_semantics<subcore_parallel>], iteration_bounds = array<i64: 2, 16>, scalar_prefetch = 0 : i64, scratch_operands = 22 : i64, tpu.core_type = #tpu.core_type<sc_vector_subcore>, window_params = [{transform_indices = #map}, {transform_indices = #map}, {transform_indices = #map1}, {transform_indices = #map1}, {transform_indices = #map}, {transform_indices = #map1}, {transform_indices = #map1}]} {
    %mul3A = arith.constant 2 : i32
    %mul3A_0 = arith.muli %arg1, %mul3A : i32
    %add3A = arith.addi %mul3A_0, %arg0 : i32
    "tpu.region"() ({
      %run_scoped3A = tpu.sem_alloc : memref<!tpu.dma_semaphore, #tpu.memory_space<semaphore_mem>>
      tpu.enqueue_dma source(%arg7 : memref<144xf32, #tpu.memory_space<hbm>>) target(%arg15 : memref<144xf32, #tpu.memory_space<vmem>>) target_semaphore(%run_scoped3A : memref<!tpu.dma_semaphore, #tpu.memory_space<semaphore_mem>>)
      tpu.wait_dma2 semaphore(%run_scoped3A : memref<!tpu.dma_semaphore, #tpu.memory_space<semaphore_mem>>) src(%arg7 : memref<144xf32, #tpu.memory_space<hbm>>) dst(%arg15 : memref<144xf32, #tpu.memory_space<vmem>>)
      tpu.yield
    }) : () -> ()
    %get3A = arith.constant 0 : index
    %get3A_1 = tpu.vector_load %arg15[%get3A] {strides = array<i32>} : memref<144xf32, #tpu.memory_space<vmem>>, vector<16xf32>,
    %get3A_2 = arith.constant 16 : index
    %get3A_3 = tpu.vector_load %arg15[%get3A_2] {strides = array<i32>} : memref<144xf32, #tpu.memory_space<vmem>>, vector<16xf32>,
    %get3A_4 = arith.constant 32 : index
    %get3A_5 = tpu.vector_load %arg15[%get3A_4] {strides = array<i32>} : memref<144xf32, #tpu.memory_space<vmem>>, vector<16xf32>,
    %get3A_6 = arith.constant 48 : index
    %get3A_7 = tpu.vector_load %arg15[%get3A_6] {strides = array<i32>} : memref<144xf32, #tpu.memory_space<vmem>>, vector<16xf32>,
    %get3A_8 = arith.constant 64 : index
    %get3A_9 = tpu.vector_load %arg15[%get3A_8] {strides = array<i32>} : memref<144xf32, #tpu.memory_space<vmem>>, vector<16xf32>,
    %get3A_10 = arith.constant 80 : index
    %get3A_11 = tpu.vector_load %arg15[%get3A_10] {strides = array<i32>} : memref<144xf32, #tpu.memory_space<vmem>>, vector<16xf32>,
    %get3A_12 = arith.constant 96 : index
    %get3A_13 = tpu.vector_load %arg15[%get3A_12] {strides = array<i32>} : memref<144xf32, #tpu.memory_space<vmem>>, vector<16xf32>,
    %get3A_14 = arith.constant 112 : index
    %get3A_15 = tpu.vector_load %arg15[%get3A_14] {strides = array<i32>} : memref<144xf32, #tpu.memory_space<vmem>>, vector<16xf32>,
    %get3A_16 = arith.constant 128 : index
    %get3A_17 = tpu.vector_load %arg15[%get3A_16] {strides = array<i32>} : memref<144xf32, #tpu.memory_space<vmem>>, vector<16xf32>,
    %iota3A = tpu.iota {dimensions = array<i32: 0>} : vector<16xi32>
    %broadcast_in_dim3A = arith.constant 0.000000e+00 : f32
    %broadcast_in_dim3A_18 = vector.broadcast %broadcast_in_dim3A : f32 to vector<16xf32>
    %scan3A = arith.constant 0 : i32
    %scan3A_19 = arith.constant 0 : i32
    %scan3A_20 = arith.constant 23 : i32
    %scan3A_21 = arith.addi %scan3A_19, %scan3A_20 : i32
    %scan3A_22 = arith.constant 1 : i32
    scf.for %scan3A_55 = %scan3A_19 to %scan3A_21 step %scan3A_22  : i32 {
      %mul3A_56 = arith.constant 3 : i32
      %mul3A_57 = arith.muli %scan3A_55, %mul3A_56 : i32
      %add3A_58 = arith.constant 0 : i32
      %add3A_59 = arith.addi %mul3A_57, %add3A_58 : i32
      %sub3A = arith.constant 1 : i32
      %sub3A_60 = arith.subi %add3A_59, %sub3A : i32
      %ge3A = arith.constant 0 : i32
      %ge3A_61 = arith.cmpi sge, %sub3A_60, %ge3A : i32
      %mul3A_62 = arith.constant 32 : i32
      %mul3A_63 = arith.muli %sub3A_60, %mul3A_62 : i32
      %add3A_64 = arith.addi %mul3A_63, %add3A : i32
      %lt3A = arith.constant 2083 : i32
      %lt3A_65 = arith.cmpi slt, %add3A_64, %lt3A : i32
      %and3A = arith.andi %ge3A_61, %lt3A_65 : i1
      %eq3A_66 = arith.constant 2083 : i32
      %eq3A_67 = arith.cmpi eq, %add3A_64, %eq3A_66 : i32
      %and3A_68 = arith.andi %ge3A_61, %eq3A_67 : i1
      %convert_element_type3A_69 = arith.extui %and3A : i1 to i32
      %cond3A_70 = arith.constant 0 : i32
      %cond3A_71 = arith.cmpi ne, %convert_element_type3A_69, %cond3A_70 : i32
      scf.if %cond3A_71 {
        %mul3A_291 = arith.constant 32 : i32
        %mul3A_292 = arith.muli %sub3A_60, %mul3A_291 : i32
        %add3A_293 = arith.addi %mul3A_292, %add3A : i32
        %mul3A_294 = arith.constant 96 : i32
        %mul3A_295 = arith.muli %add3A_293, %mul3A_294 : i32
        %dma_wait3A_296 = arith.constant 2 : i32
        %dma_wait3A_297 = arith.constant 0 : i32
        %dma_wait3A_298 = tpu.memref_slice %arg12[%dma_wait3A_296, %dma_wait3A_297] : memref<3x96xi32, #tpu.memory_space<vmem>> -> memref<1x96xi32, #tpu.memory_space<vmem>>
        %dma_wait3A_299 = tpu.memref_squeeze %dma_wait3A_298 : memref<1x96xi32, #tpu.memory_space<vmem>> -> memref<96xi32, #tpu.memory_space<vmem>>
        %dma_wait3A_300 = tpu.memref_slice %arg4[%mul3A_295] : memref<200000xi32, #tpu.memory_space<hbm>> -> memref<96xi32, #tpu.memory_space<hbm>>
        %dma_wait3A_301 = arith.constant 0 : i32
        %dma_wait3A_302 = tpu.memref_slice %arg12[%dma_wait3A_296, %dma_wait3A_301] : memref<3x96xi32, #tpu.memory_space<vmem>> -> memref<1x96xi32, #tpu.memory_space<vmem>>
        %dma_wait3A_303 = tpu.memref_squeeze %dma_wait3A_302 : memref<1x96xi32, #tpu.memory_space<vmem>> -> memref<96xi32, #tpu.memory_space<vmem>>
        %dma_wait3A_304 = tpu.memref_slice %arg4[%mul3A_295] : memref<200000xi32, #tpu.memory_space<hbm>> -> memref<96xi32, #tpu.memory_space<hbm>>
        tpu.wait_dma2 semaphore(%arg18 : memref<!tpu.dma_semaphore, #tpu.memory_space<semaphore_mem>>) src(%dma_wait3A_304 : memref<96xi32, #tpu.memory_space<hbm>>) dst(%dma_wait3A_303 : memref<96xi32, #tpu.memory_space<vmem>>)
        %mul3A_305 = arith.constant 32 : i32
        %mul3A_306 = arith.muli %sub3A_60, %mul3A_305 : i32
        %add3A_307 = arith.addi %mul3A_306, %add3A : i32
        %mul3A_308 = arith.constant 96 : i32
        %mul3A_309 = arith.muli %add3A_307, %mul3A_308 : i32
        %dma_wait3A_310 = arith.constant 2 : i32
        %dma_wait3A_311 = arith.constant 0 : i32
        %dma_wait3A_312 = tpu.memref_slice %arg13[%dma_wait3A_310, %dma_wait3A_311] : memref<3x96xi32, #tpu.memory_space<vmem>> -> memref<1x96xi32, #tpu.memory_space<vmem>>
        %dma_wait3A_313 = tpu.memref_squeeze %dma_wait3A_312 : memref<1x96xi32, #tpu.memory_space<vmem>> -> memref<96xi32, #tpu.memory_space<vmem>>
        %dma_wait3A_314 = tpu.memref_slice %arg5[%mul3A_309] : memref<200000xi32, #tpu.memory_space<hbm>> -> memref<96xi32, #tpu.memory_space<hbm>>
        %dma_wait3A_315 = arith.constant 0 : i32
        %dma_wait3A_316 = tpu.memref_slice %arg13[%dma_wait3A_310, %dma_wait3A_315] : memref<3x96xi32, #tpu.memory_space<vmem>> -> memref<1x96xi32, #tpu.memory_space<vmem>>
        %dma_wait3A_317 = tpu.memref_squeeze %dma_wait3A_316 : memref<1x96xi32, #tpu.memory_space<vmem>> -> memref<96xi32, #tpu.memory_space<vmem>>
        %dma_wait3A_318 = tpu.memref_slice %arg5[%mul3A_309] : memref<200000xi32, #tpu.memory_space<hbm>> -> memref<96xi32, #tpu.memory_space<hbm>>
        tpu.wait_dma2 semaphore(%arg18 : memref<!tpu.dma_semaphore, #tpu.memory_space<semaphore_mem>>) src(%dma_wait3A_318 : memref<96xi32, #tpu.memory_space<hbm>>) dst(%dma_wait3A_317 : memref<96xi32, #tpu.memory_space<vmem>>)
        %dma_start3A = arith.constant 2 : i32
        %dma_start3A_319 = arith.constant 2 : i32
        %dma_start3A_320 = arith.constant 0 : i32
        %dma_start3A_321 = arith.constant 0 : i32
        %dma_start3A_322 = tpu.memref_slice %arg9[%dma_start3A_319, %dma_start3A_320, %dma_start3A_321] : memref<3x96x128xf32, #tpu.memory_space<vmem>> -> memref<1x96x128xf32, #tpu.memory_space<vmem>>
        %dma_start3A_323 = tpu.memref_squeeze %dma_start3A_322 : memref<1x96x128xf32, #tpu.memory_space<vmem>> -> memref<96x128xf32, #tpu.memory_space<vmem>>
        %dma_start3A_324 = arith.constant 0 : i32
        %dma_start3A_325 = tpu.memref_slice %arg12[%dma_start3A, %dma_start3A_324] : memref<3x96xi32, #tpu.memory_space<vmem>> -> memref<1x96xi32, #tpu.memory_space<vmem>>
        %dma_start3A_326 = tpu.memref_squeeze %dma_start3A_325 : memref<1x96xi32, #tpu.memory_space<vmem>> -> memref<96xi32, #tpu.memory_space<vmem>>
        %dma_start3A_327 = arith.constant 0 : i32
        %dma_start3A_328 = arith.constant 0 : i32
        %dma_start3A_329 = tpu.memref_slice %arg2[%dma_start3A_327, %dma_start3A_328] : memref<10000x128xf32, #tpu.memory_space<hbm>> -> memref<10000x128xf32, #tpu.memory_space<hbm>>
        tpu.enqueue_indirect_dma source(%dma_start3A_329 : memref<10000x128xf32, #tpu.memory_space<hbm>>) target(%dma_start3A_323 : memref<96x128xf32, #tpu.memory_space<vmem>>) offsets(%dma_start3A_326 : memref<96xi32, #tpu.memory_space<vmem>>) semaphore(%arg24 : memref<!tpu.dma_semaphore, #tpu.memory_space<semaphore_mem>>)
        %dma_start3A_330 = arith.constant 2 : i32
        %dma_start3A_331 = arith.constant 2 : i32
        %dma_start3A_332 = arith.constant 0 : i32
        %dma_start3A_333 = arith.constant 0 : i32
        %dma_start3A_334 = tpu.memref_slice %arg10[%dma_start3A_331, %dma_start3A_332, %dma_start3A_333] : memref<3x96x128xf32, #tpu.memory_space<vmem>> -> memref<1x96x128xf32, #tpu.memory_space<vmem>>
        %dma_start3A_335 = tpu.memref_squeeze %dma_start3A_334 : memref<1x96x128xf32, #tpu.memory_space<vmem>> -> memref<96x128xf32, #tpu.memory_space<vmem>>
        %dma_start3A_336 = arith.constant 0 : i32
        %dma_start3A_337 = tpu.memref_slice %arg13[%dma_start3A_330, %dma_start3A_336] : memref<3x96xi32, #tpu.memory_space<vmem>> -> memref<1x96xi32, #tpu.memory_space<vmem>>
        %dma_start3A_338 = tpu.memref_squeeze %dma_start3A_337 : memref<1x96xi32, #tpu.memory_space<vmem>> -> memref<96xi32, #tpu.memory_space<vmem>>
        %dma_start3A_339 = arith.constant 0 : i32
        %dma_start3A_340 = arith.constant 0 : i32
        %dma_start3A_341 = tpu.memref_slice %arg3[%dma_start3A_339, %dma_start3A_340] : memref<10000x128xf32, #tpu.memory_space<hbm>> -> memref<10000x128xf32, #tpu.memory_space<hbm>>
        tpu.enqueue_indirect_dma source(%dma_start3A_341 : memref<10000x128xf32, #tpu.memory_space<hbm>>) target(%dma_start3A_335 : memref<96x128xf32, #tpu.memory_space<vmem>>) offsets(%dma_start3A_338 : memref<96xi32, #tpu.memory_space<vmem>>) semaphore(%arg27 : memref<!tpu.dma_semaphore, #tpu.memory_space<semaphore_mem>>)
      } else {
      }
      %convert_element_type3A_72 = arith.extui %and3A_68 : i1 to i32
      %cond3A_73 = arith.constant 0 : i32
      %cond3A_74 = arith.cmpi ne, %convert_element_type3A_72, %cond3A_73 : i32
      scf.if %cond3A_74 {
        %mul3A_291 = arith.constant 32 : i32
        %mul3A_292 = arith.muli %sub3A_60, %mul3A_291 : i32
        %add3A_293 = arith.addi %mul3A_292, %add3A : i32
        %mul3A_294 = arith.constant 96 : i32
        %mul3A_295 = arith.muli %add3A_293, %mul3A_294 : i32
        %dma_wait3A_296 = arith.constant 2 : i32
        %dma_wait3A_297 = arith.constant 0 : i32
        %dma_wait3A_298 = tpu.memref_slice %arg12[%dma_wait3A_296, %dma_wait3A_297] : memref<3x96xi32, #tpu.memory_space<vmem>> -> memref<1x32xi32, #tpu.memory_space<vmem>>
        %dma_wait3A_299 = tpu.memref_squeeze %dma_wait3A_298 : memref<1x32xi32, #tpu.memory_space<vmem>> -> memref<32xi32, #tpu.memory_space<vmem>>
        %dma_wait3A_300 = tpu.memref_slice %arg4[%mul3A_295] : memref<200000xi32, #tpu.memory_space<hbm>> -> memref<32xi32, #tpu.memory_space<hbm>>
        %dma_wait3A_301 = arith.constant 0 : i32
        %dma_wait3A_302 = tpu.memref_slice %arg12[%dma_wait3A_296, %dma_wait3A_301] : memref<3x96xi32, #tpu.memory_space<vmem>> -> memref<1x32xi32, #tpu.memory_space<vmem>>
        %dma_wait3A_303 = tpu.memref_squeeze %dma_wait3A_302 : memref<1x32xi32, #tpu.memory_space<vmem>> -> memref<32xi32, #tpu.memory_space<vmem>>
        %dma_wait3A_304 = tpu.memref_slice %arg4[%mul3A_295] : memref<200000xi32, #tpu.memory_space<hbm>> -> memref<32xi32, #tpu.memory_space<hbm>>
        tpu.wait_dma2 semaphore(%arg18 : memref<!tpu.dma_semaphore, #tpu.memory_space<semaphore_mem>>) src(%dma_wait3A_304 : memref<32xi32, #tpu.memory_space<hbm>>) dst(%dma_wait3A_303 : memref<32xi32, #tpu.memory_space<vmem>>)
        %mul3A_305 = arith.constant 32 : i32
        %mul3A_306 = arith.muli %sub3A_60, %mul3A_305 : i32
        %add3A_307 = arith.addi %mul3A_306, %add3A : i32
        %mul3A_308 = arith.constant 96 : i32
        %mul3A_309 = arith.muli %add3A_307, %mul3A_308 : i32
        %dma_wait3A_310 = arith.constant 2 : i32
        %dma_wait3A_311 = arith.constant 0 : i32
        %dma_wait3A_312 = tpu.memref_slice %arg13[%dma_wait3A_310, %dma_wait3A_311] : memref<3x96xi32, #tpu.memory_space<vmem>> -> memref<1x32xi32, #tpu.memory_space<vmem>>
        %dma_wait3A_313 = tpu.memref_squeeze %dma_wait3A_312 : memref<1x32xi32, #tpu.memory_space<vmem>> -> memref<32xi32, #tpu.memory_space<vmem>>
        %dma_wait3A_314 = tpu.memref_slice %arg5[%mul3A_309] : memref<200000xi32, #tpu.memory_space<hbm>> -> memref<32xi32, #tpu.memory_space<hbm>>
        %dma_wait3A_315 = arith.constant 0 : i32
        %dma_wait3A_316 = tpu.memref_slice %arg13[%dma_wait3A_310, %dma_wait3A_315] : memref<3x96xi32, #tpu.memory_space<vmem>> -> memref<1x32xi32, #tpu.memory_space<vmem>>
        %dma_wait3A_317 = tpu.memref_squeeze %dma_wait3A_316 : memref<1x32xi32, #tpu.memory_space<vmem>> -> memref<32xi32, #tpu.memory_space<vmem>>
        %dma_wait3A_318 = tpu.memref_slice %arg5[%mul3A_309] : memref<200000xi32, #tpu.memory_space<hbm>> -> memref<32xi32, #tpu.memory_space<hbm>>
        tpu.wait_dma2 semaphore(%arg18 : memref<!tpu.dma_semaphore, #tpu.memory_space<semaphore_mem>>) src(%dma_wait3A_318 : memref<32xi32, #tpu.memory_space<hbm>>) dst(%dma_wait3A_317 : memref<32xi32, #tpu.memory_space<vmem>>)
        %dma_start3A = arith.constant 2 : i32
        %dma_start3A_319 = arith.constant 2 : i32
        %dma_start3A_320 = arith.constant 0 : i32
        %dma_start3A_321 = arith.constant 0 : i32
        %dma_start3A_322 = tpu.memref_slice %arg9[%dma_start3A_319, %dma_start3A_320, %dma_start3A_321] : memref<3x96x128xf32, #tpu.memory_space<vmem>> -> memref<1x32x128xf32, #tpu.memory_space<vmem>>
        %dma_start3A_323 = tpu.memref_squeeze %dma_start3A_322 : memref<1x32x128xf32, #tpu.memory_space<vmem>> -> memref<32x128xf32, #tpu.memory_space<vmem>>
        %dma_start3A_324 = arith.constant 0 : i32
        %dma_start3A_325 = tpu.memref_slice %arg12[%dma_start3A, %dma_start3A_324] : memref<3x96xi32, #tpu.memory_space<vmem>> -> memref<1x32xi32, #tpu.memory_space<vmem>>
        %dma_start3A_326 = tpu.memref_squeeze %dma_start3A_325 : memref<1x32xi32, #tpu.memory_space<vmem>> -> memref<32xi32, #tpu.memory_space<vmem>>
        %dma_start3A_327 = arith.constant 0 : i32
        %dma_start3A_328 = arith.constant 0 : i32
        %dma_start3A_329 = tpu.memref_slice %arg2[%dma_start3A_327, %dma_start3A_328] : memref<10000x128xf32, #tpu.memory_space<hbm>> -> memref<10000x128xf32, #tpu.memory_space<hbm>>
        tpu.enqueue_indirect_dma source(%dma_start3A_329 : memref<10000x128xf32, #tpu.memory_space<hbm>>) target(%dma_start3A_323 : memref<32x128xf32, #tpu.memory_space<vmem>>) offsets(%dma_start3A_326 : memref<32xi32, #tpu.memory_space<vmem>>) semaphore(%arg24 : memref<!tpu.dma_semaphore, #tpu.memory_space<semaphore_mem>>)
        %dma_start3A_330 = arith.constant 2 : i32
        %dma_start3A_331 = arith.constant 2 : i32
        %dma_start3A_332 = arith.constant 0 : i32
        %dma_start3A_333 = arith.constant 0 : i32
        %dma_start3A_334 = tpu.memref_slice %arg10[%dma_start3A_331, %dma_start3A_332, %dma_start3A_333] : memref<3x96x128xf32, #tpu.memory_space<vmem>> -> memref<1x32x128xf32, #tpu.memory_space<vmem>>
        %dma_start3A_335 = tpu.memref_squeeze %dma_start3A_334 : memref<1x32x128xf32, #tpu.memory_space<vmem>> -> memref<32x128xf32, #tpu.memory_space<vmem>>
        %dma_start3A_336 = arith.constant 0 : i32
        %dma_start3A_337 = tpu.memref_slice %arg13[%dma_start3A_330, %dma_start3A_336] : memref<3x96xi32, #tpu.memory_space<vmem>> -> memref<1x32xi32, #tpu.memory_space<vmem>>
        %dma_start3A_338 = tpu.memref_squeeze %dma_start3A_337 : memref<1x32xi32, #tpu.memory_space<vmem>> -> memref<32xi32, #tpu.memory_space<vmem>>
        %dma_start3A_339 = arith.constant 0 : i32
        %dma_start3A_340 = arith.constant 0 : i32
        %dma_start3A_341 = tpu.memref_slice %arg3[%dma_start3A_339, %dma_start3A_340] : memref<10000x128xf32, #tpu.memory_space<hbm>> -> memref<10000x128xf32, #tpu.memory_space<hbm>>
        tpu.enqueue_indirect_dma source(%dma_start3A_341 : memref<10000x128xf32, #tpu.memory_space<hbm>>) target(%dma_start3A_335 : memref<32x128xf32, #tpu.memory_space<vmem>>) offsets(%dma_start3A_338 : memref<32xi32, #tpu.memory_space<vmem>>) semaphore(%arg27 : memref<!tpu.dma_semaphore, #tpu.memory_space<semaphore_mem>>)
      } else {
      }
      %mul3A_75 = arith.constant 32 : i32
      %mul3A_76 = arith.muli %add3A_59, %mul3A_75 : i32
      %add3A_77 = arith.addi %mul3A_76, %add3A : i32
      %ge3A_78 = arith.constant 3 : i32
      %ge3A_79 = arith.cmpi sge, %add3A_59, %ge3A_78 : i32
      %lt3A_80 = arith.constant 2084 : i32
      %lt3A_81 = arith.cmpi slt, %add3A_77, %lt3A_80 : i32
      %and3A_82 = arith.andi %ge3A_79, %lt3A_81 : i1
      %convert_element_type3A_83 = arith.extui %and3A_82 : i1 to i32
      %cond3A_84 = arith.constant 0 : i32
      %cond3A_85 = arith.cmpi ne, %convert_element_type3A_83, %cond3A_84 : i32
      scf.if %cond3A_85 {
        %sub3A_291 = arith.constant 3 : i32
        %sub3A_292 = arith.subi %add3A_59, %sub3A_291 : i32
        %mul3A_293 = arith.constant 32 : i32
        %mul3A_294 = arith.muli %sub3A_292, %mul3A_293 : i32
        %add3A_295 = arith.addi %mul3A_294, %add3A : i32
        %mul3A_296 = arith.constant 96 : i32
        %mul3A_297 = arith.muli %add3A_295, %mul3A_296 : i32
        %dma_wait3A_298 = arith.constant 0 : i32
        %dma_wait3A_299 = arith.constant 0 : i32
        %dma_wait3A_300 = tpu.memref_slice %arg14[%dma_wait3A_298, %dma_wait3A_299] : memref<3x96xf32, #tpu.memory_space<vmem>> -> memref<1x96xf32, #tpu.memory_space<vmem>>
        %dma_wait3A_301 = tpu.memref_squeeze %dma_wait3A_300 : memref<1x96xf32, #tpu.memory_space<vmem>> -> memref<96xf32, #tpu.memory_space<vmem>>
        %dma_wait3A_302 = tpu.memref_slice %arg8[%mul3A_297] : memref<200000xf32, #tpu.memory_space<hbm>> -> memref<96xf32, #tpu.memory_space<hbm>>
        %dma_wait3A_303 = tpu.memref_slice %arg8[%mul3A_297] : memref<200000xf32, #tpu.memory_space<hbm>> -> memref<96xf32, #tpu.memory_space<hbm>>
        %dma_wait3A_304 = arith.constant 0 : i32
        %dma_wait3A_305 = tpu.memref_slice %arg14[%dma_wait3A_298, %dma_wait3A_304] : memref<3x96xf32, #tpu.memory_space<vmem>> -> memref<1x96xf32, #tpu.memory_space<vmem>>
        %dma_wait3A_306 = tpu.memref_squeeze %dma_wait3A_305 : memref<1x96xf32, #tpu.memory_space<vmem>> -> memref<96xf32, #tpu.memory_space<vmem>>
        tpu.wait_dma2 semaphore(%arg28 : memref<!tpu.dma_semaphore, #tpu.memory_space<semaphore_mem>>) src(%dma_wait3A_306 : memref<96xf32, #tpu.memory_space<vmem>>) dst(%dma_wait3A_303 : memref<96xf32, #tpu.memory_space<hbm>>)
      } else {
      }
      %lt3A_86 = arith.constant 2083 : i32
      %lt3A_87 = arith.cmpi slt, %add3A_77, %lt3A_86 : i32
      %eq3A_88 = arith.constant 2083 : i32
      %eq3A_89 = arith.cmpi eq, %add3A_77, %eq3A_88 : i32
      %convert_element_type3A_90 = arith.extui %lt3A_87 : i1 to i32
      %cond3A_91 = arith.constant 0 : i32
      %cond3A_92 = arith.cmpi ne, %convert_element_type3A_90, %cond3A_91 : i32
      scf.if %cond3A_92 {
        %mul3A_291 = arith.constant 32 : i32
        %mul3A_292 = arith.muli %add3A_59, %mul3A_291 : i32
        %add3A_293 = arith.addi %mul3A_292, %add3A : i32
        %mul3A_294 = arith.constant 96 : i32
        %mul3A_295 = arith.muli %add3A_293, %mul3A_294 : i32
        %dma_start3A = arith.constant 0 : i32
        %dma_start3A_296 = arith.constant 0 : i32
        %dma_start3A_297 = tpu.memref_slice %arg12[%dma_start3A, %dma_start3A_296] : memref<3x96xi32, #tpu.memory_space<vmem>> -> memref<1x96xi32, #tpu.memory_space<vmem>>
        %dma_start3A_298 = tpu.memref_squeeze %dma_start3A_297 : memref<1x96xi32, #tpu.memory_space<vmem>> -> memref<96xi32, #tpu.memory_space<vmem>>
        %dma_start3A_299 = tpu.memref_slice %arg4[%mul3A_295] : memref<200000xi32, #tpu.memory_space<hbm>> -> memref<96xi32, #tpu.memory_space<hbm>>
        %dma_start3A_300 = arith.constant 0 : i32
        %dma_start3A_301 = tpu.memref_slice %arg12[%dma_start3A, %dma_start3A_300] : memref<3x96xi32, #tpu.memory_space<vmem>> -> memref<1x96xi32, #tpu.memory_space<vmem>>
        %dma_start3A_302 = tpu.memref_squeeze %dma_start3A_301 : memref<1x96xi32, #tpu.memory_space<vmem>> -> memref<96xi32, #tpu.memory_space<vmem>>
        %dma_start3A_303 = tpu.memref_slice %arg4[%mul3A_295] : memref<200000xi32, #tpu.memory_space<hbm>> -> memref<96xi32, #tpu.memory_space<hbm>>
        tpu.enqueue_dma source(%dma_start3A_303 : memref<96xi32, #tpu.memory_space<hbm>>) target(%dma_start3A_302 : memref<96xi32, #tpu.memory_space<vmem>>) target_semaphore(%arg16 : memref<!tpu.dma_semaphore, #tpu.memory_space<semaphore_mem>>)
        %mul3A_304 = arith.constant 32 : i32
        %mul3A_305 = arith.muli %add3A_59, %mul3A_304 : i32
        %add3A_306 = arith.addi %mul3A_305, %add3A : i32
        %mul3A_307 = arith.constant 96 : i32
        %mul3A_308 = arith.muli %add3A_306, %mul3A_307 : i32
        %dma_start3A_309 = arith.constant 0 : i32
        %dma_start3A_310 = arith.constant 0 : i32
        %dma_start3A_311 = tpu.memref_slice %arg13[%dma_start3A_309, %dma_start3A_310] : memref<3x96xi32, #tpu.memory_space<vmem>> -> memref<1x96xi32, #tpu.memory_space<vmem>>
        %dma_start3A_312 = tpu.memref_squeeze %dma_start3A_311 : memref<1x96xi32, #tpu.memory_space<vmem>> -> memref<96xi32, #tpu.memory_space<vmem>>
        %dma_start3A_313 = tpu.memref_slice %arg5[%mul3A_308] : memref<200000xi32, #tpu.memory_space<hbm>> -> memref<96xi32, #tpu.memory_space<hbm>>
        %dma_start3A_314 = arith.constant 0 : i32
        %dma_start3A_315 = tpu.memref_slice %arg13[%dma_start3A_309, %dma_start3A_314] : memref<3x96xi32, #tpu.memory_space<vmem>> -> memref<1x96xi32, #tpu.memory_space<vmem>>
        %dma_start3A_316 = tpu.memref_squeeze %dma_start3A_315 : memref<1x96xi32, #tpu.memory_space<vmem>> -> memref<96xi32, #tpu.memory_space<vmem>>
        %dma_start3A_317 = tpu.memref_slice %arg5[%mul3A_308] : memref<200000xi32, #tpu.memory_space<hbm>> -> memref<96xi32, #tpu.memory_space<hbm>>
        tpu.enqueue_dma source(%dma_start3A_317 : memref<96xi32, #tpu.memory_space<hbm>>) target(%dma_start3A_316 : memref<96xi32, #tpu.memory_space<vmem>>) target_semaphore(%arg16 : memref<!tpu.dma_semaphore, #tpu.memory_space<semaphore_mem>>)
        %mul3A_318 = arith.constant 32 : i32
        %mul3A_319 = arith.muli %add3A_59, %mul3A_318 : i32
        %add3A_320 = arith.addi %mul3A_319, %add3A : i32
        %mul3A_321 = arith.constant 96 : i32
        %mul3A_322 = arith.muli %add3A_320, %mul3A_321 : i32
        %dma_start3A_323 = arith.constant 0 : i32
        %dma_start3A_324 = arith.constant 0 : i32
        %dma_start3A_325 = arith.constant 0 : i32
        %dma_start3A_326 = tpu.memref_slice %arg11[%dma_start3A_323, %dma_start3A_324, %dma_start3A_325] : memref<3x96x128xf32, #tpu.memory_space<vmem>> -> memref<1x96x128xf32, #tpu.memory_space<vmem>>
        %dma_start3A_327 = tpu.memref_squeeze %dma_start3A_326 : memref<1x96x128xf32, #tpu.memory_space<vmem>> -> memref<96x128xf32, #tpu.memory_space<vmem>>
        %dma_start3A_328 = arith.constant 0 : i32
        %dma_start3A_329 = tpu.memref_slice %arg6[%mul3A_322, %dma_start3A_328] : memref<200000x128xf32, #tpu.memory_space<hbm>> -> memref<96x128xf32, #tpu.memory_space<hbm>>
        %dma_start3A_330 = arith.constant 0 : i32
        %dma_start3A_331 = arith.constant 0 : i32
        %dma_start3A_332 = tpu.memref_slice %arg11[%dma_start3A_323, %dma_start3A_330, %dma_start3A_331] : memref<3x96x128xf32, #tpu.memory_space<vmem>> -> memref<1x96x128xf32, #tpu.memory_space<vmem>>
        %dma_start3A_333 = tpu.memref_squeeze %dma_start3A_332 : memref<1x96x128xf32, #tpu.memory_space<vmem>> -> memref<96x128xf32, #tpu.memory_space<vmem>>
        %dma_start3A_334 = arith.constant 0 : i32
        %dma_start3A_335 = tpu.memref_slice %arg6[%mul3A_322, %dma_start3A_334] : memref<200000x128xf32, #tpu.memory_space<hbm>> -> memref<96x128xf32, #tpu.memory_space<hbm>>
        tpu.enqueue_dma source(%dma_start3A_335 : memref<96x128xf32, #tpu.memory_space<hbm>>) target(%dma_start3A_333 : memref<96x128xf32, #tpu.memory_space<vmem>>) target_semaphore(%arg19 : memref<!tpu.dma_semaphore, #tpu.memory_space<semaphore_mem>>)
      } else {
      }
      %convert_element_type3A_93 = arith.extui %eq3A_89 : i1 to i32
      %cond3A_94 = arith.constant 0 : i32
      %cond3A_95 = arith.cmpi ne, %convert_element_type3A_93, %cond3A_94 : i32
      scf.if %cond3A_95 {
        %mul3A_291 = arith.constant 32 : i32
        %mul3A_292 = arith.muli %add3A_59, %mul3A_291 : i32
        %add3A_293 = arith.addi %mul3A_292, %add3A : i32
        %mul3A_294 = arith.constant 96 : i32
        %mul3A_295 = arith.muli %add3A_293, %mul3A_294 : i32
        %dma_start3A = arith.constant 0 : i32
        %dma_start3A_296 = arith.constant 0 : i32
        %dma_start3A_297 = tpu.memref_slice %arg12[%dma_start3A, %dma_start3A_296] : memref<3x96xi32, #tpu.memory_space<vmem>> -> memref<1x32xi32, #tpu.memory_space<vmem>>
        %dma_start3A_298 = tpu.memref_squeeze %dma_start3A_297 : memref<1x32xi32, #tpu.memory_space<vmem>> -> memref<32xi32, #tpu.memory_space<vmem>>
        %dma_start3A_299 = tpu.memref_slice %arg4[%mul3A_295] : memref<200000xi32, #tpu.memory_space<hbm>> -> memref<32xi32, #tpu.memory_space<hbm>>
        %dma_start3A_300 = arith.constant 0 : i32
        %dma_start3A_301 = tpu.memref_slice %arg12[%dma_start3A, %dma_start3A_300] : memref<3x96xi32, #tpu.memory_space<vmem>> -> memref<1x32xi32, #tpu.memory_space<vmem>>
        %dma_start3A_302 = tpu.memref_squeeze %dma_start3A_301 : memref<1x32xi32, #tpu.memory_space<vmem>> -> memref<32xi32, #tpu.memory_space<vmem>>
        %dma_start3A_303 = tpu.memref_slice %arg4[%mul3A_295] : memref<200000xi32, #tpu.memory_space<hbm>> -> memref<32xi32, #tpu.memory_space<hbm>>
        tpu.enqueue_dma source(%dma_start3A_303 : memref<32xi32, #tpu.memory_space<hbm>>) target(%dma_start3A_302 : memref<32xi32, #tpu.memory_space<vmem>>) target_semaphore(%arg16 : memref<!tpu.dma_semaphore, #tpu.memory_space<semaphore_mem>>)
        %mul3A_304 = arith.constant 32 : i32
        %mul3A_305 = arith.muli %add3A_59, %mul3A_304 : i32
        %add3A_306 = arith.addi %mul3A_305, %add3A : i32
        %mul3A_307 = arith.constant 96 : i32
        %mul3A_308 = arith.muli %add3A_306, %mul3A_307 : i32
        %dma_start3A_309 = arith.constant 0 : i32
        %dma_start3A_310 = arith.constant 0 : i32
        %dma_start3A_311 = tpu.memref_slice %arg13[%dma_start3A_309, %dma_start3A_310] : memref<3x96xi32, #tpu.memory_space<vmem>> -> memref<1x32xi32, #tpu.memory_space<vmem>>
        %dma_start3A_312 = tpu.memref_squeeze %dma_start3A_311 : memref<1x32xi32, #tpu.memory_space<vmem>> -> memref<32xi32, #tpu.memory_space<vmem>>
        %dma_start3A_313 = tpu.memref_slice %arg5[%mul3A_308] : memref<200000xi32, #tpu.memory_space<hbm>> -> memref<32xi32, #tpu.memory_space<hbm>>
        %dma_start3A_314 = arith.constant 0 : i32
        %dma_start3A_315 = tpu.memref_slice %arg13[%dma_start3A_309, %dma_start3A_314] : memref<3x96xi32, #tpu.memory_space<vmem>> -> memref<1x32xi32, #tpu.memory_space<vmem>>
        %dma_start3A_316 = tpu.memref_squeeze %dma_start3A_315 : memref<1x32xi32, #tpu.memory_space<vmem>> -> memref<32xi32, #tpu.memory_space<vmem>>
        %dma_start3A_317 = tpu.memref_slice %arg5[%mul3A_308] : memref<200000xi32, #tpu.memory_space<hbm>> -> memref<32xi32, #tpu.memory_space<hbm>>
        tpu.enqueue_dma source(%dma_start3A_317 : memref<32xi32, #tpu.memory_space<hbm>>) target(%dma_start3A_316 : memref<32xi32, #tpu.memory_space<vmem>>) target_semaphore(%arg16 : memref<!tpu.dma_semaphore, #tpu.memory_space<semaphore_mem>>)
        %mul3A_318 = arith.constant 32 : i32
        %mul3A_319 = arith.muli %add3A_59, %mul3A_318 : i32
        %add3A_320 = arith.addi %mul3A_319, %add3A : i32
        %mul3A_321 = arith.constant 96 : i32
        %mul3A_322 = arith.muli %add3A_320, %mul3A_321 : i32
        %dma_start3A_323 = arith.constant 0 : i32
        %dma_start3A_324 = arith.constant 0 : i32
        %dma_start3A_325 = arith.constant 0 : i32
        %dma_start3A_326 = tpu.memref_slice %arg11[%dma_start3A_323, %dma_start3A_324, %dma_start3A_325] : memref<3x96x128xf32, #tpu.memory_space<vmem>> -> memref<1x32x128xf32, #tpu.memory_space<vmem>>
        %dma_start3A_327 = tpu.memref_squeeze %dma_start3A_326 : memref<1x32x128xf32, #tpu.memory_space<vmem>> -> memref<32x128xf32, #tpu.memory_space<vmem>>
        %dma_start3A_328 = arith.constant 0 : i32
        %dma_start3A_329 = tpu.memref_slice %arg6[%mul3A_322, %dma_start3A_328] : memref<200000x128xf32, #tpu.memory_space<hbm>> -> memref<32x128xf32, #tpu.memory_space<hbm>>
        %dma_start3A_330 = arith.constant 0 : i32
        %dma_start3A_331 = arith.constant 0 : i32
        %dma_start3A_332 = tpu.memref_slice %arg11[%dma_start3A_323, %dma_start3A_330, %dma_start3A_331] : memref<3x96x128xf32, #tpu.memory_space<vmem>> -> memref<1x32x128xf32, #tpu.memory_space<vmem>>
        %dma_start3A_333 = tpu.memref_squeeze %dma_start3A_332 : memref<1x32x128xf32, #tpu.memory_space<vmem>> -> memref<32x128xf32, #tpu.memory_space<vmem>>
        %dma_start3A_334 = arith.constant 0 : i32
        %dma_start3A_335 = tpu.memref_slice %arg6[%mul3A_322, %dma_start3A_334] : memref<200000x128xf32, #tpu.memory_space<hbm>> -> memref<32x128xf32, #tpu.memory_space<hbm>>
        tpu.enqueue_dma source(%dma_start3A_335 : memref<32x128xf32, #tpu.memory_space<hbm>>) target(%dma_start3A_333 : memref<32x128xf32, #tpu.memory_space<vmem>>) target_semaphore(%arg19 : memref<!tpu.dma_semaphore, #tpu.memory_space<semaphore_mem>>)
      } else {
      }
      %sub3A_96 = arith.constant 2 : i32
      %sub3A_97 = arith.subi %add3A_59, %sub3A_96 : i32
      %ge3A_98 = arith.constant 0 : i32
      %ge3A_99 = arith.cmpi sge, %sub3A_97, %ge3A_98 : i32
      %mul3A_100 = arith.constant 32 : i32
      %mul3A_101 = arith.muli %sub3A_97, %mul3A_100 : i32
      %add3A_102 = arith.addi %mul3A_101, %add3A : i32
      %lt3A_103 = arith.constant 2083 : i32
      %lt3A_104 = arith.cmpi slt, %add3A_102, %lt3A_103 : i32
      %and3A_105 = arith.andi %ge3A_99, %lt3A_104 : i1
      %eq3A_106 = arith.constant 2083 : i32
      %eq3A_107 = arith.cmpi eq, %add3A_102, %eq3A_106 : i32
      %and3A_108 = arith.andi %ge3A_99, %eq3A_107 : i1
      %convert_element_type3A_109 = arith.extui %and3A_105 : i1 to i32
      %cond3A_110 = arith.constant 0 : i32
      %cond3A_111 = arith.cmpi ne, %convert_element_type3A_109, %cond3A_110 : i32
      scf.if %cond3A_111 {
        %dma_wait3A_291 = arith.constant 1 : i32
        %dma_wait3A_292 = arith.constant 1 : i32
        %dma_wait3A_293 = arith.constant 0 : i32
        %dma_wait3A_294 = arith.constant 0 : i32
        %dma_wait3A_295 = tpu.memref_slice %arg9[%dma_wait3A_292, %dma_wait3A_293, %dma_wait3A_294] : memref<3x96x128xf32, #tpu.memory_space<vmem>> -> memref<1x96x128xf32, #tpu.memory_space<vmem>>
        %dma_wait3A_296 = tpu.memref_squeeze %dma_wait3A_295 : memref<1x96x128xf32, #tpu.memory_space<vmem>> -> memref<96x128xf32, #tpu.memory_space<vmem>>
        %dma_wait3A_297 = arith.constant 0 : i32
        %dma_wait3A_298 = tpu.memref_slice %arg12[%dma_wait3A_291, %dma_wait3A_297] : memref<3x96xi32, #tpu.memory_space<vmem>> -> memref<1x96xi32, #tpu.memory_space<vmem>>
        %dma_wait3A_299 = tpu.memref_squeeze %dma_wait3A_298 : memref<1x96xi32, #tpu.memory_space<vmem>> -> memref<96xi32, #tpu.memory_space<vmem>>
        %dma_wait3A_300 = arith.constant 0 : i32
        %dma_wait3A_301 = arith.constant 0 : i32
        %dma_wait3A_302 = tpu.memref_slice %arg2[%dma_wait3A_300, %dma_wait3A_301] : memref<10000x128xf32, #tpu.memory_space<hbm>> -> memref<10000x128xf32, #tpu.memory_space<hbm>>
        tpu.wait_indirect_dma semaphore(%arg23 : memref<!tpu.dma_semaphore, #tpu.memory_space<semaphore_mem>>) src(%dma_wait3A_302 : memref<10000x128xf32, #tpu.memory_space<hbm>>) dst(%dma_wait3A_296 : memref<96x128xf32, #tpu.memory_space<vmem>>)
        %dma_wait3A_303 = arith.constant 1 : i32
        %dma_wait3A_304 = arith.constant 1 : i32
        %dma_wait3A_305 = arith.constant 0 : i32
        %dma_wait3A_306 = arith.constant 0 : i32
        %dma_wait3A_307 = tpu.memref_slice %arg10[%dma_wait3A_304, %dma_wait3A_305, %dma_wait3A_306] : memref<3x96x128xf32, #tpu.memory_space<vmem>> -> memref<1x96x128xf32, #tpu.memory_space<vmem>>
        %dma_wait3A_308 = tpu.memref_squeeze %dma_wait3A_307 : memref<1x96x128xf32, #tpu.memory_space<vmem>> -> memref<96x128xf32, #tpu.memory_space<vmem>>
        %dma_wait3A_309 = arith.constant 0 : i32
        %dma_wait3A_310 = tpu.memref_slice %arg13[%dma_wait3A_303, %dma_wait3A_309] : memref<3x96xi32, #tpu.memory_space<vmem>> -> memref<1x96xi32, #tpu.memory_space<vmem>>
        %dma_wait3A_311 = tpu.memref_squeeze %dma_wait3A_310 : memref<1x96xi32, #tpu.memory_space<vmem>> -> memref<96xi32, #tpu.memory_space<vmem>>
        %dma_wait3A_312 = arith.constant 0 : i32
        %dma_wait3A_313 = arith.constant 0 : i32
        %dma_wait3A_314 = tpu.memref_slice %arg3[%dma_wait3A_312, %dma_wait3A_313] : memref<10000x128xf32, #tpu.memory_space<hbm>> -> memref<10000x128xf32, #tpu.memory_space<hbm>>
        tpu.wait_indirect_dma semaphore(%arg26 : memref<!tpu.dma_semaphore, #tpu.memory_space<semaphore_mem>>) src(%dma_wait3A_314 : memref<10000x128xf32, #tpu.memory_space<hbm>>) dst(%dma_wait3A_308 : memref<96x128xf32, #tpu.memory_space<vmem>>)
        %mul3A_315 = arith.constant 32 : i32
        %mul3A_316 = arith.muli %sub3A_97, %mul3A_315 : i32
        %add3A_317 = arith.addi %mul3A_316, %add3A : i32
        %mul3A_318 = arith.constant 96 : i32
        %mul3A_319 = arith.muli %add3A_317, %mul3A_318 : i32
        %dma_wait3A_320 = arith.constant 1 : i32
        %dma_wait3A_321 = arith.constant 0 : i32
        %dma_wait3A_322 = arith.constant 0 : i32
        %dma_wait3A_323 = tpu.memref_slice %arg11[%dma_wait3A_320, %dma_wait3A_321, %dma_wait3A_322] : memref<3x96x128xf32, #tpu.memory_space<vmem>> -> memref<1x96x128xf32, #tpu.memory_space<vmem>>
        %dma_wait3A_324 = tpu.memref_squeeze %dma_wait3A_323 : memref<1x96x128xf32, #tpu.memory_space<vmem>> -> memref<96x128xf32, #tpu.memory_space<vmem>>
        %dma_wait3A_325 = arith.constant 0 : i32
        %dma_wait3A_326 = tpu.memref_slice %arg6[%mul3A_319, %dma_wait3A_325] : memref<200000x128xf32, #tpu.memory_space<hbm>> -> memref<96x128xf32, #tpu.memory_space<hbm>>
        %dma_wait3A_327 = arith.constant 0 : i32
        %dma_wait3A_328 = arith.constant 0 : i32
        %dma_wait3A_329 = tpu.memref_slice %arg11[%dma_wait3A_320, %dma_wait3A_327, %dma_wait3A_328] : memref<3x96x128xf32, #tpu.memory_space<vmem>> -> memref<1x96x128xf32, #tpu.memory_space<vmem>>
        %dma_wait3A_330 = tpu.memref_squeeze %dma_wait3A_329 : memref<1x96x128xf32, #tpu.memory_space<vmem>> -> memref<96x128xf32, #tpu.memory_space<vmem>>
        %dma_wait3A_331 = arith.constant 0 : i32
        %dma_wait3A_332 = tpu.memref_slice %arg6[%mul3A_319, %dma_wait3A_331] : memref<200000x128xf32, #tpu.memory_space<hbm>> -> memref<96x128xf32, #tpu.memory_space<hbm>>
        tpu.wait_dma2 semaphore(%arg20 : memref<!tpu.dma_semaphore, #tpu.memory_space<semaphore_mem>>) src(%dma_wait3A_332 : memref<96x128xf32, #tpu.memory_space<hbm>>) dst(%dma_wait3A_330 : memref<96x128xf32, #tpu.memory_space<vmem>>)
      } else {
      }
      %convert_element_type3A_112 = arith.extui %and3A_108 : i1 to i32
      %cond3A_113 = arith.constant 0 : i32
      %cond3A_114 = arith.cmpi ne, %convert_element_type3A_112, %cond3A_113 : i32
      scf.if %cond3A_114 {
        %dma_wait3A_291 = arith.constant 1 : i32
        %dma_wait3A_292 = arith.constant 1 : i32
        %dma_wait3A_293 = arith.constant 0 : i32
        %dma_wait3A_294 = arith.constant 0 : i32
        %dma_wait3A_295 = tpu.memref_slice %arg9[%dma_wait3A_292, %dma_wait3A_293, %dma_wait3A_294] : memref<3x96x128xf32, #tpu.memory_space<vmem>> -> memref<1x32x128xf32, #tpu.memory_space<vmem>>
        %dma_wait3A_296 = tpu.memref_squeeze %dma_wait3A_295 : memref<1x32x128xf32, #tpu.memory_space<vmem>> -> memref<32x128xf32, #tpu.memory_space<vmem>>
        %dma_wait3A_297 = arith.constant 0 : i32
        %dma_wait3A_298 = tpu.memref_slice %arg12[%dma_wait3A_291, %dma_wait3A_297] : memref<3x96xi32, #tpu.memory_space<vmem>> -> memref<1x32xi32, #tpu.memory_space<vmem>>
        %dma_wait3A_299 = tpu.memref_squeeze %dma_wait3A_298 : memref<1x32xi32, #tpu.memory_space<vmem>> -> memref<32xi32, #tpu.memory_space<vmem>>
        %dma_wait3A_300 = arith.constant 0 : i32
        %dma_wait3A_301 = arith.constant 0 : i32
        %dma_wait3A_302 = tpu.memref_slice %arg2[%dma_wait3A_300, %dma_wait3A_301] : memref<10000x128xf32, #tpu.memory_space<hbm>> -> memref<10000x128xf32, #tpu.memory_space<hbm>>
        tpu.wait_indirect_dma semaphore(%arg23 : memref<!tpu.dma_semaphore, #tpu.memory_space<semaphore_mem>>) src(%dma_wait3A_302 : memref<10000x128xf32, #tpu.memory_space<hbm>>) dst(%dma_wait3A_296 : memref<32x128xf32, #tpu.memory_space<vmem>>)
        %dma_wait3A_303 = arith.constant 1 : i32
        %dma_wait3A_304 = arith.constant 1 : i32
        %dma_wait3A_305 = arith.constant 0 : i32
        %dma_wait3A_306 = arith.constant 0 : i32
        %dma_wait3A_307 = tpu.memref_slice %arg10[%dma_wait3A_304, %dma_wait3A_305, %dma_wait3A_306] : memref<3x96x128xf32, #tpu.memory_space<vmem>> -> memref<1x32x128xf32, #tpu.memory_space<vmem>>
        %dma_wait3A_308 = tpu.memref_squeeze %dma_wait3A_307 : memref<1x32x128xf32, #tpu.memory_space<vmem>> -> memref<32x128xf32, #tpu.memory_space<vmem>>
        %dma_wait3A_309 = arith.constant 0 : i32
        %dma_wait3A_310 = tpu.memref_slice %arg13[%dma_wait3A_303, %dma_wait3A_309] : memref<3x96xi32, #tpu.memory_space<vmem>> -> memref<1x32xi32, #tpu.memory_space<vmem>>
        %dma_wait3A_311 = tpu.memref_squeeze %dma_wait3A_310 : memref<1x32xi32, #tpu.memory_space<vmem>> -> memref<32xi32, #tpu.memory_space<vmem>>
        %dma_wait3A_312 = arith.constant 0 : i32
        %dma_wait3A_313 = arith.constant 0 : i32
        %dma_wait3A_314 = tpu.memref_slice %arg3[%dma_wait3A_312, %dma_wait3A_313] : memref<10000x128xf32, #tpu.memory_space<hbm>> -> memref<10000x128xf32, #tpu.memory_space<hbm>>
        tpu.wait_indirect_dma semaphore(%arg26 : memref<!tpu.dma_semaphore, #tpu.memory_space<semaphore_mem>>) src(%dma_wait3A_314 : memref<10000x128xf32, #tpu.memory_space<hbm>>) dst(%dma_wait3A_308 : memref<32x128xf32, #tpu.memory_space<vmem>>)
        %mul3A_315 = arith.constant 32 : i32
        %mul3A_316 = arith.muli %sub3A_97, %mul3A_315 : i32
        %add3A_317 = arith.addi %mul3A_316, %add3A : i32
        %mul3A_318 = arith.constant 96 : i32
        %mul3A_319 = arith.muli %add3A_317, %mul3A_318 : i32
        %dma_wait3A_320 = arith.constant 1 : i32
        %dma_wait3A_321 = arith.constant 0 : i32
        %dma_wait3A_322 = arith.constant 0 : i32
        %dma_wait3A_323 = tpu.memref_slice %arg11[%dma_wait3A_320, %dma_wait3A_321, %dma_wait3A_322] : memref<3x96x128xf32, #tpu.memory_space<vmem>> -> memref<1x32x128xf32, #tpu.memory_space<vmem>>
        %dma_wait3A_324 = tpu.memref_squeeze %dma_wait3A_323 : memref<1x32x128xf32, #tpu.memory_space<vmem>> -> memref<32x128xf32, #tpu.memory_space<vmem>>
        %dma_wait3A_325 = arith.constant 0 : i32
        %dma_wait3A_326 = tpu.memref_slice %arg6[%mul3A_319, %dma_wait3A_325] : memref<200000x128xf32, #tpu.memory_space<hbm>> -> memref<32x128xf32, #tpu.memory_space<hbm>>
        %dma_wait3A_327 = arith.constant 0 : i32
        %dma_wait3A_328 = arith.constant 0 : i32
        %dma_wait3A_329 = tpu.memref_slice %arg11[%dma_wait3A_320, %dma_wait3A_327, %dma_wait3A_328] : memref<3x96x128xf32, #tpu.memory_space<vmem>> -> memref<1x32x128xf32, #tpu.memory_space<vmem>>
        %dma_wait3A_330 = tpu.memref_squeeze %dma_wait3A_329 : memref<1x32x128xf32, #tpu.memory_space<vmem>> -> memref<32x128xf32, #tpu.memory_space<vmem>>
        %dma_wait3A_331 = arith.constant 0 : i32
        %dma_wait3A_332 = tpu.memref_slice %arg6[%mul3A_319, %dma_wait3A_331] : memref<200000x128xf32, #tpu.memory_space<hbm>> -> memref<32x128xf32, #tpu.memory_space<hbm>>
        tpu.wait_dma2 semaphore(%arg20 : memref<!tpu.dma_semaphore, #tpu.memory_space<semaphore_mem>>) src(%dma_wait3A_332 : memref<32x128xf32, #tpu.memory_space<hbm>>) dst(%dma_wait3A_330 : memref<32x128xf32, #tpu.memory_space<vmem>>)
      } else {
      }
      %lt3A_115 = arith.constant 2084 : i32
      %lt3A_116 = arith.cmpi slt, %add3A_102, %lt3A_115 : i32
      %and3A_117 = arith.andi %ge3A_99, %lt3A_116 : i1
      %convert_element_type3A_118 = arith.extui %and3A_117 : i1 to i32
      %cond3A_119 = arith.constant 0 : i32
      %cond3A_120 = arith.cmpi ne, %convert_element_type3A_118, %cond3A_119 : i32
      scf.if %cond3A_120 {
        %eq3A_291 = arith.constant 2083 : i32
        %eq3A_292 = arith.cmpi eq, %add3A_102, %eq3A_291 : i32
        %jit3A = arith.constant 32 : i32
        %jit3A_293 = arith.constant 96 : i32
        %select_n3A = arith.select %eq3A_292, %jit3A, %jit3A_293 : i32
        %while3A = arith.constant 0 : i32
        %while3A_294 = arith.subi %select_n3A, %while3A : i32
        %while3A_295 = arith.addi %while3A, %while3A_294 : i32
        %while3A_296 = arith.constant 1 : i32
        %while3A_297 = arith.divsi %while3A_294, %while3A_296 : i32
        %while3A_298 = arith.muli %while3A_297, %while3A_296 : i32
        %while3A_299 = arith.addi %while3A, %while3A_298 : i32
        %while3A_300 = arith.constant 1 : i32
        %while3A_301 = scf.for %while3A_304 = %while3A to %while3A_299 step %while3A_300 iter_args(%while3A_305 = %get3A_17) -> (vector<16xf32>)  : i32 {
          %get3A_306 = arith.constant 1 : i32
          %get3A_307 = arith.index_cast %get3A_306 : i32 to index
          %get3A_308 = arith.index_cast %while3A_304 : i32 to index
          %get3A_309 = arith.constant 0 : index
          %get3A_310 = tpu.vector_load %arg9[%get3A_307, %get3A_308, %get3A_309] {strides = array<i32>} : memref<3x96x128xf32, #tpu.memory_space<vmem>>, vector<16xf32>,
          %get3A_311 = arith.constant 1 : i32
          %get3A_312 = arith.index_cast %get3A_311 : i32 to index
          %get3A_313 = arith.index_cast %while3A_304 : i32 to index
          %get3A_314 = arith.constant 0 : index
          %get3A_315 = tpu.vector_load %arg10[%get3A_312, %get3A_313, %get3A_314] {strides = array<i32>} : memref<3x96x128xf32, #tpu.memory_space<vmem>>, vector<16xf32>,
          %add3A_316 = arith.addf %get3A_310, %get3A_315 : vector<16xf32>
          %get3A_317 = arith.constant 1 : i32
          %get3A_318 = arith.index_cast %get3A_317 : i32 to index
          %get3A_319 = arith.index_cast %while3A_304 : i32 to index
          %get3A_320 = arith.constant 0 : index
          %get3A_321 = tpu.vector_load %arg11[%get3A_318, %get3A_319, %get3A_320] {strides = array<i32>} : memref<3x96x128xf32, #tpu.memory_space<vmem>>, vector<16xf32>,
          %add3A_322 = arith.addf %add3A_316, %get3A_321 : vector<16xf32>
          %max3A = arith.constant 0.000000e+00 : f32
          %max3A_323 = vector.broadcast %max3A : f32 to vector<16xf32>
          %max3A_324 = arith.maximumf %add3A_322, %max3A_323 : vector<16xf32>
          %mul3A_325 = arith.mulf %max3A_324, %get3A_1 : vector<16xf32>
          %add3A_326 = arith.addf %broadcast_in_dim3A_18, %mul3A_325 : vector<16xf32>
          %get3A_327 = arith.constant 1 : i32
          %get3A_328 = arith.index_cast %get3A_327 : i32 to index
          %get3A_329 = arith.index_cast %while3A_304 : i32 to index
          %get3A_330 = arith.constant 16 : index
          %get3A_331 = tpu.vector_load %arg9[%get3A_328, %get3A_329, %get3A_330] {strides = array<i32>} : memref<3x96x128xf32, #tpu.memory_space<vmem>>, vector<16xf32>,
          %get3A_332 = arith.constant 1 : i32
          %get3A_333 = arith.index_cast %get3A_332 : i32 to index
          %get3A_334 = arith.index_cast %while3A_304 : i32 to index
          %get3A_335 = arith.constant 16 : index
          %get3A_336 = tpu.vector_load %arg10[%get3A_333, %get3A_334, %get3A_335] {strides = array<i32>} : memref<3x96x128xf32, #tpu.memory_space<vmem>>, vector<16xf32>,
          %add3A_337 = arith.addf %get3A_331, %get3A_336 : vector<16xf32>
          %get3A_338 = arith.constant 1 : i32
          %get3A_339 = arith.index_cast %get3A_338 : i32 to index
          %get3A_340 = arith.index_cast %while3A_304 : i32 to index
          %get3A_341 = arith.constant 16 : index
          %get3A_342 = tpu.vector_load %arg11[%get3A_339, %get3A_340, %get3A_341] {strides = array<i32>} : memref<3x96x128xf32, #tpu.memory_space<vmem>>, vector<16xf32>,
          %add3A_343 = arith.addf %add3A_337, %get3A_342 : vector<16xf32>
          %max3A_344 = arith.constant 0.000000e+00 : f32
          %max3A_345 = vector.broadcast %max3A_344 : f32 to vector<16xf32>
          %max3A_346 = arith.maximumf %add3A_343, %max3A_345 : vector<16xf32>
          %mul3A_347 = arith.mulf %max3A_346, %get3A_3 : vector<16xf32>
          %add3A_348 = arith.addf %add3A_326, %mul3A_347 : vector<16xf32>
          %get3A_349 = arith.constant 1 : i32
          %get3A_350 = arith.index_cast %get3A_349 : i32 to index
          %get3A_351 = arith.index_cast %while3A_304 : i32 to index
          %get3A_352 = arith.constant 32 : index
          %get3A_353 = tpu.vector_load %arg9[%get3A_350, %get3A_351, %get3A_352] {strides = array<i32>} : memref<3x96x128xf32, #tpu.memory_space<vmem>>, vector<16xf32>,
          %get3A_354 = arith.constant 1 : i32
          %get3A_355 = arith.index_cast %get3A_354 : i32 to index
          %get3A_356 = arith.index_cast %while3A_304 : i32 to index
          %get3A_357 = arith.constant 32 : index
          %get3A_358 = tpu.vector_load %arg10[%get3A_355, %get3A_356, %get3A_357] {strides = array<i32>} : memref<3x96x128xf32, #tpu.memory_space<vmem>>, vector<16xf32>,
          %add3A_359 = arith.addf %get3A_353, %get3A_358 : vector<16xf32>
          %get3A_360 = arith.constant 1 : i32
          %get3A_361 = arith.index_cast %get3A_360 : i32 to index
          %get3A_362 = arith.index_cast %while3A_304 : i32 to index
          %get3A_363 = arith.constant 32 : index
          %get3A_364 = tpu.vector_load %arg11[%get3A_361, %get3A_362, %get3A_363] {strides = array<i32>} : memref<3x96x128xf32, #tpu.memory_space<vmem>>, vector<16xf32>,
          %add3A_365 = arith.addf %add3A_359, %get3A_364 : vector<16xf32>
          %max3A_366 = arith.constant 0.000000e+00 : f32
          %max3A_367 = vector.broadcast %max3A_366 : f32 to vector<16xf32>
          %max3A_368 = arith.maximumf %add3A_365, %max3A_367 : vector<16xf32>
          %mul3A_369 = arith.mulf %max3A_368, %get3A_5 : vector<16xf32>
          %add3A_370 = arith.addf %add3A_348, %mul3A_369 : vector<16xf32>
          %get3A_371 = arith.constant 1 : i32
          %get3A_372 = arith.index_cast %get3A_371 : i32 to index
          %get3A_373 = arith.index_cast %while3A_304 : i32 to index
          %get3A_374 = arith.constant 48 : index
          %get3A_375 = tpu.vector_load %arg9[%get3A_372, %get3A_373, %get3A_374] {strides = array<i32>} : memref<3x96x128xf32, #tpu.memory_space<vmem>>, vector<16xf32>,
          %get3A_376 = arith.constant 1 : i32
          %get3A_377 = arith.index_cast %get3A_376 : i32 to index
          %get3A_378 = arith.index_cast %while3A_304 : i32 to index
          %get3A_379 = arith.constant 48 : index
          %get3A_380 = tpu.vector_load %arg10[%get3A_377, %get3A_378, %get3A_379] {strides = array<i32>} : memref<3x96x128xf32, #tpu.memory_space<vmem>>, vector<16xf32>,
          %add3A_381 = arith.addf %get3A_375, %get3A_380 : vector<16xf32>
          %get3A_382 = arith.constant 1 : i32
          %get3A_383 = arith.index_cast %get3A_382 : i32 to index
          %get3A_384 = arith.index_cast %while3A_304 : i32 to index
          %get3A_385 = arith.constant 48 : index
          %get3A_386 = tpu.vector_load %arg11[%get3A_383, %get3A_384, %get3A_385] {strides = array<i32>} : memref<3x96x128xf32, #tpu.memory_space<vmem>>, vector<16xf32>,
          %add3A_387 = arith.addf %add3A_381, %get3A_386 : vector<16xf32>
          %max3A_388 = arith.constant 0.000000e+00 : f32
          %max3A_389 = vector.broadcast %max3A_388 : f32 to vector<16xf32>
          %max3A_390 = arith.maximumf %add3A_387, %max3A_389 : vector<16xf32>
          %mul3A_391 = arith.mulf %max3A_390, %get3A_7 : vector<16xf32>
          %add3A_392 = arith.addf %add3A_370, %mul3A_391 : vector<16xf32>
          %get3A_393 = arith.constant 1 : i32
          %get3A_394 = arith.index_cast %get3A_393 : i32 to index
          %get3A_395 = arith.index_cast %while3A_304 : i32 to index
          %get3A_396 = arith.constant 64 : index
          %get3A_397 = tpu.vector_load %arg9[%get3A_394, %get3A_395, %get3A_396] {strides = array<i32>} : memref<3x96x128xf32, #tpu.memory_space<vmem>>, vector<16xf32>,
          %get3A_398 = arith.constant 1 : i32
          %get3A_399 = arith.index_cast %get3A_398 : i32 to index
          %get3A_400 = arith.index_cast %while3A_304 : i32 to index
          %get3A_401 = arith.constant 64 : index
          %get3A_402 = tpu.vector_load %arg10[%get3A_399, %get3A_400, %get3A_401] {strides = array<i32>} : memref<3x96x128xf32, #tpu.memory_space<vmem>>, vector<16xf32>,
          %add3A_403 = arith.addf %get3A_397, %get3A_402 : vector<16xf32>
          %get3A_404 = arith.constant 1 : i32
          %get3A_405 = arith.index_cast %get3A_404 : i32 to index
          %get3A_406 = arith.index_cast %while3A_304 : i32 to index
          %get3A_407 = arith.constant 64 : index
          %get3A_408 = tpu.vector_load %arg11[%get3A_405, %get3A_406, %get3A_407] {strides = array<i32>} : memref<3x96x128xf32, #tpu.memory_space<vmem>>, vector<16xf32>,
          %add3A_409 = arith.addf %add3A_403, %get3A_408 : vector<16xf32>
          %max3A_410 = arith.constant 0.000000e+00 : f32
          %max3A_411 = vector.broadcast %max3A_410 : f32 to vector<16xf32>
          %max3A_412 = arith.maximumf %add3A_409, %max3A_411 : vector<16xf32>
          %mul3A_413 = arith.mulf %max3A_412, %get3A_9 : vector<16xf32>
          %add3A_414 = arith.addf %add3A_392, %mul3A_413 : vector<16xf32>
          %get3A_415 = arith.constant 1 : i32
          %get3A_416 = arith.index_cast %get3A_415 : i32 to index
          %get3A_417 = arith.index_cast %while3A_304 : i32 to index
          %get3A_418 = arith.constant 80 : index
          %get3A_419 = tpu.vector_load %arg9[%get3A_416, %get3A_417, %get3A_418] {strides = array<i32>} : memref<3x96x128xf32, #tpu.memory_space<vmem>>, vector<16xf32>,
          %get3A_420 = arith.constant 1 : i32
          %get3A_421 = arith.index_cast %get3A_420 : i32 to index
          %get3A_422 = arith.index_cast %while3A_304 : i32 to index
          %get3A_423 = arith.constant 80 : index
          %get3A_424 = tpu.vector_load %arg10[%get3A_421, %get3A_422, %get3A_423] {strides = array<i32>} : memref<3x96x128xf32, #tpu.memory_space<vmem>>, vector<16xf32>,
          %add3A_425 = arith.addf %get3A_419, %get3A_424 : vector<16xf32>
          %get3A_426 = arith.constant 1 : i32
          %get3A_427 = arith.index_cast %get3A_426 : i32 to index
          %get3A_428 = arith.index_cast %while3A_304 : i32 to index
          %get3A_429 = arith.constant 80 : index
          %get3A_430 = tpu.vector_load %arg11[%get3A_427, %get3A_428, %get3A_429] {strides = array<i32>} : memref<3x96x128xf32, #tpu.memory_space<vmem>>, vector<16xf32>,
          %add3A_431 = arith.addf %add3A_425, %get3A_430 : vector<16xf32>
          %max3A_432 = arith.constant 0.000000e+00 : f32
          %max3A_433 = vector.broadcast %max3A_432 : f32 to vector<16xf32>
          %max3A_434 = arith.maximumf %add3A_431, %max3A_433 : vector<16xf32>
          %mul3A_435 = arith.mulf %max3A_434, %get3A_11 : vector<16xf32>
          %add3A_436 = arith.addf %add3A_414, %mul3A_435 : vector<16xf32>
          %get3A_437 = arith.constant 1 : i32
          %get3A_438 = arith.index_cast %get3A_437 : i32 to index
          %get3A_439 = arith.index_cast %while3A_304 : i32 to index
          %get3A_440 = arith.constant 96 : index
          %get3A_441 = tpu.vector_load %arg9[%get3A_438, %get3A_439, %get3A_440] {strides = array<i32>} : memref<3x96x128xf32, #tpu.memory_space<vmem>>, vector<16xf32>,
          %get3A_442 = arith.constant 1 : i32
          %get3A_443 = arith.index_cast %get3A_442 : i32 to index
          %get3A_444 = arith.index_cast %while3A_304 : i32 to index
          %get3A_445 = arith.constant 96 : index
          %get3A_446 = tpu.vector_load %arg10[%get3A_443, %get3A_444, %get3A_445] {strides = array<i32>} : memref<3x96x128xf32, #tpu.memory_space<vmem>>, vector<16xf32>,
          %add3A_447 = arith.addf %get3A_441, %get3A_446 : vector<16xf32>
          %get3A_448 = arith.constant 1 : i32
          %get3A_449 = arith.index_cast %get3A_448 : i32 to index
          %get3A_450 = arith.index_cast %while3A_304 : i32 to index
          %get3A_451 = arith.constant 96 : index
          %get3A_452 = tpu.vector_load %arg11[%get3A_449, %get3A_450, %get3A_451] {strides = array<i32>} : memref<3x96x128xf32, #tpu.memory_space<vmem>>, vector<16xf32>,
          %add3A_453 = arith.addf %add3A_447, %get3A_452 : vector<16xf32>
          %max3A_454 = arith.constant 0.000000e+00 : f32
          %max3A_455 = vector.broadcast %max3A_454 : f32 to vector<16xf32>
          %max3A_456 = arith.maximumf %add3A_453, %max3A_455 : vector<16xf32>
          %mul3A_457 = arith.mulf %max3A_456, %get3A_13 : vector<16xf32>
          %add3A_458 = arith.addf %add3A_436, %mul3A_457 : vector<16xf32>
          %get3A_459 = arith.constant 1 : i32
          %get3A_460 = arith.index_cast %get3A_459 : i32 to index
          %get3A_461 = arith.index_cast %while3A_304 : i32 to index
          %get3A_462 = arith.constant 112 : index
          %get3A_463 = tpu.vector_load %arg9[%get3A_460, %get3A_461, %get3A_462] {strides = array<i32>} : memref<3x96x128xf32, #tpu.memory_space<vmem>>, vector<16xf32>,
          %get3A_464 = arith.constant 1 : i32
          %get3A_465 = arith.index_cast %get3A_464 : i32 to index
          %get3A_466 = arith.index_cast %while3A_304 : i32 to index
          %get3A_467 = arith.constant 112 : index
          %get3A_468 = tpu.vector_load %arg10[%get3A_465, %get3A_466, %get3A_467] {strides = array<i32>} : memref<3x96x128xf32, #tpu.memory_space<vmem>>, vector<16xf32>,
          %add3A_469 = arith.addf %get3A_463, %get3A_468 : vector<16xf32>
          %get3A_470 = arith.constant 1 : i32
          %get3A_471 = arith.index_cast %get3A_470 : i32 to index
          %get3A_472 = arith.index_cast %while3A_304 : i32 to index
          %get3A_473 = arith.constant 112 : index
          %get3A_474 = tpu.vector_load %arg11[%get3A_471, %get3A_472, %get3A_473] {strides = array<i32>} : memref<3x96x128xf32, #tpu.memory_space<vmem>>, vector<16xf32>,
          %add3A_475 = arith.addf %add3A_469, %get3A_474 : vector<16xf32>
          %max3A_476 = arith.constant 0.000000e+00 : f32
          %max3A_477 = vector.broadcast %max3A_476 : f32 to vector<16xf32>
          %max3A_478 = arith.maximumf %add3A_475, %max3A_477 : vector<16xf32>
          %mul3A_479 = arith.mulf %max3A_478, %get3A_15 : vector<16xf32>
          %add3A_480 = arith.addf %add3A_458, %mul3A_479 : vector<16xf32>
          %reduce_sum3A = arith.constant true
          %reduce_sum3A_481 = vector.broadcast %reduce_sum3A : i1 to vector<16xi1>
          %reduce_sum3A_482 = tpu.scan <sum>, %add3A_480 masked %reduce_sum3A_481 : vector<16xf32>, vector<16xi1> -> vector<16xf32>
          %reduce_sum3A_483 = vector.extract %reduce_sum3A_482[15] : f32 from vector<16xf32>
          %rem3A = arith.constant 16 : i32
          %rem3A_484 = arith.remsi %while3A_304, %rem3A : i32
          %eq3A_485 = vector.broadcast %rem3A_484 : i32 to vector<16xi32>
          %eq3A_486 = arith.cmpi eq, %iota3A, %eq3A_485 : vector<16xi32>
          %broadcast_in_dim3A_487 = vector.broadcast %reduce_sum3A_483 : f32 to vector<16xf32>
          %select_n3A_488 = arith.select %eq3A_486, %broadcast_in_dim3A_487, %while3A_305 : vector<16xi1>, vector<16xf32>
          %eq3A_489 = arith.constant 15 : i32
          %eq3A_490 = arith.cmpi eq, %rem3A_484, %eq3A_489 : i32
          %convert_element_type3A_491 = arith.extui %eq3A_490 : i1 to i32
          %cond3A_492 = arith.constant 0 : i32
          %cond3A_493 = arith.cmpi ne, %convert_element_type3A_491, %cond3A_492 : i32
          scf.if %cond3A_493 {
            %sub3A_497 = arith.constant 15 : i32
            %sub3A_498 = arith.subi %while3A_304, %sub3A_497 : i32
            %swap3A = arith.constant 1 : i32
            %swap3A_499 = arith.index_cast %swap3A : i32 to index
            %swap3A_500 = arith.index_cast %sub3A_498 : i32 to index
            %swap3A_501 = tpu.vector_load %arg14[%swap3A_499, %swap3A_500] {strides = array<i32>} : memref<3x96xf32, #tpu.memory_space<vmem>>, vector<16xf32>,
            tpu.vector_store %arg14[%swap3A_499, %swap3A_500], %select_n3A_488 {strides = array<i32>} : memref<3x96xf32, #tpu.memory_space<vmem>>, vector<16xf32>,
          } else {
          }
          %eq3A_494 = arith.constant 15 : i32
          %eq3A_495 = arith.cmpi eq, %rem3A_484, %eq3A_494 : i32
          %select_n3A_496 = arith.select %eq3A_495, %get3A_17, %select_n3A_488 : vector<16xf32>
          scf.yield %select_n3A_496 : vector<16xf32>
        }
        %while3A_302 = arith.constant 1 : i32
        %while3A_303 = scf.for %while3A_304 = %while3A_299 to %while3A_295 step %while3A_302 iter_args(%while3A_305 = %while3A_301) -> (vector<16xf32>)  : i32 {
          %get3A_306 = arith.constant 1 : i32
          %get3A_307 = arith.index_cast %get3A_306 : i32 to index
          %get3A_308 = arith.index_cast %while3A_304 : i32 to index
          %get3A_309 = arith.constant 0 : index
          %get3A_310 = tpu.vector_load %arg9[%get3A_307, %get3A_308, %get3A_309] {strides = array<i32>} : memref<3x96x128xf32, #tpu.memory_space<vmem>>, vector<16xf32>,
          %get3A_311 = arith.constant 1 : i32
          %get3A_312 = arith.index_cast %get3A_311 : i32 to index
          %get3A_313 = arith.index_cast %while3A_304 : i32 to index
          %get3A_314 = arith.constant 0 : index
          %get3A_315 = tpu.vector_load %arg10[%get3A_312, %get3A_313, %get3A_314] {strides = array<i32>} : memref<3x96x128xf32, #tpu.memory_space<vmem>>, vector<16xf32>,
          %add3A_316 = arith.addf %get3A_310, %get3A_315 : vector<16xf32>
          %get3A_317 = arith.constant 1 : i32
          %get3A_318 = arith.index_cast %get3A_317 : i32 to index
          %get3A_319 = arith.index_cast %while3A_304 : i32 to index
          %get3A_320 = arith.constant 0 : index
          %get3A_321 = tpu.vector_load %arg11[%get3A_318, %get3A_319, %get3A_320] {strides = array<i32>} : memref<3x96x128xf32, #tpu.memory_space<vmem>>, vector<16xf32>,
          %add3A_322 = arith.addf %add3A_316, %get3A_321 : vector<16xf32>
          %max3A = arith.constant 0.000000e+00 : f32
          %max3A_323 = vector.broadcast %max3A : f32 to vector<16xf32>
          %max3A_324 = arith.maximumf %add3A_322, %max3A_323 : vector<16xf32>
          %mul3A_325 = arith.mulf %max3A_324, %get3A_1 : vector<16xf32>
          %add3A_326 = arith.addf %broadcast_in_dim3A_18, %mul3A_325 : vector<16xf32>
          %get3A_327 = arith.constant 1 : i32
          %get3A_328 = arith.index_cast %get3A_327 : i32 to index
          %get3A_329 = arith.index_cast %while3A_304 : i32 to index
          %get3A_330 = arith.constant 16 : index
          %get3A_331 = tpu.vector_load %arg9[%get3A_328, %get3A_329, %get3A_330] {strides = array<i32>} : memref<3x96x128xf32, #tpu.memory_space<vmem>>, vector<16xf32>,
          %get3A_332 = arith.constant 1 : i32
          %get3A_333 = arith.index_cast %get3A_332 : i32 to index
          %get3A_334 = arith.index_cast %while3A_304 : i32 to index
          %get3A_335 = arith.constant 16 : index
          %get3A_336 = tpu.vector_load %arg10[%get3A_333, %get3A_334, %get3A_335] {strides = array<i32>} : memref<3x96x128xf32, #tpu.memory_space<vmem>>, vector<16xf32>,
          %add3A_337 = arith.addf %get3A_331, %get3A_336 : vector<16xf32>
          %get3A_338 = arith.constant 1 : i32
          %get3A_339 = arith.index_cast %get3A_338 : i32 to index
          %get3A_340 = arith.index_cast %while3A_304 : i32 to index
          %get3A_341 = arith.constant 16 : index
          %get3A_342 = tpu.vector_load %arg11[%get3A_339, %get3A_340, %get3A_341] {strides = array<i32>} : memref<3x96x128xf32, #tpu.memory_space<vmem>>, vector<16xf32>,
          %add3A_343 = arith.addf %add3A_337, %get3A_342 : vector<16xf32>
          %max3A_344 = arith.constant 0.000000e+00 : f32
          %max3A_345 = vector.broadcast %max3A_344 : f32 to vector<16xf32>
          %max3A_346 = arith.maximumf %add3A_343, %max3A_345 : vector<16xf32>
          %mul3A_347 = arith.mulf %max3A_346, %get3A_3 : vector<16xf32>
          %add3A_348 = arith.addf %add3A_326, %mul3A_347 : vector<16xf32>
          %get3A_349 = arith.constant 1 : i32
          %get3A_350 = arith.index_cast %get3A_349 : i32 to index
          %get3A_351 = arith.index_cast %while3A_304 : i32 to index
          %get3A_352 = arith.constant 32 : index
          %get3A_353 = tpu.vector_load %arg9[%get3A_350, %get3A_351, %get3A_352] {strides = array<i32>} : memref<3x96x128xf32, #tpu.memory_space<vmem>>, vector<16xf32>,
          %get3A_354 = arith.constant 1 : i32
          %get3A_355 = arith.index_cast %get3A_354 : i32 to index
          %get3A_356 = arith.index_cast %while3A_304 : i32 to index
          %get3A_357 = arith.constant 32 : index
          %get3A_358 = tpu.vector_load %arg10[%get3A_355, %get3A_356, %get3A_357] {strides = array<i32>} : memref<3x96x128xf32, #tpu.memory_space<vmem>>, vector<16xf32>,
          %add3A_359 = arith.addf %get3A_353, %get3A_358 : vector<16xf32>
          %get3A_360 = arith.constant 1 : i32
          %get3A_361 = arith.index_cast %get3A_360 : i32 to index
          %get3A_362 = arith.index_cast %while3A_304 : i32 to index
          %get3A_363 = arith.constant 32 : index
          %get3A_364 = tpu.vector_load %arg11[%get3A_361, %get3A_362, %get3A_363] {strides = array<i32>} : memref<3x96x128xf32, #tpu.memory_space<vmem>>, vector<16xf32>,
          %add3A_365 = arith.addf %add3A_359, %get3A_364 : vector<16xf32>
          %max3A_366 = arith.constant 0.000000e+00 : f32
          %max3A_367 = vector.broadcast %max3A_366 : f32 to vector<16xf32>
          %max3A_368 = arith.maximumf %add3A_365, %max3A_367 : vector<16xf32>
          %mul3A_369 = arith.mulf %max3A_368, %get3A_5 : vector<16xf32>
          %add3A_370 = arith.addf %add3A_348, %mul3A_369 : vector<16xf32>
          %get3A_371 = arith.constant 1 : i32
          %get3A_372 = arith.index_cast %get3A_371 : i32 to index
          %get3A_373 = arith.index_cast %while3A_304 : i32 to index
          %get3A_374 = arith.constant 48 : index
          %get3A_375 = tpu.vector_load %arg9[%get3A_372, %get3A_373, %get3A_374] {strides = array<i32>} : memref<3x96x128xf32, #tpu.memory_space<vmem>>, vector<16xf32>,
          %get3A_376 = arith.constant 1 : i32
          %get3A_377 = arith.index_cast %get3A_376 : i32 to index
          %get3A_378 = arith.index_cast %while3A_304 : i32 to index
          %get3A_379 = arith.constant 48 : index
          %get3A_380 = tpu.vector_load %arg10[%get3A_377, %get3A_378, %get3A_379] {strides = array<i32>} : memref<3x96x128xf32, #tpu.memory_space<vmem>>, vector<16xf32>,
          %add3A_381 = arith.addf %get3A_375, %get3A_380 : vector<16xf32>
          %get3A_382 = arith.constant 1 : i32
          %get3A_383 = arith.index_cast %get3A_382 : i32 to index
          %get3A_384 = arith.index_cast %while3A_304 : i32 to index
          %get3A_385 = arith.constant 48 : index
          %get3A_386 = tpu.vector_load %arg11[%get3A_383, %get3A_384, %get3A_385] {strides = array<i32>} : memref<3x96x128xf32, #tpu.memory_space<vmem>>, vector<16xf32>,
          %add3A_387 = arith.addf %add3A_381, %get3A_386 : vector<16xf32>
          %max3A_388 = arith.constant 0.000000e+00 : f32
          %max3A_389 = vector.broadcast %max3A_388 : f32 to vector<16xf32>
          %max3A_390 = arith.maximumf %add3A_387, %max3A_389 : vector<16xf32>
          %mul3A_391 = arith.mulf %max3A_390, %get3A_7 : vector<16xf32>
          %add3A_392 = arith.addf %add3A_370, %mul3A_391 : vector<16xf32>
          %get3A_393 = arith.constant 1 : i32
          %get3A_394 = arith.index_cast %get3A_393 : i32 to index
          %get3A_395 = arith.index_cast %while3A_304 : i32 to index
          %get3A_396 = arith.constant 64 : index
          %get3A_397 = tpu.vector_load %arg9[%get3A_394, %get3A_395, %get3A_396] {strides = array<i32>} : memref<3x96x128xf32, #tpu.memory_space<vmem>>, vector<16xf32>,
          %get3A_398 = arith.constant 1 : i32
          %get3A_399 = arith.index_cast %get3A_398 : i32 to index
          %get3A_400 = arith.index_cast %while3A_304 : i32 to index
          %get3A_401 = arith.constant 64 : index
          %get3A_402 = tpu.vector_load %arg10[%get3A_399, %get3A_400, %get3A_401] {strides = array<i32>} : memref<3x96x128xf32, #tpu.memory_space<vmem>>, vector<16xf32>,
          %add3A_403 = arith.addf %get3A_397, %get3A_402 : vector<16xf32>
          %get3A_404 = arith.constant 1 : i32
          %get3A_405 = arith.index_cast %get3A_404 : i32 to index
          %get3A_406 = arith.index_cast %while3A_304 : i32 to index
          %get3A_407 = arith.constant 64 : index
          %get3A_408 = tpu.vector_load %arg11[%get3A_405, %get3A_406, %get3A_407] {strides = array<i32>} : memref<3x96x128xf32, #tpu.memory_space<vmem>>, vector<16xf32>,
          %add3A_409 = arith.addf %add3A_403, %get3A_408 : vector<16xf32>
          %max3A_410 = arith.constant 0.000000e+00 : f32
          %max3A_411 = vector.broadcast %max3A_410 : f32 to vector<16xf32>
          %max3A_412 = arith.maximumf %add3A_409, %max3A_411 : vector<16xf32>
          %mul3A_413 = arith.mulf %max3A_412, %get3A_9 : vector<16xf32>
          %add3A_414 = arith.addf %add3A_392, %mul3A_413 : vector<16xf32>
          %get3A_415 = arith.constant 1 : i32
          %get3A_416 = arith.index_cast %get3A_415 : i32 to index
          %get3A_417 = arith.index_cast %while3A_304 : i32 to index
          %get3A_418 = arith.constant 80 : index
          %get3A_419 = tpu.vector_load %arg9[%get3A_416, %get3A_417, %get3A_418] {strides = array<i32>} : memref<3x96x128xf32, #tpu.memory_space<vmem>>, vector<16xf32>,
          %get3A_420 = arith.constant 1 : i32
          %get3A_421 = arith.index_cast %get3A_420 : i32 to index
          %get3A_422 = arith.index_cast %while3A_304 : i32 to index
          %get3A_423 = arith.constant 80 : index
          %get3A_424 = tpu.vector_load %arg10[%get3A_421, %get3A_422, %get3A_423] {strides = array<i32>} : memref<3x96x128xf32, #tpu.memory_space<vmem>>, vector<16xf32>,
          %add3A_425 = arith.addf %get3A_419, %get3A_424 : vector<16xf32>
          %get3A_426 = arith.constant 1 : i32
          %get3A_427 = arith.index_cast %get3A_426 : i32 to index
          %get3A_428 = arith.index_cast %while3A_304 : i32 to index
          %get3A_429 = arith.constant 80 : index
          %get3A_430 = tpu.vector_load %arg11[%get3A_427, %get3A_428, %get3A_429] {strides = array<i32>} : memref<3x96x128xf32, #tpu.memory_space<vmem>>, vector<16xf32>,
          %add3A_431 = arith.addf %add3A_425, %get3A_430 : vector<16xf32>
          %max3A_432 = arith.constant 0.000000e+00 : f32
          %max3A_433 = vector.broadcast %max3A_432 : f32 to vector<16xf32>
          %max3A_434 = arith.maximumf %add3A_431, %max3A_433 : vector<16xf32>
          %mul3A_435 = arith.mulf %max3A_434, %get3A_11 : vector<16xf32>
          %add3A_436 = arith.addf %add3A_414, %mul3A_435 : vector<16xf32>
          %get3A_437 = arith.constant 1 : i32
          %get3A_438 = arith.index_cast %get3A_437 : i32 to index
          %get3A_439 = arith.index_cast %while3A_304 : i32 to index
          %get3A_440 = arith.constant 96 : index
          %get3A_441 = tpu.vector_load %arg9[%get3A_438, %get3A_439, %get3A_440] {strides = array<i32>} : memref<3x96x128xf32, #tpu.memory_space<vmem>>, vector<16xf32>,
          %get3A_442 = arith.constant 1 : i32
          %get3A_443 = arith.index_cast %get3A_442 : i32 to index
          %get3A_444 = arith.index_cast %while3A_304 : i32 to index
          %get3A_445 = arith.constant 96 : index
          %get3A_446 = tpu.vector_load %arg10[%get3A_443, %get3A_444, %get3A_445] {strides = array<i32>} : memref<3x96x128xf32, #tpu.memory_space<vmem>>, vector<16xf32>,
          %add3A_447 = arith.addf %get3A_441, %get3A_446 : vector<16xf32>
          %get3A_448 = arith.constant 1 : i32
          %get3A_449 = arith.index_cast %get3A_448 : i32 to index
          %get3A_450 = arith.index_cast %while3A_304 : i32 to index
          %get3A_451 = arith.constant 96 : index
          %get3A_452 = tpu.vector_load %arg11[%get3A_449, %get3A_450, %get3A_451] {strides = array<i32>} : memref<3x96x128xf32, #tpu.memory_space<vmem>>, vector<16xf32>,
          %add3A_453 = arith.addf %add3A_447, %get3A_452 : vector<16xf32>
          %max3A_454 = arith.constant 0.000000e+00 : f32
          %max3A_455 = vector.broadcast %max3A_454 : f32 to vector<16xf32>
          %max3A_456 = arith.maximumf %add3A_453, %max3A_455 : vector<16xf32>
          %mul3A_457 = arith.mulf %max3A_456, %get3A_13 : vector<16xf32>
          %add3A_458 = arith.addf %add3A_436, %mul3A_457 : vector<16xf32>
          %get3A_459 = arith.constant 1 : i32
          %get3A_460 = arith.index_cast %get3A_459 : i32 to index
          %get3A_461 = arith.index_cast %while3A_304 : i32 to index
          %get3A_462 = arith.constant 112 : index
          %get3A_463 = tpu.vector_load %arg9[%get3A_460, %get3A_461, %get3A_462] {strides = array<i32>} : memref<3x96x128xf32, #tpu.memory_space<vmem>>, vector<16xf32>,
          %get3A_464 = arith.constant 1 : i32
          %get3A_465 = arith.index_cast %get3A_464 : i32 to index
          %get3A_466 = arith.index_cast %while3A_304 : i32 to index
          %get3A_467 = arith.constant 112 : index
          %get3A_468 = tpu.vector_load %arg10[%get3A_465, %get3A_466, %get3A_467] {strides = array<i32>} : memref<3x96x128xf32, #tpu.memory_space<vmem>>, vector<16xf32>,
          %add3A_469 = arith.addf %get3A_463, %get3A_468 : vector<16xf32>
          %get3A_470 = arith.constant 1 : i32
          %get3A_471 = arith.index_cast %get3A_470 : i32 to index
          %get3A_472 = arith.index_cast %while3A_304 : i32 to index
          %get3A_473 = arith.constant 112 : index
          %get3A_474 = tpu.vector_load %arg11[%get3A_471, %get3A_472, %get3A_473] {strides = array<i32>} : memref<3x96x128xf32, #tpu.memory_space<vmem>>, vector<16xf32>,
          %add3A_475 = arith.addf %add3A_469, %get3A_474 : vector<16xf32>
          %max3A_476 = arith.constant 0.000000e+00 : f32
          %max3A_477 = vector.broadcast %max3A_476 : f32 to vector<16xf32>
          %max3A_478 = arith.maximumf %add3A_475, %max3A_477 : vector<16xf32>
          %mul3A_479 = arith.mulf %max3A_478, %get3A_15 : vector<16xf32>
          %add3A_480 = arith.addf %add3A_458, %mul3A_479 : vector<16xf32>
          %reduce_sum3A = arith.constant true
          %reduce_sum3A_481 = vector.broadcast %reduce_sum3A : i1 to vector<16xi1>
          %reduce_sum3A_482 = tpu.scan <sum>, %add3A_480 masked %reduce_sum3A_481 : vector<16xf32>, vector<16xi1> -> vector<16xf32>
          %reduce_sum3A_483 = vector.extract %reduce_sum3A_482[15] : f32 from vector<16xf32>
          %rem3A = arith.constant 16 : i32
          %rem3A_484 = arith.remsi %while3A_304, %rem3A : i32
          %eq3A_485 = vector.broadcast %rem3A_484 : i32 to vector<16xi32>
          %eq3A_486 = arith.cmpi eq, %iota3A, %eq3A_485 : vector<16xi32>
          %broadcast_in_dim3A_487 = vector.broadcast %reduce_sum3A_483 : f32 to vector<16xf32>
          %select_n3A_488 = arith.select %eq3A_486, %broadcast_in_dim3A_487, %while3A_305 : vector<16xi1>, vector<16xf32>
          %eq3A_489 = arith.constant 15 : i32
          %eq3A_490 = arith.cmpi eq, %rem3A_484, %eq3A_489 : i32
          %convert_element_type3A_491 = arith.extui %eq3A_490 : i1 to i32
          %cond3A_492 = arith.constant 0 : i32
          %cond3A_493 = arith.cmpi ne, %convert_element_type3A_491, %cond3A_492 : i32
          scf.if %cond3A_493 {
            %sub3A_497 = arith.constant 15 : i32
            %sub3A_498 = arith.subi %while3A_304, %sub3A_497 : i32
            %swap3A = arith.constant 1 : i32
            %swap3A_499 = arith.index_cast %swap3A : i32 to index
            %swap3A_500 = arith.index_cast %sub3A_498 : i32 to index
            %swap3A_501 = tpu.vector_load %arg14[%swap3A_499, %swap3A_500] {strides = array<i32>} : memref<3x96xf32, #tpu.memory_space<vmem>>, vector<16xf32>,
            tpu.vector_store %arg14[%swap3A_499, %swap3A_500], %select_n3A_488 {strides = array<i32>} : memref<3x96xf32, #tpu.memory_space<vmem>>, vector<16xf32>,
          } else {
          }
          %eq3A_494 = arith.constant 15 : i32
          %eq3A_495 = arith.cmpi eq, %rem3A_484, %eq3A_494 : i32
          %select_n3A_496 = arith.select %eq3A_495, %get3A_17, %select_n3A_488 : vector<16xf32>
          scf.yield %select_n3A_496 : vector<16xf32>
        }
      } else {
      }
      %lt3A_121 = arith.constant 2083 : i32
      %lt3A_122 = arith.cmpi slt, %add3A_102, %lt3A_121 : i32
      %and3A_123 = arith.andi %ge3A_99, %lt3A_122 : i1
      %eq3A_124 = arith.constant 2083 : i32
      %eq3A_125 = arith.cmpi eq, %add3A_102, %eq3A_124 : i32
      %and3A_126 = arith.andi %ge3A_99, %eq3A_125 : i1
      %convert_element_type3A_127 = arith.extui %and3A_123 : i1 to i32
      %cond3A_128 = arith.constant 0 : i32
      %cond3A_129 = arith.cmpi ne, %convert_element_type3A_127, %cond3A_128 : i32
      scf.if %cond3A_129 {
        %mul3A_291 = arith.constant 32 : i32
        %mul3A_292 = arith.muli %sub3A_97, %mul3A_291 : i32
        %add3A_293 = arith.addi %mul3A_292, %add3A : i32
        %mul3A_294 = arith.constant 96 : i32
        %mul3A_295 = arith.muli %add3A_293, %mul3A_294 : i32
        %dma_start3A = arith.constant 1 : i32
        %dma_start3A_296 = arith.constant 0 : i32
        %dma_start3A_297 = tpu.memref_slice %arg14[%dma_start3A, %dma_start3A_296] : memref<3x96xf32, #tpu.memory_space<vmem>> -> memref<1x96xf32, #tpu.memory_space<vmem>>
        %dma_start3A_298 = tpu.memref_squeeze %dma_start3A_297 : memref<1x96xf32, #tpu.memory_space<vmem>> -> memref<96xf32, #tpu.memory_space<vmem>>
        %dma_start3A_299 = tpu.memref_slice %arg8[%mul3A_295] : memref<200000xf32, #tpu.memory_space<hbm>> -> memref<96xf32, #tpu.memory_space<hbm>>
        %dma_start3A_300 = tpu.memref_slice %arg8[%mul3A_295] : memref<200000xf32, #tpu.memory_space<hbm>> -> memref<96xf32, #tpu.memory_space<hbm>>
        %dma_start3A_301 = arith.constant 0 : i32
        %dma_start3A_302 = tpu.memref_slice %arg14[%dma_start3A, %dma_start3A_301] : memref<3x96xf32, #tpu.memory_space<vmem>> -> memref<1x96xf32, #tpu.memory_space<vmem>>
        %dma_start3A_303 = tpu.memref_squeeze %dma_start3A_302 : memref<1x96xf32, #tpu.memory_space<vmem>> -> memref<96xf32, #tpu.memory_space<vmem>>
        tpu.enqueue_dma source(%dma_start3A_303 : memref<96xf32, #tpu.memory_space<vmem>>) target(%dma_start3A_300 : memref<96xf32, #tpu.memory_space<hbm>>) target_semaphore(%arg29 : memref<!tpu.dma_semaphore, #tpu.memory_space<semaphore_mem>>)
      } else {
      }
      %convert_element_type3A_130 = arith.extui %and3A_126 : i1 to i32
      %cond3A_131 = arith.constant 0 : i32
      %cond3A_132 = arith.cmpi ne, %convert_element_type3A_130, %cond3A_131 : i32
      scf.if %cond3A_132 {
        %mul3A_291 = arith.constant 32 : i32
        %mul3A_292 = arith.muli %sub3A_97, %mul3A_291 : i32
        %add3A_293 = arith.addi %mul3A_292, %add3A : i32
        %mul3A_294 = arith.constant 96 : i32
        %mul3A_295 = arith.muli %add3A_293, %mul3A_294 : i32
        %dma_start3A = arith.constant 1 : i32
        %dma_start3A_296 = arith.constant 0 : i32
        %dma_start3A_297 = tpu.memref_slice %arg14[%dma_start3A, %dma_start3A_296] : memref<3x96xf32, #tpu.memory_space<vmem>> -> memref<1x32xf32, #tpu.memory_space<vmem>>
        %dma_start3A_298 = tpu.memref_squeeze %dma_start3A_297 : memref<1x32xf32, #tpu.memory_space<vmem>> -> memref<32xf32, #tpu.memory_space<vmem>>
        %dma_start3A_299 = tpu.memref_slice %arg8[%mul3A_295] : memref<200000xf32, #tpu.memory_space<hbm>> -> memref<32xf32, #tpu.memory_space<hbm>>
        %dma_start3A_300 = tpu.memref_slice %arg8[%mul3A_295] : memref<200000xf32, #tpu.memory_space<hbm>> -> memref<32xf32, #tpu.memory_space<hbm>>
        %dma_start3A_301 = arith.constant 0 : i32
        %dma_start3A_302 = tpu.memref_slice %arg14[%dma_start3A, %dma_start3A_301] : memref<3x96xf32, #tpu.memory_space<vmem>> -> memref<1x32xf32, #tpu.memory_space<vmem>>
        %dma_start3A_303 = tpu.memref_squeeze %dma_start3A_302 : memref<1x32xf32, #tpu.memory_space<vmem>> -> memref<32xf32, #tpu.memory_space<vmem>>
        tpu.enqueue_dma source(%dma_start3A_303 : memref<32xf32, #tpu.memory_space<vmem>>) target(%dma_start3A_300 : memref<32xf32, #tpu.memory_space<hbm>>) target_semaphore(%arg29 : memref<!tpu.dma_semaphore, #tpu.memory_space<semaphore_mem>>)
      } else {
      }
      %add3A_133 = arith.constant 1 : i32
      %add3A_134 = arith.addi %mul3A_57, %add3A_133 : i32
      %sub3A_135 = arith.constant 1 : i32
      %sub3A_136 = arith.subi %add3A_134, %sub3A_135 : i32
      %ge3A_137 = arith.constant 0 : i32
      %ge3A_138 = arith.cmpi sge, %sub3A_136, %ge3A_137 : i32
      %mul3A_139 = arith.constant 32 : i32
      %mul3A_140 = arith.muli %sub3A_136, %mul3A_139 : i32
      %add3A_141 = arith.addi %mul3A_140, %add3A : i32
      %lt3A_142 = arith.constant 2083 : i32
      %lt3A_143 = arith.cmpi slt, %add3A_141, %lt3A_142 : i32
      %and3A_144 = arith.andi %ge3A_138, %lt3A_143 : i1
      %eq3A_145 = arith.constant 2083 : i32
      %eq3A_146 = arith.cmpi eq, %add3A_141, %eq3A_145 : i32
      %and3A_147 = arith.andi %ge3A_138, %eq3A_146 : i1
      %convert_element_type3A_148 = arith.extui %and3A_144 : i1 to i32
      %cond3A_149 = arith.constant 0 : i32
      %cond3A_150 = arith.cmpi ne, %convert_element_type3A_148, %cond3A_149 : i32
      scf.if %cond3A_150 {
        %mul3A_291 = arith.constant 32 : i32
        %mul3A_292 = arith.muli %sub3A_136, %mul3A_291 : i32
        %add3A_293 = arith.addi %mul3A_292, %add3A : i32
        %mul3A_294 = arith.constant 96 : i32
        %mul3A_295 = arith.muli %add3A_293, %mul3A_294 : i32
        %dma_wait3A_296 = arith.constant 0 : i32
        %dma_wait3A_297 = arith.constant 0 : i32
        %dma_wait3A_298 = tpu.memref_slice %arg12[%dma_wait3A_296, %dma_wait3A_297] : memref<3x96xi32, #tpu.memory_space<vmem>> -> memref<1x96xi32, #tpu.memory_space<vmem>>
        %dma_wait3A_299 = tpu.memref_squeeze %dma_wait3A_298 : memref<1x96xi32, #tpu.memory_space<vmem>> -> memref<96xi32, #tpu.memory_space<vmem>>
        %dma_wait3A_300 = tpu.memref_slice %arg4[%mul3A_295] : memref<200000xi32, #tpu.memory_space<hbm>> -> memref<96xi32, #tpu.memory_space<hbm>>
        %dma_wait3A_301 = arith.constant 0 : i32
        %dma_wait3A_302 = tpu.memref_slice %arg12[%dma_wait3A_296, %dma_wait3A_301] : memref<3x96xi32, #tpu.memory_space<vmem>> -> memref<1x96xi32, #tpu.memory_space<vmem>>
        %dma_wait3A_303 = tpu.memref_squeeze %dma_wait3A_302 : memref<1x96xi32, #tpu.memory_space<vmem>> -> memref<96xi32, #tpu.memory_space<vmem>>
        %dma_wait3A_304 = tpu.memref_slice %arg4[%mul3A_295] : memref<200000xi32, #tpu.memory_space<hbm>> -> memref<96xi32, #tpu.memory_space<hbm>>
        tpu.wait_dma2 semaphore(%arg16 : memref<!tpu.dma_semaphore, #tpu.memory_space<semaphore_mem>>) src(%dma_wait3A_304 : memref<96xi32, #tpu.memory_space<hbm>>) dst(%dma_wait3A_303 : memref<96xi32, #tpu.memory_space<vmem>>)
        %mul3A_305 = arith.constant 32 : i32
        %mul3A_306 = arith.muli %sub3A_136, %mul3A_305 : i32
        %add3A_307 = arith.addi %mul3A_306, %add3A : i32
        %mul3A_308 = arith.constant 96 : i32
        %mul3A_309 = arith.muli %add3A_307, %mul3A_308 : i32
        %dma_wait3A_310 = arith.constant 0 : i32
        %dma_wait3A_311 = arith.constant 0 : i32
        %dma_wait3A_312 = tpu.memref_slice %arg13[%dma_wait3A_310, %dma_wait3A_311] : memref<3x96xi32, #tpu.memory_space<vmem>> -> memref<1x96xi32, #tpu.memory_space<vmem>>
        %dma_wait3A_313 = tpu.memref_squeeze %dma_wait3A_312 : memref<1x96xi32, #tpu.memory_space<vmem>> -> memref<96xi32, #tpu.memory_space<vmem>>
        %dma_wait3A_314 = tpu.memref_slice %arg5[%mul3A_309] : memref<200000xi32, #tpu.memory_space<hbm>> -> memref<96xi32, #tpu.memory_space<hbm>>
        %dma_wait3A_315 = arith.constant 0 : i32
        %dma_wait3A_316 = tpu.memref_slice %arg13[%dma_wait3A_310, %dma_wait3A_315] : memref<3x96xi32, #tpu.memory_space<vmem>> -> memref<1x96xi32, #tpu.memory_space<vmem>>
        %dma_wait3A_317 = tpu.memref_squeeze %dma_wait3A_316 : memref<1x96xi32, #tpu.memory_space<vmem>> -> memref<96xi32, #tpu.memory_space<vmem>>
        %dma_wait3A_318 = tpu.memref_slice %arg5[%mul3A_309] : memref<200000xi32, #tpu.memory_space<hbm>> -> memref<96xi32, #tpu.memory_space<hbm>>
        tpu.wait_dma2 semaphore(%arg16 : memref<!tpu.dma_semaphore, #tpu.memory_space<semaphore_mem>>) src(%dma_wait3A_318 : memref<96xi32, #tpu.memory_space<hbm>>) dst(%dma_wait3A_317 : memref<96xi32, #tpu.memory_space<vmem>>)
        %dma_start3A = arith.constant 0 : i32
        %dma_start3A_319 = arith.constant 0 : i32
        %dma_start3A_320 = arith.constant 0 : i32
        %dma_start3A_321 = arith.constant 0 : i32
        %dma_start3A_322 = tpu.memref_slice %arg9[%dma_start3A_319, %dma_start3A_320, %dma_start3A_321] : memref<3x96x128xf32, #tpu.memory_space<vmem>> -> memref<1x96x128xf32, #tpu.memory_space<vmem>>
        %dma_start3A_323 = tpu.memref_squeeze %dma_start3A_322 : memref<1x96x128xf32, #tpu.memory_space<vmem>> -> memref<96x128xf32, #tpu.memory_space<vmem>>
        %dma_start3A_324 = arith.constant 0 : i32
        %dma_start3A_325 = tpu.memref_slice %arg12[%dma_start3A, %dma_start3A_324] : memref<3x96xi32, #tpu.memory_space<vmem>> -> memref<1x96xi32, #tpu.memory_space<vmem>>
        %dma_start3A_326 = tpu.memref_squeeze %dma_start3A_325 : memref<1x96xi32, #tpu.memory_space<vmem>> -> memref<96xi32, #tpu.memory_space<vmem>>
        %dma_start3A_327 = arith.constant 0 : i32
        %dma_start3A_328 = arith.constant 0 : i32
        %dma_start3A_329 = tpu.memref_slice %arg2[%dma_start3A_327, %dma_start3A_328] : memref<10000x128xf32, #tpu.memory_space<hbm>> -> memref<10000x128xf32, #tpu.memory_space<hbm>>
        tpu.enqueue_indirect_dma source(%dma_start3A_329 : memref<10000x128xf32, #tpu.memory_space<hbm>>) target(%dma_start3A_323 : memref<96x128xf32, #tpu.memory_space<vmem>>) offsets(%dma_start3A_326 : memref<96xi32, #tpu.memory_space<vmem>>) semaphore(%arg22 : memref<!tpu.dma_semaphore, #tpu.memory_space<semaphore_mem>>)
        %dma_start3A_330 = arith.constant 0 : i32
        %dma_start3A_331 = arith.constant 0 : i32
        %dma_start3A_332 = arith.constant 0 : i32
        %dma_start3A_333 = arith.constant 0 : i32
        %dma_start3A_334 = tpu.memref_slice %arg10[%dma_start3A_331, %dma_start3A_332, %dma_start3A_333] : memref<3x96x128xf32, #tpu.memory_space<vmem>> -> memref<1x96x128xf32, #tpu.memory_space<vmem>>
        %dma_start3A_335 = tpu.memref_squeeze %dma_start3A_334 : memref<1x96x128xf32, #tpu.memory_space<vmem>> -> memref<96x128xf32, #tpu.memory_space<vmem>>
        %dma_start3A_336 = arith.constant 0 : i32
        %dma_start3A_337 = tpu.memref_slice %arg13[%dma_start3A_330, %dma_start3A_336] : memref<3x96xi32, #tpu.memory_space<vmem>> -> memref<1x96xi32, #tpu.memory_space<vmem>>
        %dma_start3A_338 = tpu.memref_squeeze %dma_start3A_337 : memref<1x96xi32, #tpu.memory_space<vmem>> -> memref<96xi32, #tpu.memory_space<vmem>>
        %dma_start3A_339 = arith.constant 0 : i32
        %dma_start3A_340 = arith.constant 0 : i32
        %dma_start3A_341 = tpu.memref_slice %arg3[%dma_start3A_339, %dma_start3A_340] : memref<10000x128xf32, #tpu.memory_space<hbm>> -> memref<10000x128xf32, #tpu.memory_space<hbm>>
        tpu.enqueue_indirect_dma source(%dma_start3A_341 : memref<10000x128xf32, #tpu.memory_space<hbm>>) target(%dma_start3A_335 : memref<96x128xf32, #tpu.memory_space<vmem>>) offsets(%dma_start3A_338 : memref<96xi32, #tpu.memory_space<vmem>>) semaphore(%arg25 : memref<!tpu.dma_semaphore, #tpu.memory_space<semaphore_mem>>)
      } else {
      }
      %convert_element_type3A_151 = arith.extui %and3A_147 : i1 to i32
      %cond3A_152 = arith.constant 0 : i32
      %cond3A_153 = arith.cmpi ne, %convert_element_type3A_151, %cond3A_152 : i32
      scf.if %cond3A_153 {
        %mul3A_291 = arith.constant 32 : i32
        %mul3A_292 = arith.muli %sub3A_136, %mul3A_291 : i32
        %add3A_293 = arith.addi %mul3A_292, %add3A : i32
        %mul3A_294 = arith.constant 96 : i32
        %mul3A_295 = arith.muli %add3A_293, %mul3A_294 : i32
        %dma_wait3A_296 = arith.constant 0 : i32
        %dma_wait3A_297 = arith.constant 0 : i32
        %dma_wait3A_298 = tpu.memref_slice %arg12[%dma_wait3A_296, %dma_wait3A_297] : memref<3x96xi32, #tpu.memory_space<vmem>> -> memref<1x32xi32, #tpu.memory_space<vmem>>
        %dma_wait3A_299 = tpu.memref_squeeze %dma_wait3A_298 : memref<1x32xi32, #tpu.memory_space<vmem>> -> memref<32xi32, #tpu.memory_space<vmem>>
        %dma_wait3A_300 = tpu.memref_slice %arg4[%mul3A_295] : memref<200000xi32, #tpu.memory_space<hbm>> -> memref<32xi32, #tpu.memory_space<hbm>>
        %dma_wait3A_301 = arith.constant 0 : i32
        %dma_wait3A_302 = tpu.memref_slice %arg12[%dma_wait3A_296, %dma_wait3A_301] : memref<3x96xi32, #tpu.memory_space<vmem>> -> memref<1x32xi32, #tpu.memory_space<vmem>>
        %dma_wait3A_303 = tpu.memref_squeeze %dma_wait3A_302 : memref<1x32xi32, #tpu.memory_space<vmem>> -> memref<32xi32, #tpu.memory_space<vmem>>
        %dma_wait3A_304 = tpu.memref_slice %arg4[%mul3A_295] : memref<200000xi32, #tpu.memory_space<hbm>> -> memref<32xi32, #tpu.memory_space<hbm>>
        tpu.wait_dma2 semaphore(%arg16 : memref<!tpu.dma_semaphore, #tpu.memory_space<semaphore_mem>>) src(%dma_wait3A_304 : memref<32xi32, #tpu.memory_space<hbm>>) dst(%dma_wait3A_303 : memref<32xi32, #tpu.memory_space<vmem>>)
        %mul3A_305 = arith.constant 32 : i32
        %mul3A_306 = arith.muli %sub3A_136, %mul3A_305 : i32
        %add3A_307 = arith.addi %mul3A_306, %add3A : i32
        %mul3A_308 = arith.constant 96 : i32
        %mul3A_309 = arith.muli %add3A_307, %mul3A_308 : i32
        %dma_wait3A_310 = arith.constant 0 : i32
        %dma_wait3A_311 = arith.constant 0 : i32
        %dma_wait3A_312 = tpu.memref_slice %arg13[%dma_wait3A_310, %dma_wait3A_311] : memref<3x96xi32, #tpu.memory_space<vmem>> -> memref<1x32xi32, #tpu.memory_space<vmem>>
        %dma_wait3A_313 = tpu.memref_squeeze %dma_wait3A_312 : memref<1x32xi32, #tpu.memory_space<vmem>> -> memref<32xi32, #tpu.memory_space<vmem>>
        %dma_wait3A_314 = tpu.memref_slice %arg5[%mul3A_309] : memref<200000xi32, #tpu.memory_space<hbm>> -> memref<32xi32, #tpu.memory_space<hbm>>
        %dma_wait3A_315 = arith.constant 0 : i32
        %dma_wait3A_316 = tpu.memref_slice %arg13[%dma_wait3A_310, %dma_wait3A_315] : memref<3x96xi32, #tpu.memory_space<vmem>> -> memref<1x32xi32, #tpu.memory_space<vmem>>
        %dma_wait3A_317 = tpu.memref_squeeze %dma_wait3A_316 : memref<1x32xi32, #tpu.memory_space<vmem>> -> memref<32xi32, #tpu.memory_space<vmem>>
        %dma_wait3A_318 = tpu.memref_slice %arg5[%mul3A_309] : memref<200000xi32, #tpu.memory_space<hbm>> -> memref<32xi32, #tpu.memory_space<hbm>>
        tpu.wait_dma2 semaphore(%arg16 : memref<!tpu.dma_semaphore, #tpu.memory_space<semaphore_mem>>) src(%dma_wait3A_318 : memref<32xi32, #tpu.memory_space<hbm>>) dst(%dma_wait3A_317 : memref<32xi32, #tpu.memory_space<vmem>>)
        %dma_start3A = arith.constant 0 : i32
        %dma_start3A_319 = arith.constant 0 : i32
        %dma_start3A_320 = arith.constant 0 : i32
        %dma_start3A_321 = arith.constant 0 : i32
        %dma_start3A_322 = tpu.memref_slice %arg9[%dma_start3A_319, %dma_start3A_320, %dma_start3A_321] : memref<3x96x128xf32, #tpu.memory_space<vmem>> -> memref<1x32x128xf32, #tpu.memory_space<vmem>>
        %dma_start3A_323 = tpu.memref_squeeze %dma_start3A_322 : memref<1x32x128xf32, #tpu.memory_space<vmem>> -> memref<32x128xf32, #tpu.memory_space<vmem>>
        %dma_start3A_324 = arith.constant 0 : i32
        %dma_start3A_325 = tpu.memref_slice %arg12[%dma_start3A, %dma_start3A_324] : memref<3x96xi32, #tpu.memory_space<vmem>> -> memref<1x32xi32, #tpu.memory_space<vmem>>
        %dma_start3A_326 = tpu.memref_squeeze %dma_start3A_325 : memref<1x32xi32, #tpu.memory_space<vmem>> -> memref<32xi32, #tpu.memory_space<vmem>>
        %dma_start3A_327 = arith.constant 0 : i32
        %dma_start3A_328 = arith.constant 0 : i32
        %dma_start3A_329 = tpu.memref_slice %arg2[%dma_start3A_327, %dma_start3A_328] : memref<10000x128xf32, #tpu.memory_space<hbm>> -> memref<10000x128xf32, #tpu.memory_space<hbm>>
        tpu.enqueue_indirect_dma source(%dma_start3A_329 : memref<10000x128xf32, #tpu.memory_space<hbm>>) target(%dma_start3A_323 : memref<32x128xf32, #tpu.memory_space<vmem>>) offsets(%dma_start3A_326 : memref<32xi32, #tpu.memory_space<vmem>>) semaphore(%arg22 : memref<!tpu.dma_semaphore, #tpu.memory_space<semaphore_mem>>)
        %dma_start3A_330 = arith.constant 0 : i32
        %dma_start3A_331 = arith.constant 0 : i32
        %dma_start3A_332 = arith.constant 0 : i32
        %dma_start3A_333 = arith.constant 0 : i32
        %dma_start3A_334 = tpu.memref_slice %arg10[%dma_start3A_331, %dma_start3A_332, %dma_start3A_333] : memref<3x96x128xf32, #tpu.memory_space<vmem>> -> memref<1x32x128xf32, #tpu.memory_space<vmem>>
        %dma_start3A_335 = tpu.memref_squeeze %dma_start3A_334 : memref<1x32x128xf32, #tpu.memory_space<vmem>> -> memref<32x128xf32, #tpu.memory_space<vmem>>
        %dma_start3A_336 = arith.constant 0 : i32
        %dma_start3A_337 = tpu.memref_slice %arg13[%dma_start3A_330, %dma_start3A_336] : memref<3x96xi32, #tpu.memory_space<vmem>> -> memref<1x32xi32, #tpu.memory_space<vmem>>
        %dma_start3A_338 = tpu.memref_squeeze %dma_start3A_337 : memref<1x32xi32, #tpu.memory_space<vmem>> -> memref<32xi32, #tpu.memory_space<vmem>>
        %dma_start3A_339 = arith.constant 0 : i32
        %dma_start3A_340 = arith.constant 0 : i32
        %dma_start3A_341 = tpu.memref_slice %arg3[%dma_start3A_339, %dma_start3A_340] : memref<10000x128xf32, #tpu.memory_space<hbm>> -> memref<10000x128xf32, #tpu.memory_space<hbm>>
        tpu.enqueue_indirect_dma source(%dma_start3A_341 : memref<10000x128xf32, #tpu.memory_space<hbm>>) target(%dma_start3A_335 : memref<32x128xf32, #tpu.memory_space<vmem>>) offsets(%dma_start3A_338 : memref<32xi32, #tpu.memory_space<vmem>>) semaphore(%arg25 : memref<!tpu.dma_semaphore, #tpu.memory_space<semaphore_mem>>)
      } else {
      }
      %mul3A_154 = arith.constant 32 : i32
      %mul3A_155 = arith.muli %add3A_134, %mul3A_154 : i32
      %add3A_156 = arith.addi %mul3A_155, %add3A : i32
      %ge3A_157 = arith.constant 3 : i32
      %ge3A_158 = arith.cmpi sge, %add3A_134, %ge3A_157 : i32
      %lt3A_159 = arith.constant 2084 : i32
      %lt3A_160 = arith.cmpi slt, %add3A_156, %lt3A_159 : i32
      %and3A_161 = arith.andi %ge3A_158, %lt3A_160 : i1
      %convert_element_type3A_162 = arith.extui %and3A_161 : i1 to i32
      %cond3A_163 = arith.constant 0 : i32
      %cond3A_164 = arith.cmpi ne, %convert_element_type3A_162, %cond3A_163 : i32
      scf.if %cond3A_164 {
        %sub3A_291 = arith.constant 3 : i32
        %sub3A_292 = arith.subi %add3A_134, %sub3A_291 : i32
        %mul3A_293 = arith.constant 32 : i32
        %mul3A_294 = arith.muli %sub3A_292, %mul3A_293 : i32
        %add3A_295 = arith.addi %mul3A_294, %add3A : i32
        %mul3A_296 = arith.constant 96 : i32
        %mul3A_297 = arith.muli %add3A_295, %mul3A_296 : i32
        %dma_wait3A_298 = arith.constant 1 : i32
        %dma_wait3A_299 = arith.constant 0 : i32
        %dma_wait3A_300 = tpu.memref_slice %arg14[%dma_wait3A_298, %dma_wait3A_299] : memref<3x96xf32, #tpu.memory_space<vmem>> -> memref<1x96xf32, #tpu.memory_space<vmem>>
        %dma_wait3A_301 = tpu.memref_squeeze %dma_wait3A_300 : memref<1x96xf32, #tpu.memory_space<vmem>> -> memref<96xf32, #tpu.memory_space<vmem>>
        %dma_wait3A_302 = tpu.memref_slice %arg8[%mul3A_297] : memref<200000xf32, #tpu.memory_space<hbm>> -> memref<96xf32, #tpu.memory_space<hbm>>
        %dma_wait3A_303 = tpu.memref_slice %arg8[%mul3A_297] : memref<200000xf32, #tpu.memory_space<hbm>> -> memref<96xf32, #tpu.memory_space<hbm>>
        %dma_wait3A_304 = arith.constant 0 : i32
        %dma_wait3A_305 = tpu.memref_slice %arg14[%dma_wait3A_298, %dma_wait3A_304] : memref<3x96xf32, #tpu.memory_space<vmem>> -> memref<1x96xf32, #tpu.memory_space<vmem>>
        %dma_wait3A_306 = tpu.memref_squeeze %dma_wait3A_305 : memref<1x96xf32, #tpu.memory_space<vmem>> -> memref<96xf32, #tpu.memory_space<vmem>>
        tpu.wait_dma2 semaphore(%arg29 : memref<!tpu.dma_semaphore, #tpu.memory_space<semaphore_mem>>) src(%dma_wait3A_306 : memref<96xf32, #tpu.memory_space<vmem>>) dst(%dma_wait3A_303 : memref<96xf32, #tpu.memory_space<hbm>>)
      } else {
      }
      %lt3A_165 = arith.constant 2083 : i32
      %lt3A_166 = arith.cmpi slt, %add3A_156, %lt3A_165 : i32
      %eq3A_167 = arith.constant 2083 : i32
      %eq3A_168 = arith.cmpi eq, %add3A_156, %eq3A_167 : i32
      %convert_element_type3A_169 = arith.extui %lt3A_166 : i1 to i32
      %cond3A_170 = arith.constant 0 : i32
      %cond3A_171 = arith.cmpi ne, %convert_element_type3A_169, %cond3A_170 : i32
      scf.if %cond3A_171 {
        %mul3A_291 = arith.constant 32 : i32
        %mul3A_292 = arith.muli %add3A_134, %mul3A_291 : i32
        %add3A_293 = arith.addi %mul3A_292, %add3A : i32
        %mul3A_294 = arith.constant 96 : i32
        %mul3A_295 = arith.muli %add3A_293, %mul3A_294 : i32
        %dma_start3A = arith.constant 1 : i32
        %dma_start3A_296 = arith.constant 0 : i32
        %dma_start3A_297 = tpu.memref_slice %arg12[%dma_start3A, %dma_start3A_296] : memref<3x96xi32, #tpu.memory_space<vmem>> -> memref<1x96xi32, #tpu.memory_space<vmem>>
        %dma_start3A_298 = tpu.memref_squeeze %dma_start3A_297 : memref<1x96xi32, #tpu.memory_space<vmem>> -> memref<96xi32, #tpu.memory_space<vmem>>
        %dma_start3A_299 = tpu.memref_slice %arg4[%mul3A_295] : memref<200000xi32, #tpu.memory_space<hbm>> -> memref<96xi32, #tpu.memory_space<hbm>>
        %dma_start3A_300 = arith.constant 0 : i32
        %dma_start3A_301 = tpu.memref_slice %arg12[%dma_start3A, %dma_start3A_300] : memref<3x96xi32, #tpu.memory_space<vmem>> -> memref<1x96xi32, #tpu.memory_space<vmem>>
        %dma_start3A_302 = tpu.memref_squeeze %dma_start3A_301 : memref<1x96xi32, #tpu.memory_space<vmem>> -> memref<96xi32, #tpu.memory_space<vmem>>
        %dma_start3A_303 = tpu.memref_slice %arg4[%mul3A_295] : memref<200000xi32, #tpu.memory_space<hbm>> -> memref<96xi32, #tpu.memory_space<hbm>>
        tpu.enqueue_dma source(%dma_start3A_303 : memref<96xi32, #tpu.memory_space<hbm>>) target(%dma_start3A_302 : memref<96xi32, #tpu.memory_space<vmem>>) target_semaphore(%arg17 : memref<!tpu.dma_semaphore, #tpu.memory_space<semaphore_mem>>)
        %mul3A_304 = arith.constant 32 : i32
        %mul3A_305 = arith.muli %add3A_134, %mul3A_304 : i32
        %add3A_306 = arith.addi %mul3A_305, %add3A : i32
        %mul3A_307 = arith.constant 96 : i32
        %mul3A_308 = arith.muli %add3A_306, %mul3A_307 : i32
        %dma_start3A_309 = arith.constant 1 : i32
        %dma_start3A_310 = arith.constant 0 : i32
        %dma_start3A_311 = tpu.memref_slice %arg13[%dma_start3A_309, %dma_start3A_310] : memref<3x96xi32, #tpu.memory_space<vmem>> -> memref<1x96xi32, #tpu.memory_space<vmem>>
        %dma_start3A_312 = tpu.memref_squeeze %dma_start3A_311 : memref<1x96xi32, #tpu.memory_space<vmem>> -> memref<96xi32, #tpu.memory_space<vmem>>
        %dma_start3A_313 = tpu.memref_slice %arg5[%mul3A_308] : memref<200000xi32, #tpu.memory_space<hbm>> -> memref<96xi32, #tpu.memory_space<hbm>>
        %dma_start3A_314 = arith.constant 0 : i32
        %dma_start3A_315 = tpu.memref_slice %arg13[%dma_start3A_309, %dma_start3A_314] : memref<3x96xi32, #tpu.memory_space<vmem>> -> memref<1x96xi32, #tpu.memory_space<vmem>>
        %dma_start3A_316 = tpu.memref_squeeze %dma_start3A_315 : memref<1x96xi32, #tpu.memory_space<vmem>> -> memref<96xi32, #tpu.memory_space<vmem>>
        %dma_start3A_317 = tpu.memref_slice %arg5[%mul3A_308] : memref<200000xi32, #tpu.memory_space<hbm>> -> memref<96xi32, #tpu.memory_space<hbm>>
        tpu.enqueue_dma source(%dma_start3A_317 : memref<96xi32, #tpu.memory_space<hbm>>) target(%dma_start3A_316 : memref<96xi32, #tpu.memory_space<vmem>>) target_semaphore(%arg17 : memref<!tpu.dma_semaphore, #tpu.memory_space<semaphore_mem>>)
        %mul3A_318 = arith.constant 32 : i32
        %mul3A_319 = arith.muli %add3A_134, %mul3A_318 : i32
        %add3A_320 = arith.addi %mul3A_319, %add3A : i32
        %mul3A_321 = arith.constant 96 : i32
        %mul3A_322 = arith.muli %add3A_320, %mul3A_321 : i32
        %dma_start3A_323 = arith.constant 1 : i32
        %dma_start3A_324 = arith.constant 0 : i32
        %dma_start3A_325 = arith.constant 0 : i32
        %dma_start3A_326 = tpu.memref_slice %arg11[%dma_start3A_323, %dma_start3A_324, %dma_start3A_325] : memref<3x96x128xf32, #tpu.memory_space<vmem>> -> memref<1x96x128xf32, #tpu.memory_space<vmem>>
        %dma_start3A_327 = tpu.memref_squeeze %dma_start3A_326 : memref<1x96x128xf32, #tpu.memory_space<vmem>> -> memref<96x128xf32, #tpu.memory_space<vmem>>
        %dma_start3A_328 = arith.constant 0 : i32
        %dma_start3A_329 = tpu.memref_slice %arg6[%mul3A_322, %dma_start3A_328] : memref<200000x128xf32, #tpu.memory_space<hbm>> -> memref<96x128xf32, #tpu.memory_space<hbm>>
        %dma_start3A_330 = arith.constant 0 : i32
        %dma_start3A_331 = arith.constant 0 : i32
        %dma_start3A_332 = tpu.memref_slice %arg11[%dma_start3A_323, %dma_start3A_330, %dma_start3A_331] : memref<3x96x128xf32, #tpu.memory_space<vmem>> -> memref<1x96x128xf32, #tpu.memory_space<vmem>>
        %dma_start3A_333 = tpu.memref_squeeze %dma_start3A_332 : memref<1x96x128xf32, #tpu.memory_space<vmem>> -> memref<96x128xf32, #tpu.memory_space<vmem>>
        %dma_start3A_334 = arith.constant 0 : i32
        %dma_start3A_335 = tpu.memref_slice %arg6[%mul3A_322, %dma_start3A_334] : memref<200000x128xf32, #tpu.memory_space<hbm>> -> memref<96x128xf32, #tpu.memory_space<hbm>>
        tpu.enqueue_dma source(%dma_start3A_335 : memref<96x128xf32, #tpu.memory_space<hbm>>) target(%dma_start3A_333 : memref<96x128xf32, #tpu.memory_space<vmem>>) target_semaphore(%arg20 : memref<!tpu.dma_semaphore, #tpu.memory_space<semaphore_mem>>)
      } else {
      }
      %convert_element_type3A_172 = arith.extui %eq3A_168 : i1 to i32
      %cond3A_173 = arith.constant 0 : i32
      %cond3A_174 = arith.cmpi ne, %convert_element_type3A_172, %cond3A_173 : i32
      scf.if %cond3A_174 {
        %mul3A_291 = arith.constant 32 : i32
        %mul3A_292 = arith.muli %add3A_134, %mul3A_291 : i32
        %add3A_293 = arith.addi %mul3A_292, %add3A : i32
        %mul3A_294 = arith.constant 96 : i32
        %mul3A_295 = arith.muli %add3A_293, %mul3A_294 : i32
        %dma_start3A = arith.constant 1 : i32
        %dma_start3A_296 = arith.constant 0 : i32
        %dma_start3A_297 = tpu.memref_slice %arg12[%dma_start3A, %dma_start3A_296] : memref<3x96xi32, #tpu.memory_space<vmem>> -> memref<1x32xi32, #tpu.memory_space<vmem>>
        %dma_start3A_298 = tpu.memref_squeeze %dma_start3A_297 : memref<1x32xi32, #tpu.memory_space<vmem>> -> memref<32xi32, #tpu.memory_space<vmem>>
        %dma_start3A_299 = tpu.memref_slice %arg4[%mul3A_295] : memref<200000xi32, #tpu.memory_space<hbm>> -> memref<32xi32, #tpu.memory_space<hbm>>
        %dma_start3A_300 = arith.constant 0 : i32
        %dma_start3A_301 = tpu.memref_slice %arg12[%dma_start3A, %dma_start3A_300] : memref<3x96xi32, #tpu.memory_space<vmem>> -> memref<1x32xi32, #tpu.memory_space<vmem>>
        %dma_start3A_302 = tpu.memref_squeeze %dma_start3A_301 : memref<1x32xi32, #tpu.memory_space<vmem>> -> memref<32xi32, #tpu.memory_space<vmem>>
        %dma_start3A_303 = tpu.memref_slice %arg4[%mul3A_295] : memref<200000xi32, #tpu.memory_space<hbm>> -> memref<32xi32, #tpu.memory_space<hbm>>
        tpu.enqueue_dma source(%dma_start3A_303 : memref<32xi32, #tpu.memory_space<hbm>>) target(%dma_start3A_302 : memref<32xi32, #tpu.memory_space<vmem>>) target_semaphore(%arg17 : memref<!tpu.dma_semaphore, #tpu.memory_space<semaphore_mem>>)
        %mul3A_304 = arith.constant 32 : i32
        %mul3A_305 = arith.muli %add3A_134, %mul3A_304 : i32
        %add3A_306 = arith.addi %mul3A_305, %add3A : i32
        %mul3A_307 = arith.constant 96 : i32
        %mul3A_308 = arith.muli %add3A_306, %mul3A_307 : i32
        %dma_start3A_309 = arith.constant 1 : i32
        %dma_start3A_310 = arith.constant 0 : i32
        %dma_start3A_311 = tpu.memref_slice %arg13[%dma_start3A_309, %dma_start3A_310] : memref<3x96xi32, #tpu.memory_space<vmem>> -> memref<1x32xi32, #tpu.memory_space<vmem>>
        %dma_start3A_312 = tpu.memref_squeeze %dma_start3A_311 : memref<1x32xi32, #tpu.memory_space<vmem>> -> memref<32xi32, #tpu.memory_space<vmem>>
        %dma_start3A_313 = tpu.memref_slice %arg5[%mul3A_308] : memref<200000xi32, #tpu.memory_space<hbm>> -> memref<32xi32, #tpu.memory_space<hbm>>
        %dma_start3A_314 = arith.constant 0 : i32
        %dma_start3A_315 = tpu.memref_slice %arg13[%dma_start3A_309, %dma_start3A_314] : memref<3x96xi32, #tpu.memory_space<vmem>> -> memref<1x32xi32, #tpu.memory_space<vmem>>
        %dma_start3A_316 = tpu.memref_squeeze %dma_start3A_315 : memref<1x32xi32, #tpu.memory_space<vmem>> -> memref<32xi32, #tpu.memory_space<vmem>>
        %dma_start3A_317 = tpu.memref_slice %arg5[%mul3A_308] : memref<200000xi32, #tpu.memory_space<hbm>> -> memref<32xi32, #tpu.memory_space<hbm>>
        tpu.enqueue_dma source(%dma_start3A_317 : memref<32xi32, #tpu.memory_space<hbm>>) target(%dma_start3A_316 : memref<32xi32, #tpu.memory_space<vmem>>) target_semaphore(%arg17 : memref<!tpu.dma_semaphore, #tpu.memory_space<semaphore_mem>>)
        %mul3A_318 = arith.constant 32 : i32
        %mul3A_319 = arith.muli %add3A_134, %mul3A_318 : i32
        %add3A_320 = arith.addi %mul3A_319, %add3A : i32
        %mul3A_321 = arith.constant 96 : i32
        %mul3A_322 = arith.muli %add3A_320, %mul3A_321 : i32
        %dma_start3A_323 = arith.constant 1 : i32
        %dma_start3A_324 = arith.constant 0 : i32
        %dma_start3A_325 = arith.constant 0 : i32
        %dma_start3A_326 = tpu.memref_slice %arg11[%dma_start3A_323, %dma_start3A_324, %dma_start3A_325] : memref<3x96x128xf32, #tpu.memory_space<vmem>> -> memref<1x32x128xf32, #tpu.memory_space<vmem>>
        %dma_start3A_327 = tpu.memref_squeeze %dma_start3A_326 : memref<1x32x128xf32, #tpu.memory_space<vmem>> -> memref<32x128xf32, #tpu.memory_space<vmem>>
        %dma_start3A_328 = arith.constant 0 : i32
        %dma_start3A_329 = tpu.memref_slice %arg6[%mul3A_322, %dma_start3A_328] : memref<200000x128xf32, #tpu.memory_space<hbm>> -> memref<32x128xf32, #tpu.memory_space<hbm>>
        %dma_start3A_330 = arith.constant 0 : i32
        %dma_start3A_331 = arith.constant 0 : i32
        %dma_start3A_332 = tpu.memref_slice %arg11[%dma_start3A_323, %dma_start3A_330, %dma_start3A_331] : memref<3x96x128xf32, #tpu.memory_space<vmem>> -> memref<1x32x128xf32, #tpu.memory_space<vmem>>
        %dma_start3A_333 = tpu.memref_squeeze %dma_start3A_332 : memref<1x32x128xf32, #tpu.memory_space<vmem>> -> memref<32x128xf32, #tpu.memory_space<vmem>>
        %dma_start3A_334 = arith.constant 0 : i32
        %dma_start3A_335 = tpu.memref_slice %arg6[%mul3A_322, %dma_start3A_334] : memref<200000x128xf32, #tpu.memory_space<hbm>> -> memref<32x128xf32, #tpu.memory_space<hbm>>
        tpu.enqueue_dma source(%dma_start3A_335 : memref<32x128xf32, #tpu.memory_space<hbm>>) target(%dma_start3A_333 : memref<32x128xf32, #tpu.memory_space<vmem>>) target_semaphore(%arg20 : memref<!tpu.dma_semaphore, #tpu.memory_space<semaphore_mem>>)
      } else {
      }
      %sub3A_175 = arith.constant 2 : i32
      %sub3A_176 = arith.subi %add3A_134, %sub3A_175 : i32
      %ge3A_177 = arith.constant 0 : i32
      %ge3A_178 = arith.cmpi sge, %sub3A_176, %ge3A_177 : i32
      %mul3A_179 = arith.constant 32 : i32
      %mul3A_180 = arith.muli %sub3A_176, %mul3A_179 : i32
      %add3A_181 = arith.addi %mul3A_180, %add3A : i32
      %lt3A_182 = arith.constant 2083 : i32
      %lt3A_183 = arith.cmpi slt, %add3A_181, %lt3A_182 : i32
      %and3A_184 = arith.andi %ge3A_178, %lt3A_183 : i1
      %eq3A_185 = arith.constant 2083 : i32
      %eq3A_186 = arith.cmpi eq, %add3A_181, %eq3A_185 : i32
      %and3A_187 = arith.andi %ge3A_178, %eq3A_186 : i1
      %convert_element_type3A_188 = arith.extui %and3A_184 : i1 to i32
      %cond3A_189 = arith.constant 0 : i32
      %cond3A_190 = arith.cmpi ne, %convert_element_type3A_188, %cond3A_189 : i32
      scf.if %cond3A_190 {
        %dma_wait3A_291 = arith.constant 2 : i32
        %dma_wait3A_292 = arith.constant 2 : i32
        %dma_wait3A_293 = arith.constant 0 : i32
        %dma_wait3A_294 = arith.constant 0 : i32
        %dma_wait3A_295 = tpu.memref_slice %arg9[%dma_wait3A_292, %dma_wait3A_293, %dma_wait3A_294] : memref<3x96x128xf32, #tpu.memory_space<vmem>> -> memref<1x96x128xf32, #tpu.memory_space<vmem>>
        %dma_wait3A_296 = tpu.memref_squeeze %dma_wait3A_295 : memref<1x96x128xf32, #tpu.memory_space<vmem>> -> memref<96x128xf32, #tpu.memory_space<vmem>>
        %dma_wait3A_297 = arith.constant 0 : i32
        %dma_wait3A_298 = tpu.memref_slice %arg12[%dma_wait3A_291, %dma_wait3A_297] : memref<3x96xi32, #tpu.memory_space<vmem>> -> memref<1x96xi32, #tpu.memory_space<vmem>>
        %dma_wait3A_299 = tpu.memref_squeeze %dma_wait3A_298 : memref<1x96xi32, #tpu.memory_space<vmem>> -> memref<96xi32, #tpu.memory_space<vmem>>
        %dma_wait3A_300 = arith.constant 0 : i32
        %dma_wait3A_301 = arith.constant 0 : i32
        %dma_wait3A_302 = tpu.memref_slice %arg2[%dma_wait3A_300, %dma_wait3A_301] : memref<10000x128xf32, #tpu.memory_space<hbm>> -> memref<10000x128xf32, #tpu.memory_space<hbm>>
        tpu.wait_indirect_dma semaphore(%arg24 : memref<!tpu.dma_semaphore, #tpu.memory_space<semaphore_mem>>) src(%dma_wait3A_302 : memref<10000x128xf32, #tpu.memory_space<hbm>>) dst(%dma_wait3A_296 : memref<96x128xf32, #tpu.memory_space<vmem>>)
        %dma_wait3A_303 = arith.constant 2 : i32
        %dma_wait3A_304 = arith.constant 2 : i32
        %dma_wait3A_305 = arith.constant 0 : i32
        %dma_wait3A_306 = arith.constant 0 : i32
        %dma_wait3A_307 = tpu.memref_slice %arg10[%dma_wait3A_304, %dma_wait3A_305, %dma_wait3A_306] : memref<3x96x128xf32, #tpu.memory_space<vmem>> -> memref<1x96x128xf32, #tpu.memory_space<vmem>>
        %dma_wait3A_308 = tpu.memref_squeeze %dma_wait3A_307 : memref<1x96x128xf32, #tpu.memory_space<vmem>> -> memref<96x128xf32, #tpu.memory_space<vmem>>
        %dma_wait3A_309 = arith.constant 0 : i32
        %dma_wait3A_310 = tpu.memref_slice %arg13[%dma_wait3A_303, %dma_wait3A_309] : memref<3x96xi32, #tpu.memory_space<vmem>> -> memref<1x96xi32, #tpu.memory_space<vmem>>
        %dma_wait3A_311 = tpu.memref_squeeze %dma_wait3A_310 : memref<1x96xi32, #tpu.memory_space<vmem>> -> memref<96xi32, #tpu.memory_space<vmem>>
        %dma_wait3A_312 = arith.constant 0 : i32
        %dma_wait3A_313 = arith.constant 0 : i32
        %dma_wait3A_314 = tpu.memref_slice %arg3[%dma_wait3A_312, %dma_wait3A_313] : memref<10000x128xf32, #tpu.memory_space<hbm>> -> memref<10000x128xf32, #tpu.memory_space<hbm>>
        tpu.wait_indirect_dma semaphore(%arg27 : memref<!tpu.dma_semaphore, #tpu.memory_space<semaphore_mem>>) src(%dma_wait3A_314 : memref<10000x128xf32, #tpu.memory_space<hbm>>) dst(%dma_wait3A_308 : memref<96x128xf32, #tpu.memory_space<vmem>>)
        %mul3A_315 = arith.constant 32 : i32
        %mul3A_316 = arith.muli %sub3A_176, %mul3A_315 : i32
        %add3A_317 = arith.addi %mul3A_316, %add3A : i32
        %mul3A_318 = arith.constant 96 : i32
        %mul3A_319 = arith.muli %add3A_317, %mul3A_318 : i32
        %dma_wait3A_320 = arith.constant 2 : i32
        %dma_wait3A_321 = arith.constant 0 : i32
        %dma_wait3A_322 = arith.constant 0 : i32
        %dma_wait3A_323 = tpu.memref_slice %arg11[%dma_wait3A_320, %dma_wait3A_321, %dma_wait3A_322] : memref<3x96x128xf32, #tpu.memory_space<vmem>> -> memref<1x96x128xf32, #tpu.memory_space<vmem>>
        %dma_wait3A_324 = tpu.memref_squeeze %dma_wait3A_323 : memref<1x96x128xf32, #tpu.memory_space<vmem>> -> memref<96x128xf32, #tpu.memory_space<vmem>>
        %dma_wait3A_325 = arith.constant 0 : i32
        %dma_wait3A_326 = tpu.memref_slice %arg6[%mul3A_319, %dma_wait3A_325] : memref<200000x128xf32, #tpu.memory_space<hbm>> -> memref<96x128xf32, #tpu.memory_space<hbm>>
        %dma_wait3A_327 = arith.constant 0 : i32
        %dma_wait3A_328 = arith.constant 0 : i32
        %dma_wait3A_329 = tpu.memref_slice %arg11[%dma_wait3A_320, %dma_wait3A_327, %dma_wait3A_328] : memref<3x96x128xf32, #tpu.memory_space<vmem>> -> memref<1x96x128xf32, #tpu.memory_space<vmem>>
        %dma_wait3A_330 = tpu.memref_squeeze %dma_wait3A_329 : memref<1x96x128xf32, #tpu.memory_space<vmem>> -> memref<96x128xf32, #tpu.memory_space<vmem>>
        %dma_wait3A_331 = arith.constant 0 : i32
        %dma_wait3A_332 = tpu.memref_slice %arg6[%mul3A_319, %dma_wait3A_331] : memref<200000x128xf32, #tpu.memory_space<hbm>> -> memref<96x128xf32, #tpu.memory_space<hbm>>
        tpu.wait_dma2 semaphore(%arg21 : memref<!tpu.dma_semaphore, #tpu.memory_space<semaphore_mem>>) src(%dma_wait3A_332 : memref<96x128xf32, #tpu.memory_space<hbm>>) dst(%dma_wait3A_330 : memref<96x128xf32, #tpu.memory_space<vmem>>)
      } else {
      }
      %convert_element_type3A_191 = arith.extui %and3A_187 : i1 to i32
      %cond3A_192 = arith.constant 0 : i32
      %cond3A_193 = arith.cmpi ne, %convert_element_type3A_191, %cond3A_192 : i32
      scf.if %cond3A_193 {
        %dma_wait3A_291 = arith.constant 2 : i32
        %dma_wait3A_292 = arith.constant 2 : i32
        %dma_wait3A_293 = arith.constant 0 : i32
        %dma_wait3A_294 = arith.constant 0 : i32
        %dma_wait3A_295 = tpu.memref_slice %arg9[%dma_wait3A_292, %dma_wait3A_293, %dma_wait3A_294] : memref<3x96x128xf32, #tpu.memory_space<vmem>> -> memref<1x32x128xf32, #tpu.memory_space<vmem>>
        %dma_wait3A_296 = tpu.memref_squeeze %dma_wait3A_295 : memref<1x32x128xf32, #tpu.memory_space<vmem>> -> memref<32x128xf32, #tpu.memory_space<vmem>>
        %dma_wait3A_297 = arith.constant 0 : i32
        %dma_wait3A_298 = tpu.memref_slice %arg12[%dma_wait3A_291, %dma_wait3A_297] : memref<3x96xi32, #tpu.memory_space<vmem>> -> memref<1x32xi32, #tpu.memory_space<vmem>>
        %dma_wait3A_299 = tpu.memref_squeeze %dma_wait3A_298 : memref<1x32xi32, #tpu.memory_space<vmem>> -> memref<32xi32, #tpu.memory_space<vmem>>
        %dma_wait3A_300 = arith.constant 0 : i32
        %dma_wait3A_301 = arith.constant 0 : i32
        %dma_wait3A_302 = tpu.memref_slice %arg2[%dma_wait3A_300, %dma_wait3A_301] : memref<10000x128xf32, #tpu.memory_space<hbm>> -> memref<10000x128xf32, #tpu.memory_space<hbm>>
        tpu.wait_indirect_dma semaphore(%arg24 : memref<!tpu.dma_semaphore, #tpu.memory_space<semaphore_mem>>) src(%dma_wait3A_302 : memref<10000x128xf32, #tpu.memory_space<hbm>>) dst(%dma_wait3A_296 : memref<32x128xf32, #tpu.memory_space<vmem>>)
        %dma_wait3A_303 = arith.constant 2 : i32
        %dma_wait3A_304 = arith.constant 2 : i32
        %dma_wait3A_305 = arith.constant 0 : i32
        %dma_wait3A_306 = arith.constant 0 : i32
        %dma_wait3A_307 = tpu.memref_slice %arg10[%dma_wait3A_304, %dma_wait3A_305, %dma_wait3A_306] : memref<3x96x128xf32, #tpu.memory_space<vmem>> -> memref<1x32x128xf32, #tpu.memory_space<vmem>>
        %dma_wait3A_308 = tpu.memref_squeeze %dma_wait3A_307 : memref<1x32x128xf32, #tpu.memory_space<vmem>> -> memref<32x128xf32, #tpu.memory_space<vmem>>
        %dma_wait3A_309 = arith.constant 0 : i32
        %dma_wait3A_310 = tpu.memref_slice %arg13[%dma_wait3A_303, %dma_wait3A_309] : memref<3x96xi32, #tpu.memory_space<vmem>> -> memref<1x32xi32, #tpu.memory_space<vmem>>
        %dma_wait3A_311 = tpu.memref_squeeze %dma_wait3A_310 : memref<1x32xi32, #tpu.memory_space<vmem>> -> memref<32xi32, #tpu.memory_space<vmem>>
        %dma_wait3A_312 = arith.constant 0 : i32
        %dma_wait3A_313 = arith.constant 0 : i32
        %dma_wait3A_314 = tpu.memref_slice %arg3[%dma_wait3A_312, %dma_wait3A_313] : memref<10000x128xf32, #tpu.memory_space<hbm>> -> memref<10000x128xf32, #tpu.memory_space<hbm>>
        tpu.wait_indirect_dma semaphore(%arg27 : memref<!tpu.dma_semaphore, #tpu.memory_space<semaphore_mem>>) src(%dma_wait3A_314 : memref<10000x128xf32, #tpu.memory_space<hbm>>) dst(%dma_wait3A_308 : memref<32x128xf32, #tpu.memory_space<vmem>>)
        %mul3A_315 = arith.constant 32 : i32
        %mul3A_316 = arith.muli %sub3A_176, %mul3A_315 : i32
        %add3A_317 = arith.addi %mul3A_316, %add3A : i32
        %mul3A_318 = arith.constant 96 : i32
        %mul3A_319 = arith.muli %add3A_317, %mul3A_318 : i32
        %dma_wait3A_320 = arith.constant 2 : i32
        %dma_wait3A_321 = arith.constant 0 : i32
        %dma_wait3A_322 = arith.constant 0 : i32
        %dma_wait3A_323 = tpu.memref_slice %arg11[%dma_wait3A_320, %dma_wait3A_321, %dma_wait3A_322] : memref<3x96x128xf32, #tpu.memory_space<vmem>> -> memref<1x32x128xf32, #tpu.memory_space<vmem>>
        %dma_wait3A_324 = tpu.memref_squeeze %dma_wait3A_323 : memref<1x32x128xf32, #tpu.memory_space<vmem>> -> memref<32x128xf32, #tpu.memory_space<vmem>>
        %dma_wait3A_325 = arith.constant 0 : i32
        %dma_wait3A_326 = tpu.memref_slice %arg6[%mul3A_319, %dma_wait3A_325] : memref<200000x128xf32, #tpu.memory_space<hbm>> -> memref<32x128xf32, #tpu.memory_space<hbm>>
        %dma_wait3A_327 = arith.constant 0 : i32
        %dma_wait3A_328 = arith.constant 0 : i32
        %dma_wait3A_329 = tpu.memref_slice %arg11[%dma_wait3A_320, %dma_wait3A_327, %dma_wait3A_328] : memref<3x96x128xf32, #tpu.memory_space<vmem>> -> memref<1x32x128xf32, #tpu.memory_space<vmem>>
        %dma_wait3A_330 = tpu.memref_squeeze %dma_wait3A_329 : memref<1x32x128xf32, #tpu.memory_space<vmem>> -> memref<32x128xf32, #tpu.memory_space<vmem>>
        %dma_wait3A_331 = arith.constant 0 : i32
        %dma_wait3A_332 = tpu.memref_slice %arg6[%mul3A_319, %dma_wait3A_331] : memref<200000x128xf32, #tpu.memory_space<hbm>> -> memref<32x128xf32, #tpu.memory_space<hbm>>
        tpu.wait_dma2 semaphore(%arg21 : memref<!tpu.dma_semaphore, #tpu.memory_space<semaphore_mem>>) src(%dma_wait3A_332 : memref<32x128xf32, #tpu.memory_space<hbm>>) dst(%dma_wait3A_330 : memref<32x128xf32, #tpu.memory_space<vmem>>)
      } else {
      }
      %lt3A_194 = arith.constant 2084 : i32
      %lt3A_195 = arith.cmpi slt, %add3A_181, %lt3A_194 : i32
      %and3A_196 = arith.andi %ge3A_178, %lt3A_195 : i1
      %convert_element_type3A_197 = arith.extui %and3A_196 : i1 to i32
      %cond3A_198 = arith.constant 0 : i32
      %cond3A_199 = arith.cmpi ne, %convert_element_type3A_197, %cond3A_198 : i32
      scf.if %cond3A_199 {
        %eq3A_291 = arith.constant 2083 : i32
        %eq3A_292 = arith.cmpi eq, %add3A_181, %eq3A_291 : i32
        %jit3A = arith.constant 32 : i32
        %jit3A_293 = arith.constant 96 : i32
        %select_n3A = arith.select %eq3A_292, %jit3A, %jit3A_293 : i32
        %while3A = arith.constant 0 : i32
        %while3A_294 = arith.subi %select_n3A, %while3A : i32
        %while3A_295 = arith.addi %while3A, %while3A_294 : i32
        %while3A_296 = arith.constant 1 : i32
        %while3A_297 = arith.divsi %while3A_294, %while3A_296 : i32
        %while3A_298 = arith.muli %while3A_297, %while3A_296 : i32
        %while3A_299 = arith.addi %while3A, %while3A_298 : i32
        %while3A_300 = arith.constant 1 : i32
        %while3A_301 = scf.for %while3A_304 = %while3A to %while3A_299 step %while3A_300 iter_args(%while3A_305 = %get3A_17) -> (vector<16xf32>)  : i32 {
          %get3A_306 = arith.constant 2 : i32
          %get3A_307 = arith.index_cast %get3A_306 : i32 to index
          %get3A_308 = arith.index_cast %while3A_304 : i32 to index
          %get3A_309 = arith.constant 0 : index
          %get3A_310 = tpu.vector_load %arg9[%get3A_307, %get3A_308, %get3A_309] {strides = array<i32>} : memref<3x96x128xf32, #tpu.memory_space<vmem>>, vector<16xf32>,
          %get3A_311 = arith.constant 2 : i32
          %get3A_312 = arith.index_cast %get3A_311 : i32 to index
          %get3A_313 = arith.index_cast %while3A_304 : i32 to index
          %get3A_314 = arith.constant 0 : index
          %get3A_315 = tpu.vector_load %arg10[%get3A_312, %get3A_313, %get3A_314] {strides = array<i32>} : memref<3x96x128xf32, #tpu.memory_space<vmem>>, vector<16xf32>,
          %add3A_316 = arith.addf %get3A_310, %get3A_315 : vector<16xf32>
          %get3A_317 = arith.constant 2 : i32
          %get3A_318 = arith.index_cast %get3A_317 : i32 to index
          %get3A_319 = arith.index_cast %while3A_304 : i32 to index
          %get3A_320 = arith.constant 0 : index
          %get3A_321 = tpu.vector_load %arg11[%get3A_318, %get3A_319, %get3A_320] {strides = array<i32>} : memref<3x96x128xf32, #tpu.memory_space<vmem>>, vector<16xf32>,
          %add3A_322 = arith.addf %add3A_316, %get3A_321 : vector<16xf32>
          %max3A = arith.constant 0.000000e+00 : f32
          %max3A_323 = vector.broadcast %max3A : f32 to vector<16xf32>
          %max3A_324 = arith.maximumf %add3A_322, %max3A_323 : vector<16xf32>
          %mul3A_325 = arith.mulf %max3A_324, %get3A_1 : vector<16xf32>
          %add3A_326 = arith.addf %broadcast_in_dim3A_18, %mul3A_325 : vector<16xf32>
          %get3A_327 = arith.constant 2 : i32
          %get3A_328 = arith.index_cast %get3A_327 : i32 to index
          %get3A_329 = arith.index_cast %while3A_304 : i32 to index
          %get3A_330 = arith.constant 16 : index
          %get3A_331 = tpu.vector_load %arg9[%get3A_328, %get3A_329, %get3A_330] {strides = array<i32>} : memref<3x96x128xf32, #tpu.memory_space<vmem>>, vector<16xf32>,
          %get3A_332 = arith.constant 2 : i32
          %get3A_333 = arith.index_cast %get3A_332 : i32 to index
          %get3A_334 = arith.index_cast %while3A_304 : i32 to index
          %get3A_335 = arith.constant 16 : index
          %get3A_336 = tpu.vector_load %arg10[%get3A_333, %get3A_334, %get3A_335] {strides = array<i32>} : memref<3x96x128xf32, #tpu.memory_space<vmem>>, vector<16xf32>,
          %add3A_337 = arith.addf %get3A_331, %get3A_336 : vector<16xf32>
          %get3A_338 = arith.constant 2 : i32
          %get3A_339 = arith.index_cast %get3A_338 : i32 to index
          %get3A_340 = arith.index_cast %while3A_304 : i32 to index
          %get3A_341 = arith.constant 16 : index
          %get3A_342 = tpu.vector_load %arg11[%get3A_339, %get3A_340, %get3A_341] {strides = array<i32>} : memref<3x96x128xf32, #tpu.memory_space<vmem>>, vector<16xf32>,
          %add3A_343 = arith.addf %add3A_337, %get3A_342 : vector<16xf32>
          %max3A_344 = arith.constant 0.000000e+00 : f32
          %max3A_345 = vector.broadcast %max3A_344 : f32 to vector<16xf32>
          %max3A_346 = arith.maximumf %add3A_343, %max3A_345 : vector<16xf32>
          %mul3A_347 = arith.mulf %max3A_346, %get3A_3 : vector<16xf32>
          %add3A_348 = arith.addf %add3A_326, %mul3A_347 : vector<16xf32>
          %get3A_349 = arith.constant 2 : i32
          %get3A_350 = arith.index_cast %get3A_349 : i32 to index
          %get3A_351 = arith.index_cast %while3A_304 : i32 to index
          %get3A_352 = arith.constant 32 : index
          %get3A_353 = tpu.vector_load %arg9[%get3A_350, %get3A_351, %get3A_352] {strides = array<i32>} : memref<3x96x128xf32, #tpu.memory_space<vmem>>, vector<16xf32>,
          %get3A_354 = arith.constant 2 : i32
          %get3A_355 = arith.index_cast %get3A_354 : i32 to index
          %get3A_356 = arith.index_cast %while3A_304 : i32 to index
          %get3A_357 = arith.constant 32 : index
          %get3A_358 = tpu.vector_load %arg10[%get3A_355, %get3A_356, %get3A_357] {strides = array<i32>} : memref<3x96x128xf32, #tpu.memory_space<vmem>>, vector<16xf32>,
          %add3A_359 = arith.addf %get3A_353, %get3A_358 : vector<16xf32>
          %get3A_360 = arith.constant 2 : i32
          %get3A_361 = arith.index_cast %get3A_360 : i32 to index
          %get3A_362 = arith.index_cast %while3A_304 : i32 to index
          %get3A_363 = arith.constant 32 : index
          %get3A_364 = tpu.vector_load %arg11[%get3A_361, %get3A_362, %get3A_363] {strides = array<i32>} : memref<3x96x128xf32, #tpu.memory_space<vmem>>, vector<16xf32>,
          %add3A_365 = arith.addf %add3A_359, %get3A_364 : vector<16xf32>
          %max3A_366 = arith.constant 0.000000e+00 : f32
          %max3A_367 = vector.broadcast %max3A_366 : f32 to vector<16xf32>
          %max3A_368 = arith.maximumf %add3A_365, %max3A_367 : vector<16xf32>
          %mul3A_369 = arith.mulf %max3A_368, %get3A_5 : vector<16xf32>
          %add3A_370 = arith.addf %add3A_348, %mul3A_369 : vector<16xf32>
          %get3A_371 = arith.constant 2 : i32
          %get3A_372 = arith.index_cast %get3A_371 : i32 to index
          %get3A_373 = arith.index_cast %while3A_304 : i32 to index
          %get3A_374 = arith.constant 48 : index
          %get3A_375 = tpu.vector_load %arg9[%get3A_372, %get3A_373, %get3A_374] {strides = array<i32>} : memref<3x96x128xf32, #tpu.memory_space<vmem>>, vector<16xf32>,
          %get3A_376 = arith.constant 2 : i32
          %get3A_377 = arith.index_cast %get3A_376 : i32 to index
          %get3A_378 = arith.index_cast %while3A_304 : i32 to index
          %get3A_379 = arith.constant 48 : index
          %get3A_380 = tpu.vector_load %arg10[%get3A_377, %get3A_378, %get3A_379] {strides = array<i32>} : memref<3x96x128xf32, #tpu.memory_space<vmem>>, vector<16xf32>,
          %add3A_381 = arith.addf %get3A_375, %get3A_380 : vector<16xf32>
          %get3A_382 = arith.constant 2 : i32
          %get3A_383 = arith.index_cast %get3A_382 : i32 to index
          %get3A_384 = arith.index_cast %while3A_304 : i32 to index
          %get3A_385 = arith.constant 48 : index
          %get3A_386 = tpu.vector_load %arg11[%get3A_383, %get3A_384, %get3A_385] {strides = array<i32>} : memref<3x96x128xf32, #tpu.memory_space<vmem>>, vector<16xf32>,
          %add3A_387 = arith.addf %add3A_381, %get3A_386 : vector<16xf32>
          %max3A_388 = arith.constant 0.000000e+00 : f32
          %max3A_389 = vector.broadcast %max3A_388 : f32 to vector<16xf32>
          %max3A_390 = arith.maximumf %add3A_387, %max3A_389 : vector<16xf32>
          %mul3A_391 = arith.mulf %max3A_390, %get3A_7 : vector<16xf32>
          %add3A_392 = arith.addf %add3A_370, %mul3A_391 : vector<16xf32>
          %get3A_393 = arith.constant 2 : i32
          %get3A_394 = arith.index_cast %get3A_393 : i32 to index
          %get3A_395 = arith.index_cast %while3A_304 : i32 to index
          %get3A_396 = arith.constant 64 : index
          %get3A_397 = tpu.vector_load %arg9[%get3A_394, %get3A_395, %get3A_396] {strides = array<i32>} : memref<3x96x128xf32, #tpu.memory_space<vmem>>, vector<16xf32>,
          %get3A_398 = arith.constant 2 : i32
          %get3A_399 = arith.index_cast %get3A_398 : i32 to index
          %get3A_400 = arith.index_cast %while3A_304 : i32 to index
          %get3A_401 = arith.constant 64 : index
          %get3A_402 = tpu.vector_load %arg10[%get3A_399, %get3A_400, %get3A_401] {strides = array<i32>} : memref<3x96x128xf32, #tpu.memory_space<vmem>>, vector<16xf32>,
          %add3A_403 = arith.addf %get3A_397, %get3A_402 : vector<16xf32>
          %get3A_404 = arith.constant 2 : i32
          %get3A_405 = arith.index_cast %get3A_404 : i32 to index
          %get3A_406 = arith.index_cast %while3A_304 : i32 to index
          %get3A_407 = arith.constant 64 : index
          %get3A_408 = tpu.vector_load %arg11[%get3A_405, %get3A_406, %get3A_407] {strides = array<i32>} : memref<3x96x128xf32, #tpu.memory_space<vmem>>, vector<16xf32>,
          %add3A_409 = arith.addf %add3A_403, %get3A_408 : vector<16xf32>
          %max3A_410 = arith.constant 0.000000e+00 : f32
          %max3A_411 = vector.broadcast %max3A_410 : f32 to vector<16xf32>
          %max3A_412 = arith.maximumf %add3A_409, %max3A_411 : vector<16xf32>
          %mul3A_413 = arith.mulf %max3A_412, %get3A_9 : vector<16xf32>
          %add3A_414 = arith.addf %add3A_392, %mul3A_413 : vector<16xf32>
          %get3A_415 = arith.constant 2 : i32
          %get3A_416 = arith.index_cast %get3A_415 : i32 to index
          %get3A_417 = arith.index_cast %while3A_304 : i32 to index
          %get3A_418 = arith.constant 80 : index
          %get3A_419 = tpu.vector_load %arg9[%get3A_416, %get3A_417, %get3A_418] {strides = array<i32>} : memref<3x96x128xf32, #tpu.memory_space<vmem>>, vector<16xf32>,
          %get3A_420 = arith.constant 2 : i32
          %get3A_421 = arith.index_cast %get3A_420 : i32 to index
          %get3A_422 = arith.index_cast %while3A_304 : i32 to index
          %get3A_423 = arith.constant 80 : index
          %get3A_424 = tpu.vector_load %arg10[%get3A_421, %get3A_422, %get3A_423] {strides = array<i32>} : memref<3x96x128xf32, #tpu.memory_space<vmem>>, vector<16xf32>,
          %add3A_425 = arith.addf %get3A_419, %get3A_424 : vector<16xf32>
          %get3A_426 = arith.constant 2 : i32
          %get3A_427 = arith.index_cast %get3A_426 : i32 to index
          %get3A_428 = arith.index_cast %while3A_304 : i32 to index
          %get3A_429 = arith.constant 80 : index
          %get3A_430 = tpu.vector_load %arg11[%get3A_427, %get3A_428, %get3A_429] {strides = array<i32>} : memref<3x96x128xf32, #tpu.memory_space<vmem>>, vector<16xf32>,
          %add3A_431 = arith.addf %add3A_425, %get3A_430 : vector<16xf32>
          %max3A_432 = arith.constant 0.000000e+00 : f32
          %max3A_433 = vector.broadcast %max3A_432 : f32 to vector<16xf32>
          %max3A_434 = arith.maximumf %add3A_431, %max3A_433 : vector<16xf32>
          %mul3A_435 = arith.mulf %max3A_434, %get3A_11 : vector<16xf32>
          %add3A_436 = arith.addf %add3A_414, %mul3A_435 : vector<16xf32>
          %get3A_437 = arith.constant 2 : i32
          %get3A_438 = arith.index_cast %get3A_437 : i32 to index
          %get3A_439 = arith.index_cast %while3A_304 : i32 to index
          %get3A_440 = arith.constant 96 : index
          %get3A_441 = tpu.vector_load %arg9[%get3A_438, %get3A_439, %get3A_440] {strides = array<i32>} : memref<3x96x128xf32, #tpu.memory_space<vmem>>, vector<16xf32>,
          %get3A_442 = arith.constant 2 : i32
          %get3A_443 = arith.index_cast %get3A_442 : i32 to index
          %get3A_444 = arith.index_cast %while3A_304 : i32 to index
          %get3A_445 = arith.constant 96 : index
          %get3A_446 = tpu.vector_load %arg10[%get3A_443, %get3A_444, %get3A_445] {strides = array<i32>} : memref<3x96x128xf32, #tpu.memory_space<vmem>>, vector<16xf32>,
          %add3A_447 = arith.addf %get3A_441, %get3A_446 : vector<16xf32>
          %get3A_448 = arith.constant 2 : i32
          %get3A_449 = arith.index_cast %get3A_448 : i32 to index
          %get3A_450 = arith.index_cast %while3A_304 : i32 to index
          %get3A_451 = arith.constant 96 : index
          %get3A_452 = tpu.vector_load %arg11[%get3A_449, %get3A_450, %get3A_451] {strides = array<i32>} : memref<3x96x128xf32, #tpu.memory_space<vmem>>, vector<16xf32>,
          %add3A_453 = arith.addf %add3A_447, %get3A_452 : vector<16xf32>
          %max3A_454 = arith.constant 0.000000e+00 : f32
          %max3A_455 = vector.broadcast %max3A_454 : f32 to vector<16xf32>
          %max3A_456 = arith.maximumf %add3A_453, %max3A_455 : vector<16xf32>
          %mul3A_457 = arith.mulf %max3A_456, %get3A_13 : vector<16xf32>
          %add3A_458 = arith.addf %add3A_436, %mul3A_457 : vector<16xf32>
          %get3A_459 = arith.constant 2 : i32
          %get3A_460 = arith.index_cast %get3A_459 : i32 to index
          %get3A_461 = arith.index_cast %while3A_304 : i32 to index
          %get3A_462 = arith.constant 112 : index
          %get3A_463 = tpu.vector_load %arg9[%get3A_460, %get3A_461, %get3A_462] {strides = array<i32>} : memref<3x96x128xf32, #tpu.memory_space<vmem>>, vector<16xf32>,
          %get3A_464 = arith.constant 2 : i32
          %get3A_465 = arith.index_cast %get3A_464 : i32 to index
          %get3A_466 = arith.index_cast %while3A_304 : i32 to index
          %get3A_467 = arith.constant 112 : index
          %get3A_468 = tpu.vector_load %arg10[%get3A_465, %get3A_466, %get3A_467] {strides = array<i32>} : memref<3x96x128xf32, #tpu.memory_space<vmem>>, vector<16xf32>,
          %add3A_469 = arith.addf %get3A_463, %get3A_468 : vector<16xf32>
          %get3A_470 = arith.constant 2 : i32
          %get3A_471 = arith.index_cast %get3A_470 : i32 to index
          %get3A_472 = arith.index_cast %while3A_304 : i32 to index
          %get3A_473 = arith.constant 112 : index
          %get3A_474 = tpu.vector_load %arg11[%get3A_471, %get3A_472, %get3A_473] {strides = array<i32>} : memref<3x96x128xf32, #tpu.memory_space<vmem>>, vector<16xf32>,
          %add3A_475 = arith.addf %add3A_469, %get3A_474 : vector<16xf32>
          %max3A_476 = arith.constant 0.000000e+00 : f32
          %max3A_477 = vector.broadcast %max3A_476 : f32 to vector<16xf32>
          %max3A_478 = arith.maximumf %add3A_475, %max3A_477 : vector<16xf32>
          %mul3A_479 = arith.mulf %max3A_478, %get3A_15 : vector<16xf32>
          %add3A_480 = arith.addf %add3A_458, %mul3A_479 : vector<16xf32>
          %reduce_sum3A = arith.constant true
          %reduce_sum3A_481 = vector.broadcast %reduce_sum3A : i1 to vector<16xi1>
          %reduce_sum3A_482 = tpu.scan <sum>, %add3A_480 masked %reduce_sum3A_481 : vector<16xf32>, vector<16xi1> -> vector<16xf32>
          %reduce_sum3A_483 = vector.extract %reduce_sum3A_482[15] : f32 from vector<16xf32>
          %rem3A = arith.constant 16 : i32
          %rem3A_484 = arith.remsi %while3A_304, %rem3A : i32
          %eq3A_485 = vector.broadcast %rem3A_484 : i32 to vector<16xi32>
          %eq3A_486 = arith.cmpi eq, %iota3A, %eq3A_485 : vector<16xi32>
          %broadcast_in_dim3A_487 = vector.broadcast %reduce_sum3A_483 : f32 to vector<16xf32>
          %select_n3A_488 = arith.select %eq3A_486, %broadcast_in_dim3A_487, %while3A_305 : vector<16xi1>, vector<16xf32>
          %eq3A_489 = arith.constant 15 : i32
          %eq3A_490 = arith.cmpi eq, %rem3A_484, %eq3A_489 : i32
          %convert_element_type3A_491 = arith.extui %eq3A_490 : i1 to i32
          %cond3A_492 = arith.constant 0 : i32
          %cond3A_493 = arith.cmpi ne, %convert_element_type3A_491, %cond3A_492 : i32
          scf.if %cond3A_493 {
            %sub3A_497 = arith.constant 15 : i32
            %sub3A_498 = arith.subi %while3A_304, %sub3A_497 : i32
            %swap3A = arith.constant 2 : i32
            %swap3A_499 = arith.index_cast %swap3A : i32 to index
            %swap3A_500 = arith.index_cast %sub3A_498 : i32 to index
            %swap3A_501 = tpu.vector_load %arg14[%swap3A_499, %swap3A_500] {strides = array<i32>} : memref<3x96xf32, #tpu.memory_space<vmem>>, vector<16xf32>,
            tpu.vector_store %arg14[%swap3A_499, %swap3A_500], %select_n3A_488 {strides = array<i32>} : memref<3x96xf32, #tpu.memory_space<vmem>>, vector<16xf32>,
          } else {
          }
          %eq3A_494 = arith.constant 15 : i32
          %eq3A_495 = arith.cmpi eq, %rem3A_484, %eq3A_494 : i32
          %select_n3A_496 = arith.select %eq3A_495, %get3A_17, %select_n3A_488 : vector<16xf32>
          scf.yield %select_n3A_496 : vector<16xf32>
        }
        %while3A_302 = arith.constant 1 : i32
        %while3A_303 = scf.for %while3A_304 = %while3A_299 to %while3A_295 step %while3A_302 iter_args(%while3A_305 = %while3A_301) -> (vector<16xf32>)  : i32 {
          %get3A_306 = arith.constant 2 : i32
          %get3A_307 = arith.index_cast %get3A_306 : i32 to index
          %get3A_308 = arith.index_cast %while3A_304 : i32 to index
          %get3A_309 = arith.constant 0 : index
          %get3A_310 = tpu.vector_load %arg9[%get3A_307, %get3A_308, %get3A_309] {strides = array<i32>} : memref<3x96x128xf32, #tpu.memory_space<vmem>>, vector<16xf32>,
          %get3A_311 = arith.constant 2 : i32
          %get3A_312 = arith.index_cast %get3A_311 : i32 to index
          %get3A_313 = arith.index_cast %while3A_304 : i32 to index
          %get3A_314 = arith.constant 0 : index
          %get3A_315 = tpu.vector_load %arg10[%get3A_312, %get3A_313, %get3A_314] {strides = array<i32>} : memref<3x96x128xf32, #tpu.memory_space<vmem>>, vector<16xf32>,
          %add3A_316 = arith.addf %get3A_310, %get3A_315 : vector<16xf32>
          %get3A_317 = arith.constant 2 : i32
          %get3A_318 = arith.index_cast %get3A_317 : i32 to index
          %get3A_319 = arith.index_cast %while3A_304 : i32 to index
          %get3A_320 = arith.constant 0 : index
          %get3A_321 = tpu.vector_load %arg11[%get3A_318, %get3A_319, %get3A_320] {strides = array<i32>} : memref<3x96x128xf32, #tpu.memory_space<vmem>>, vector<16xf32>,
          %add3A_322 = arith.addf %add3A_316, %get3A_321 : vector<16xf32>
          %max3A = arith.constant 0.000000e+00 : f32
          %max3A_323 = vector.broadcast %max3A : f32 to vector<16xf32>
          %max3A_324 = arith.maximumf %add3A_322, %max3A_323 : vector<16xf32>
          %mul3A_325 = arith.mulf %max3A_324, %get3A_1 : vector<16xf32>
          %add3A_326 = arith.addf %broadcast_in_dim3A_18, %mul3A_325 : vector<16xf32>
          %get3A_327 = arith.constant 2 : i32
          %get3A_328 = arith.index_cast %get3A_327 : i32 to index
          %get3A_329 = arith.index_cast %while3A_304 : i32 to index
          %get3A_330 = arith.constant 16 : index
          %get3A_331 = tpu.vector_load %arg9[%get3A_328, %get3A_329, %get3A_330] {strides = array<i32>} : memref<3x96x128xf32, #tpu.memory_space<vmem>>, vector<16xf32>,
          %get3A_332 = arith.constant 2 : i32
          %get3A_333 = arith.index_cast %get3A_332 : i32 to index
          %get3A_334 = arith.index_cast %while3A_304 : i32 to index
          %get3A_335 = arith.constant 16 : index
          %get3A_336 = tpu.vector_load %arg10[%get3A_333, %get3A_334, %get3A_335] {strides = array<i32>} : memref<3x96x128xf32, #tpu.memory_space<vmem>>, vector<16xf32>,
          %add3A_337 = arith.addf %get3A_331, %get3A_336 : vector<16xf32>
          %get3A_338 = arith.constant 2 : i32
          %get3A_339 = arith.index_cast %get3A_338 : i32 to index
          %get3A_340 = arith.index_cast %while3A_304 : i32 to index
          %get3A_341 = arith.constant 16 : index
          %get3A_342 = tpu.vector_load %arg11[%get3A_339, %get3A_340, %get3A_341] {strides = array<i32>} : memref<3x96x128xf32, #tpu.memory_space<vmem>>, vector<16xf32>,
          %add3A_343 = arith.addf %add3A_337, %get3A_342 : vector<16xf32>
          %max3A_344 = arith.constant 0.000000e+00 : f32
          %max3A_345 = vector.broadcast %max3A_344 : f32 to vector<16xf32>
          %max3A_346 = arith.maximumf %add3A_343, %max3A_345 : vector<16xf32>
          %mul3A_347 = arith.mulf %max3A_346, %get3A_3 : vector<16xf32>
          %add3A_348 = arith.addf %add3A_326, %mul3A_347 : vector<16xf32>
          %get3A_349 = arith.constant 2 : i32
          %get3A_350 = arith.index_cast %get3A_349 : i32 to index
          %get3A_351 = arith.index_cast %while3A_304 : i32 to index
          %get3A_352 = arith.constant 32 : index
          %get3A_353 = tpu.vector_load %arg9[%get3A_350, %get3A_351, %get3A_352] {strides = array<i32>} : memref<3x96x128xf32, #tpu.memory_space<vmem>>, vector<16xf32>,
          %get3A_354 = arith.constant 2 : i32
          %get3A_355 = arith.index_cast %get3A_354 : i32 to index
          %get3A_356 = arith.index_cast %while3A_304 : i32 to index
          %get3A_357 = arith.constant 32 : index
          %get3A_358 = tpu.vector_load %arg10[%get3A_355, %get3A_356, %get3A_357] {strides = array<i32>} : memref<3x96x128xf32, #tpu.memory_space<vmem>>, vector<16xf32>,
          %add3A_359 = arith.addf %get3A_353, %get3A_358 : vector<16xf32>
          %get3A_360 = arith.constant 2 : i32
          %get3A_361 = arith.index_cast %get3A_360 : i32 to index
          %get3A_362 = arith.index_cast %while3A_304 : i32 to index
          %get3A_363 = arith.constant 32 : index
          %get3A_364 = tpu.vector_load %arg11[%get3A_361, %get3A_362, %get3A_363] {strides = array<i32>} : memref<3x96x128xf32, #tpu.memory_space<vmem>>, vector<16xf32>,
          %add3A_365 = arith.addf %add3A_359, %get3A_364 : vector<16xf32>
          %max3A_366 = arith.constant 0.000000e+00 : f32
          %max3A_367 = vector.broadcast %max3A_366 : f32 to vector<16xf32>
          %max3A_368 = arith.maximumf %add3A_365, %max3A_367 : vector<16xf32>
          %mul3A_369 = arith.mulf %max3A_368, %get3A_5 : vector<16xf32>
          %add3A_370 = arith.addf %add3A_348, %mul3A_369 : vector<16xf32>
          %get3A_371 = arith.constant 2 : i32
          %get3A_372 = arith.index_cast %get3A_371 : i32 to index
          %get3A_373 = arith.index_cast %while3A_304 : i32 to index
          %get3A_374 = arith.constant 48 : index
          %get3A_375 = tpu.vector_load %arg9[%get3A_372, %get3A_373, %get3A_374] {strides = array<i32>} : memref<3x96x128xf32, #tpu.memory_space<vmem>>, vector<16xf32>,
          %get3A_376 = arith.constant 2 : i32
          %get3A_377 = arith.index_cast %get3A_376 : i32 to index
          %get3A_378 = arith.index_cast %while3A_304 : i32 to index
          %get3A_379 = arith.constant 48 : index
          %get3A_380 = tpu.vector_load %arg10[%get3A_377, %get3A_378, %get3A_379] {strides = array<i32>} : memref<3x96x128xf32, #tpu.memory_space<vmem>>, vector<16xf32>,
          %add3A_381 = arith.addf %get3A_375, %get3A_380 : vector<16xf32>
          %get3A_382 = arith.constant 2 : i32
          %get3A_383 = arith.index_cast %get3A_382 : i32 to index
          %get3A_384 = arith.index_cast %while3A_304 : i32 to index
          %get3A_385 = arith.constant 48 : index
          %get3A_386 = tpu.vector_load %arg11[%get3A_383, %get3A_384, %get3A_385] {strides = array<i32>} : memref<3x96x128xf32, #tpu.memory_space<vmem>>, vector<16xf32>,
          %add3A_387 = arith.addf %add3A_381, %get3A_386 : vector<16xf32>
          %max3A_388 = arith.constant 0.000000e+00 : f32
          %max3A_389 = vector.broadcast %max3A_388 : f32 to vector<16xf32>
          %max3A_390 = arith.maximumf %add3A_387, %max3A_389 : vector<16xf32>
          %mul3A_391 = arith.mulf %max3A_390, %get3A_7 : vector<16xf32>
          %add3A_392 = arith.addf %add3A_370, %mul3A_391 : vector<16xf32>
          %get3A_393 = arith.constant 2 : i32
          %get3A_394 = arith.index_cast %get3A_393 : i32 to index
          %get3A_395 = arith.index_cast %while3A_304 : i32 to index
          %get3A_396 = arith.constant 64 : index
          %get3A_397 = tpu.vector_load %arg9[%get3A_394, %get3A_395, %get3A_396] {strides = array<i32>} : memref<3x96x128xf32, #tpu.memory_space<vmem>>, vector<16xf32>,
          %get3A_398 = arith.constant 2 : i32
          %get3A_399 = arith.index_cast %get3A_398 : i32 to index
          %get3A_400 = arith.index_cast %while3A_304 : i32 to index
          %get3A_401 = arith.constant 64 : index
          %get3A_402 = tpu.vector_load %arg10[%get3A_399, %get3A_400, %get3A_401] {strides = array<i32>} : memref<3x96x128xf32, #tpu.memory_space<vmem>>, vector<16xf32>,
          %add3A_403 = arith.addf %get3A_397, %get3A_402 : vector<16xf32>
          %get3A_404 = arith.constant 2 : i32
          %get3A_405 = arith.index_cast %get3A_404 : i32 to index
          %get3A_406 = arith.index_cast %while3A_304 : i32 to index
          %get3A_407 = arith.constant 64 : index
          %get3A_408 = tpu.vector_load %arg11[%get3A_405, %get3A_406, %get3A_407] {strides = array<i32>} : memref<3x96x128xf32, #tpu.memory_space<vmem>>, vector<16xf32>,
          %add3A_409 = arith.addf %add3A_403, %get3A_408 : vector<16xf32>
          %max3A_410 = arith.constant 0.000000e+00 : f32
          %max3A_411 = vector.broadcast %max3A_410 : f32 to vector<16xf32>
          %max3A_412 = arith.maximumf %add3A_409, %max3A_411 : vector<16xf32>
          %mul3A_413 = arith.mulf %max3A_412, %get3A_9 : vector<16xf32>
          %add3A_414 = arith.addf %add3A_392, %mul3A_413 : vector<16xf32>
          %get3A_415 = arith.constant 2 : i32
          %get3A_416 = arith.index_cast %get3A_415 : i32 to index
          %get3A_417 = arith.index_cast %while3A_304 : i32 to index
          %get3A_418 = arith.constant 80 : index
          %get3A_419 = tpu.vector_load %arg9[%get3A_416, %get3A_417, %get3A_418] {strides = array<i32>} : memref<3x96x128xf32, #tpu.memory_space<vmem>>, vector<16xf32>,
          %get3A_420 = arith.constant 2 : i32
          %get3A_421 = arith.index_cast %get3A_420 : i32 to index
          %get3A_422 = arith.index_cast %while3A_304 : i32 to index
          %get3A_423 = arith.constant 80 : index
          %get3A_424 = tpu.vector_load %arg10[%get3A_421, %get3A_422, %get3A_423] {strides = array<i32>} : memref<3x96x128xf32, #tpu.memory_space<vmem>>, vector<16xf32>,
          %add3A_425 = arith.addf %get3A_419, %get3A_424 : vector<16xf32>
          %get3A_426 = arith.constant 2 : i32
          %get3A_427 = arith.index_cast %get3A_426 : i32 to index
          %get3A_428 = arith.index_cast %while3A_304 : i32 to index
          %get3A_429 = arith.constant 80 : index
          %get3A_430 = tpu.vector_load %arg11[%get3A_427, %get3A_428, %get3A_429] {strides = array<i32>} : memref<3x96x128xf32, #tpu.memory_space<vmem>>, vector<16xf32>,
          %add3A_431 = arith.addf %add3A_425, %get3A_430 : vector<16xf32>
          %max3A_432 = arith.constant 0.000000e+00 : f32
          %max3A_433 = vector.broadcast %max3A_432 : f32 to vector<16xf32>
          %max3A_434 = arith.maximumf %add3A_431, %max3A_433 : vector<16xf32>
          %mul3A_435 = arith.mulf %max3A_434, %get3A_11 : vector<16xf32>
          %add3A_436 = arith.addf %add3A_414, %mul3A_435 : vector<16xf32>
          %get3A_437 = arith.constant 2 : i32
          %get3A_438 = arith.index_cast %get3A_437 : i32 to index
          %get3A_439 = arith.index_cast %while3A_304 : i32 to index
          %get3A_440 = arith.constant 96 : index
          %get3A_441 = tpu.vector_load %arg9[%get3A_438, %get3A_439, %get3A_440] {strides = array<i32>} : memref<3x96x128xf32, #tpu.memory_space<vmem>>, vector<16xf32>,
          %get3A_442 = arith.constant 2 : i32
          %get3A_443 = arith.index_cast %get3A_442 : i32 to index
          %get3A_444 = arith.index_cast %while3A_304 : i32 to index
          %get3A_445 = arith.constant 96 : index
          %get3A_446 = tpu.vector_load %arg10[%get3A_443, %get3A_444, %get3A_445] {strides = array<i32>} : memref<3x96x128xf32, #tpu.memory_space<vmem>>, vector<16xf32>,
          %add3A_447 = arith.addf %get3A_441, %get3A_446 : vector<16xf32>
          %get3A_448 = arith.constant 2 : i32
          %get3A_449 = arith.index_cast %get3A_448 : i32 to index
          %get3A_450 = arith.index_cast %while3A_304 : i32 to index
          %get3A_451 = arith.constant 96 : index
          %get3A_452 = tpu.vector_load %arg11[%get3A_449, %get3A_450, %get3A_451] {strides = array<i32>} : memref<3x96x128xf32, #tpu.memory_space<vmem>>, vector<16xf32>,
          %add3A_453 = arith.addf %add3A_447, %get3A_452 : vector<16xf32>
          %max3A_454 = arith.constant 0.000000e+00 : f32
          %max3A_455 = vector.broadcast %max3A_454 : f32 to vector<16xf32>
          %max3A_456 = arith.maximumf %add3A_453, %max3A_455 : vector<16xf32>
          %mul3A_457 = arith.mulf %max3A_456, %get3A_13 : vector<16xf32>
          %add3A_458 = arith.addf %add3A_436, %mul3A_457 : vector<16xf32>
          %get3A_459 = arith.constant 2 : i32
          %get3A_460 = arith.index_cast %get3A_459 : i32 to index
          %get3A_461 = arith.index_cast %while3A_304 : i32 to index
          %get3A_462 = arith.constant 112 : index
          %get3A_463 = tpu.vector_load %arg9[%get3A_460, %get3A_461, %get3A_462] {strides = array<i32>} : memref<3x96x128xf32, #tpu.memory_space<vmem>>, vector<16xf32>,
          %get3A_464 = arith.constant 2 : i32
          %get3A_465 = arith.index_cast %get3A_464 : i32 to index
          %get3A_466 = arith.index_cast %while3A_304 : i32 to index
          %get3A_467 = arith.constant 112 : index
          %get3A_468 = tpu.vector_load %arg10[%get3A_465, %get3A_466, %get3A_467] {strides = array<i32>} : memref<3x96x128xf32, #tpu.memory_space<vmem>>, vector<16xf32>,
          %add3A_469 = arith.addf %get3A_463, %get3A_468 : vector<16xf32>
          %get3A_470 = arith.constant 2 : i32
          %get3A_471 = arith.index_cast %get3A_470 : i32 to index
          %get3A_472 = arith.index_cast %while3A_304 : i32 to index
          %get3A_473 = arith.constant 112 : index
          %get3A_474 = tpu.vector_load %arg11[%get3A_471, %get3A_472, %get3A_473] {strides = array<i32>} : memref<3x96x128xf32, #tpu.memory_space<vmem>>, vector<16xf32>,
          %add3A_475 = arith.addf %add3A_469, %get3A_474 : vector<16xf32>
          %max3A_476 = arith.constant 0.000000e+00 : f32
          %max3A_477 = vector.broadcast %max3A_476 : f32 to vector<16xf32>
          %max3A_478 = arith.maximumf %add3A_475, %max3A_477 : vector<16xf32>
          %mul3A_479 = arith.mulf %max3A_478, %get3A_15 : vector<16xf32>
          %add3A_480 = arith.addf %add3A_458, %mul3A_479 : vector<16xf32>
          %reduce_sum3A = arith.constant true
          %reduce_sum3A_481 = vector.broadcast %reduce_sum3A : i1 to vector<16xi1>
          %reduce_sum3A_482 = tpu.scan <sum>, %add3A_480 masked %reduce_sum3A_481 : vector<16xf32>, vector<16xi1> -> vector<16xf32>
          %reduce_sum3A_483 = vector.extract %reduce_sum3A_482[15] : f32 from vector<16xf32>
          %rem3A = arith.constant 16 : i32
          %rem3A_484 = arith.remsi %while3A_304, %rem3A : i32
          %eq3A_485 = vector.broadcast %rem3A_484 : i32 to vector<16xi32>
          %eq3A_486 = arith.cmpi eq, %iota3A, %eq3A_485 : vector<16xi32>
          %broadcast_in_dim3A_487 = vector.broadcast %reduce_sum3A_483 : f32 to vector<16xf32>
          %select_n3A_488 = arith.select %eq3A_486, %broadcast_in_dim3A_487, %while3A_305 : vector<16xi1>, vector<16xf32>
          %eq3A_489 = arith.constant 15 : i32
          %eq3A_490 = arith.cmpi eq, %rem3A_484, %eq3A_489 : i32
          %convert_element_type3A_491 = arith.extui %eq3A_490 : i1 to i32
          %cond3A_492 = arith.constant 0 : i32
          %cond3A_493 = arith.cmpi ne, %convert_element_type3A_491, %cond3A_492 : i32
          scf.if %cond3A_493 {
            %sub3A_497 = arith.constant 15 : i32
            %sub3A_498 = arith.subi %while3A_304, %sub3A_497 : i32
            %swap3A = arith.constant 2 : i32
            %swap3A_499 = arith.index_cast %swap3A : i32 to index
            %swap3A_500 = arith.index_cast %sub3A_498 : i32 to index
            %swap3A_501 = tpu.vector_load %arg14[%swap3A_499, %swap3A_500] {strides = array<i32>} : memref<3x96xf32, #tpu.memory_space<vmem>>, vector<16xf32>,
            tpu.vector_store %arg14[%swap3A_499, %swap3A_500], %select_n3A_488 {strides = array<i32>} : memref<3x96xf32, #tpu.memory_space<vmem>>, vector<16xf32>,
          } else {
          }
          %eq3A_494 = arith.constant 15 : i32
          %eq3A_495 = arith.cmpi eq, %rem3A_484, %eq3A_494 : i32
          %select_n3A_496 = arith.select %eq3A_495, %get3A_17, %select_n3A_488 : vector<16xf32>
          scf.yield %select_n3A_496 : vector<16xf32>
        }
      } else {
      }
      %lt3A_200 = arith.constant 2083 : i32
      %lt3A_201 = arith.cmpi slt, %add3A_181, %lt3A_200 : i32
      %and3A_202 = arith.andi %ge3A_178, %lt3A_201 : i1
      %eq3A_203 = arith.constant 2083 : i32
      %eq3A_204 = arith.cmpi eq, %add3A_181, %eq3A_203 : i32
      %and3A_205 = arith.andi %ge3A_178, %eq3A_204 : i1
      %convert_element_type3A_206 = arith.extui %and3A_202 : i1 to i32
      %cond3A_207 = arith.constant 0 : i32
      %cond3A_208 = arith.cmpi ne, %convert_element_type3A_206, %cond3A_207 : i32
      scf.if %cond3A_208 {
        %mul3A_291 = arith.constant 32 : i32
        %mul3A_292 = arith.muli %sub3A_176, %mul3A_291 : i32
        %add3A_293 = arith.addi %mul3A_292, %add3A : i32
        %mul3A_294 = arith.constant 96 : i32
        %mul3A_295 = arith.muli %add3A_293, %mul3A_294 : i32
        %dma_start3A = arith.constant 2 : i32
        %dma_start3A_296 = arith.constant 0 : i32
        %dma_start3A_297 = tpu.memref_slice %arg14[%dma_start3A, %dma_start3A_296] : memref<3x96xf32, #tpu.memory_space<vmem>> -> memref<1x96xf32, #tpu.memory_space<vmem>>
        %dma_start3A_298 = tpu.memref_squeeze %dma_start3A_297 : memref<1x96xf32, #tpu.memory_space<vmem>> -> memref<96xf32, #tpu.memory_space<vmem>>
        %dma_start3A_299 = tpu.memref_slice %arg8[%mul3A_295] : memref<200000xf32, #tpu.memory_space<hbm>> -> memref<96xf32, #tpu.memory_space<hbm>>
        %dma_start3A_300 = tpu.memref_slice %arg8[%mul3A_295] : memref<200000xf32, #tpu.memory_space<hbm>> -> memref<96xf32, #tpu.memory_space<hbm>>
        %dma_start3A_301 = arith.constant 0 : i32
        %dma_start3A_302 = tpu.memref_slice %arg14[%dma_start3A, %dma_start3A_301] : memref<3x96xf32, #tpu.memory_space<vmem>> -> memref<1x96xf32, #tpu.memory_space<vmem>>
        %dma_start3A_303 = tpu.memref_squeeze %dma_start3A_302 : memref<1x96xf32, #tpu.memory_space<vmem>> -> memref<96xf32, #tpu.memory_space<vmem>>
        tpu.enqueue_dma source(%dma_start3A_303 : memref<96xf32, #tpu.memory_space<vmem>>) target(%dma_start3A_300 : memref<96xf32, #tpu.memory_space<hbm>>) target_semaphore(%arg30 : memref<!tpu.dma_semaphore, #tpu.memory_space<semaphore_mem>>)
      } else {
      }
      %convert_element_type3A_209 = arith.extui %and3A_205 : i1 to i32
      %cond3A_210 = arith.constant 0 : i32
      %cond3A_211 = arith.cmpi ne, %convert_element_type3A_209, %cond3A_210 : i32
      scf.if %cond3A_211 {
        %mul3A_291 = arith.constant 32 : i32
        %mul3A_292 = arith.muli %sub3A_176, %mul3A_291 : i32
        %add3A_293 = arith.addi %mul3A_292, %add3A : i32
        %mul3A_294 = arith.constant 96 : i32
        %mul3A_295 = arith.muli %add3A_293, %mul3A_294 : i32
        %dma_start3A = arith.constant 2 : i32
        %dma_start3A_296 = arith.constant 0 : i32
        %dma_start3A_297 = tpu.memref_slice %arg14[%dma_start3A, %dma_start3A_296] : memref<3x96xf32, #tpu.memory_space<vmem>> -> memref<1x32xf32, #tpu.memory_space<vmem>>
        %dma_start3A_298 = tpu.memref_squeeze %dma_start3A_297 : memref<1x32xf32, #tpu.memory_space<vmem>> -> memref<32xf32, #tpu.memory_space<vmem>>
        %dma_start3A_299 = tpu.memref_slice %arg8[%mul3A_295] : memref<200000xf32, #tpu.memory_space<hbm>> -> memref<32xf32, #tpu.memory_space<hbm>>
        %dma_start3A_300 = tpu.memref_slice %arg8[%mul3A_295] : memref<200000xf32, #tpu.memory_space<hbm>> -> memref<32xf32, #tpu.memory_space<hbm>>
        %dma_start3A_301 = arith.constant 0 : i32
        %dma_start3A_302 = tpu.memref_slice %arg14[%dma_start3A, %dma_start3A_301] : memref<3x96xf32, #tpu.memory_space<vmem>> -> memref<1x32xf32, #tpu.memory_space<vmem>>
        %dma_start3A_303 = tpu.memref_squeeze %dma_start3A_302 : memref<1x32xf32, #tpu.memory_space<vmem>> -> memref<32xf32, #tpu.memory_space<vmem>>
        tpu.enqueue_dma source(%dma_start3A_303 : memref<32xf32, #tpu.memory_space<vmem>>) target(%dma_start3A_300 : memref<32xf32, #tpu.memory_space<hbm>>) target_semaphore(%arg30 : memref<!tpu.dma_semaphore, #tpu.memory_space<semaphore_mem>>)
      } else {
      }
      %add3A_212 = arith.constant 2 : i32
      %add3A_213 = arith.addi %mul3A_57, %add3A_212 : i32
      %sub3A_214 = arith.constant 1 : i32
      %sub3A_215 = arith.subi %add3A_213, %sub3A_214 : i32
      %ge3A_216 = arith.constant 0 : i32
      %ge3A_217 = arith.cmpi sge, %sub3A_215, %ge3A_216 : i32
      %mul3A_218 = arith.constant 32 : i32
      %mul3A_219 = arith.muli %sub3A_215, %mul3A_218 : i32
      %add3A_220 = arith.addi %mul3A_219, %add3A : i32
      %lt3A_221 = arith.constant 2083 : i32
      %lt3A_222 = arith.cmpi slt, %add3A_220, %lt3A_221 : i32
      %and3A_223 = arith.andi %ge3A_217, %lt3A_222 : i1
      %eq3A_224 = arith.constant 2083 : i32
      %eq3A_225 = arith.cmpi eq, %add3A_220, %eq3A_224 : i32
      %and3A_226 = arith.andi %ge3A_217, %eq3A_225 : i1
      %convert_element_type3A_227 = arith.extui %and3A_223 : i1 to i32
      %cond3A_228 = arith.constant 0 : i32
      %cond3A_229 = arith.cmpi ne, %convert_element_type3A_227, %cond3A_228 : i32
      scf.if %cond3A_229 {
        %mul3A_291 = arith.constant 32 : i32
        %mul3A_292 = arith.muli %sub3A_215, %mul3A_291 : i32
        %add3A_293 = arith.addi %mul3A_292, %add3A : i32
        %mul3A_294 = arith.constant 96 : i32
        %mul3A_295 = arith.muli %add3A_293, %mul3A_294 : i32
        %dma_wait3A_296 = arith.constant 1 : i32
        %dma_wait3A_297 = arith.constant 0 : i32
        %dma_wait3A_298 = tpu.memref_slice %arg12[%dma_wait3A_296, %dma_wait3A_297] : memref<3x96xi32, #tpu.memory_space<vmem>> -> memref<1x96xi32, #tpu.memory_space<vmem>>
        %dma_wait3A_299 = tpu.memref_squeeze %dma_wait3A_298 : memref<1x96xi32, #tpu.memory_space<vmem>> -> memref<96xi32, #tpu.memory_space<vmem>>
        %dma_wait3A_300 = tpu.memref_slice %arg4[%mul3A_295] : memref<200000xi32, #tpu.memory_space<hbm>> -> memref<96xi32, #tpu.memory_space<hbm>>
        %dma_wait3A_301 = arith.constant 0 : i32
        %dma_wait3A_302 = tpu.memref_slice %arg12[%dma_wait3A_296, %dma_wait3A_301] : memref<3x96xi32, #tpu.memory_space<vmem>> -> memref<1x96xi32, #tpu.memory_space<vmem>>
        %dma_wait3A_303 = tpu.memref_squeeze %dma_wait3A_302 : memref<1x96xi32, #tpu.memory_space<vmem>> -> memref<96xi32, #tpu.memory_space<vmem>>
        %dma_wait3A_304 = tpu.memref_slice %arg4[%mul3A_295] : memref<200000xi32, #tpu.memory_space<hbm>> -> memref<96xi32, #tpu.memory_space<hbm>>
        tpu.wait_dma2 semaphore(%arg17 : memref<!tpu.dma_semaphore, #tpu.memory_space<semaphore_mem>>) src(%dma_wait3A_304 : memref<96xi32, #tpu.memory_space<hbm>>) dst(%dma_wait3A_303 : memref<96xi32, #tpu.memory_space<vmem>>)
        %mul3A_305 = arith.constant 32 : i32
        %mul3A_306 = arith.muli %sub3A_215, %mul3A_305 : i32
        %add3A_307 = arith.addi %mul3A_306, %add3A : i32
        %mul3A_308 = arith.constant 96 : i32
        %mul3A_309 = arith.muli %add3A_307, %mul3A_308 : i32
        %dma_wait3A_310 = arith.constant 1 : i32
        %dma_wait3A_311 = arith.constant 0 : i32
        %dma_wait3A_312 = tpu.memref_slice %arg13[%dma_wait3A_310, %dma_wait3A_311] : memref<3x96xi32, #tpu.memory_space<vmem>> -> memref<1x96xi32, #tpu.memory_space<vmem>>
        %dma_wait3A_313 = tpu.memref_squeeze %dma_wait3A_312 : memref<1x96xi32, #tpu.memory_space<vmem>> -> memref<96xi32, #tpu.memory_space<vmem>>
        %dma_wait3A_314 = tpu.memref_slice %arg5[%mul3A_309] : memref<200000xi32, #tpu.memory_space<hbm>> -> memref<96xi32, #tpu.memory_space<hbm>>
        %dma_wait3A_315 = arith.constant 0 : i32
        %dma_wait3A_316 = tpu.memref_slice %arg13[%dma_wait3A_310, %dma_wait3A_315] : memref<3x96xi32, #tpu.memory_space<vmem>> -> memref<1x96xi32, #tpu.memory_space<vmem>>
        %dma_wait3A_317 = tpu.memref_squeeze %dma_wait3A_316 : memref<1x96xi32, #tpu.memory_space<vmem>> -> memref<96xi32, #tpu.memory_space<vmem>>
        %dma_wait3A_318 = tpu.memref_slice %arg5[%mul3A_309] : memref<200000xi32, #tpu.memory_space<hbm>> -> memref<96xi32, #tpu.memory_space<hbm>>
        tpu.wait_dma2 semaphore(%arg17 : memref<!tpu.dma_semaphore, #tpu.memory_space<semaphore_mem>>) src(%dma_wait3A_318 : memref<96xi32, #tpu.memory_space<hbm>>) dst(%dma_wait3A_317 : memref<96xi32, #tpu.memory_space<vmem>>)
        %dma_start3A = arith.constant 1 : i32
        %dma_start3A_319 = arith.constant 1 : i32
        %dma_start3A_320 = arith.constant 0 : i32
        %dma_start3A_321 = arith.constant 0 : i32
        %dma_start3A_322 = tpu.memref_slice %arg9[%dma_start3A_319, %dma_start3A_320, %dma_start3A_321] : memref<3x96x128xf32, #tpu.memory_space<vmem>> -> memref<1x96x128xf32, #tpu.memory_space<vmem>>
        %dma_start3A_323 = tpu.memref_squeeze %dma_start3A_322 : memref<1x96x128xf32, #tpu.memory_space<vmem>> -> memref<96x128xf32, #tpu.memory_space<vmem>>
        %dma_start3A_324 = arith.constant 0 : i32
        %dma_start3A_325 = tpu.memref_slice %arg12[%dma_start3A, %dma_start3A_324] : memref<3x96xi32, #tpu.memory_space<vmem>> -> memref<1x96xi32, #tpu.memory_space<vmem>>
        %dma_start3A_326 = tpu.memref_squeeze %dma_start3A_325 : memref<1x96xi32, #tpu.memory_space<vmem>> -> memref<96xi32, #tpu.memory_space<vmem>>
        %dma_start3A_327 = arith.constant 0 : i32
        %dma_start3A_328 = arith.constant 0 : i32
        %dma_start3A_329 = tpu.memref_slice %arg2[%dma_start3A_327, %dma_start3A_328] : memref<10000x128xf32, #tpu.memory_space<hbm>> -> memref<10000x128xf32, #tpu.memory_space<hbm>>
        tpu.enqueue_indirect_dma source(%dma_start3A_329 : memref<10000x128xf32, #tpu.memory_space<hbm>>) target(%dma_start3A_323 : memref<96x128xf32, #tpu.memory_space<vmem>>) offsets(%dma_start3A_326 : memref<96xi32, #tpu.memory_space<vmem>>) semaphore(%arg23 : memref<!tpu.dma_semaphore, #tpu.memory_space<semaphore_mem>>)
        %dma_start3A_330 = arith.constant 1 : i32
        %dma_start3A_331 = arith.constant 1 : i32
        %dma_start3A_332 = arith.constant 0 : i32
        %dma_start3A_333 = arith.constant 0 : i32
        %dma_start3A_334 = tpu.memref_slice %arg10[%dma_start3A_331, %dma_start3A_332, %dma_start3A_333] : memref<3x96x128xf32, #tpu.memory_space<vmem>> -> memref<1x96x128xf32, #tpu.memory_space<vmem>>
        %dma_start3A_335 = tpu.memref_squeeze %dma_start3A_334 : memref<1x96x128xf32, #tpu.memory_space<vmem>> -> memref<96x128xf32, #tpu.memory_space<vmem>>
        %dma_start3A_336 = arith.constant 0 : i32
        %dma_start3A_337 = tpu.memref_slice %arg13[%dma_start3A_330, %dma_start3A_336] : memref<3x96xi32, #tpu.memory_space<vmem>> -> memref<1x96xi32, #tpu.memory_space<vmem>>
        %dma_start3A_338 = tpu.memref_squeeze %dma_start3A_337 : memref<1x96xi32, #tpu.memory_space<vmem>> -> memref<96xi32, #tpu.memory_space<vmem>>
        %dma_start3A_339 = arith.constant 0 : i32
        %dma_start3A_340 = arith.constant 0 : i32
        %dma_start3A_341 = tpu.memref_slice %arg3[%dma_start3A_339, %dma_start3A_340] : memref<10000x128xf32, #tpu.memory_space<hbm>> -> memref<10000x128xf32, #tpu.memory_space<hbm>>
        tpu.enqueue_indirect_dma source(%dma_start3A_341 : memref<10000x128xf32, #tpu.memory_space<hbm>>) target(%dma_start3A_335 : memref<96x128xf32, #tpu.memory_space<vmem>>) offsets(%dma_start3A_338 : memref<96xi32, #tpu.memory_space<vmem>>) semaphore(%arg26 : memref<!tpu.dma_semaphore, #tpu.memory_space<semaphore_mem>>)
      } else {
      }
      %convert_element_type3A_230 = arith.extui %and3A_226 : i1 to i32
      %cond3A_231 = arith.constant 0 : i32
      %cond3A_232 = arith.cmpi ne, %convert_element_type3A_230, %cond3A_231 : i32
      scf.if %cond3A_232 {
        %mul3A_291 = arith.constant 32 : i32
        %mul3A_292 = arith.muli %sub3A_215, %mul3A_291 : i32
        %add3A_293 = arith.addi %mul3A_292, %add3A : i32
        %mul3A_294 = arith.constant 96 : i32
        %mul3A_295 = arith.muli %add3A_293, %mul3A_294 : i32
        %dma_wait3A_296 = arith.constant 1 : i32
        %dma_wait3A_297 = arith.constant 0 : i32
        %dma_wait3A_298 = tpu.memref_slice %arg12[%dma_wait3A_296, %dma_wait3A_297] : memref<3x96xi32, #tpu.memory_space<vmem>> -> memref<1x32xi32, #tpu.memory_space<vmem>>
        %dma_wait3A_299 = tpu.memref_squeeze %dma_wait3A_298 : memref<1x32xi32, #tpu.memory_space<vmem>> -> memref<32xi32, #tpu.memory_space<vmem>>
        %dma_wait3A_300 = tpu.memref_slice %arg4[%mul3A_295] : memref<200000xi32, #tpu.memory_space<hbm>> -> memref<32xi32, #tpu.memory_space<hbm>>
        %dma_wait3A_301 = arith.constant 0 : i32
        %dma_wait3A_302 = tpu.memref_slice %arg12[%dma_wait3A_296, %dma_wait3A_301] : memref<3x96xi32, #tpu.memory_space<vmem>> -> memref<1x32xi32, #tpu.memory_space<vmem>>
        %dma_wait3A_303 = tpu.memref_squeeze %dma_wait3A_302 : memref<1x32xi32, #tpu.memory_space<vmem>> -> memref<32xi32, #tpu.memory_space<vmem>>
        %dma_wait3A_304 = tpu.memref_slice %arg4[%mul3A_295] : memref<200000xi32, #tpu.memory_space<hbm>> -> memref<32xi32, #tpu.memory_space<hbm>>
        tpu.wait_dma2 semaphore(%arg17 : memref<!tpu.dma_semaphore, #tpu.memory_space<semaphore_mem>>) src(%dma_wait3A_304 : memref<32xi32, #tpu.memory_space<hbm>>) dst(%dma_wait3A_303 : memref<32xi32, #tpu.memory_space<vmem>>)
        %mul3A_305 = arith.constant 32 : i32
        %mul3A_306 = arith.muli %sub3A_215, %mul3A_305 : i32
        %add3A_307 = arith.addi %mul3A_306, %add3A : i32
        %mul3A_308 = arith.constant 96 : i32
        %mul3A_309 = arith.muli %add3A_307, %mul3A_308 : i32
        %dma_wait3A_310 = arith.constant 1 : i32
        %dma_wait3A_311 = arith.constant 0 : i32
        %dma_wait3A_312 = tpu.memref_slice %arg13[%dma_wait3A_310, %dma_wait3A_311] : memref<3x96xi32, #tpu.memory_space<vmem>> -> memref<1x32xi32, #tpu.memory_space<vmem>>
        %dma_wait3A_313 = tpu.memref_squeeze %dma_wait3A_312 : memref<1x32xi32, #tpu.memory_space<vmem>> -> memref<32xi32, #tpu.memory_space<vmem>>
        %dma_wait3A_314 = tpu.memref_slice %arg5[%mul3A_309] : memref<200000xi32, #tpu.memory_space<hbm>> -> memref<32xi32, #tpu.memory_space<hbm>>
        %dma_wait3A_315 = arith.constant 0 : i32
        %dma_wait3A_316 = tpu.memref_slice %arg13[%dma_wait3A_310, %dma_wait3A_315] : memref<3x96xi32, #tpu.memory_space<vmem>> -> memref<1x32xi32, #tpu.memory_space<vmem>>
        %dma_wait3A_317 = tpu.memref_squeeze %dma_wait3A_316 : memref<1x32xi32, #tpu.memory_space<vmem>> -> memref<32xi32, #tpu.memory_space<vmem>>
        %dma_wait3A_318 = tpu.memref_slice %arg5[%mul3A_309] : memref<200000xi32, #tpu.memory_space<hbm>> -> memref<32xi32, #tpu.memory_space<hbm>>
        tpu.wait_dma2 semaphore(%arg17 : memref<!tpu.dma_semaphore, #tpu.memory_space<semaphore_mem>>) src(%dma_wait3A_318 : memref<32xi32, #tpu.memory_space<hbm>>) dst(%dma_wait3A_317 : memref<32xi32, #tpu.memory_space<vmem>>)
        %dma_start3A = arith.constant 1 : i32
        %dma_start3A_319 = arith.constant 1 : i32
        %dma_start3A_320 = arith.constant 0 : i32
        %dma_start3A_321 = arith.constant 0 : i32
        %dma_start3A_322 = tpu.memref_slice %arg9[%dma_start3A_319, %dma_start3A_320, %dma_start3A_321] : memref<3x96x128xf32, #tpu.memory_space<vmem>> -> memref<1x32x128xf32, #tpu.memory_space<vmem>>
        %dma_start3A_323 = tpu.memref_squeeze %dma_start3A_322 : memref<1x32x128xf32, #tpu.memory_space<vmem>> -> memref<32x128xf32, #tpu.memory_space<vmem>>
        %dma_start3A_324 = arith.constant 0 : i32
        %dma_start3A_325 = tpu.memref_slice %arg12[%dma_start3A, %dma_start3A_324] : memref<3x96xi32, #tpu.memory_space<vmem>> -> memref<1x32xi32, #tpu.memory_space<vmem>>
        %dma_start3A_326 = tpu.memref_squeeze %dma_start3A_325 : memref<1x32xi32, #tpu.memory_space<vmem>> -> memref<32xi32, #tpu.memory_space<vmem>>
        %dma_start3A_327 = arith.constant 0 : i32
        %dma_start3A_328 = arith.constant 0 : i32
        %dma_start3A_329 = tpu.memref_slice %arg2[%dma_start3A_327, %dma_start3A_328] : memref<10000x128xf32, #tpu.memory_space<hbm>> -> memref<10000x128xf32, #tpu.memory_space<hbm>>
        tpu.enqueue_indirect_dma source(%dma_start3A_329 : memref<10000x128xf32, #tpu.memory_space<hbm>>) target(%dma_start3A_323 : memref<32x128xf32, #tpu.memory_space<vmem>>) offsets(%dma_start3A_326 : memref<32xi32, #tpu.memory_space<vmem>>) semaphore(%arg23 : memref<!tpu.dma_semaphore, #tpu.memory_space<semaphore_mem>>)
        %dma_start3A_330 = arith.constant 1 : i32
        %dma_start3A_331 = arith.constant 1 : i32
        %dma_start3A_332 = arith.constant 0 : i32
        %dma_start3A_333 = arith.constant 0 : i32
        %dma_start3A_334 = tpu.memref_slice %arg10[%dma_start3A_331, %dma_start3A_332, %dma_start3A_333] : memref<3x96x128xf32, #tpu.memory_space<vmem>> -> memref<1x32x128xf32, #tpu.memory_space<vmem>>
        %dma_start3A_335 = tpu.memref_squeeze %dma_start3A_334 : memref<1x32x128xf32, #tpu.memory_space<vmem>> -> memref<32x128xf32, #tpu.memory_space<vmem>>
        %dma_start3A_336 = arith.constant 0 : i32
        %dma_start3A_337 = tpu.memref_slice %arg13[%dma_start3A_330, %dma_start3A_336] : memref<3x96xi32, #tpu.memory_space<vmem>> -> memref<1x32xi32, #tpu.memory_space<vmem>>
        %dma_start3A_338 = tpu.memref_squeeze %dma_start3A_337 : memref<1x32xi32, #tpu.memory_space<vmem>> -> memref<32xi32, #tpu.memory_space<vmem>>
        %dma_start3A_339 = arith.constant 0 : i32
        %dma_start3A_340 = arith.constant 0 : i32
        %dma_start3A_341 = tpu.memref_slice %arg3[%dma_start3A_339, %dma_start3A_340] : memref<10000x128xf32, #tpu.memory_space<hbm>> -> memref<10000x128xf32, #tpu.memory_space<hbm>>
        tpu.enqueue_indirect_dma source(%dma_start3A_341 : memref<10000x128xf32, #tpu.memory_space<hbm>>) target(%dma_start3A_335 : memref<32x128xf32, #tpu.memory_space<vmem>>) offsets(%dma_start3A_338 : memref<32xi32, #tpu.memory_space<vmem>>) semaphore(%arg26 : memref<!tpu.dma_semaphore, #tpu.memory_space<semaphore_mem>>)
      } else {
      }
      %mul3A_233 = arith.constant 32 : i32
      %mul3A_234 = arith.muli %add3A_213, %mul3A_233 : i32
      %add3A_235 = arith.addi %mul3A_234, %add3A : i32
      %ge3A_236 = arith.constant 3 : i32
      %ge3A_237 = arith.cmpi sge, %add3A_213, %ge3A_236 : i32
      %lt3A_238 = arith.constant 2084 : i32
      %lt3A_239 = arith.cmpi slt, %add3A_235, %lt3A_238 : i32
      %and3A_240 = arith.andi %ge3A_237, %lt3A_239 : i1
      %convert_element_type3A_241 = arith.extui %and3A_240 : i1 to i32
      %cond3A_242 = arith.constant 0 : i32
      %cond3A_243 = arith.cmpi ne, %convert_element_type3A_241, %cond3A_242 : i32
      scf.if %cond3A_243 {
        %sub3A_291 = arith.constant 3 : i32
        %sub3A_292 = arith.subi %add3A_213, %sub3A_291 : i32
        %mul3A_293 = arith.constant 32 : i32
        %mul3A_294 = arith.muli %sub3A_292, %mul3A_293 : i32
        %add3A_295 = arith.addi %mul3A_294, %add3A : i32
        %mul3A_296 = arith.constant 96 : i32
        %mul3A_297 = arith.muli %add3A_295, %mul3A_296 : i32
        %dma_wait3A_298 = arith.constant 2 : i32
        %dma_wait3A_299 = arith.constant 0 : i32
        %dma_wait3A_300 = tpu.memref_slice %arg14[%dma_wait3A_298, %dma_wait3A_299] : memref<3x96xf32, #tpu.memory_space<vmem>> -> memref<1x96xf32, #tpu.memory_space<vmem>>
        %dma_wait3A_301 = tpu.memref_squeeze %dma_wait3A_300 : memref<1x96xf32, #tpu.memory_space<vmem>> -> memref<96xf32, #tpu.memory_space<vmem>>
        %dma_wait3A_302 = tpu.memref_slice %arg8[%mul3A_297] : memref<200000xf32, #tpu.memory_space<hbm>> -> memref<96xf32, #tpu.memory_space<hbm>>
        %dma_wait3A_303 = tpu.memref_slice %arg8[%mul3A_297] : memref<200000xf32, #tpu.memory_space<hbm>> -> memref<96xf32, #tpu.memory_space<hbm>>
        %dma_wait3A_304 = arith.constant 0 : i32
        %dma_wait3A_305 = tpu.memref_slice %arg14[%dma_wait3A_298, %dma_wait3A_304] : memref<3x96xf32, #tpu.memory_space<vmem>> -> memref<1x96xf32, #tpu.memory_space<vmem>>
        %dma_wait3A_306 = tpu.memref_squeeze %dma_wait3A_305 : memref<1x96xf32, #tpu.memory_space<vmem>> -> memref<96xf32, #tpu.memory_space<vmem>>
        tpu.wait_dma2 semaphore(%arg30 : memref<!tpu.dma_semaphore, #tpu.memory_space<semaphore_mem>>) src(%dma_wait3A_306 : memref<96xf32, #tpu.memory_space<vmem>>) dst(%dma_wait3A_303 : memref<96xf32, #tpu.memory_space<hbm>>)
      } else {
      }
      %lt3A_244 = arith.constant 2083 : i32
      %lt3A_245 = arith.cmpi slt, %add3A_235, %lt3A_244 : i32
      %eq3A_246 = arith.constant 2083 : i32
      %eq3A_247 = arith.cmpi eq, %add3A_235, %eq3A_246 : i32
      %convert_element_type3A_248 = arith.extui %lt3A_245 : i1 to i32
      %cond3A_249 = arith.constant 0 : i32
      %cond3A_250 = arith.cmpi ne, %convert_element_type3A_248, %cond3A_249 : i32
      scf.if %cond3A_250 {
        %mul3A_291 = arith.constant 32 : i32
        %mul3A_292 = arith.muli %add3A_213, %mul3A_291 : i32
        %add3A_293 = arith.addi %mul3A_292, %add3A : i32
        %mul3A_294 = arith.constant 96 : i32
        %mul3A_295 = arith.muli %add3A_293, %mul3A_294 : i32
        %dma_start3A = arith.constant 2 : i32
        %dma_start3A_296 = arith.constant 0 : i32
        %dma_start3A_297 = tpu.memref_slice %arg12[%dma_start3A, %dma_start3A_296] : memref<3x96xi32, #tpu.memory_space<vmem>> -> memref<1x96xi32, #tpu.memory_space<vmem>>
        %dma_start3A_298 = tpu.memref_squeeze %dma_start3A_297 : memref<1x96xi32, #tpu.memory_space<vmem>> -> memref<96xi32, #tpu.memory_space<vmem>>
        %dma_start3A_299 = tpu.memref_slice %arg4[%mul3A_295] : memref<200000xi32, #tpu.memory_space<hbm>> -> memref<96xi32, #tpu.memory_space<hbm>>
        %dma_start3A_300 = arith.constant 0 : i32
        %dma_start3A_301 = tpu.memref_slice %arg12[%dma_start3A, %dma_start3A_300] : memref<3x96xi32, #tpu.memory_space<vmem>> -> memref<1x96xi32, #tpu.memory_space<vmem>>
        %dma_start3A_302 = tpu.memref_squeeze %dma_start3A_301 : memref<1x96xi32, #tpu.memory_space<vmem>> -> memref<96xi32, #tpu.memory_space<vmem>>
        %dma_start3A_303 = tpu.memref_slice %arg4[%mul3A_295] : memref<200000xi32, #tpu.memory_space<hbm>> -> memref<96xi32, #tpu.memory_space<hbm>>
        tpu.enqueue_dma source(%dma_start3A_303 : memref<96xi32, #tpu.memory_space<hbm>>) target(%dma_start3A_302 : memref<96xi32, #tpu.memory_space<vmem>>) target_semaphore(%arg18 : memref<!tpu.dma_semaphore, #tpu.memory_space<semaphore_mem>>)
        %mul3A_304 = arith.constant 32 : i32
        %mul3A_305 = arith.muli %add3A_213, %mul3A_304 : i32
        %add3A_306 = arith.addi %mul3A_305, %add3A : i32
        %mul3A_307 = arith.constant 96 : i32
        %mul3A_308 = arith.muli %add3A_306, %mul3A_307 : i32
        %dma_start3A_309 = arith.constant 2 : i32
        %dma_start3A_310 = arith.constant 0 : i32
        %dma_start3A_311 = tpu.memref_slice %arg13[%dma_start3A_309, %dma_start3A_310] : memref<3x96xi32, #tpu.memory_space<vmem>> -> memref<1x96xi32, #tpu.memory_space<vmem>>
        %dma_start3A_312 = tpu.memref_squeeze %dma_start3A_311 : memref<1x96xi32, #tpu.memory_space<vmem>> -> memref<96xi32, #tpu.memory_space<vmem>>
        %dma_start3A_313 = tpu.memref_slice %arg5[%mul3A_308] : memref<200000xi32, #tpu.memory_space<hbm>> -> memref<96xi32, #tpu.memory_space<hbm>>
        %dma_start3A_314 = arith.constant 0 : i32
        %dma_start3A_315 = tpu.memref_slice %arg13[%dma_start3A_309, %dma_start3A_314] : memref<3x96xi32, #tpu.memory_space<vmem>> -> memref<1x96xi32, #tpu.memory_space<vmem>>
        %dma_start3A_316 = tpu.memref_squeeze %dma_start3A_315 : memref<1x96xi32, #tpu.memory_space<vmem>> -> memref<96xi32, #tpu.memory_space<vmem>>
        %dma_start3A_317 = tpu.memref_slice %arg5[%mul3A_308] : memref<200000xi32, #tpu.memory_space<hbm>> -> memref<96xi32, #tpu.memory_space<hbm>>
        tpu.enqueue_dma source(%dma_start3A_317 : memref<96xi32, #tpu.memory_space<hbm>>) target(%dma_start3A_316 : memref<96xi32, #tpu.memory_space<vmem>>) target_semaphore(%arg18 : memref<!tpu.dma_semaphore, #tpu.memory_space<semaphore_mem>>)
        %mul3A_318 = arith.constant 32 : i32
        %mul3A_319 = arith.muli %add3A_213, %mul3A_318 : i32
        %add3A_320 = arith.addi %mul3A_319, %add3A : i32
        %mul3A_321 = arith.constant 96 : i32
        %mul3A_322 = arith.muli %add3A_320, %mul3A_321 : i32
        %dma_start3A_323 = arith.constant 2 : i32
        %dma_start3A_324 = arith.constant 0 : i32
        %dma_start3A_325 = arith.constant 0 : i32
        %dma_start3A_326 = tpu.memref_slice %arg11[%dma_start3A_323, %dma_start3A_324, %dma_start3A_325] : memref<3x96x128xf32, #tpu.memory_space<vmem>> -> memref<1x96x128xf32, #tpu.memory_space<vmem>>
        %dma_start3A_327 = tpu.memref_squeeze %dma_start3A_326 : memref<1x96x128xf32, #tpu.memory_space<vmem>> -> memref<96x128xf32, #tpu.memory_space<vmem>>
        %dma_start3A_328 = arith.constant 0 : i32
        %dma_start3A_329 = tpu.memref_slice %arg6[%mul3A_322, %dma_start3A_328] : memref<200000x128xf32, #tpu.memory_space<hbm>> -> memref<96x128xf32, #tpu.memory_space<hbm>>
        %dma_start3A_330 = arith.constant 0 : i32
        %dma_start3A_331 = arith.constant 0 : i32
        %dma_start3A_332 = tpu.memref_slice %arg11[%dma_start3A_323, %dma_start3A_330, %dma_start3A_331] : memref<3x96x128xf32, #tpu.memory_space<vmem>> -> memref<1x96x128xf32, #tpu.memory_space<vmem>>
        %dma_start3A_333 = tpu.memref_squeeze %dma_start3A_332 : memref<1x96x128xf32, #tpu.memory_space<vmem>> -> memref<96x128xf32, #tpu.memory_space<vmem>>
        %dma_start3A_334 = arith.constant 0 : i32
        %dma_start3A_335 = tpu.memref_slice %arg6[%mul3A_322, %dma_start3A_334] : memref<200000x128xf32, #tpu.memory_space<hbm>> -> memref<96x128xf32, #tpu.memory_space<hbm>>
        tpu.enqueue_dma source(%dma_start3A_335 : memref<96x128xf32, #tpu.memory_space<hbm>>) target(%dma_start3A_333 : memref<96x128xf32, #tpu.memory_space<vmem>>) target_semaphore(%arg21 : memref<!tpu.dma_semaphore, #tpu.memory_space<semaphore_mem>>)
      } else {
      }
      %convert_element_type3A_251 = arith.extui %eq3A_247 : i1 to i32
      %cond3A_252 = arith.constant 0 : i32
      %cond3A_253 = arith.cmpi ne, %convert_element_type3A_251, %cond3A_252 : i32
      scf.if %cond3A_253 {
        %mul3A_291 = arith.constant 32 : i32
        %mul3A_292 = arith.muli %add3A_213, %mul3A_291 : i32
        %add3A_293 = arith.addi %mul3A_292, %add3A : i32
        %mul3A_294 = arith.constant 96 : i32
        %mul3A_295 = arith.muli %add3A_293, %mul3A_294 : i32
        %dma_start3A = arith.constant 2 : i32
        %dma_start3A_296 = arith.constant 0 : i32
        %dma_start3A_297 = tpu.memref_slice %arg12[%dma_start3A, %dma_start3A_296] : memref<3x96xi32, #tpu.memory_space<vmem>> -> memref<1x32xi32, #tpu.memory_space<vmem>>
        %dma_start3A_298 = tpu.memref_squeeze %dma_start3A_297 : memref<1x32xi32, #tpu.memory_space<vmem>> -> memref<32xi32, #tpu.memory_space<vmem>>
        %dma_start3A_299 = tpu.memref_slice %arg4[%mul3A_295] : memref<200000xi32, #tpu.memory_space<hbm>> -> memref<32xi32, #tpu.memory_space<hbm>>
        %dma_start3A_300 = arith.constant 0 : i32
        %dma_start3A_301 = tpu.memref_slice %arg12[%dma_start3A, %dma_start3A_300] : memref<3x96xi32, #tpu.memory_space<vmem>> -> memref<1x32xi32, #tpu.memory_space<vmem>>
        %dma_start3A_302 = tpu.memref_squeeze %dma_start3A_301 : memref<1x32xi32, #tpu.memory_space<vmem>> -> memref<32xi32, #tpu.memory_space<vmem>>
        %dma_start3A_303 = tpu.memref_slice %arg4[%mul3A_295] : memref<200000xi32, #tpu.memory_space<hbm>> -> memref<32xi32, #tpu.memory_space<hbm>>
        tpu.enqueue_dma source(%dma_start3A_303 : memref<32xi32, #tpu.memory_space<hbm>>) target(%dma_start3A_302 : memref<32xi32, #tpu.memory_space<vmem>>) target_semaphore(%arg18 : memref<!tpu.dma_semaphore, #tpu.memory_space<semaphore_mem>>)
        %mul3A_304 = arith.constant 32 : i32
        %mul3A_305 = arith.muli %add3A_213, %mul3A_304 : i32
        %add3A_306 = arith.addi %mul3A_305, %add3A : i32
        %mul3A_307 = arith.constant 96 : i32
        %mul3A_308 = arith.muli %add3A_306, %mul3A_307 : i32
        %dma_start3A_309 = arith.constant 2 : i32
        %dma_start3A_310 = arith.constant 0 : i32
        %dma_start3A_311 = tpu.memref_slice %arg13[%dma_start3A_309, %dma_start3A_310] : memref<3x96xi32, #tpu.memory_space<vmem>> -> memref<1x32xi32, #tpu.memory_space<vmem>>
        %dma_start3A_312 = tpu.memref_squeeze %dma_start3A_311 : memref<1x32xi32, #tpu.memory_space<vmem>> -> memref<32xi32, #tpu.memory_space<vmem>>
        %dma_start3A_313 = tpu.memref_slice %arg5[%mul3A_308] : memref<200000xi32, #tpu.memory_space<hbm>> -> memref<32xi32, #tpu.memory_space<hbm>>
        %dma_start3A_314 = arith.constant 0 : i32
        %dma_start3A_315 = tpu.memref_slice %arg13[%dma_start3A_309, %dma_start3A_314] : memref<3x96xi32, #tpu.memory_space<vmem>> -> memref<1x32xi32, #tpu.memory_space<vmem>>
        %dma_start3A_316 = tpu.memref_squeeze %dma_start3A_315 : memref<1x32xi32, #tpu.memory_space<vmem>> -> memref<32xi32, #tpu.memory_space<vmem>>
        %dma_start3A_317 = tpu.memref_slice %arg5[%mul3A_308] : memref<200000xi32, #tpu.memory_space<hbm>> -> memref<32xi32, #tpu.memory_space<hbm>>
        tpu.enqueue_dma source(%dma_start3A_317 : memref<32xi32, #tpu.memory_space<hbm>>) target(%dma_start3A_316 : memref<32xi32, #tpu.memory_space<vmem>>) target_semaphore(%arg18 : memref<!tpu.dma_semaphore, #tpu.memory_space<semaphore_mem>>)
        %mul3A_318 = arith.constant 32 : i32
        %mul3A_319 = arith.muli %add3A_213, %mul3A_318 : i32
        %add3A_320 = arith.addi %mul3A_319, %add3A : i32
        %mul3A_321 = arith.constant 96 : i32
        %mul3A_322 = arith.muli %add3A_320, %mul3A_321 : i32
        %dma_start3A_323 = arith.constant 2 : i32
        %dma_start3A_324 = arith.constant 0 : i32
        %dma_start3A_325 = arith.constant 0 : i32
        %dma_start3A_326 = tpu.memref_slice %arg11[%dma_start3A_323, %dma_start3A_324, %dma_start3A_325] : memref<3x96x128xf32, #tpu.memory_space<vmem>> -> memref<1x32x128xf32, #tpu.memory_space<vmem>>
        %dma_start3A_327 = tpu.memref_squeeze %dma_start3A_326 : memref<1x32x128xf32, #tpu.memory_space<vmem>> -> memref<32x128xf32, #tpu.memory_space<vmem>>
        %dma_start3A_328 = arith.constant 0 : i32
        %dma_start3A_329 = tpu.memref_slice %arg6[%mul3A_322, %dma_start3A_328] : memref<200000x128xf32, #tpu.memory_space<hbm>> -> memref<32x128xf32, #tpu.memory_space<hbm>>
        %dma_start3A_330 = arith.constant 0 : i32
        %dma_start3A_331 = arith.constant 0 : i32
        %dma_start3A_332 = tpu.memref_slice %arg11[%dma_start3A_323, %dma_start3A_330, %dma_start3A_331] : memref<3x96x128xf32, #tpu.memory_space<vmem>> -> memref<1x32x128xf32, #tpu.memory_space<vmem>>
        %dma_start3A_333 = tpu.memref_squeeze %dma_start3A_332 : memref<1x32x128xf32, #tpu.memory_space<vmem>> -> memref<32x128xf32, #tpu.memory_space<vmem>>
        %dma_start3A_334 = arith.constant 0 : i32
        %dma_start3A_335 = tpu.memref_slice %arg6[%mul3A_322, %dma_start3A_334] : memref<200000x128xf32, #tpu.memory_space<hbm>> -> memref<32x128xf32, #tpu.memory_space<hbm>>
        tpu.enqueue_dma source(%dma_start3A_335 : memref<32x128xf32, #tpu.memory_space<hbm>>) target(%dma_start3A_333 : memref<32x128xf32, #tpu.memory_space<vmem>>) target_semaphore(%arg21 : memref<!tpu.dma_semaphore, #tpu.memory_space<semaphore_mem>>)
      } else {
      }
      %sub3A_254 = arith.constant 2 : i32
      %sub3A_255 = arith.subi %add3A_213, %sub3A_254 : i32
      %ge3A_256 = arith.constant 0 : i32
      %ge3A_257 = arith.cmpi sge, %sub3A_255, %ge3A_256 : i32
      %mul3A_258 = arith.constant 32 : i32
      %mul3A_259 = arith.muli %sub3A_255, %mul3A_258 : i32
      %add3A_260 = arith.addi %mul3A_259, %add3A : i32
      %lt3A_261 = arith.constant 2083 : i32
      %lt3A_262 = arith.cmpi slt, %add3A_260, %lt3A_261 : i32
      %and3A_263 = arith.andi %ge3A_257, %lt3A_262 : i1
      %eq3A_264 = arith.constant 2083 : i32
      %eq3A_265 = arith.cmpi eq, %add3A_260, %eq3A_264 : i32
      %and3A_266 = arith.andi %ge3A_257, %eq3A_265 : i1
      %convert_element_type3A_267 = arith.extui %and3A_263 : i1 to i32
      %cond3A_268 = arith.constant 0 : i32
      %cond3A_269 = arith.cmpi ne, %convert_element_type3A_267, %cond3A_268 : i32
      scf.if %cond3A_269 {
        %dma_wait3A_291 = arith.constant 0 : i32
        %dma_wait3A_292 = arith.constant 0 : i32
        %dma_wait3A_293 = arith.constant 0 : i32
        %dma_wait3A_294 = arith.constant 0 : i32
        %dma_wait3A_295 = tpu.memref_slice %arg9[%dma_wait3A_292, %dma_wait3A_293, %dma_wait3A_294] : memref<3x96x128xf32, #tpu.memory_space<vmem>> -> memref<1x96x128xf32, #tpu.memory_space<vmem>>
        %dma_wait3A_296 = tpu.memref_squeeze %dma_wait3A_295 : memref<1x96x128xf32, #tpu.memory_space<vmem>> -> memref<96x128xf32, #tpu.memory_space<vmem>>
        %dma_wait3A_297 = arith.constant 0 : i32
        %dma_wait3A_298 = tpu.memref_slice %arg12[%dma_wait3A_291, %dma_wait3A_297] : memref<3x96xi32, #tpu.memory_space<vmem>> -> memref<1x96xi32, #tpu.memory_space<vmem>>
        %dma_wait3A_299 = tpu.memref_squeeze %dma_wait3A_298 : memref<1x96xi32, #tpu.memory_space<vmem>> -> memref<96xi32, #tpu.memory_space<vmem>>
        %dma_wait3A_300 = arith.constant 0 : i32
        %dma_wait3A_301 = arith.constant 0 : i32
        %dma_wait3A_302 = tpu.memref_slice %arg2[%dma_wait3A_300, %dma_wait3A_301] : memref<10000x128xf32, #tpu.memory_space<hbm>> -> memref<10000x128xf32, #tpu.memory_space<hbm>>
        tpu.wait_indirect_dma semaphore(%arg22 : memref<!tpu.dma_semaphore, #tpu.memory_space<semaphore_mem>>) src(%dma_wait3A_302 : memref<10000x128xf32, #tpu.memory_space<hbm>>) dst(%dma_wait3A_296 : memref<96x128xf32, #tpu.memory_space<vmem>>)
        %dma_wait3A_303 = arith.constant 0 : i32
        %dma_wait3A_304 = arith.constant 0 : i32
        %dma_wait3A_305 = arith.constant 0 : i32
        %dma_wait3A_306 = arith.constant 0 : i32
        %dma_wait3A_307 = tpu.memref_slice %arg10[%dma_wait3A_304, %dma_wait3A_305, %dma_wait3A_306] : memref<3x96x128xf32, #tpu.memory_space<vmem>> -> memref<1x96x128xf32, #tpu.memory_space<vmem>>
        %dma_wait3A_308 = tpu.memref_squeeze %dma_wait3A_307 : memref<1x96x128xf32, #tpu.memory_space<vmem>> -> memref<96x128xf32, #tpu.memory_space<vmem>>
        %dma_wait3A_309 = arith.constant 0 : i32
        %dma_wait3A_310 = tpu.memref_slice %arg13[%dma_wait3A_303, %dma_wait3A_309] : memref<3x96xi32, #tpu.memory_space<vmem>> -> memref<1x96xi32, #tpu.memory_space<vmem>>
        %dma_wait3A_311 = tpu.memref_squeeze %dma_wait3A_310 : memref<1x96xi32, #tpu.memory_space<vmem>> -> memref<96xi32, #tpu.memory_space<vmem>>
        %dma_wait3A_312 = arith.constant 0 : i32
        %dma_wait3A_313 = arith.constant 0 : i32
        %dma_wait3A_314 = tpu.memref_slice %arg3[%dma_wait3A_312, %dma_wait3A_313] : memref<10000x128xf32, #tpu.memory_space<hbm>> -> memref<10000x128xf32, #tpu.memory_space<hbm>>
        tpu.wait_indirect_dma semaphore(%arg25 : memref<!tpu.dma_semaphore, #tpu.memory_space<semaphore_mem>>) src(%dma_wait3A_314 : memref<10000x128xf32, #tpu.memory_space<hbm>>) dst(%dma_wait3A_308 : memref<96x128xf32, #tpu.memory_space<vmem>>)
        %mul3A_315 = arith.constant 32 : i32
        %mul3A_316 = arith.muli %sub3A_255, %mul3A_315 : i32
        %add3A_317 = arith.addi %mul3A_316, %add3A : i32
        %mul3A_318 = arith.constant 96 : i32
        %mul3A_319 = arith.muli %add3A_317, %mul3A_318 : i32
        %dma_wait3A_320 = arith.constant 0 : i32
        %dma_wait3A_321 = arith.constant 0 : i32
        %dma_wait3A_322 = arith.constant 0 : i32
        %dma_wait3A_323 = tpu.memref_slice %arg11[%dma_wait3A_320, %dma_wait3A_321, %dma_wait3A_322] : memref<3x96x128xf32, #tpu.memory_space<vmem>> -> memref<1x96x128xf32, #tpu.memory_space<vmem>>
        %dma_wait3A_324 = tpu.memref_squeeze %dma_wait3A_323 : memref<1x96x128xf32, #tpu.memory_space<vmem>> -> memref<96x128xf32, #tpu.memory_space<vmem>>
        %dma_wait3A_325 = arith.constant 0 : i32
        %dma_wait3A_326 = tpu.memref_slice %arg6[%mul3A_319, %dma_wait3A_325] : memref<200000x128xf32, #tpu.memory_space<hbm>> -> memref<96x128xf32, #tpu.memory_space<hbm>>
        %dma_wait3A_327 = arith.constant 0 : i32
        %dma_wait3A_328 = arith.constant 0 : i32
        %dma_wait3A_329 = tpu.memref_slice %arg11[%dma_wait3A_320, %dma_wait3A_327, %dma_wait3A_328] : memref<3x96x128xf32, #tpu.memory_space<vmem>> -> memref<1x96x128xf32, #tpu.memory_space<vmem>>
        %dma_wait3A_330 = tpu.memref_squeeze %dma_wait3A_329 : memref<1x96x128xf32, #tpu.memory_space<vmem>> -> memref<96x128xf32, #tpu.memory_space<vmem>>
        %dma_wait3A_331 = arith.constant 0 : i32
        %dma_wait3A_332 = tpu.memref_slice %arg6[%mul3A_319, %dma_wait3A_331] : memref<200000x128xf32, #tpu.memory_space<hbm>> -> memref<96x128xf32, #tpu.memory_space<hbm>>
        tpu.wait_dma2 semaphore(%arg19 : memref<!tpu.dma_semaphore, #tpu.memory_space<semaphore_mem>>) src(%dma_wait3A_332 : memref<96x128xf32, #tpu.memory_space<hbm>>) dst(%dma_wait3A_330 : memref<96x128xf32, #tpu.memory_space<vmem>>)
      } else {
      }
      %convert_element_type3A_270 = arith.extui %and3A_266 : i1 to i32
      %cond3A_271 = arith.constant 0 : i32
      %cond3A_272 = arith.cmpi ne, %convert_element_type3A_270, %cond3A_271 : i32
      scf.if %cond3A_272 {
        %dma_wait3A_291 = arith.constant 0 : i32
        %dma_wait3A_292 = arith.constant 0 : i32
        %dma_wait3A_293 = arith.constant 0 : i32
        %dma_wait3A_294 = arith.constant 0 : i32
        %dma_wait3A_295 = tpu.memref_slice %arg9[%dma_wait3A_292, %dma_wait3A_293, %dma_wait3A_294] : memref<3x96x128xf32, #tpu.memory_space<vmem>> -> memref<1x32x128xf32, #tpu.memory_space<vmem>>
        %dma_wait3A_296 = tpu.memref_squeeze %dma_wait3A_295 : memref<1x32x128xf32, #tpu.memory_space<vmem>> -> memref<32x128xf32, #tpu.memory_space<vmem>>
        %dma_wait3A_297 = arith.constant 0 : i32
        %dma_wait3A_298 = tpu.memref_slice %arg12[%dma_wait3A_291, %dma_wait3A_297] : memref<3x96xi32, #tpu.memory_space<vmem>> -> memref<1x32xi32, #tpu.memory_space<vmem>>
        %dma_wait3A_299 = tpu.memref_squeeze %dma_wait3A_298 : memref<1x32xi32, #tpu.memory_space<vmem>> -> memref<32xi32, #tpu.memory_space<vmem>>
        %dma_wait3A_300 = arith.constant 0 : i32
        %dma_wait3A_301 = arith.constant 0 : i32
        %dma_wait3A_302 = tpu.memref_slice %arg2[%dma_wait3A_300, %dma_wait3A_301] : memref<10000x128xf32, #tpu.memory_space<hbm>> -> memref<10000x128xf32, #tpu.memory_space<hbm>>
        tpu.wait_indirect_dma semaphore(%arg22 : memref<!tpu.dma_semaphore, #tpu.memory_space<semaphore_mem>>) src(%dma_wait3A_302 : memref<10000x128xf32, #tpu.memory_space<hbm>>) dst(%dma_wait3A_296 : memref<32x128xf32, #tpu.memory_space<vmem>>)
        %dma_wait3A_303 = arith.constant 0 : i32
        %dma_wait3A_304 = arith.constant 0 : i32
        %dma_wait3A_305 = arith.constant 0 : i32
        %dma_wait3A_306 = arith.constant 0 : i32
        %dma_wait3A_307 = tpu.memref_slice %arg10[%dma_wait3A_304, %dma_wait3A_305, %dma_wait3A_306] : memref<3x96x128xf32, #tpu.memory_space<vmem>> -> memref<1x32x128xf32, #tpu.memory_space<vmem>>
        %dma_wait3A_308 = tpu.memref_squeeze %dma_wait3A_307 : memref<1x32x128xf32, #tpu.memory_space<vmem>> -> memref<32x128xf32, #tpu.memory_space<vmem>>
        %dma_wait3A_309 = arith.constant 0 : i32
        %dma_wait3A_310 = tpu.memref_slice %arg13[%dma_wait3A_303, %dma_wait3A_309] : memref<3x96xi32, #tpu.memory_space<vmem>> -> memref<1x32xi32, #tpu.memory_space<vmem>>
        %dma_wait3A_311 = tpu.memref_squeeze %dma_wait3A_310 : memref<1x32xi32, #tpu.memory_space<vmem>> -> memref<32xi32, #tpu.memory_space<vmem>>
        %dma_wait3A_312 = arith.constant 0 : i32
        %dma_wait3A_313 = arith.constant 0 : i32
        %dma_wait3A_314 = tpu.memref_slice %arg3[%dma_wait3A_312, %dma_wait3A_313] : memref<10000x128xf32, #tpu.memory_space<hbm>> -> memref<10000x128xf32, #tpu.memory_space<hbm>>
        tpu.wait_indirect_dma semaphore(%arg25 : memref<!tpu.dma_semaphore, #tpu.memory_space<semaphore_mem>>) src(%dma_wait3A_314 : memref<10000x128xf32, #tpu.memory_space<hbm>>) dst(%dma_wait3A_308 : memref<32x128xf32, #tpu.memory_space<vmem>>)
        %mul3A_315 = arith.constant 32 : i32
        %mul3A_316 = arith.muli %sub3A_255, %mul3A_315 : i32
        %add3A_317 = arith.addi %mul3A_316, %add3A : i32
        %mul3A_318 = arith.constant 96 : i32
        %mul3A_319 = arith.muli %add3A_317, %mul3A_318 : i32
        %dma_wait3A_320 = arith.constant 0 : i32
        %dma_wait3A_321 = arith.constant 0 : i32
        %dma_wait3A_322 = arith.constant 0 : i32
        %dma_wait3A_323 = tpu.memref_slice %arg11[%dma_wait3A_320, %dma_wait3A_321, %dma_wait3A_322] : memref<3x96x128xf32, #tpu.memory_space<vmem>> -> memref<1x32x128xf32, #tpu.memory_space<vmem>>
        %dma_wait3A_324 = tpu.memref_squeeze %dma_wait3A_323 : memref<1x32x128xf32, #tpu.memory_space<vmem>> -> memref<32x128xf32, #tpu.memory_space<vmem>>
        %dma_wait3A_325 = arith.constant 0 : i32
        %dma_wait3A_326 = tpu.memref_slice %arg6[%mul3A_319, %dma_wait3A_325] : memref<200000x128xf32, #tpu.memory_space<hbm>> -> memref<32x128xf32, #tpu.memory_space<hbm>>
        %dma_wait3A_327 = arith.constant 0 : i32
        %dma_wait3A_328 = arith.constant 0 : i32
        %dma_wait3A_329 = tpu.memref_slice %arg11[%dma_wait3A_320, %dma_wait3A_327, %dma_wait3A_328] : memref<3x96x128xf32, #tpu.memory_space<vmem>> -> memref<1x32x128xf32, #tpu.memory_space<vmem>>
        %dma_wait3A_330 = tpu.memref_squeeze %dma_wait3A_329 : memref<1x32x128xf32, #tpu.memory_space<vmem>> -> memref<32x128xf32, #tpu.memory_space<vmem>>
        %dma_wait3A_331 = arith.constant 0 : i32
        %dma_wait3A_332 = tpu.memref_slice %arg6[%mul3A_319, %dma_wait3A_331] : memref<200000x128xf32, #tpu.memory_space<hbm>> -> memref<32x128xf32, #tpu.memory_space<hbm>>
        tpu.wait_dma2 semaphore(%arg19 : memref<!tpu.dma_semaphore, #tpu.memory_space<semaphore_mem>>) src(%dma_wait3A_332 : memref<32x128xf32, #tpu.memory_space<hbm>>) dst(%dma_wait3A_330 : memref<32x128xf32, #tpu.memory_space<vmem>>)
      } else {
      }
      %lt3A_273 = arith.constant 2084 : i32
      %lt3A_274 = arith.cmpi slt, %add3A_260, %lt3A_273 : i32
      %and3A_275 = arith.andi %ge3A_257, %lt3A_274 : i1
      %convert_element_type3A_276 = arith.extui %and3A_275 : i1 to i32
      %cond3A_277 = arith.constant 0 : i32
      %cond3A_278 = arith.cmpi ne, %convert_element_type3A_276, %cond3A_277 : i32
      scf.if %cond3A_278 {
        %eq3A_291 = arith.constant 2083 : i32
        %eq3A_292 = arith.cmpi eq, %add3A_260, %eq3A_291 : i32
        %jit3A = arith.constant 32 : i32
        %jit3A_293 = arith.constant 96 : i32
        %select_n3A = arith.select %eq3A_292, %jit3A, %jit3A_293 : i32
        %while3A = arith.constant 0 : i32
        %while3A_294 = arith.subi %select_n3A, %while3A : i32
        %while3A_295 = arith.addi %while3A, %while3A_294 : i32
        %while3A_296 = arith.constant 1 : i32
        %while3A_297 = arith.divsi %while3A_294, %while3A_296 : i32
        %while3A_298 = arith.muli %while3A_297, %while3A_296 : i32
        %while3A_299 = arith.addi %while3A, %while3A_298 : i32
        %while3A_300 = arith.constant 1 : i32
        %while3A_301 = scf.for %while3A_304 = %while3A to %while3A_299 step %while3A_300 iter_args(%while3A_305 = %get3A_17) -> (vector<16xf32>)  : i32 {
          %get3A_306 = arith.constant 0 : i32
          %get3A_307 = arith.index_cast %get3A_306 : i32 to index
          %get3A_308 = arith.index_cast %while3A_304 : i32 to index
          %get3A_309 = arith.constant 0 : index
          %get3A_310 = tpu.vector_load %arg9[%get3A_307, %get3A_308, %get3A_309] {strides = array<i32>} : memref<3x96x128xf32, #tpu.memory_space<vmem>>, vector<16xf32>,
          %get3A_311 = arith.constant 0 : i32
          %get3A_312 = arith.index_cast %get3A_311 : i32 to index
          %get3A_313 = arith.index_cast %while3A_304 : i32 to index
          %get3A_314 = arith.constant 0 : index
          %get3A_315 = tpu.vector_load %arg10[%get3A_312, %get3A_313, %get3A_314] {strides = array<i32>} : memref<3x96x128xf32, #tpu.memory_space<vmem>>, vector<16xf32>,
          %add3A_316 = arith.addf %get3A_310, %get3A_315 : vector<16xf32>
          %get3A_317 = arith.constant 0 : i32
          %get3A_318 = arith.index_cast %get3A_317 : i32 to index
          %get3A_319 = arith.index_cast %while3A_304 : i32 to index
          %get3A_320 = arith.constant 0 : index
          %get3A_321 = tpu.vector_load %arg11[%get3A_318, %get3A_319, %get3A_320] {strides = array<i32>} : memref<3x96x128xf32, #tpu.memory_space<vmem>>, vector<16xf32>,
          %add3A_322 = arith.addf %add3A_316, %get3A_321 : vector<16xf32>
          %max3A = arith.constant 0.000000e+00 : f32
          %max3A_323 = vector.broadcast %max3A : f32 to vector<16xf32>
          %max3A_324 = arith.maximumf %add3A_322, %max3A_323 : vector<16xf32>
          %mul3A_325 = arith.mulf %max3A_324, %get3A_1 : vector<16xf32>
          %add3A_326 = arith.addf %broadcast_in_dim3A_18, %mul3A_325 : vector<16xf32>
          %get3A_327 = arith.constant 0 : i32
          %get3A_328 = arith.index_cast %get3A_327 : i32 to index
          %get3A_329 = arith.index_cast %while3A_304 : i32 to index
          %get3A_330 = arith.constant 16 : index
          %get3A_331 = tpu.vector_load %arg9[%get3A_328, %get3A_329, %get3A_330] {strides = array<i32>} : memref<3x96x128xf32, #tpu.memory_space<vmem>>, vector<16xf32>,
          %get3A_332 = arith.constant 0 : i32
          %get3A_333 = arith.index_cast %get3A_332 : i32 to index
          %get3A_334 = arith.index_cast %while3A_304 : i32 to index
          %get3A_335 = arith.constant 16 : index
          %get3A_336 = tpu.vector_load %arg10[%get3A_333, %get3A_334, %get3A_335] {strides = array<i32>} : memref<3x96x128xf32, #tpu.memory_space<vmem>>, vector<16xf32>,
          %add3A_337 = arith.addf %get3A_331, %get3A_336 : vector<16xf32>
          %get3A_338 = arith.constant 0 : i32
          %get3A_339 = arith.index_cast %get3A_338 : i32 to index
          %get3A_340 = arith.index_cast %while3A_304 : i32 to index
          %get3A_341 = arith.constant 16 : index
          %get3A_342 = tpu.vector_load %arg11[%get3A_339, %get3A_340, %get3A_341] {strides = array<i32>} : memref<3x96x128xf32, #tpu.memory_space<vmem>>, vector<16xf32>,
          %add3A_343 = arith.addf %add3A_337, %get3A_342 : vector<16xf32>
          %max3A_344 = arith.constant 0.000000e+00 : f32
          %max3A_345 = vector.broadcast %max3A_344 : f32 to vector<16xf32>
          %max3A_346 = arith.maximumf %add3A_343, %max3A_345 : vector<16xf32>
          %mul3A_347 = arith.mulf %max3A_346, %get3A_3 : vector<16xf32>
          %add3A_348 = arith.addf %add3A_326, %mul3A_347 : vector<16xf32>
          %get3A_349 = arith.constant 0 : i32
          %get3A_350 = arith.index_cast %get3A_349 : i32 to index
          %get3A_351 = arith.index_cast %while3A_304 : i32 to index
          %get3A_352 = arith.constant 32 : index
          %get3A_353 = tpu.vector_load %arg9[%get3A_350, %get3A_351, %get3A_352] {strides = array<i32>} : memref<3x96x128xf32, #tpu.memory_space<vmem>>, vector<16xf32>,
          %get3A_354 = arith.constant 0 : i32
          %get3A_355 = arith.index_cast %get3A_354 : i32 to index
          %get3A_356 = arith.index_cast %while3A_304 : i32 to index
          %get3A_357 = arith.constant 32 : index
          %get3A_358 = tpu.vector_load %arg10[%get3A_355, %get3A_356, %get3A_357] {strides = array<i32>} : memref<3x96x128xf32, #tpu.memory_space<vmem>>, vector<16xf32>,
          %add3A_359 = arith.addf %get3A_353, %get3A_358 : vector<16xf32>
          %get3A_360 = arith.constant 0 : i32
          %get3A_361 = arith.index_cast %get3A_360 : i32 to index
          %get3A_362 = arith.index_cast %while3A_304 : i32 to index
          %get3A_363 = arith.constant 32 : index
          %get3A_364 = tpu.vector_load %arg11[%get3A_361, %get3A_362, %get3A_363] {strides = array<i32>} : memref<3x96x128xf32, #tpu.memory_space<vmem>>, vector<16xf32>,
          %add3A_365 = arith.addf %add3A_359, %get3A_364 : vector<16xf32>
          %max3A_366 = arith.constant 0.000000e+00 : f32
          %max3A_367 = vector.broadcast %max3A_366 : f32 to vector<16xf32>
          %max3A_368 = arith.maximumf %add3A_365, %max3A_367 : vector<16xf32>
          %mul3A_369 = arith.mulf %max3A_368, %get3A_5 : vector<16xf32>
          %add3A_370 = arith.addf %add3A_348, %mul3A_369 : vector<16xf32>
          %get3A_371 = arith.constant 0 : i32
          %get3A_372 = arith.index_cast %get3A_371 : i32 to index
          %get3A_373 = arith.index_cast %while3A_304 : i32 to index
          %get3A_374 = arith.constant 48 : index
          %get3A_375 = tpu.vector_load %arg9[%get3A_372, %get3A_373, %get3A_374] {strides = array<i32>} : memref<3x96x128xf32, #tpu.memory_space<vmem>>, vector<16xf32>,
          %get3A_376 = arith.constant 0 : i32
          %get3A_377 = arith.index_cast %get3A_376 : i32 to index
          %get3A_378 = arith.index_cast %while3A_304 : i32 to index
          %get3A_379 = arith.constant 48 : index
          %get3A_380 = tpu.vector_load %arg10[%get3A_377, %get3A_378, %get3A_379] {strides = array<i32>} : memref<3x96x128xf32, #tpu.memory_space<vmem>>, vector<16xf32>,
          %add3A_381 = arith.addf %get3A_375, %get3A_380 : vector<16xf32>
          %get3A_382 = arith.constant 0 : i32
          %get3A_383 = arith.index_cast %get3A_382 : i32 to index
          %get3A_384 = arith.index_cast %while3A_304 : i32 to index
          %get3A_385 = arith.constant 48 : index
          %get3A_386 = tpu.vector_load %arg11[%get3A_383, %get3A_384, %get3A_385] {strides = array<i32>} : memref<3x96x128xf32, #tpu.memory_space<vmem>>, vector<16xf32>,
          %add3A_387 = arith.addf %add3A_381, %get3A_386 : vector<16xf32>
          %max3A_388 = arith.constant 0.000000e+00 : f32
          %max3A_389 = vector.broadcast %max3A_388 : f32 to vector<16xf32>
          %max3A_390 = arith.maximumf %add3A_387, %max3A_389 : vector<16xf32>
          %mul3A_391 = arith.mulf %max3A_390, %get3A_7 : vector<16xf32>
          %add3A_392 = arith.addf %add3A_370, %mul3A_391 : vector<16xf32>
          %get3A_393 = arith.constant 0 : i32
          %get3A_394 = arith.index_cast %get3A_393 : i32 to index
          %get3A_395 = arith.index_cast %while3A_304 : i32 to index
          %get3A_396 = arith.constant 64 : index
          %get3A_397 = tpu.vector_load %arg9[%get3A_394, %get3A_395, %get3A_396] {strides = array<i32>} : memref<3x96x128xf32, #tpu.memory_space<vmem>>, vector<16xf32>,
          %get3A_398 = arith.constant 0 : i32
          %get3A_399 = arith.index_cast %get3A_398 : i32 to index
          %get3A_400 = arith.index_cast %while3A_304 : i32 to index
          %get3A_401 = arith.constant 64 : index
          %get3A_402 = tpu.vector_load %arg10[%get3A_399, %get3A_400, %get3A_401] {strides = array<i32>} : memref<3x96x128xf32, #tpu.memory_space<vmem>>, vector<16xf32>,
          %add3A_403 = arith.addf %get3A_397, %get3A_402 : vector<16xf32>
          %get3A_404 = arith.constant 0 : i32
          %get3A_405 = arith.index_cast %get3A_404 : i32 to index
          %get3A_406 = arith.index_cast %while3A_304 : i32 to index
          %get3A_407 = arith.constant 64 : index
          %get3A_408 = tpu.vector_load %arg11[%get3A_405, %get3A_406, %get3A_407] {strides = array<i32>} : memref<3x96x128xf32, #tpu.memory_space<vmem>>, vector<16xf32>,
          %add3A_409 = arith.addf %add3A_403, %get3A_408 : vector<16xf32>
          %max3A_410 = arith.constant 0.000000e+00 : f32
          %max3A_411 = vector.broadcast %max3A_410 : f32 to vector<16xf32>
          %max3A_412 = arith.maximumf %add3A_409, %max3A_411 : vector<16xf32>
          %mul3A_413 = arith.mulf %max3A_412, %get3A_9 : vector<16xf32>
          %add3A_414 = arith.addf %add3A_392, %mul3A_413 : vector<16xf32>
          %get3A_415 = arith.constant 0 : i32
          %get3A_416 = arith.index_cast %get3A_415 : i32 to index
          %get3A_417 = arith.index_cast %while3A_304 : i32 to index
          %get3A_418 = arith.constant 80 : index
          %get3A_419 = tpu.vector_load %arg9[%get3A_416, %get3A_417, %get3A_418] {strides = array<i32>} : memref<3x96x128xf32, #tpu.memory_space<vmem>>, vector<16xf32>,
          %get3A_420 = arith.constant 0 : i32
          %get3A_421 = arith.index_cast %get3A_420 : i32 to index
          %get3A_422 = arith.index_cast %while3A_304 : i32 to index
          %get3A_423 = arith.constant 80 : index
          %get3A_424 = tpu.vector_load %arg10[%get3A_421, %get3A_422, %get3A_423] {strides = array<i32>} : memref<3x96x128xf32, #tpu.memory_space<vmem>>, vector<16xf32>,
          %add3A_425 = arith.addf %get3A_419, %get3A_424 : vector<16xf32>
          %get3A_426 = arith.constant 0 : i32
          %get3A_427 = arith.index_cast %get3A_426 : i32 to index
          %get3A_428 = arith.index_cast %while3A_304 : i32 to index
          %get3A_429 = arith.constant 80 : index
          %get3A_430 = tpu.vector_load %arg11[%get3A_427, %get3A_428, %get3A_429] {strides = array<i32>} : memref<3x96x128xf32, #tpu.memory_space<vmem>>, vector<16xf32>,
          %add3A_431 = arith.addf %add3A_425, %get3A_430 : vector<16xf32>
          %max3A_432 = arith.constant 0.000000e+00 : f32
          %max3A_433 = vector.broadcast %max3A_432 : f32 to vector<16xf32>
          %max3A_434 = arith.maximumf %add3A_431, %max3A_433 : vector<16xf32>
          %mul3A_435 = arith.mulf %max3A_434, %get3A_11 : vector<16xf32>
          %add3A_436 = arith.addf %add3A_414, %mul3A_435 : vector<16xf32>
          %get3A_437 = arith.constant 0 : i32
          %get3A_438 = arith.index_cast %get3A_437 : i32 to index
          %get3A_439 = arith.index_cast %while3A_304 : i32 to index
          %get3A_440 = arith.constant 96 : index
          %get3A_441 = tpu.vector_load %arg9[%get3A_438, %get3A_439, %get3A_440] {strides = array<i32>} : memref<3x96x128xf32, #tpu.memory_space<vmem>>, vector<16xf32>,
          %get3A_442 = arith.constant 0 : i32
          %get3A_443 = arith.index_cast %get3A_442 : i32 to index
          %get3A_444 = arith.index_cast %while3A_304 : i32 to index
          %get3A_445 = arith.constant 96 : index
          %get3A_446 = tpu.vector_load %arg10[%get3A_443, %get3A_444, %get3A_445] {strides = array<i32>} : memref<3x96x128xf32, #tpu.memory_space<vmem>>, vector<16xf32>,
          %add3A_447 = arith.addf %get3A_441, %get3A_446 : vector<16xf32>
          %get3A_448 = arith.constant 0 : i32
          %get3A_449 = arith.index_cast %get3A_448 : i32 to index
          %get3A_450 = arith.index_cast %while3A_304 : i32 to index
          %get3A_451 = arith.constant 96 : index
          %get3A_452 = tpu.vector_load %arg11[%get3A_449, %get3A_450, %get3A_451] {strides = array<i32>} : memref<3x96x128xf32, #tpu.memory_space<vmem>>, vector<16xf32>,
          %add3A_453 = arith.addf %add3A_447, %get3A_452 : vector<16xf32>
          %max3A_454 = arith.constant 0.000000e+00 : f32
          %max3A_455 = vector.broadcast %max3A_454 : f32 to vector<16xf32>
          %max3A_456 = arith.maximumf %add3A_453, %max3A_455 : vector<16xf32>
          %mul3A_457 = arith.mulf %max3A_456, %get3A_13 : vector<16xf32>
          %add3A_458 = arith.addf %add3A_436, %mul3A_457 : vector<16xf32>
          %get3A_459 = arith.constant 0 : i32
          %get3A_460 = arith.index_cast %get3A_459 : i32 to index
          %get3A_461 = arith.index_cast %while3A_304 : i32 to index
          %get3A_462 = arith.constant 112 : index
          %get3A_463 = tpu.vector_load %arg9[%get3A_460, %get3A_461, %get3A_462] {strides = array<i32>} : memref<3x96x128xf32, #tpu.memory_space<vmem>>, vector<16xf32>,
          %get3A_464 = arith.constant 0 : i32
          %get3A_465 = arith.index_cast %get3A_464 : i32 to index
          %get3A_466 = arith.index_cast %while3A_304 : i32 to index
          %get3A_467 = arith.constant 112 : index
          %get3A_468 = tpu.vector_load %arg10[%get3A_465, %get3A_466, %get3A_467] {strides = array<i32>} : memref<3x96x128xf32, #tpu.memory_space<vmem>>, vector<16xf32>,
          %add3A_469 = arith.addf %get3A_463, %get3A_468 : vector<16xf32>
          %get3A_470 = arith.constant 0 : i32
          %get3A_471 = arith.index_cast %get3A_470 : i32 to index
          %get3A_472 = arith.index_cast %while3A_304 : i32 to index
          %get3A_473 = arith.constant 112 : index
          %get3A_474 = tpu.vector_load %arg11[%get3A_471, %get3A_472, %get3A_473] {strides = array<i32>} : memref<3x96x128xf32, #tpu.memory_space<vmem>>, vector<16xf32>,
          %add3A_475 = arith.addf %add3A_469, %get3A_474 : vector<16xf32>
          %max3A_476 = arith.constant 0.000000e+00 : f32
          %max3A_477 = vector.broadcast %max3A_476 : f32 to vector<16xf32>
          %max3A_478 = arith.maximumf %add3A_475, %max3A_477 : vector<16xf32>
          %mul3A_479 = arith.mulf %max3A_478, %get3A_15 : vector<16xf32>
          %add3A_480 = arith.addf %add3A_458, %mul3A_479 : vector<16xf32>
          %reduce_sum3A = arith.constant true
          %reduce_sum3A_481 = vector.broadcast %reduce_sum3A : i1 to vector<16xi1>
          %reduce_sum3A_482 = tpu.scan <sum>, %add3A_480 masked %reduce_sum3A_481 : vector<16xf32>, vector<16xi1> -> vector<16xf32>
          %reduce_sum3A_483 = vector.extract %reduce_sum3A_482[15] : f32 from vector<16xf32>
          %rem3A = arith.constant 16 : i32
          %rem3A_484 = arith.remsi %while3A_304, %rem3A : i32
          %eq3A_485 = vector.broadcast %rem3A_484 : i32 to vector<16xi32>
          %eq3A_486 = arith.cmpi eq, %iota3A, %eq3A_485 : vector<16xi32>
          %broadcast_in_dim3A_487 = vector.broadcast %reduce_sum3A_483 : f32 to vector<16xf32>
          %select_n3A_488 = arith.select %eq3A_486, %broadcast_in_dim3A_487, %while3A_305 : vector<16xi1>, vector<16xf32>
          %eq3A_489 = arith.constant 15 : i32
          %eq3A_490 = arith.cmpi eq, %rem3A_484, %eq3A_489 : i32
          %convert_element_type3A_491 = arith.extui %eq3A_490 : i1 to i32
          %cond3A_492 = arith.constant 0 : i32
          %cond3A_493 = arith.cmpi ne, %convert_element_type3A_491, %cond3A_492 : i32
          scf.if %cond3A_493 {
            %sub3A_497 = arith.constant 15 : i32
            %sub3A_498 = arith.subi %while3A_304, %sub3A_497 : i32
            %swap3A = arith.constant 0 : i32
            %swap3A_499 = arith.index_cast %swap3A : i32 to index
            %swap3A_500 = arith.index_cast %sub3A_498 : i32 to index
            %swap3A_501 = tpu.vector_load %arg14[%swap3A_499, %swap3A_500] {strides = array<i32>} : memref<3x96xf32, #tpu.memory_space<vmem>>, vector<16xf32>,
            tpu.vector_store %arg14[%swap3A_499, %swap3A_500], %select_n3A_488 {strides = array<i32>} : memref<3x96xf32, #tpu.memory_space<vmem>>, vector<16xf32>,
          } else {
          }
          %eq3A_494 = arith.constant 15 : i32
          %eq3A_495 = arith.cmpi eq, %rem3A_484, %eq3A_494 : i32
          %select_n3A_496 = arith.select %eq3A_495, %get3A_17, %select_n3A_488 : vector<16xf32>
          scf.yield %select_n3A_496 : vector<16xf32>
        }
        %while3A_302 = arith.constant 1 : i32
        %while3A_303 = scf.for %while3A_304 = %while3A_299 to %while3A_295 step %while3A_302 iter_args(%while3A_305 = %while3A_301) -> (vector<16xf32>)  : i32 {
          %get3A_306 = arith.constant 0 : i32
          %get3A_307 = arith.index_cast %get3A_306 : i32 to index
          %get3A_308 = arith.index_cast %while3A_304 : i32 to index
          %get3A_309 = arith.constant 0 : index
          %get3A_310 = tpu.vector_load %arg9[%get3A_307, %get3A_308, %get3A_309] {strides = array<i32>} : memref<3x96x128xf32, #tpu.memory_space<vmem>>, vector<16xf32>,
          %get3A_311 = arith.constant 0 : i32
          %get3A_312 = arith.index_cast %get3A_311 : i32 to index
          %get3A_313 = arith.index_cast %while3A_304 : i32 to index
          %get3A_314 = arith.constant 0 : index
          %get3A_315 = tpu.vector_load %arg10[%get3A_312, %get3A_313, %get3A_314] {strides = array<i32>} : memref<3x96x128xf32, #tpu.memory_space<vmem>>, vector<16xf32>,
          %add3A_316 = arith.addf %get3A_310, %get3A_315 : vector<16xf32>
          %get3A_317 = arith.constant 0 : i32
          %get3A_318 = arith.index_cast %get3A_317 : i32 to index
          %get3A_319 = arith.index_cast %while3A_304 : i32 to index
          %get3A_320 = arith.constant 0 : index
          %get3A_321 = tpu.vector_load %arg11[%get3A_318, %get3A_319, %get3A_320] {strides = array<i32>} : memref<3x96x128xf32, #tpu.memory_space<vmem>>, vector<16xf32>,
          %add3A_322 = arith.addf %add3A_316, %get3A_321 : vector<16xf32>
          %max3A = arith.constant 0.000000e+00 : f32
          %max3A_323 = vector.broadcast %max3A : f32 to vector<16xf32>
          %max3A_324 = arith.maximumf %add3A_322, %max3A_323 : vector<16xf32>
          %mul3A_325 = arith.mulf %max3A_324, %get3A_1 : vector<16xf32>
          %add3A_326 = arith.addf %broadcast_in_dim3A_18, %mul3A_325 : vector<16xf32>
          %get3A_327 = arith.constant 0 : i32
          %get3A_328 = arith.index_cast %get3A_327 : i32 to index
          %get3A_329 = arith.index_cast %while3A_304 : i32 to index
          %get3A_330 = arith.constant 16 : index
          %get3A_331 = tpu.vector_load %arg9[%get3A_328, %get3A_329, %get3A_330] {strides = array<i32>} : memref<3x96x128xf32, #tpu.memory_space<vmem>>, vector<16xf32>,
          %get3A_332 = arith.constant 0 : i32
          %get3A_333 = arith.index_cast %get3A_332 : i32 to index
          %get3A_334 = arith.index_cast %while3A_304 : i32 to index
          %get3A_335 = arith.constant 16 : index
          %get3A_336 = tpu.vector_load %arg10[%get3A_333, %get3A_334, %get3A_335] {strides = array<i32>} : memref<3x96x128xf32, #tpu.memory_space<vmem>>, vector<16xf32>,
          %add3A_337 = arith.addf %get3A_331, %get3A_336 : vector<16xf32>
          %get3A_338 = arith.constant 0 : i32
          %get3A_339 = arith.index_cast %get3A_338 : i32 to index
          %get3A_340 = arith.index_cast %while3A_304 : i32 to index
          %get3A_341 = arith.constant 16 : index
          %get3A_342 = tpu.vector_load %arg11[%get3A_339, %get3A_340, %get3A_341] {strides = array<i32>} : memref<3x96x128xf32, #tpu.memory_space<vmem>>, vector<16xf32>,
          %add3A_343 = arith.addf %add3A_337, %get3A_342 : vector<16xf32>
          %max3A_344 = arith.constant 0.000000e+00 : f32
          %max3A_345 = vector.broadcast %max3A_344 : f32 to vector<16xf32>
          %max3A_346 = arith.maximumf %add3A_343, %max3A_345 : vector<16xf32>
          %mul3A_347 = arith.mulf %max3A_346, %get3A_3 : vector<16xf32>
          %add3A_348 = arith.addf %add3A_326, %mul3A_347 : vector<16xf32>
          %get3A_349 = arith.constant 0 : i32
          %get3A_350 = arith.index_cast %get3A_349 : i32 to index
          %get3A_351 = arith.index_cast %while3A_304 : i32 to index
          %get3A_352 = arith.constant 32 : index
          %get3A_353 = tpu.vector_load %arg9[%get3A_350, %get3A_351, %get3A_352] {strides = array<i32>} : memref<3x96x128xf32, #tpu.memory_space<vmem>>, vector<16xf32>,
          %get3A_354 = arith.constant 0 : i32
          %get3A_355 = arith.index_cast %get3A_354 : i32 to index
          %get3A_356 = arith.index_cast %while3A_304 : i32 to index
          %get3A_357 = arith.constant 32 : index
          %get3A_358 = tpu.vector_load %arg10[%get3A_355, %get3A_356, %get3A_357] {strides = array<i32>} : memref<3x96x128xf32, #tpu.memory_space<vmem>>, vector<16xf32>,
          %add3A_359 = arith.addf %get3A_353, %get3A_358 : vector<16xf32>
          %get3A_360 = arith.constant 0 : i32
          %get3A_361 = arith.index_cast %get3A_360 : i32 to index
          %get3A_362 = arith.index_cast %while3A_304 : i32 to index
          %get3A_363 = arith.constant 32 : index
          %get3A_364 = tpu.vector_load %arg11[%get3A_361, %get3A_362, %get3A_363] {strides = array<i32>} : memref<3x96x128xf32, #tpu.memory_space<vmem>>, vector<16xf32>,
          %add3A_365 = arith.addf %add3A_359, %get3A_364 : vector<16xf32>
          %max3A_366 = arith.constant 0.000000e+00 : f32
          %max3A_367 = vector.broadcast %max3A_366 : f32 to vector<16xf32>
          %max3A_368 = arith.maximumf %add3A_365, %max3A_367 : vector<16xf32>
          %mul3A_369 = arith.mulf %max3A_368, %get3A_5 : vector<16xf32>
          %add3A_370 = arith.addf %add3A_348, %mul3A_369 : vector<16xf32>
          %get3A_371 = arith.constant 0 : i32
          %get3A_372 = arith.index_cast %get3A_371 : i32 to index
          %get3A_373 = arith.index_cast %while3A_304 : i32 to index
          %get3A_374 = arith.constant 48 : index
          %get3A_375 = tpu.vector_load %arg9[%get3A_372, %get3A_373, %get3A_374] {strides = array<i32>} : memref<3x96x128xf32, #tpu.memory_space<vmem>>, vector<16xf32>,
          %get3A_376 = arith.constant 0 : i32
          %get3A_377 = arith.index_cast %get3A_376 : i32 to index
          %get3A_378 = arith.index_cast %while3A_304 : i32 to index
          %get3A_379 = arith.constant 48 : index
          %get3A_380 = tpu.vector_load %arg10[%get3A_377, %get3A_378, %get3A_379] {strides = array<i32>} : memref<3x96x128xf32, #tpu.memory_space<vmem>>, vector<16xf32>,
          %add3A_381 = arith.addf %get3A_375, %get3A_380 : vector<16xf32>
          %get3A_382 = arith.constant 0 : i32
          %get3A_383 = arith.index_cast %get3A_382 : i32 to index
          %get3A_384 = arith.index_cast %while3A_304 : i32 to index
          %get3A_385 = arith.constant 48 : index
          %get3A_386 = tpu.vector_load %arg11[%get3A_383, %get3A_384, %get3A_385] {strides = array<i32>} : memref<3x96x128xf32, #tpu.memory_space<vmem>>, vector<16xf32>,
          %add3A_387 = arith.addf %add3A_381, %get3A_386 : vector<16xf32>
          %max3A_388 = arith.constant 0.000000e+00 : f32
          %max3A_389 = vector.broadcast %max3A_388 : f32 to vector<16xf32>
          %max3A_390 = arith.maximumf %add3A_387, %max3A_389 : vector<16xf32>
          %mul3A_391 = arith.mulf %max3A_390, %get3A_7 : vector<16xf32>
          %add3A_392 = arith.addf %add3A_370, %mul3A_391 : vector<16xf32>
          %get3A_393 = arith.constant 0 : i32
          %get3A_394 = arith.index_cast %get3A_393 : i32 to index
          %get3A_395 = arith.index_cast %while3A_304 : i32 to index
          %get3A_396 = arith.constant 64 : index
          %get3A_397 = tpu.vector_load %arg9[%get3A_394, %get3A_395, %get3A_396] {strides = array<i32>} : memref<3x96x128xf32, #tpu.memory_space<vmem>>, vector<16xf32>,
          %get3A_398 = arith.constant 0 : i32
          %get3A_399 = arith.index_cast %get3A_398 : i32 to index
          %get3A_400 = arith.index_cast %while3A_304 : i32 to index
          %get3A_401 = arith.constant 64 : index
          %get3A_402 = tpu.vector_load %arg10[%get3A_399, %get3A_400, %get3A_401] {strides = array<i32>} : memref<3x96x128xf32, #tpu.memory_space<vmem>>, vector<16xf32>,
          %add3A_403 = arith.addf %get3A_397, %get3A_402 : vector<16xf32>
          %get3A_404 = arith.constant 0 : i32
          %get3A_405 = arith.index_cast %get3A_404 : i32 to index
          %get3A_406 = arith.index_cast %while3A_304 : i32 to index
          %get3A_407 = arith.constant 64 : index
          %get3A_408 = tpu.vector_load %arg11[%get3A_405, %get3A_406, %get3A_407] {strides = array<i32>} : memref<3x96x128xf32, #tpu.memory_space<vmem>>, vector<16xf32>,
          %add3A_409 = arith.addf %add3A_403, %get3A_408 : vector<16xf32>
          %max3A_410 = arith.constant 0.000000e+00 : f32
          %max3A_411 = vector.broadcast %max3A_410 : f32 to vector<16xf32>
          %max3A_412 = arith.maximumf %add3A_409, %max3A_411 : vector<16xf32>
          %mul3A_413 = arith.mulf %max3A_412, %get3A_9 : vector<16xf32>
          %add3A_414 = arith.addf %add3A_392, %mul3A_413 : vector<16xf32>
          %get3A_415 = arith.constant 0 : i32
          %get3A_416 = arith.index_cast %get3A_415 : i32 to index
          %get3A_417 = arith.index_cast %while3A_304 : i32 to index
          %get3A_418 = arith.constant 80 : index
          %get3A_419 = tpu.vector_load %arg9[%get3A_416, %get3A_417, %get3A_418] {strides = array<i32>} : memref<3x96x128xf32, #tpu.memory_space<vmem>>, vector<16xf32>,
          %get3A_420 = arith.constant 0 : i32
          %get3A_421 = arith.index_cast %get3A_420 : i32 to index
          %get3A_422 = arith.index_cast %while3A_304 : i32 to index
          %get3A_423 = arith.constant 80 : index
          %get3A_424 = tpu.vector_load %arg10[%get3A_421, %get3A_422, %get3A_423] {strides = array<i32>} : memref<3x96x128xf32, #tpu.memory_space<vmem>>, vector<16xf32>,
          %add3A_425 = arith.addf %get3A_419, %get3A_424 : vector<16xf32>
          %get3A_426 = arith.constant 0 : i32
          %get3A_427 = arith.index_cast %get3A_426 : i32 to index
          %get3A_428 = arith.index_cast %while3A_304 : i32 to index
          %get3A_429 = arith.constant 80 : index
          %get3A_430 = tpu.vector_load %arg11[%get3A_427, %get3A_428, %get3A_429] {strides = array<i32>} : memref<3x96x128xf32, #tpu.memory_space<vmem>>, vector<16xf32>,
          %add3A_431 = arith.addf %add3A_425, %get3A_430 : vector<16xf32>
          %max3A_432 = arith.constant 0.000000e+00 : f32
          %max3A_433 = vector.broadcast %max3A_432 : f32 to vector<16xf32>
          %max3A_434 = arith.maximumf %add3A_431, %max3A_433 : vector<16xf32>
          %mul3A_435 = arith.mulf %max3A_434, %get3A_11 : vector<16xf32>
          %add3A_436 = arith.addf %add3A_414, %mul3A_435 : vector<16xf32>
          %get3A_437 = arith.constant 0 : i32
          %get3A_438 = arith.index_cast %get3A_437 : i32 to index
          %get3A_439 = arith.index_cast %while3A_304 : i32 to index
          %get3A_440 = arith.constant 96 : index
          %get3A_441 = tpu.vector_load %arg9[%get3A_438, %get3A_439, %get3A_440] {strides = array<i32>} : memref<3x96x128xf32, #tpu.memory_space<vmem>>, vector<16xf32>,
          %get3A_442 = arith.constant 0 : i32
          %get3A_443 = arith.index_cast %get3A_442 : i32 to index
          %get3A_444 = arith.index_cast %while3A_304 : i32 to index
          %get3A_445 = arith.constant 96 : index
          %get3A_446 = tpu.vector_load %arg10[%get3A_443, %get3A_444, %get3A_445] {strides = array<i32>} : memref<3x96x128xf32, #tpu.memory_space<vmem>>, vector<16xf32>,
          %add3A_447 = arith.addf %get3A_441, %get3A_446 : vector<16xf32>
          %get3A_448 = arith.constant 0 : i32
          %get3A_449 = arith.index_cast %get3A_448 : i32 to index
          %get3A_450 = arith.index_cast %while3A_304 : i32 to index
          %get3A_451 = arith.constant 96 : index
          %get3A_452 = tpu.vector_load %arg11[%get3A_449, %get3A_450, %get3A_451] {strides = array<i32>} : memref<3x96x128xf32, #tpu.memory_space<vmem>>, vector<16xf32>,
          %add3A_453 = arith.addf %add3A_447, %get3A_452 : vector<16xf32>
          %max3A_454 = arith.constant 0.000000e+00 : f32
          %max3A_455 = vector.broadcast %max3A_454 : f32 to vector<16xf32>
          %max3A_456 = arith.maximumf %add3A_453, %max3A_455 : vector<16xf32>
          %mul3A_457 = arith.mulf %max3A_456, %get3A_13 : vector<16xf32>
          %add3A_458 = arith.addf %add3A_436, %mul3A_457 : vector<16xf32>
          %get3A_459 = arith.constant 0 : i32
          %get3A_460 = arith.index_cast %get3A_459 : i32 to index
          %get3A_461 = arith.index_cast %while3A_304 : i32 to index
          %get3A_462 = arith.constant 112 : index
          %get3A_463 = tpu.vector_load %arg9[%get3A_460, %get3A_461, %get3A_462] {strides = array<i32>} : memref<3x96x128xf32, #tpu.memory_space<vmem>>, vector<16xf32>,
          %get3A_464 = arith.constant 0 : i32
          %get3A_465 = arith.index_cast %get3A_464 : i32 to index
          %get3A_466 = arith.index_cast %while3A_304 : i32 to index
          %get3A_467 = arith.constant 112 : index
          %get3A_468 = tpu.vector_load %arg10[%get3A_465, %get3A_466, %get3A_467] {strides = array<i32>} : memref<3x96x128xf32, #tpu.memory_space<vmem>>, vector<16xf32>,
          %add3A_469 = arith.addf %get3A_463, %get3A_468 : vector<16xf32>
          %get3A_470 = arith.constant 0 : i32
          %get3A_471 = arith.index_cast %get3A_470 : i32 to index
          %get3A_472 = arith.index_cast %while3A_304 : i32 to index
          %get3A_473 = arith.constant 112 : index
          %get3A_474 = tpu.vector_load %arg11[%get3A_471, %get3A_472, %get3A_473] {strides = array<i32>} : memref<3x96x128xf32, #tpu.memory_space<vmem>>, vector<16xf32>,
          %add3A_475 = arith.addf %add3A_469, %get3A_474 : vector<16xf32>
          %max3A_476 = arith.constant 0.000000e+00 : f32
          %max3A_477 = vector.broadcast %max3A_476 : f32 to vector<16xf32>
          %max3A_478 = arith.maximumf %add3A_475, %max3A_477 : vector<16xf32>
          %mul3A_479 = arith.mulf %max3A_478, %get3A_15 : vector<16xf32>
          %add3A_480 = arith.addf %add3A_458, %mul3A_479 : vector<16xf32>
          %reduce_sum3A = arith.constant true
          %reduce_sum3A_481 = vector.broadcast %reduce_sum3A : i1 to vector<16xi1>
          %reduce_sum3A_482 = tpu.scan <sum>, %add3A_480 masked %reduce_sum3A_481 : vector<16xf32>, vector<16xi1> -> vector<16xf32>
          %reduce_sum3A_483 = vector.extract %reduce_sum3A_482[15] : f32 from vector<16xf32>
          %rem3A = arith.constant 16 : i32
          %rem3A_484 = arith.remsi %while3A_304, %rem3A : i32
          %eq3A_485 = vector.broadcast %rem3A_484 : i32 to vector<16xi32>
          %eq3A_486 = arith.cmpi eq, %iota3A, %eq3A_485 : vector<16xi32>
          %broadcast_in_dim3A_487 = vector.broadcast %reduce_sum3A_483 : f32 to vector<16xf32>
          %select_n3A_488 = arith.select %eq3A_486, %broadcast_in_dim3A_487, %while3A_305 : vector<16xi1>, vector<16xf32>
          %eq3A_489 = arith.constant 15 : i32
          %eq3A_490 = arith.cmpi eq, %rem3A_484, %eq3A_489 : i32
          %convert_element_type3A_491 = arith.extui %eq3A_490 : i1 to i32
          %cond3A_492 = arith.constant 0 : i32
          %cond3A_493 = arith.cmpi ne, %convert_element_type3A_491, %cond3A_492 : i32
          scf.if %cond3A_493 {
            %sub3A_497 = arith.constant 15 : i32
            %sub3A_498 = arith.subi %while3A_304, %sub3A_497 : i32
            %swap3A = arith.constant 0 : i32
            %swap3A_499 = arith.index_cast %swap3A : i32 to index
            %swap3A_500 = arith.index_cast %sub3A_498 : i32 to index
            %swap3A_501 = tpu.vector_load %arg14[%swap3A_499, %swap3A_500] {strides = array<i32>} : memref<3x96xf32, #tpu.memory_space<vmem>>, vector<16xf32>,
            tpu.vector_store %arg14[%swap3A_499, %swap3A_500], %select_n3A_488 {strides = array<i32>} : memref<3x96xf32, #tpu.memory_space<vmem>>, vector<16xf32>,
          } else {
          }
          %eq3A_494 = arith.constant 15 : i32
          %eq3A_495 = arith.cmpi eq, %rem3A_484, %eq3A_494 : i32
          %select_n3A_496 = arith.select %eq3A_495, %get3A_17, %select_n3A_488 : vector<16xf32>
          scf.yield %select_n3A_496 : vector<16xf32>
        }
      } else {
      }
      %lt3A_279 = arith.constant 2083 : i32
      %lt3A_280 = arith.cmpi slt, %add3A_260, %lt3A_279 : i32
      %and3A_281 = arith.andi %ge3A_257, %lt3A_280 : i1
      %eq3A_282 = arith.constant 2083 : i32
      %eq3A_283 = arith.cmpi eq, %add3A_260, %eq3A_282 : i32
      %and3A_284 = arith.andi %ge3A_257, %eq3A_283 : i1
      %convert_element_type3A_285 = arith.extui %and3A_281 : i1 to i32
      %cond3A_286 = arith.constant 0 : i32
      %cond3A_287 = arith.cmpi ne, %convert_element_type3A_285, %cond3A_286 : i32
      scf.if %cond3A_287 {
        %mul3A_291 = arith.constant 32 : i32
        %mul3A_292 = arith.muli %sub3A_255, %mul3A_291 : i32
        %add3A_293 = arith.addi %mul3A_292, %add3A : i32
        %mul3A_294 = arith.constant 96 : i32
        %mul3A_295 = arith.muli %add3A_293, %mul3A_294 : i32
        %dma_start3A = arith.constant 0 : i32
        %dma_start3A_296 = arith.constant 0 : i32
        %dma_start3A_297 = tpu.memref_slice %arg14[%dma_start3A, %dma_start3A_296] : memref<3x96xf32, #tpu.memory_space<vmem>> -> memref<1x96xf32, #tpu.memory_space<vmem>>
        %dma_start3A_298 = tpu.memref_squeeze %dma_start3A_297 : memref<1x96xf32, #tpu.memory_space<vmem>> -> memref<96xf32, #tpu.memory_space<vmem>>
        %dma_start3A_299 = tpu.memref_slice %arg8[%mul3A_295] : memref<200000xf32, #tpu.memory_space<hbm>> -> memref<96xf32, #tpu.memory_space<hbm>>
        %dma_start3A_300 = tpu.memref_slice %arg8[%mul3A_295] : memref<200000xf32, #tpu.memory_space<hbm>> -> memref<96xf32, #tpu.memory_space<hbm>>
        %dma_start3A_301 = arith.constant 0 : i32
        %dma_start3A_302 = tpu.memref_slice %arg14[%dma_start3A, %dma_start3A_301] : memref<3x96xf32, #tpu.memory_space<vmem>> -> memref<1x96xf32, #tpu.memory_space<vmem>>
        %dma_start3A_303 = tpu.memref_squeeze %dma_start3A_302 : memref<1x96xf32, #tpu.memory_space<vmem>> -> memref<96xf32, #tpu.memory_space<vmem>>
        tpu.enqueue_dma source(%dma_start3A_303 : memref<96xf32, #tpu.memory_space<vmem>>) target(%dma_start3A_300 : memref<96xf32, #tpu.memory_space<hbm>>) target_semaphore(%arg28 : memref<!tpu.dma_semaphore, #tpu.memory_space<semaphore_mem>>)
      } else {
      }
      %convert_element_type3A_288 = arith.extui %and3A_284 : i1 to i32
      %cond3A_289 = arith.constant 0 : i32
      %cond3A_290 = arith.cmpi ne, %convert_element_type3A_288, %cond3A_289 : i32
      scf.if %cond3A_290 {
        %mul3A_291 = arith.constant 32 : i32
        %mul3A_292 = arith.muli %sub3A_255, %mul3A_291 : i32
        %add3A_293 = arith.addi %mul3A_292, %add3A : i32
        %mul3A_294 = arith.constant 96 : i32
        %mul3A_295 = arith.muli %add3A_293, %mul3A_294 : i32
        %dma_start3A = arith.constant 0 : i32
        %dma_start3A_296 = arith.constant 0 : i32
        %dma_start3A_297 = tpu.memref_slice %arg14[%dma_start3A, %dma_start3A_296] : memref<3x96xf32, #tpu.memory_space<vmem>> -> memref<1x32xf32, #tpu.memory_space<vmem>>
        %dma_start3A_298 = tpu.memref_squeeze %dma_start3A_297 : memref<1x32xf32, #tpu.memory_space<vmem>> -> memref<32xf32, #tpu.memory_space<vmem>>
        %dma_start3A_299 = tpu.memref_slice %arg8[%mul3A_295] : memref<200000xf32, #tpu.memory_space<hbm>> -> memref<32xf32, #tpu.memory_space<hbm>>
        %dma_start3A_300 = tpu.memref_slice %arg8[%mul3A_295] : memref<200000xf32, #tpu.memory_space<hbm>> -> memref<32xf32, #tpu.memory_space<hbm>>
        %dma_start3A_301 = arith.constant 0 : i32
        %dma_start3A_302 = tpu.memref_slice %arg14[%dma_start3A, %dma_start3A_301] : memref<3x96xf32, #tpu.memory_space<vmem>> -> memref<1x32xf32, #tpu.memory_space<vmem>>
        %dma_start3A_303 = tpu.memref_squeeze %dma_start3A_302 : memref<1x32xf32, #tpu.memory_space<vmem>> -> memref<32xf32, #tpu.memory_space<vmem>>
        tpu.enqueue_dma source(%dma_start3A_303 : memref<32xf32, #tpu.memory_space<vmem>>) target(%dma_start3A_300 : memref<32xf32, #tpu.memory_space<hbm>>) target_semaphore(%arg28 : memref<!tpu.dma_semaphore, #tpu.memory_space<semaphore_mem>>)
      } else {
      }
    }
    %scan3A_23 = arith.constant 23 : i32
    %add3A_24 = arith.constant 0 : i32
    %add3A_25 = arith.addi %add3A_24, %add3A : i32
    %mul3A_26 = arith.constant 96 : i32
    %mul3A_27 = arith.muli %add3A_25, %mul3A_26 : i32
    %dma_wait3A = arith.constant 0 : i32
    %dma_wait3A_28 = arith.constant 0 : i32
    %dma_wait3A_29 = tpu.memref_slice %arg14[%dma_wait3A, %dma_wait3A_28] : memref<3x96xf32, #tpu.memory_space<vmem>> -> memref<1x96xf32, #tpu.memory_space<vmem>>
    %dma_wait3A_30 = tpu.memref_squeeze %dma_wait3A_29 : memref<1x96xf32, #tpu.memory_space<vmem>> -> memref<96xf32, #tpu.memory_space<vmem>>
    %dma_wait3A_31 = tpu.memref_slice %arg8[%mul3A_27] : memref<200000xf32, #tpu.memory_space<hbm>> -> memref<96xf32, #tpu.memory_space<hbm>>
    %dma_wait3A_32 = tpu.memref_slice %arg8[%mul3A_27] : memref<200000xf32, #tpu.memory_space<hbm>> -> memref<96xf32, #tpu.memory_space<hbm>>
    %dma_wait3A_33 = arith.constant 0 : i32
    %dma_wait3A_34 = tpu.memref_slice %arg14[%dma_wait3A, %dma_wait3A_33] : memref<3x96xf32, #tpu.memory_space<vmem>> -> memref<1x96xf32, #tpu.memory_space<vmem>>
    %dma_wait3A_35 = tpu.memref_squeeze %dma_wait3A_34 : memref<1x96xf32, #tpu.memory_space<vmem>> -> memref<96xf32, #tpu.memory_space<vmem>>
    tpu.wait_dma2 semaphore(%arg28 : memref<!tpu.dma_semaphore, #tpu.memory_space<semaphore_mem>>) src(%dma_wait3A_35 : memref<96xf32, #tpu.memory_space<vmem>>) dst(%dma_wait3A_32 : memref<96xf32, #tpu.memory_space<hbm>>)
    %add3A_36 = arith.constant 0 : i32
    %add3A_37 = arith.addi %add3A_36, %add3A : i32
    %mul3A_38 = arith.constant 96 : i32
    %mul3A_39 = arith.muli %add3A_37, %mul3A_38 : i32
    %dma_wait3A_40 = arith.constant 1 : i32
    %dma_wait3A_41 = arith.constant 0 : i32
    %dma_wait3A_42 = tpu.memref_slice %arg14[%dma_wait3A_40, %dma_wait3A_41] : memref<3x96xf32, #tpu.memory_space<vmem>> -> memref<1x96xf32, #tpu.memory_space<vmem>>
    %dma_wait3A_43 = tpu.memref_squeeze %dma_wait3A_42 : memref<1x96xf32, #tpu.memory_space<vmem>> -> memref<96xf32, #tpu.memory_space<vmem>>
    %dma_wait3A_44 = tpu.memref_slice %arg8[%mul3A_39] : memref<200000xf32, #tpu.memory_space<hbm>> -> memref<96xf32, #tpu.memory_space<hbm>>
    %dma_wait3A_45 = tpu.memref_slice %arg8[%mul3A_39] : memref<200000xf32, #tpu.memory_space<hbm>> -> memref<96xf32, #tpu.memory_space<hbm>>
    %dma_wait3A_46 = arith.constant 0 : i32
    %dma_wait3A_47 = tpu.memref_slice %arg14[%dma_wait3A_40, %dma_wait3A_46] : memref<3x96xf32, #tpu.memory_space<vmem>> -> memref<1x96xf32, #tpu.memory_space<vmem>>
    %dma_wait3A_48 = tpu.memref_squeeze %dma_wait3A_47 : memref<1x96xf32, #tpu.memory_space<vmem>> -> memref<96xf32, #tpu.memory_space<vmem>>
    tpu.wait_dma2 semaphore(%arg29 : memref<!tpu.dma_semaphore, #tpu.memory_space<semaphore_mem>>) src(%dma_wait3A_48 : memref<96xf32, #tpu.memory_space<vmem>>) dst(%dma_wait3A_45 : memref<96xf32, #tpu.memory_space<hbm>>)
    %eq3A = arith.constant 3 : i32
    %eq3A_49 = arith.cmpi eq, %add3A, %eq3A : i32
    %convert_element_type3A = arith.extui %eq3A_49 : i1 to i32
    %cond3A = arith.constant 0 : i32
    %cond3A_50 = arith.cmpi ne, %convert_element_type3A, %cond3A : i32
    scf.if %cond3A_50 {
      %add3A_55 = arith.constant 0 : i32
      %add3A_56 = arith.addi %add3A_55, %add3A : i32
      %mul3A_57 = arith.constant 96 : i32
      %mul3A_58 = arith.muli %add3A_56, %mul3A_57 : i32
      %dma_wait3A_59 = arith.constant 2 : i32
      %dma_wait3A_60 = arith.constant 0 : i32
      %dma_wait3A_61 = tpu.memref_slice %arg14[%dma_wait3A_59, %dma_wait3A_60] : memref<3x96xf32, #tpu.memory_space<vmem>> -> memref<1x32xf32, #tpu.memory_space<vmem>>
      %dma_wait3A_62 = tpu.memref_squeeze %dma_wait3A_61 : memref<1x32xf32, #tpu.memory_space<vmem>> -> memref<32xf32, #tpu.memory_space<vmem>>
      %dma_wait3A_63 = tpu.memref_slice %arg8[%mul3A_58] : memref<200000xf32, #tpu.memory_space<hbm>> -> memref<32xf32, #tpu.memory_space<hbm>>
      %dma_wait3A_64 = tpu.memref_slice %arg8[%mul3A_58] : memref<200000xf32, #tpu.memory_space<hbm>> -> memref<32xf32, #tpu.memory_space<hbm>>
      %dma_wait3A_65 = arith.constant 0 : i32
      %dma_wait3A_66 = tpu.memref_slice %arg14[%dma_wait3A_59, %dma_wait3A_65] : memref<3x96xf32, #tpu.memory_space<vmem>> -> memref<1x32xf32, #tpu.memory_space<vmem>>
      %dma_wait3A_67 = tpu.memref_squeeze %dma_wait3A_66 : memref<1x32xf32, #tpu.memory_space<vmem>> -> memref<32xf32, #tpu.memory_space<vmem>>
      tpu.wait_dma2 semaphore(%arg30 : memref<!tpu.dma_semaphore, #tpu.memory_space<semaphore_mem>>) src(%dma_wait3A_67 : memref<32xf32, #tpu.memory_space<vmem>>) dst(%dma_wait3A_64 : memref<32xf32, #tpu.memory_space<hbm>>)
    } else {
    }
    %ne3A = arith.constant 3 : i32
    %ne3A_51 = arith.cmpi ne, %add3A, %ne3A : i32
    %convert_element_type3A_52 = arith.extui %ne3A_51 : i1 to i32
    %cond3A_53 = arith.constant 0 : i32
    %cond3A_54 = arith.cmpi ne, %convert_element_type3A_52, %cond3A_53 : i32
    scf.if %cond3A_54 {
      %add3A_55 = arith.constant 0 : i32
      %add3A_56 = arith.addi %add3A_55, %add3A : i32
      %mul3A_57 = arith.constant 96 : i32
      %mul3A_58 = arith.muli %add3A_56, %mul3A_57 : i32
      %dma_wait3A_59 = arith.constant 2 : i32
      %dma_wait3A_60 = arith.constant 0 : i32
      %dma_wait3A_61 = tpu.memref_slice %arg14[%dma_wait3A_59, %dma_wait3A_60] : memref<3x96xf32, #tpu.memory_space<vmem>> -> memref<1x96xf32, #tpu.memory_space<vmem>>
      %dma_wait3A_62 = tpu.memref_squeeze %dma_wait3A_61 : memref<1x96xf32, #tpu.memory_space<vmem>> -> memref<96xf32, #tpu.memory_space<vmem>>
      %dma_wait3A_63 = tpu.memref_slice %arg8[%mul3A_58] : memref<200000xf32, #tpu.memory_space<hbm>> -> memref<96xf32, #tpu.memory_space<hbm>>
      %dma_wait3A_64 = tpu.memref_slice %arg8[%mul3A_58] : memref<200000xf32, #tpu.memory_space<hbm>> -> memref<96xf32, #tpu.memory_space<hbm>>
      %dma_wait3A_65 = arith.constant 0 : i32
      %dma_wait3A_66 = tpu.memref_slice %arg14[%dma_wait3A_59, %dma_wait3A_65] : memref<3x96xf32, #tpu.memory_space<vmem>> -> memref<1x96xf32, #tpu.memory_space<vmem>>
      %dma_wait3A_67 = tpu.memref_squeeze %dma_wait3A_66 : memref<1x96xf32, #tpu.memory_space<vmem>> -> memref<96xf32, #tpu.memory_space<vmem>>
      tpu.wait_dma2 semaphore(%arg30 : memref<!tpu.dma_semaphore, #tpu.memory_space<semaphore_mem>>) src(%dma_wait3A_67 : memref<96xf32, #tpu.memory_space<vmem>>) dst(%dma_wait3A_64 : memref<96xf32, #tpu.memory_space<hbm>>)
    } else {
    }
    return
  }
}

module attributes {stable_mosaic.version = 14 : i64} {
  func.func @_mm_bias_body(%arg0: i32, %arg1: memref<8000x16xf32, #tpu.memory_space<vmem>>, %arg2: memref<16x128xf32, #tpu.memory_space<vmem>>, %arg3: memref<1x128xf32, #tpu.memory_space<vmem>>, %arg4: memref<8000x128xf32, #tpu.memory_space<vmem>>) attributes {dimension_semantics = [#tpu.dimension_semantics<arbitrary>], iteration_bounds = array<i64: 40>, scalar_prefetch = 0 : i64, scratch_operands = 0 : i64, tpu.core_type = #tpu.core_type<tc>, window_params = [{transform_indices = @transform_0, window_bounds = array<i64: 8000, 16>}, {pipeline_mode = #tpu.pipeline_mode<synchronous>, transform_indices = @transform_1, window_bounds = array<i64: 16, 128>}, {pipeline_mode = #tpu.pipeline_mode<synchronous>, transform_indices = @transform_2, window_bounds = array<i64: 1, 128>}, {transform_indices = @transform_3, window_bounds = array<i64: 8000, 128>}]} {
    %get3A = arith.constant 0 : index
    %get3A_0 = arith.constant 0 : index
    %get3A_1 = vector.load %arg1[%get3A, %get3A_0] : memref<8000x16xf32, #tpu.memory_space<vmem>>, vector<8000x16xf32>
    %get3A_2 = arith.constant 0 : index
    %get3A_3 = arith.constant 0 : index
    %get3A_4 = vector.load %arg2[%get3A_2, %get3A_3] : memref<16x128xf32, #tpu.memory_space<vmem>>, vector<16x128xf32>
    %dot_general3A = arith.constant dense<0.000000e+00> : vector<8000x128xf32>
    %dot_general3A_5 = tpu.matmul %get3A_1, %get3A_4, %dot_general3A {dimension_numbers = #tpu.dot_dimension_numbers<[1], [0], [0], [1], [0, 0, 1, 1], [], []>, transpose_lhs_hint = false} : vector<8000x16xf32>, vector<16x128xf32>, vector<8000x128xf32> -> vector<8000x128xf32>
    %get3A_6 = arith.constant 0 : index
    %get3A_7 = arith.constant 0 : index
    %get3A_8 = vector.load %arg3[%get3A_6, %get3A_7] : memref<1x128xf32, #tpu.memory_space<vmem>>, vector<1x128xf32>
    %add3A = vector.broadcast %get3A_8 : vector<1x128xf32> to vector<8000x128xf32>
    %add3A_9 = arith.addf %dot_general3A_5, %add3A : vector<8000x128xf32>
    %swap3A = arith.constant 0 : index
    %swap3A_10 = arith.constant 0 : index
    %swap3A_11 = vector.load %arg4[%swap3A, %swap3A_10] : memref<8000x128xf32, #tpu.memory_space<vmem>>, vector<8000x128xf32>
    tpu.vector_store %arg4[%swap3A, %swap3A_10], %add3A_9 {strides = array<i32>} : memref<8000x128xf32, #tpu.memory_space<vmem>>, vector<8000x128xf32>,
    return
  }
  func.func @transform_0(%arg0: i32) -> (i32, i32) {
    %c0_i32 = arith.constant 0 : i32
    %c0_i32_0 = arith.constant 0 : i32
    return %arg0, %c0_i32 : i32, i32
  }
  func.func @transform_1(%arg0: i32) -> (i32, i32) {
    %c0_i32 = arith.constant 0 : i32
    %c0_i32_0 = arith.constant 0 : i32
    %c0_i32_1 = arith.constant 0 : i32
    return %c0_i32, %c0_i32_0 : i32, i32
  }
  func.func @transform_2(%arg0: i32) -> (i32, i32) {
    %c0_i32 = arith.constant 0 : i32
    %c0_i32_0 = arith.constant 0 : i32
    %c0_i32_1 = arith.constant 0 : i32
    return %c0_i32, %c0_i32_0 : i32, i32
  }
  func.func @transform_3(%arg0: i32) -> (i32, i32) {
    %c0_i32 = arith.constant 0 : i32
    %c0_i32_0 = arith.constant 0 : i32
    return %arg0, %c0_i32 : i32, i32
  }
}

module attributes {stable_mosaic.version = 14 : i64} {
  func.func @_mm_bias_body(%arg0: i32, %arg1: memref<8000x16xf32, #tpu.memory_space<vmem>>, %arg2: memref<16x128xf32, #tpu.memory_space<vmem>>, %arg3: memref<1x128xf32, #tpu.memory_space<vmem>>, %arg4: memref<8000x128xf32, #tpu.memory_space<vmem>>) attributes {dimension_semantics = [#tpu.dimension_semantics<arbitrary>], iteration_bounds = array<i64: 25>, scalar_prefetch = 0 : i64, scratch_operands = 0 : i64, tpu.core_type = #tpu.core_type<tc>, window_params = [{transform_indices = @transform_0, window_bounds = array<i64: 8000, 16>}, {pipeline_mode = #tpu.pipeline_mode<synchronous>, transform_indices = @transform_1, window_bounds = array<i64: 16, 128>}, {pipeline_mode = #tpu.pipeline_mode<synchronous>, transform_indices = @transform_2, window_bounds = array<i64: 1, 128>}, {transform_indices = @transform_3, window_bounds = array<i64: 8000, 128>}]} {
    %get3A = arith.constant 0 : index
    %get3A_0 = arith.constant 0 : index
    %get3A_1 = vector.load %arg1[%get3A, %get3A_0] : memref<8000x16xf32, #tpu.memory_space<vmem>>, vector<8000x16xf32>
    %get3A_2 = arith.constant 0 : index
    %get3A_3 = arith.constant 0 : index
    %get3A_4 = vector.load %arg2[%get3A_2, %get3A_3] : memref<16x128xf32, #tpu.memory_space<vmem>>, vector<16x128xf32>
    %dot_general3A = arith.constant dense<0.000000e+00> : vector<8000x128xf32>
    %dot_general3A_5 = tpu.matmul %get3A_1, %get3A_4, %dot_general3A {dimension_numbers = #tpu.dot_dimension_numbers<[1], [0], [0], [1], [0, 0, 1, 1], [], []>, transpose_lhs_hint = false} : vector<8000x16xf32>, vector<16x128xf32>, vector<8000x128xf32> -> vector<8000x128xf32>
    %get3A_6 = arith.constant 0 : index
    %get3A_7 = arith.constant 0 : index
    %get3A_8 = vector.load %arg3[%get3A_6, %get3A_7] : memref<1x128xf32, #tpu.memory_space<vmem>>, vector<1x128xf32>
    %add3A = vector.broadcast %get3A_8 : vector<1x128xf32> to vector<8000x128xf32>
    %add3A_9 = arith.addf %dot_general3A_5, %add3A : vector<8000x128xf32>
    %swap3A = arith.constant 0 : index
    %swap3A_10 = arith.constant 0 : index
    %swap3A_11 = vector.load %arg4[%swap3A, %swap3A_10] : memref<8000x128xf32, #tpu.memory_space<vmem>>, vector<8000x128xf32>
    tpu.vector_store %arg4[%swap3A, %swap3A_10], %add3A_9 {strides = array<i32>} : memref<8000x128xf32, #tpu.memory_space<vmem>>, vector<8000x128xf32>,
    return
  }
  func.func @transform_0(%arg0: i32) -> (i32, i32) {
    %c0_i32 = arith.constant 0 : i32
    %c0_i32_0 = arith.constant 0 : i32
    return %arg0, %c0_i32 : i32, i32
  }
  func.func @transform_1(%arg0: i32) -> (i32, i32) {
    %c0_i32 = arith.constant 0 : i32
    %c0_i32_0 = arith.constant 0 : i32
    %c0_i32_1 = arith.constant 0 : i32
    return %c0_i32, %c0_i32_0 : i32, i32
  }
  func.func @transform_2(%arg0: i32) -> (i32, i32) {
    %c0_i32 = arith.constant 0 : i32
    %c0_i32_0 = arith.constant 0 : i32
    %c0_i32_1 = arith.constant 0 : i32
    return %c0_i32, %c0_i32_0 : i32, i32
  }
  func.func @transform_3(%arg0: i32) -> (i32, i32) {
    %c0_i32 = arith.constant 0 : i32
    %c0_i32_0 = arith.constant 0 : i32
    return %arg0, %c0_i32 : i32, i32
  }
}

module attributes {stable_mosaic.version = 14 : i64} {
  func.func @_emb_body(%arg0: i32, %arg1: memref<400x128xf32, #tpu.memory_space<vmem>>, %arg2: memref<1x400x128xf32, #tpu.memory_space<vmem>>, %arg3: memref<1x400x128xf32, #tpu.memory_space<vmem>>, %arg4: memref<128x128xf32, #tpu.memory_space<vmem>>, %arg5: memref<128x128xf32, #tpu.memory_space<vmem>>, %arg6: memref<1x128xf32, #tpu.memory_space<vmem>>, %arg7: memref<128x128xf32, #tpu.memory_space<vmem>>, %arg8: memref<128x128xf32, #tpu.memory_space<vmem>>, %arg9: memref<400x128xf32, #tpu.memory_space<vmem>>, %arg10: memref<400x128xf32, #tpu.memory_space<vmem>>) attributes {dimension_semantics = [#tpu.dimension_semantics<arbitrary>], iteration_bounds = array<i64: 25>, scalar_prefetch = 0 : i64, scratch_operands = 0 : i64, tpu.core_type = #tpu.core_type<tc>, window_params = [{transform_indices = @transform_0, window_bounds = array<i64: 400, 128>}, {transform_indices = @transform_1, window_bounds = array<i64: 1, 400, 128>}, {transform_indices = @transform_2, window_bounds = array<i64: 1, 400, 128>}, {pipeline_mode = #tpu.pipeline_mode<synchronous>, transform_indices = @transform_3, window_bounds = array<i64: 128, 128>}, {pipeline_mode = #tpu.pipeline_mode<synchronous>, transform_indices = @transform_4, window_bounds = array<i64: 128, 128>}, {pipeline_mode = #tpu.pipeline_mode<synchronous>, transform_indices = @transform_5, window_bounds = array<i64: 1, 128>}, {pipeline_mode = #tpu.pipeline_mode<synchronous>, transform_indices = @transform_6, window_bounds = array<i64: 128, 128>}, {pipeline_mode = #tpu.pipeline_mode<synchronous>, transform_indices = @transform_7, window_bounds = array<i64: 128, 128>}, {transform_indices = @transform_8, window_bounds = array<i64: 400, 128>}, {transform_indices = @transform_9, window_bounds = array<i64: 400, 128>}]} {
    %get3A = arith.constant 0 : index
    %get3A_0 = arith.constant 0 : index
    %get3A_1 = arith.constant 0 : index
    %get3A_2 = vector.load %arg2[%get3A, %get3A_0, %get3A_1] : memref<1x400x128xf32, #tpu.memory_space<vmem>>, vector<1x400x128xf32>
    %get3A_3 = vector.shape_cast %get3A_2 : vector<1x400x128xf32> to vector<400x128xf32>
    %get3A_4 = arith.constant 0 : index
    %get3A_5 = arith.constant 0 : index
    %get3A_6 = arith.constant 0 : index
    %get3A_7 = vector.load %arg3[%get3A_4, %get3A_5, %get3A_6] : memref<1x400x128xf32, #tpu.memory_space<vmem>>, vector<1x400x128xf32>
    %get3A_8 = vector.shape_cast %get3A_7 : vector<1x400x128xf32> to vector<400x128xf32>
    %add3A = arith.addf %get3A_3, %get3A_8 : vector<400x128xf32>
    %get3A_9 = arith.constant 0 : index
    %get3A_10 = arith.constant 0 : index
    %get3A_11 = vector.load %arg1[%get3A_9, %get3A_10] : memref<400x128xf32, #tpu.memory_space<vmem>>, vector<400x128xf32>
    %get3A_12 = arith.constant 0 : index
    %get3A_13 = arith.constant 0 : index
    %get3A_14 = vector.load %arg4[%get3A_12, %get3A_13] : memref<128x128xf32, #tpu.memory_space<vmem>>, vector<128x128xf32>
    %dot_general3A = arith.constant dense<0.000000e+00> : vector<400x128xf32>
    %dot_general3A_15 = tpu.matmul %get3A_11, %get3A_14, %dot_general3A {dimension_numbers = #tpu.dot_dimension_numbers<[1], [0], [0], [1], [0, 0, 1, 1], [], []>, transpose_lhs_hint = false} : vector<400x128xf32>, vector<128x128xf32>, vector<400x128xf32> -> vector<400x128xf32>
    %get3A_16 = arith.constant 0 : index
    %get3A_17 = arith.constant 0 : index
    %get3A_18 = vector.load %arg5[%get3A_16, %get3A_17] : memref<128x128xf32, #tpu.memory_space<vmem>>, vector<128x128xf32>
    %dot_general3A_19 = arith.constant dense<0.000000e+00> : vector<400x128xf32>
    %dot_general3A_20 = tpu.matmul %add3A, %get3A_18, %dot_general3A_19 {dimension_numbers = #tpu.dot_dimension_numbers<[1], [0], [0], [1], [0, 0, 1, 1], [], []>, transpose_lhs_hint = false} : vector<400x128xf32>, vector<128x128xf32>, vector<400x128xf32> -> vector<400x128xf32>
    %add3A_21 = arith.addf %dot_general3A_15, %dot_general3A_20 : vector<400x128xf32>
    %get3A_22 = arith.constant 0 : index
    %get3A_23 = arith.constant 0 : index
    %get3A_24 = vector.load %arg6[%get3A_22, %get3A_23] : memref<1x128xf32, #tpu.memory_space<vmem>>, vector<1x128xf32>
    %add3A_25 = vector.broadcast %get3A_24 : vector<1x128xf32> to vector<400x128xf32>
    %add3A_26 = arith.addf %add3A_21, %add3A_25 : vector<400x128xf32>
    %max3A = arith.constant 0.000000e+00 : f32
    %max3A_27 = vector.broadcast %max3A : f32 to vector<400x128xf32>
    %max3A_28 = arith.maximumf %add3A_26, %max3A_27 : vector<400x128xf32>
    %get3A_29 = arith.constant 0 : index
    %get3A_30 = arith.constant 0 : index
    %get3A_31 = vector.load %arg7[%get3A_29, %get3A_30] : memref<128x128xf32, #tpu.memory_space<vmem>>, vector<128x128xf32>
    %dot_general3A_32 = arith.constant dense<0.000000e+00> : vector<400x128xf32>
    %dot_general3A_33 = tpu.matmul %max3A_28, %get3A_31, %dot_general3A_32 {dimension_numbers = #tpu.dot_dimension_numbers<[1], [0], [0], [1], [0, 0, 1, 1], [], []>, transpose_lhs_hint = false} : vector<400x128xf32>, vector<128x128xf32>, vector<400x128xf32> -> vector<400x128xf32>
    %swap3A = arith.constant 0 : index
    %swap3A_34 = arith.constant 0 : index
    %swap3A_35 = vector.load %arg9[%swap3A, %swap3A_34] : memref<400x128xf32, #tpu.memory_space<vmem>>, vector<400x128xf32>
    tpu.vector_store %arg9[%swap3A, %swap3A_34], %dot_general3A_33 {strides = array<i32>} : memref<400x128xf32, #tpu.memory_space<vmem>>, vector<400x128xf32>,
    %get3A_36 = arith.constant 0 : index
    %get3A_37 = arith.constant 0 : index
    %get3A_38 = vector.load %arg8[%get3A_36, %get3A_37] : memref<128x128xf32, #tpu.memory_space<vmem>>, vector<128x128xf32>
    %dot_general3A_39 = arith.constant dense<0.000000e+00> : vector<400x128xf32>
    %dot_general3A_40 = tpu.matmul %max3A_28, %get3A_38, %dot_general3A_39 {dimension_numbers = #tpu.dot_dimension_numbers<[1], [0], [0], [1], [0, 0, 1, 1], [], []>, transpose_lhs_hint = false} : vector<400x128xf32>, vector<128x128xf32>, vector<400x128xf32> -> vector<400x128xf32>
    %swap3A_41 = arith.constant 0 : index
    %swap3A_42 = arith.constant 0 : index
    %swap3A_43 = vector.load %arg10[%swap3A_41, %swap3A_42] : memref<400x128xf32, #tpu.memory_space<vmem>>, vector<400x128xf32>
    tpu.vector_store %arg10[%swap3A_41, %swap3A_42], %dot_general3A_40 {strides = array<i32>} : memref<400x128xf32, #tpu.memory_space<vmem>>, vector<400x128xf32>,
    return
  }
  func.func @transform_0(%arg0: i32) -> (i32, i32) {
    %c0_i32 = arith.constant 0 : i32
    %c0_i32_0 = arith.constant 0 : i32
    return %arg0, %c0_i32 : i32, i32
  }
  func.func @transform_1(%arg0: i32) -> (i32, i32, i32) {
    %c0_i32 = arith.constant 0 : i32
    %c0_i32_0 = arith.constant 0 : i32
    %c0_i32_1 = arith.constant 0 : i32
    return %c0_i32, %arg0, %c0_i32_0 : i32, i32, i32
  }
  func.func @transform_2(%arg0: i32) -> (i32, i32, i32) {
    %c1_i32 = arith.constant 1 : i32
    %c0_i32 = arith.constant 0 : i32
    %c0_i32_0 = arith.constant 0 : i32
    return %c1_i32, %arg0, %c0_i32 : i32, i32, i32
  }
  func.func @transform_3(%arg0: i32) -> (i32, i32) {
    %c0_i32 = arith.constant 0 : i32
    %c0_i32_0 = arith.constant 0 : i32
    %c0_i32_1 = arith.constant 0 : i32
    return %c0_i32, %c0_i32_0 : i32, i32
  }
  func.func @transform_4(%arg0: i32) -> (i32, i32) {
    %c0_i32 = arith.constant 0 : i32
    %c0_i32_0 = arith.constant 0 : i32
    %c0_i32_1 = arith.constant 0 : i32
    return %c0_i32, %c0_i32_0 : i32, i32
  }
  func.func @transform_5(%arg0: i32) -> (i32, i32) {
    %c0_i32 = arith.constant 0 : i32
    %c0_i32_0 = arith.constant 0 : i32
    %c0_i32_1 = arith.constant 0 : i32
    return %c0_i32, %c0_i32_0 : i32, i32
  }
  func.func @transform_6(%arg0: i32) -> (i32, i32) {
    %c0_i32 = arith.constant 0 : i32
    %c0_i32_0 = arith.constant 0 : i32
    %c0_i32_1 = arith.constant 0 : i32
    return %c0_i32, %c0_i32_0 : i32, i32
  }
  func.func @transform_7(%arg0: i32) -> (i32, i32) {
    %c0_i32 = arith.constant 0 : i32
    %c0_i32_0 = arith.constant 0 : i32
    %c0_i32_1 = arith.constant 0 : i32
    return %c0_i32, %c0_i32_0 : i32, i32
  }
  func.func @transform_8(%arg0: i32) -> (i32, i32) {
    %c0_i32 = arith.constant 0 : i32
    %c0_i32_0 = arith.constant 0 : i32
    return %arg0, %c0_i32 : i32, i32
  }
  func.func @transform_9(%arg0: i32) -> (i32, i32) {
    %c0_i32 = arith.constant 0 : i32
    %c0_i32_0 = arith.constant 0 : i32
    return %arg0, %c0_i32 : i32, i32
  }
}

</mosaic_0001>

<sc_bundles>
// kernel: kernel.10.cloned.1.call-start
scs
__scs_entry_jumppad:
0x0: {  	(pc) =	sbr.rel $0x88, $3  }
0x1: {  	(tag) =	ssettag $0x0;
	lr =	simm.s32 $0x1  }
0x2: {  	[smem:$0x3F94] =	sst lr;
	_ =	strace $0xD0000000  }
0x3: {  	_ = 	snop  }
0x4: {  	_ = 	snop  }
0x5: {  	_ = 	snop  }
0x6: {  	_ = 	snop  }
0x7: {  	_ = 	snop  }
__scs_overlays_trampoline_lowered:
0x8: {  	[smem:$0x3FA3] =	sst s0  }
0x9: {  	[smem:$0x3FA4] =	sst s1  }
0xa: {  	[smem:$0x3FA5] =	sst s2  }
0xb: {  	[smem:$0x3FA6] =	sst s3  }
0xc: {  	[smem:$0x3FA7] =	sst s4  }
0xd: {  	[smem:$0x3FA8] =	sst s5  }
0xe: {  	[smem:$0x3FA9] =	sst s6  }
0xf: {  	[smem:$0x3FAA] =	sst s7  }
0x10: {  	[smem:$0x3FAB] =	sst s8  }
0x11: {  	[smem:$0x3FAC] =	sst s9;
	s0 =	simm.s32 @!p0 $0x0  }
0x12: {  	s1 =	sld [smem:$0x3F92];
	s0 =	simm.s32 @p0 $0x1  }
0x13: {  	[smem:$0x3FAD] =	sst s0;
	s0 =	simm.s32 @!p1 $0x0  }
0x14: {  	s2 =	sld [smem:$0x3F91];
	s0 =	simm.s32 @p1 $0x1  }
0x15: {  	[smem:$0x3FAE] =	sst s0;
	s0 =	simm.s32 @!p2 $0x0  }
0x16: {  	s3 =	sld [smem:$0x3FDB];
	s0 =	simm.s32 @p2 $0x1  }
0x17: {  	s4 =	simm.s32 $0x1BF5;
	[smem:$0x3FB0] =	sst s0  }
0x18: {  	s0 =	sld [smem:$0x3F93];
	_ =	swait.ge [sflag:s4], $0x0  }
0x19: {  	s7 =	sld [smem:$0x3F94]  }
0x1a: {  	s8 =	sadd.s32 $0xFFFFE003, lr  }
0x1b: {  	s9 =	sadd.s32 $0xFFFFFEF7, lr;
	s5 =	simm.s32 $0xFFFFFFFF;
	p2 =	slt.u32 s8, $0xFFFFF086  }
0x1c: {  	p1 =	slt.u32 s9, $0xF7A;
	s5 =	simm.s32 @!p2 $0x0  }
0x1d: {  	s5 =	simm.s32 @p1 $0x1;
	p0 =	seq.s32 s7, s2  }
0x1e: {  	s7 =	smul.u32 @!p0 $0xF7A, s2;
	p2 =	seq.s32 @!p0 s5, $0x0  }
0x1f: {  	s9 =	smul.u32 $0xF7A, s1;
	s8 =	simm.s32 @!p0 $0x1BF5;
	p2 =	por !p2, p0  }
0x20: {  	[sflag:s8] =	ssyncset.s32 @!p0 $0xFFFFF086;
	s6 =	sadd.s32 @!p0 s3, s7;
	s7 =	simm.s32 @!p0 $0x108  }
0x21: {  	s3 =	sadd.s32 s3, s9;
	s6 =	sadd.s32 @!p0 $0x88, s6;
	s7 =	simm.s32 @p2 $0x1082  }
0x22: {  	[simem:s7], [sflag:s8] =	dma.local @!p0 [hbm:s6], $0xF7A  }
0x23: {  	s9 =	sor.u32 $0xD0000000, s2;
	s6 =	simm.s32 $0x108;
	_ =	swait.ge @!p0 [sflag:s8], $0x0  }
0x24: {  	s3 =	sadd.s32 $0x88, s3;
	s6 =	simm.s32 @!p1 $0x1082;
	[sflag:s4] =	ssyncset.s32 $0xFFFFF086  }
0x25: {  	[simem:s6], [sflag:s4] =	dma.local [hbm:s3], $0xF7A  }
0x26: {  	[smem:$0x3F94] =	sst s1;
	(tag) =	ssettag s2;
	_ =	strace s9  }
0x27: {  	s1 =	sld [smem:$0x3FA4]  }
0x28: {  	s2 =	sld [smem:$0x3FA5]  }
0x29: {  	s4 =	sld [smem:$0x3FA7]  }
0x2a: {  	p0 =	seq.s32 s5, $0x0;
	s5 =	sld [smem:$0x3FA8]  }
0x2b: {  	s6 =	sld [smem:$0x3FA9]  }
0x2c: {  	s7 =	sld [smem:$0x3FAA]  }
0x2d: {  	s3 =	simm.s32 $0x108;
	s8 =	sld [smem:$0x3FAB]  }
0x2e: {  	s3 =	simm.s32 @!p0 $0x1082;
	s9 =	sld [smem:$0x3FAC]  }
0x2f: {  	lr =	sadd.s32 s0, s3;
	s0 =	sld [smem:$0x3FA3]  }
0x30: {  	s3 =	sld [smem:$0x3FA6]  }
0x31: {  	[smem:$0x3FAF] =	sst s10  }
0x32: {  	s10 =	sld [smem:$0x3FAD];
	_ =	sdelay $0x3  }
0x33: {  	p0 =	seq.s32 s10, $0x1;
	s10 =	sld [smem:$0x3FAF];
	_ =	sdelay $0x3  }
0x34: {  	[smem:$0x3FAF] =	sst s10  }
0x35: {  	s10 =	sld [smem:$0x3FAE];
	_ =	sdelay $0x3  }
0x36: {  	p1 =	seq.s32 s10, $0x1;
	s10 =	sld [smem:$0x3FAF];
	_ =	sdelay $0x3  }
0x37: {  	[smem:$0x3FAF] =	sst s10  }
0x38: {  	s10 =	sld [smem:$0x3FB0]  }
0x39: {  	_ = 	snop;
	(pc) =	sbr.ind lr, $3  }
0x3a: {  	_ = 	snop  }
0x3b: {  	_ = 	snop  }
0x3c: {  	p2 =	seq.s32 s10, $0x1;
	s10 =	sld [smem:$0x3FAF]  }
0x3d: {  	_ =	shalt  }
0x3e: {  	_ =	shalt  }
0x3f: {  	_ =	shalt  }
0x40: {  	_ =	shalt  }
0x41: {  	_ =	shalt  }
0x42: {  	_ =	shalt  }
0x43: {  	_ =	shalt  }
0x44: {  	_ =	shalt  }
0x45: {  	_ =	shalt  }
0x46: {  	_ =	shalt  }
0x47: {  	_ =	shalt  }
0x48: {  	_ =	shalt  }
0x49: {  	_ =	shalt  }
0x4a: {  	_ =	shalt  }
0x4b: {  	_ =	shalt  }
0x4c: {  	_ =	shalt  }
0x4d: {  	_ =	shalt  }
0x4e: {  	_ =	shalt  }
0x4f: {  	_ =	shalt  }
0x50: {  	_ =	shalt  }
0x51: {  	_ =	shalt  }
0x52: {  	_ =	shalt  }
0x53: {  	_ =	shalt  }
0x54: {  	_ =	shalt  }
0x55: {  	_ =	shalt  }
0x56: {  	_ =	shalt  }
0x57: {  	_ =	shalt  }
0x58: {  	_ =	shalt  }
0x59: {  	_ =	shalt  }
0x5a: {  	_ =	shalt  }
0x5b: {  	_ =	shalt  }
0x5c: {  	_ =	shalt  }
0x5d: {  	_ =	shalt  }
0x5e: {  	_ =	shalt  }
0x5f: {  	_ =	shalt  }
0x60: {  	_ =	shalt  }
0x61: {  	_ =	shalt  }
0x62: {  	_ =	shalt  }
0x63: {  	_ =	shalt  }
0x64: {  	_ =	shalt  }
0x65: {  	_ =	shalt  }
0x66: {  	_ =	shalt  }
0x67: {  	_ =	shalt  }
0x68: {  	_ =	shalt  }
0x69: {  	_ =	shalt  }
0x6a: {  	_ =	shalt  }
0x6b: {  	_ =	shalt  }
0x6c: {  	_ =	shalt  }
0x6d: {  	_ =	shalt  }
0x6e: {  	_ =	shalt  }
0x6f: {  	_ =	shalt  }
0x70: {  	_ =	shalt  }
0x71: {  	_ =	shalt  }
0x72: {  	_ =	shalt  }
0x73: {  	_ =	shalt  }
0x74: {  	_ =	shalt  }
0x75: {  	_ =	shalt  }
0x76: {  	_ =	shalt  }
0x77: {  	_ =	shalt  }
0x78: {  	_ =	shalt  }
0x79: {  	_ =	shalt  }
0x7a: {  	_ =	shalt  }
0x7b: {  	_ =	shalt  }
0x7c: {  	_ =	shalt  }
0x7d: {  	_ =	shalt  }
0x7e: {  	_ =	shalt  }
0x7f: {  	_ =	shalt  }
0x80: {  	_ =	shalt  }
0x81: {  	_ =	shalt  }
0x82: {  	_ =	shalt  }
0x83: {  	_ =	shalt  }
0x84: {  	_ =	shalt  }
0x85: {  	_ =	shalt  }
0x86: {  	_ =	shalt  }
0x87: {  	_ =	shalt  }
.Lfunc_end0:
.L_simem_size_0:
called_computation.1_lowered:
.L_overlay_start_0:
0x88: {  	s2 =	sld [smem:$0x3FD9]  }
0x89: {  	s3 =	sld [smem:$0x3FFE];
	_ =	sdelay $0x1  }
0x8a: {  	s1 =	srdreg.scid  }
0x8b: {  	s0 =	sand.u32 $0x1, s1  }
0x8c: {  	s17 =	sshll.u32 s0, $0xA;
	s2 =	sadd.s32 s3, s2  }
0x8d: {  	s2 =	sadd.s32 s2, s17  }
0x8e: {  	[smem:$0x3FBB] =	sst s2  }
0x8f: {  	_ = 	snop  }
0x90: {  	s2 =	sld [smem:$0x3FD0];
	(tm) =	ssettm $0x1  }
0x91: {  	s18 =	sld [smem:$0x3FFB];
	_ =	sdelay $0x3  }
0x92: {  	_ =	strace s18  }
0x93: {  	s3 =	sld [smem:$0x3FFC];
	_ =	sdelay $0x3  }
0x94: {  	_ =	strace s3  }
0x95: {  	s3 =	sld [smem:$0x3FFD];
	_ =	sdelay $0x3  }
0x96: {  	_ =	strace s3  }
0x97: {  	_ =	strace $0x8FFFFFFF  }
0x98: {  	s19 =	sld [smem:$0x3FDB];
	_ =	sdelay $0x1  }
0x99: {  	s4 =	simm.s32 $_scs_section_size  }
0x9a: {  	s5 =	simm.s32 $_size__tile_overlayer_lowered;
	s6 =	simm.s32 $_tile_overlayer_lowered  }
0x9b: {  	s22 =	simm.s32 $0x1BFF;
	s21 =	sshll.u32 s6, $0x1;
	s3 =	sadd.s32 s4, s19  }
0x9c: {  	s7 =	simm.s32 $0x0;
	s20 =	sshll.u32 s5, $0x1;
	s5 =	sadd.s32 s21, s3  }
0x9d: {  	[timem:s7], [sflag:s22] =	dma.local [hbm:s5], s20  }
0x9e: {  	_ =	swait.ge [sflag:s22], s20  }
0x9f: {  	s4 =	ssub.s32 $0x0, s20;
	[sflag:s22] =	ssyncset.done $0x0  }
0xa0: {  	[sflag:s22] =	ssyncadd.s32 s4;
	_ =	sdelay $0x1  }
0xa1: {  	s23 =	simm.s32 $0x1B8B  }
0xa2: {  	_ =	swait.ge [sflag:s23], $0x1  }
0xa3: {  	[sflag:s23] =	ssyncset.done $0x0  }
0xa4: {  	s25 =	simm.s32 $0x1B8E;
	s24 =	sld [smem:$0x3FFE];
	[sflag:s23] =	ssyncadd.s32 $0xFFFFFFFF  }
0xa5: {  	s26 =	simm.s32 $execute0_lowered;
	[smem:$0x3FD2] =	sst s25  }
0xa6: {  	s5 =	sshll.u32 s26, $0x1;
	_ =	strace $0x80000049;
	[dreg:$0x1] =	wrdreg $0xFFFFFFFF  }
0xa7: {  	s28 =	simm.s32 $_size_execute0_lowered;
	s3 =	sadd.s32 s3, s5;
	[dreg:$0x0] =	wrdreg $0x0  }
0xa8: {  	s5 =	sshll.u32 s28, $0x1;
	[dreg:$0x2] =	wrdreg s3  }
0xa9: {  	[dreg:$0x3] =	wrdreg s5  }
0xaa: {  	[dreg:$0x4] =	wrdreg $0xC0  }
0xab: {  	_ =	task [dreg:s7], $0x5FFFF  }
0xac: {  	[dreg:$0x1] =	wrdreg $0xFFFFFFFF  }
0xad: {  	[dreg:$0x0] =	wrdreg $0x60  }
0xae: {  	[dreg:$0x2] =	wrdreg s24  }
0xaf: {  	[dreg:$0x3] =	wrdreg s2  }
0xb0: {  	[dreg:$0x4] =	wrdreg $0x9  }
0xb1: {  	_ =	task.clear_ibuf [dreg:s7], $0x5FFFF;
	_ =	strace $0x90000049  }
0xb2: {  	s29 =	simm.s32 $0x9;
	_ =	strace $0x8000004B  }
0xb3: {  	_ =	swait.ge [sflag:s29], $0x1  }
0xb4: {  	[sflag:s29] =	ssyncadd.s32 $0xFFFFFFFF  }
0xb5: {  	_ =	strace $0x9000004B  }
0xb6: {  	_ =	sfence  }
0xb7: {  	s30 =	sld [smem:$0x0];
	_ =	sdelay $0x2  }
0xb8: {  	s31 =	sshll.u32 s1, $0xD;
	s1 =	sshrl.u32 s1, $0x2  }
0xb9: {  	s3 =	sand.u32 $0x4000, s31;
	s1 =	sadd.s32 s1, s30  }
0xba: {  	s0 =	sor.u32 s3, s0;
	s1 =	sshll.u32 s1, $0x11  }
0xbb: {  	s0 =	sor.u32 s1, s0  }
0xbc: {  	s0 =	sadd.s32 $0x8F2B, s0  }
0xbd: {  	[sflag:s0] =	ssyncadd.remote.s32 $0x1  }
0xbe: {  	_ =	sfence.sel $0xFFFF  }
0xbf: {  	[dreg:$0x0] =	wrdreg $0xFFFFFFFF;
	(pc) =	sbr.abs _section_cstart, $3  }
0xc0: {  	[dreg:$0x1] =	wrdreg $0xFFFFFFFF  }
0xc1: {  	_ =	task.clear_ibuf [dreg:s7], $0x2FFFF;
	_ =	strace $0x9FFFFFFF  }
0xc2: {  	(tm) =	ssettm $0x7FFFFFFF  }
0xc3: {  	_ =	shalt  }
tec
execute0_lowered:
.L_overlay_start_1:
0x0: {  	(tag) =	ssettag $0x1  }
0x1: {  	s0 =	rddreg [dreg:$0x0]  }
0x2: {  	s1 =	rddreg [dreg:$0x1]  }
0x3: {  	s2 =	simm.s32 $0x0;
	s21 =	srdreg.scid;
	s28 =	simm.s32 $0xA  }
0x4: {  	[smem:$0x7FF] =	sst s2;
	s4 =	sadd.s32 $0x1600, s0;
	s5 =	sadd.s32 $0x28800, s0  }
0x5: {  	s8 =	stileid.u32;
	s6 =	sadd.s32 $0x376E00, s0;
	s7 =	sadd.s32 $0x370C00, s0  }
0x6: {  	s9 =	sshll.u32 s8, $0x1;
	s8 =	sadd.s32 $0x9D9200, s0;
	s22 =	sadd.s32 $0x370A00, s0  }
0x7: {  	s29 =	simm.s32 $0x4;
	s14 =	sadd.s32 $0x37CFA4, s0;
	s16 =	sadd.s32 $0x376DA4, s0  }
0x8: {  	s2 =	sand.u32 $0x1, s21;
	s17 =	sadd.s32 $0xCE6400, s0;
	_ =	strace $0x8000004A  }
0x9: {  	s3 =	ssub.s32 $0x2, s2;
	s9 =	sor.u32 s2, s9;
	[dreg:$0x4] =	wrdreg s22  }
0xa: {  	s10 =	sshrl.u32 s3, $0x1;
	s24 =	sor.u32 $0xFFFFFFE0, s9;
	[dreg:$0x3] =	wrdreg s9  }
0xb: {  	s25 =	sor.u32 $0xFFFFFFC0, s9;
	s26 =	sor.u32 $0x20, s9;
	[dreg:$0x5] =	wrdreg s24  }
.Ltmp0:
0xc: {  	s30 =	sor.u32 $0x40, s9;
	[dreg:$0x6] =	wrdreg s25;
	(pc) =	sbr.rel .LBB2_1-.Ltmp0, $4  }
0xd: {  	p0 =	sne.s32 s9, $0x3;
	s23 =	ssub.s32 s3, s10;
	[dreg:$0x7] =	wrdreg s26  }
0xe: {  	[dreg:$0x8] =	wrdreg s30;
	s0 =	simm.s32 @!p0 $0x0;
	s31 =	smax.u32 s23, $0x1  }
0xf: {  	s18 =	sadd.s32 $0x61A4, s1;
	s0 =	simm.s32 @p0 $0x1;
	[dreg:$0x9] =	wrdreg s31  }
0x10: {  	v0 =	vlaneseq.u32;
	s26 =	simm.s32 $0x7;
	s3 =	simm.s32 $0x0;
	[smem:$0x7FD] =	sst s0  }
.LBB2_18:
0x11: {  	s0 =	simm.s32 $0xD  }
0x12: {  	_ =	swait.ge [sflag:s0], $0x60  }
0x13: {  	[sflag:s0] =	ssyncset.done $0x0  }
0x14: {  	s30 =	simm.s32 $0xE;
	[sflag:s0] =	ssyncadd.s32 $0xFFFFFFA0  }
0x15: {  	_ =	swait.ge [sflag:s30], $0x60  }
0x16: {  	s31 =	sld [smem:$0x7FD];
	_ =	sdelay $0x2  }
0x17: {  	[sflag:s30] =	ssyncset.done $0x0;
	p1 =	seq.s32 s31, $0x1  }
0x18: {  	[sflag:s30] =	ssyncadd.s32 $0xFFFFFFA0;
	s0 =	simm.s32 @p1 $0xF  }
0x19: {  	_ =	swait.ge @p1 [sflag:s0], $0x60  }
0x1a: {  	[sflag:s0] =	ssyncset.done @p1 $0x0  }
0x1b: {  	[sflag:s0] =	ssyncadd.s32 @p1 $0xFFFFFFA0;
	s0 =	simm.s32 @!p1 $0xF  }
0x1c: {  	_ =	swait.ge @!p1 [sflag:s0], $0x20  }
0x1d: {  	s3 =	rddreg [dreg:$0xa]  }
0x1e: {  	s2 =	rddreg [dreg:$0x9];
	s3 =	sadd.s32 $0x1, s3  }
0x1f: {  	p0 =	sne.s32 s3, s2  }
.Ltmp1:
0x20: {  	_ = 	snop;
	(pc) =	sbr.rel @!p0 .LBB2_19-.Ltmp1, $3  }
0x21: {  	_ =	sdelay $0x1  }
0x22: {  	[sflag:s0] =	ssyncset.done @!p1 $0x0  }
0x23: {  	[sflag:s0] =	ssyncadd.s32 @!p1 $0xFFFFFFE0  }
.LBB2_1:
0x24: {  	[dreg:$0xa] =	wrdreg s3;
	s0 =	simm.s32 $0x0  }
0x25: {  	s2 =	rddreg [dreg:$0x4];
	s30 =	simm.s32 $0x1B600;
	s31 =	simm.s32 $0x10  }
0x26: {  	[tilespmem:s30], [sflag:$0x10] =	stream.linear.gather [hbm4b:s2+s0], $0x100, $0x38;
	[tilespmem:$0x1B700] =	vst v63  }
0x27: {  	_ =	swait.ge [sflag:s31], $0x100  }
0x28: {  	[sflag:s31] =	ssyncset.done $0x0  }
0x29: {  	[sflag:s31] =	ssyncadd.s32 $0xFFFFFF00  }
0x2a: {  	v1 =	vld [tilespmem:$0x1B600]  }
0x2b: {  	v2 =	vld [tilespmem:$0x1B610]  }
0x2c: {  	v3 =	vld [tilespmem:$0x1B620]  }
0x2d: {  	v4 =	vld [tilespmem:$0x1B630]  }
.Ltmp2:
0x2e: {  	v9 =	vld [tilespmem:$0x1B680];
	(pc) =	sbr.rel .LBB2_2-.Ltmp2, $4  }
0x2f: {  	v5 =	vld [tilespmem:$0x1B640]  }
0x30: {  	v6 =	vld [tilespmem:$0x1B650]  }
0x31: {  	v7 =	vld [tilespmem:$0x1B660]  }
0x32: {  	s3 =	simm.s32 $0x0;
	v8 =	vld [tilespmem:$0x1B670]  }
.LBB2_16:
0x33: {  	s0 =	simm.s32 @!p4 $0x0;
	s2 =	simm.s32 @!p4 $0x1B400  }
0x34: {  	[hbm4b:s18+s0] =	stream.linear.scatter @!p4 [tilespmem:s2], [sflag:$0xD], $0x20, $0x38;
	[tilespmem:$0x1B700] =	vst v63  }
0x35: {  	s9 =	simm.s32 @!p1 $0x1B400;
	s0 =	sadd.s32 @!p1 s1, s20;
	s2 =	simm.s32 @!p1 $0x0  }
0x36: {  	[hbm4b:s0+s2] =	stream.linear.scatter @!p1 [tilespmem:s9], [sflag:$0xD], $0x60, $0x38;
	[tilespmem:$0x1B700] =	vst v63  }
.LBB2_17:
0x37: {  	s3 =	sadd.s32 $0x1, s3  }
0x38: {  	p0 =	sne.s32 s3, $0x17  }
.Ltmp3:
0x39: {  	_ = 	snop;
	(pc) =	sbr.rel @!p0 .LBB2_18-.Ltmp3, $1  }
0x3a: {  	_ =	sdelay $0x3  }
.LBB2_2:
0x3b: {  	s19 =	smul.u32 $0x60, s3  }
0x3c: {  	s0 =	rddreg [dreg:$0x5]  }
0x3d: {  	s21 =	sadd.s32 s0, s19  }
0x3e: {  	p0 =	sne.s32 s3, $0x0;
	p1 =	slt.s32 s21, $0x823  }
0x3f: {  	p0 =	por !p0, !p1  }
0x40: {  	p3 =	por !p0, !p0  }
0x41: {  	p0 =	sne.s32 @!p3 s21, $0x823  }
0x42: {  	p5 =	por p0, p3  }
0x43: {  	s0 =	simm.s32 @!p5 $0x3  }
0x44: {  	_ =	swait.ge @!p5 [sflag:s0], $0x20  }
0x45: {  	[sflag:s0] =	ssyncset.done @!p5 $0x0  }
0x46: {  	[sflag:s0] =	ssyncadd.s32 @!p5 $0xFFFFFFE0  }
0x47: {  	_ =	swait.ge @!p5 [sflag:s0], $0x20  }
0x48: {  	s2 =	simm.s32 @!p5 $0x1B100;
	[sflag:s0] =	ssyncset.done @!p5 $0x0  }
0x49: {  	s9 =	simm.s32 @!p5 $0x6000;
	[sflag:s0] =	ssyncadd.s32 @!p5 $0xFFFFFFE0;
	s0 =	simm.s32 @!p5 $0x20  }
0x4a: {  	[tilespmem:s9], [sflag:$0x9] =	stream.indirect.gather @!p5 [hbm4b:s4+s0], $0x80, s2, s0, $0xb8;
	[tilespmem:$0x1B700] =	vst v63  }
0x4b: {  	s2 =	simm.s32 @!p5 $0x1B300;
	s9 =	simm.s32 @!p5 $0xF000  }
0x4c: {  	[tilespmem:s9], [sflag:$0xC] =	stream.indirect.gather @!p5 [hbm4b:s5+s0], $0x80, s2, s0, $0xb8;
	[tilespmem:$0x1B700] =	vst v63  }
0x4d: {  	s0 =	simm.s32 @p3 $0x3  }
0x4e: {  	_ =	swait.ge @p3 [sflag:s0], $0x60  }
0x4f: {  	[sflag:s0] =	ssyncset.done @p3 $0x0  }
0x50: {  	[sflag:s0] =	ssyncadd.s32 @p3 $0xFFFFFFA0  }
0x51: {  	p1 =	seq.s32 s3, $0x0;
	s2 =	simm.s32 @p3 $0x1B100;
	_ =	swait.ge @p3 [sflag:s0], $0x60  }
0x52: {  	s9 =	simm.s32 @p3 $0x6000;
	[sflag:s0] =	ssyncset.done @p3 $0x0;
	s25 =	rddreg [dreg:$0x3]  }
0x53: {  	[sflag:s0] =	ssyncadd.s32 @p3 $0xFFFFFFA0;
	s0 =	simm.s32 @p3 $0x60;
	s10 =	sor.u32 s25, s19  }
0x54: {  	[tilespmem:s9], [sflag:$0x9] =	stream.indirect.gather @p3 [hbm4b:s4+s0], $0x80, s2, s0, $0xb8;
	[tilespmem:$0x1B700] =	vst v63  }
0x55: {  	p0 =	sgt.u32 @!p1 s10, $0x823  }
0x56: {  	s2 =	simm.s32 @p3 $0x1B300;
	s9 =	simm.s32 @p3 $0xF000;
	p0 =	por p0, p1  }
0x57: {  	[tilespmem:s9], [sflag:$0xC] =	stream.indirect.gather @p3 [hbm4b:s5+s0], $0x80, s2, s0, $0xb8;
	[tilespmem:$0x1B700] =	vst v63  }
0x58: {  	p6 =	sgt.u32 s10, $0x822;
	s0 =	simm.s32 @!p0 $0xD  }
0x59: {  	p2 =	sne.s32 @p6 s10, $0x823;
	_ =	swait.ge @!p0 [sflag:s0], $0x60  }
0x5a: {  	p4 =	por p2, !p6;
	[sflag:s0] =	ssyncset.done @!p0 $0x0  }
0x5b: {  	s30 =	simm.s32 @!p4 $0x0;
	s2 =	simm.s32 @!p4 $0x1B000;
	[sflag:s0] =	ssyncadd.s32 @!p0 $0xFFFFFFA0  }
0x5c: {  	[tilespmem:s2], [sflag:$0x1] =	stream.linear.gather @!p4 [hbm4b:s14+s30], $0x20, $0x38;
	[tilespmem:$0x1B700] =	vst v63  }
0x5d: {  	s12 =	simm.s32 @!p4 $0x1B200  }
0x5e: {  	[tilespmem:s12], [sflag:$0x1] =	stream.linear.gather @!p4 [hbm4b:s16+s30], $0x20, $0x38;
	[tilespmem:$0x1B700] =	vst v63  }
0x5f: {  	s20 =	smul.u32 @!p6 $0xC, s10;
	s0 =	simm.s32 @!p4 $0x12000  }
0x60: {  	[tilespmem:s0], [sflag:$0x4] =	stream.linear.gather @!p4 [hbm4b:s17+s30], $0x1000, $0x38;
	[tilespmem:$0x1B700] =	vst v63  }
0x61: {  	s25 =	simm.s32 @!p6 $0x1B000;
	s9 =	sadd.s32 @!p6 s6, s20;
	s0 =	simm.s32 @!p6 $0x0  }
0x62: {  	[tilespmem:s25], [sflag:$0x1] =	stream.linear.gather @!p6 [hbm4b:s9+s0], $0x60, $0x38;
	[tilespmem:$0x1B700] =	vst v63  }
0x63: {  	s31 =	simm.s32 @!p6 $0x1B200;
	s11 =	smul.u32 @!p6 $0x600, s10;
	s9 =	sadd.s32 @!p6 s7, s20  }
0x64: {  	[tilespmem:s31], [sflag:$0x1] =	stream.linear.gather @!p6 [hbm4b:s9+s0], $0x60, $0x38;
	[tilespmem:$0x1B700] =	vst v63  }
.Ltmp4:
0x65: {  	s9 =	sadd.s32 @!p6 s8, s11;
	s11 =	simm.s32 @!p6 $0x12000;
	(pc) =	sbr.rel @p1 .LBB2_6-.Ltmp4, $4  }
0x66: {  	[tilespmem:s11], [sflag:$0x4] =	stream.linear.gather @!p6 [hbm4b:s9+s0], $0x3000, $0x38;
	[tilespmem:$0x1B700] =	vst v63  }
0x67: {  	s9 =	simm.s32 @!p1 $0x0  }
0x68: {  	s9 =	simm.s32 @p1 $0x1  }
0x69: {  	[smem:$0x7FC] =	sst s9  }
0x6a: {  	s9 =	simm.s32 $0x8  }
0x6b: {  	_ =	swait.ge [sflag:s9], $0x3000  }
0x6c: {  	[sflag:s9] =	ssyncset.done $0x0  }
0x6d: {  	s24 =	simm.s32 $0xB;
	[sflag:s9] =	ssyncadd.s32 $0xFFFFD000  }
0x6e: {  	_ =	swait.ge [sflag:s24], $0x3000  }
0x6f: {  	[sflag:s24] =	ssyncset.done $0x0  }
0x70: {  	s11 =	simm.s32 $0x5;
	[sflag:s24] =	ssyncadd.s32 $0xFFFFD000  }
0x71: {  	_ =	swait.ge [sflag:s11], $0x3000  }
0x72: {  	[sflag:s11] =	ssyncset.done $0x0  }
0x73: {  	s13 =	simm.s32 $0x15070;
	[sflag:s11] =	ssyncadd.s32 $0xFFFFD000  }
0x74: {  	v10 =	vld [tilespmem:s13+$0xFFFFFFF0]  }
0x75: {  	v11 =	vld [tilespmem:s13+$0xFFFFFFE0]  }
0x76: {  	v12 =	vld [tilespmem:s13+$0xFFFFFFD0]  }
0x77: {  	v13 =	vld [tilespmem:s13+$0xFFFFFFC0]  }
0x78: {  	v14 =	vld [tilespmem:s13+$0xFFFFFFB0]  }
0x79: {  	v15 =	vld [tilespmem:s13+$0xFFFFFFA0]  }
0x7a: {  	s22 =	simm.s32 $0xC070;
	v16 =	vld [tilespmem:s13+$0xFFFFFF90]  }
0x7b: {  	s23 =	simm.s32 $0x3070;
	v17 =	vld [tilespmem:s22+$0xFFFFFF90]  }
0x7c: {  	v18 =	vld [tilespmem:s23+$0xFFFFFF90]  }
0x7d: {  	v19 =	vld [tilespmem:s23+$0xFFFFFFA0]  }
0x7e: {  	v20 =	vld [tilespmem:s22+$0xFFFFFFA0]  }
0x7f: {  	v21 =	vld [tilespmem:s23+$0xFFFFFFB0]  }
0x80: {  	v22 =	vld [tilespmem:s22+$0xFFFFFFB0]  }
0x81: {  	v45 =	vld [tilespmem:s23+$0xFFFFFFC0];
	v17 =	vadd.f32 v17, v18  }
0x82: {  	v23 =	vld [tilespmem:s22+$0xFFFFFFC0]  }
0x83: {  	v47 =	vld [tilespmem:s23+$0xFFFFFFD0];
	v46 =	vadd.f32 v20, v19;
	v16 =	vadd.f32 v16, v17  }
0x84: {  	v48 =	vld [tilespmem:s22+$0xFFFFFFD0]  }
0x85: {  	v50 =	vld [tilespmem:s23+$0xFFFFFFE0];
	v49 =	vadd.f32 v22, v21;
	v15 =	vadd.f32 v15, v46;
	v16 =	vmax.f32 v16, $0.0e+00  }
0x86: {  	v51 =	vld [tilespmem:s22+$0xFFFFFFE0];
	v16 =	vmul.f32 v16, v1  }
0x87: {  	v53 =	vld [tilespmem:s23+$0xFFFFFFF0];
	v52 =	vadd.f32 v23, v45;
	v14 =	vadd.f32 v14, v49;
	v15 =	vmax.f32 v15, $0.0e+00  }
0x88: {  	v54 =	vld [tilespmem:s22+$0xFFFFFFF0];
	v15 =	vmul.f32 v15, v2;
	v16 =	vadd.f32 $0.0e+00, v16  }
0x89: {  	v56 =	vld [tilespmem:s23+$0x0];
	v55 =	vadd.f32 v48, v47;
	v13 =	vadd.f32 v13, v52;
	v14 =	vmax.f32 v14, $0.0e+00  }
0x8a: {  	v57 =	vld [tilespmem:s22+$0x0];
	v14 =	vmul.f32 v14, v3;
	v15 =	vadd.f32 v15, v16  }
0x8b: {  	v58 =	vadd.f32 v51, v50;
	v12 =	vadd.f32 v12, v55;
	v13 =	vmax.f32 v13, $0.0e+00  }
0x8c: {  	v59 =	vld [tilespmem:s13+$0x0];
	v13 =	vmul.f32 v13, v4;
	v14 =	vadd.f32 v14, v15  }
0x8d: {  	v60 =	vadd.f32 v54, v53;
	v11 =	vadd.f32 v11, v58;
	v12 =	vmax.f32 v12, $0.0e+00  }
0x8e: {  	v12 =	vmul.f32 v12, v5;
	v13 =	vadd.f32 v13, v14  }
0x8f: {  	v61 =	vadd.f32 v57, v56;
	v10 =	vadd.f32 v10, v60;
	v11 =	vmax.f32 v11, $0.0e+00  }
0x90: {  	v11 =	vmul.f32 v11, v6;
	v12 =	vadd.f32 v12, v13  }
0x91: {  	v62 =	vadd.f32 v59, v61;
	v10 =	vmax.f32 v10, $0.0e+00  }
0x92: {  	v10 =	vmul.f32 v10, v7;
	v11 =	vadd.f32 v11, v12  }
0x93: {  	v63 =	vmax.f32 v62, $0.0e+00  }
0x94: {  	v10 =	vadd.f32 v10, v11;
	v11 =	vmul.f32 v63, v8;
	_ =	sdelay $0x1  }
0x95: {  	v10 =	vadd.f32 v11, v10;
	_ =	sdelay $0x1  }
0x96: {  	(xrf2) =	vadd.scan.msk.f32 $0xffff, v10;
	_ =	sdelay $0x8  }
0x97: {  	s15 =	simm.s32 $0xFFFFFFF0  }
0x98: {  	s9 =	sand.u32 $0xF, s15;
	v10, _, _ =	vpop (xrf2)  }
0x99: {  	v11 =	vmov s9;
	v10 =	vbroadcast v10, $0xF  }
0x9a: {  	p0 =	sne.s32 s9, $0xF;
	s11 =	simm.s32 $0xFFFFFFF1;
	vm0 =	veq.s32 v11, v0  }
0x9b: {  	s24 =	rddreg [dreg:$0x6];
	s9 =	sand.u32 @!p0 $0x7FFFFFF0, s11;
	v10 =	vsel vm0, v10, v9  }
0x9c: {  	s24 =	sadd.s32 s24, s19;
	s11 =	simm.s32 $0xFFFFFFF2;
	[tilespmem:s9+$0x1B480] =	vst @!p0 v10;
	v10 =	vpsel p0, v10, v9;
	s9 =	simm.s32 $0x150F0  }
.LBB2_4:
0x9d: {  	v11 =	vld [tilespmem:s9+$0xFFFFFFF0];
	s13 =	smov.u32 s11  }
0x9e: {  	v12 =	vld [tilespmem:s9+$0xFFFFFFE0]  }
0x9f: {  	v13 =	vld [tilespmem:s9+$0xFFFFFFD0]  }
0xa0: {  	v14 =	vld [tilespmem:s9+$0xFFFFFFC0]  }
0xa1: {  	v15 =	vld [tilespmem:s9+$0xFFFFFFB0]  }
0xa2: {  	v16 =	vld [tilespmem:s9+$0xFFFFFFA0]  }
0xa3: {  	s22 =	sadd.s32 $0x80, s22;
	v17 =	vld [tilespmem:s9+$0xFFFFFF90]  }
0xa4: {  	s23 =	sadd.s32 $0x80, s23;
	v18 =	vld [tilespmem:s22+$0xFFFFFF90]  }
0xa5: {  	s11 =	sadd.s32 $0x1, s11;
	v19 =	vld [tilespmem:s23+$0xFFFFFF90]  }
0xa6: {  	p0 =	sne.s32 s11, $0x51;
	v20 =	vld [tilespmem:s23+$0xFFFFFFA0]  }
0xa7: {  	v21 =	vld [tilespmem:s22+$0xFFFFFFA0]  }
0xa8: {  	v22 =	vld [tilespmem:s23+$0xFFFFFFB0]  }
0xa9: {  	v23 =	vld [tilespmem:s22+$0xFFFFFFB0]  }
0xaa: {  	v18 =	vadd.f32 v18, v19;
	v19 =	vld [tilespmem:s23+$0xFFFFFFC0]  }
0xab: {  	v24 =	vld [tilespmem:s22+$0xFFFFFFC0]  }
0xac: {  	v17 =	vadd.f32 v17, v18;
	v18 =	vadd.f32 v21, v20;
	v20 =	vld [tilespmem:s23+$0xFFFFFFD0]  }
0xad: {  	v21 =	vld [tilespmem:s22+$0xFFFFFFD0]  }
0xae: {  	v17 =	vmax.f32 v17, $0.0e+00;
	v16 =	vadd.f32 v16, v18;
	v18 =	vadd.f32 v23, v22;
	v22 =	vld [tilespmem:s23+$0xFFFFFFE0]  }
0xaf: {  	v17 =	vmul.f32 v17, v1;
	v23 =	vld [tilespmem:s22+$0xFFFFFFE0]  }
0xb0: {  	v16 =	vmax.f32 v16, $0.0e+00;
	v15 =	vadd.f32 v15, v18;
	v18 =	vadd.f32 v24, v19;
	v19 =	vld [tilespmem:s23+$0xFFFFFFF0]  }
0xb1: {  	v17 =	vadd.f32 $0.0e+00, v17;
	v16 =	vmul.f32 v16, v2;
	v24 =	vld [tilespmem:s22+$0xFFFFFFF0]  }
0xb2: {  	v15 =	vmax.f32 v15, $0.0e+00;
	v14 =	vadd.f32 v14, v18;
	v18 =	vadd.f32 v21, v20;
	v20 =	vld [tilespmem:s23+$0x0]  }
0xb3: {  	v16 =	vadd.f32 v16, v17;
	v15 =	vmul.f32 v15, v3;
	v17 =	vld [tilespmem:s22+$0x0]  }
0xb4: {  	v14 =	vmax.f32 v14, $0.0e+00;
	v13 =	vadd.f32 v13, v18;
	v18 =	vadd.f32 v23, v22  }
0xb5: {  	v15 =	vadd.f32 v15, v16;
	v14 =	vmul.f32 v14, v4;
	v16 =	vld [tilespmem:s9+$0x0]  }
0xb6: {  	v13 =	vmax.f32 v13, $0.0e+00;
	v12 =	vadd.f32 v12, v18;
	v18 =	vadd.f32 v24, v19  }
0xb7: {  	v14 =	vadd.f32 v14, v15;
	v13 =	vmul.f32 v13, v5  }
0xb8: {  	v12 =	vmax.f32 v12, $0.0e+00;
	v11 =	vadd.f32 v11, v18;
	v15 =	vadd.f32 v17, v20  }
0xb9: {  	v13 =	vadd.f32 v13, v14;
	v12 =	vmul.f32 v12, v6  }
0xba: {  	v11 =	vmax.f32 v11, $0.0e+00;
	v14 =	vadd.f32 v16, v15  }
0xbb: {  	v12 =	vadd.f32 v12, v13;
	v11 =	vmul.f32 v11, v7  }
0xbc: {  	v13 =	vmax.f32 v14, $0.0e+00  }
0xbd: {  	v11 =	vadd.f32 v11, v12;
	v12 =	vmul.f32 v13, v8;
	_ =	sdelay $0x1  }
0xbe: {  	v11 =	vadd.f32 v12, v11;
	_ =	sdelay $0x1  }
0xbf: {  	(xrf2) =	vadd.scan.msk.f32 $0xffff, v11;
	_ =	sdelay $0x8  }
0xc0: {  	s15 =	sadd.s32 $0xFFFFFFFF, s13  }
.Ltmp5:
0xc1: {  	s15 =	sand.u32 $0xF, s15;
	v11, _, _ =	vpop (xrf2);
	(pc) =	sbr.rel @p0 .LBB2_4-.Ltmp5, $4  }
0xc2: {  	v12 =	vmov s15;
	v11 =	vbroadcast v11, $0xF  }
0xc3: {  	p2 =	sne.s32 s15, $0xF;
	vm0 =	veq.s32 v12, v0  }
0xc4: {  	s13 =	sand.u32 @!p2 $0x7FFFFFF0, s13;
	v10 =	vsel vm0, v11, v10  }
0xc5: {  	s9 =	sadd.s32 $0x80, s9;
	[tilespmem:s13+$0x1B480] =	vst @!p2 v10;
	v10 =	vpsel p2, v10, v9  }
0xc6: {  	s9 =	smul.u32 $0x60, s24;
	_ =	sdelay $0x1  }
0xc7: {  	s9 =	sshrl.u32 s9, $0x3  }
0xc8: {  	s11 =	simm.s32 $0x0;
	s13 =	simm.s32 $0x1B480;
	s9 =	sadd.s32 s1, s9  }
0xc9: {  	[hbm4b:s9+s11] =	stream.linear.scatter [tilespmem:s13], [sflag:$0xE], $0x60, $0x38;
	[tilespmem:$0x1B700] =	vst v63  }
.LBB2_6:
0xca: {  	s9 =	simm.s32 @!p4 $0x1  }
0xcb: {  	_ =	swait.ge @!p4 [sflag:s9], $0x20  }
0xcc: {  	[sflag:s9] =	ssyncset.done @!p4 $0x0  }
0xcd: {  	[sflag:s9] =	ssyncadd.s32 @!p4 $0xFFFFFFE0  }
0xce: {  	_ =	swait.ge @!p4 [sflag:s9], $0x20  }
0xcf: {  	[sflag:s9] =	ssyncset.done @!p4 $0x0  }
0xd0: {  	[sflag:s9] =	ssyncadd.s32 @!p4 $0xFFFFFFE0;
	s9 =	simm.s32 @!p4 $0x20  }
0xd1: {  	[tilespmem:s30], [sflag:$0x7] =	stream.indirect.gather @!p4 [hbm4b:s4+s9], $0x80, s2, s9, $0xb8;
	[tilespmem:$0x1B700] =	vst v63  }
0xd2: {  	s2 =	simm.s32 @!p4 $0x9000  }
0xd3: {  	[tilespmem:s2], [sflag:$0xA] =	stream.indirect.gather @!p4 [hbm4b:s5+s9], $0x80, s12, s9, $0xb8;
	[tilespmem:$0x1B700] =	vst v63  }
0xd4: {  	s2 =	simm.s32 @!p6 $0x1  }
0xd5: {  	_ =	swait.ge @!p6 [sflag:s2], $0x60  }
0xd6: {  	[sflag:s2] =	ssyncset.done @!p6 $0x0  }
0xd7: {  	[sflag:s2] =	ssyncadd.s32 @!p6 $0xFFFFFFA0  }
0xd8: {  	_ =	swait.ge @!p6 [sflag:s2], $0x60  }
0xd9: {  	[sflag:s2] =	ssyncset.done @!p6 $0x0  }
0xda: {  	[sflag:s2] =	ssyncadd.s32 @!p6 $0xFFFFFFA0;
	s2 =	simm.s32 @!p6 $0x60  }
0xdb: {  	[tilespmem:s0], [sflag:$0x7] =	stream.indirect.gather @!p6 [hbm4b:s4+s2], $0x80, s25, s2, $0xb8;
	[tilespmem:$0x1B700] =	vst v63  }
0xdc: {  	s25 =	sld [smem:$0x7FC]  }
0xdd: {  	s24 =	rddreg [dreg:$0x7];
	s0 =	simm.s32 @!p6 $0x9000  }
0xde: {  	[tilespmem:s0], [sflag:$0xA] =	stream.indirect.gather @!p6 [hbm4b:s5+s2], $0x80, s31, s2, $0xb8;
	[tilespmem:$0x1B700] =	vst v63  }
0xdf: {  	s2 =	sadd.s32 s24, s19;
	p1 =	seq.s32 s25, $0x1  }
0xe0: {  	s9 =	simm.s32 @!p6 $0x0;
	p0 =	sgt.u32 @!p1 s2, $0x823  }
0xe1: {  	s9 =	simm.s32 @p6 $0x1;
	p2 =	por p0, p1  }
0xe2: {  	[smem:$0x7FB] =	sst s9;
	p6 =	sgt.u32 s2, $0x822;
	s0 =	simm.s32 @!p2 $0xE  }
0xe3: {  	p0 =	sne.s32 @p6 s2, $0x823;
	_ =	swait.ge @!p2 [sflag:s0], $0x60  }
0xe4: {  	p0 =	por p0, !p6;
	[sflag:s0] =	ssyncset.done @!p2 $0x0  }
0xe5: {  	s9 =	simm.s32 @!p0 $0x0;
	[sflag:s0] =	ssyncadd.s32 @!p2 $0xFFFFFFA0;
	s0 =	simm.s32 @!p0 $0x1B080  }
0xe6: {  	[tilespmem:s0], [sflag:$0x2] =	stream.linear.gather @!p0 [hbm4b:s14+s9], $0x20, $0x38;
	[tilespmem:$0x1B700] =	vst v63  }
0xe7: {  	s25 =	simm.s32 @!p0 $0x1B280  }
0xe8: {  	[tilespmem:s25], [sflag:$0x2] =	stream.linear.gather @!p0 [hbm4b:s16+s9], $0x20, $0x38;
	[tilespmem:$0x1B700] =	vst v63  }
0xe9: {  	s12 =	smul.u32 @!p6 $0xC, s2;
	s11 =	simm.s32 @!p0 $0x15000  }
0xea: {  	[tilespmem:s11], [sflag:$0x5] =	stream.linear.gather @!p0 [hbm4b:s17+s9], $0x1000, $0x38;
	[tilespmem:$0x1B700] =	vst v63  }
0xeb: {  	s30 =	simm.s32 @!p6 $0x1B080;
	s9 =	sadd.s32 @!p6 s6, s12;
	s11 =	simm.s32 @!p6 $0x0  }
0xec: {  	[tilespmem:s30], [sflag:$0x2] =	stream.linear.gather @!p6 [hbm4b:s9+s11], $0x60, $0x38;
	[tilespmem:$0x1B700] =	vst v63  }
0xed: {  	s31 =	simm.s32 @!p6 $0x1B280;
	s2 =	smul.u32 @!p6 $0x600, s2;
	s9 =	sadd.s32 @!p6 s7, s12  }
0xee: {  	[tilespmem:s31], [sflag:$0x2] =	stream.linear.gather @!p6 [hbm4b:s9+s11], $0x60, $0x38;
	[tilespmem:$0x1B700] =	vst v63  }
0xef: {  	s2 =	sadd.s32 @!p6 s8, s2;
	s9 =	simm.s32 @!p6 $0x15000  }
0xf0: {  	[tilespmem:s9], [sflag:$0x5] =	stream.linear.gather @!p6 [hbm4b:s2+s11], $0x3000, $0x38;
	[tilespmem:$0x1B700] =	vst v63  }
0xf1: {  	s2 =	simm.s32 @!p5 $0x9  }
0xf2: {  	_ =	swait.ge @!p5 [sflag:s2], $0x1000  }
0xf3: {  	[sflag:s2] =	ssyncset.done @!p5 $0x0  }
0xf4: {  	[sflag:s2] =	ssyncadd.s32 @!p5 $0xFFFFF000;
	s2 =	simm.s32 @!p5 $0xC  }
0xf5: {  	_ =	swait.ge @!p5 [sflag:s2], $0x1000  }
0xf6: {  	[sflag:s2] =	ssyncset.done @!p5 $0x0  }
0xf7: {  	[sflag:s2] =	ssyncadd.s32 @!p5 $0xFFFFF000;
	s2 =	simm.s32 @!p5 $0x6  }
0xf8: {  	_ =	swait.ge @!p5 [sflag:s2], $0x1000  }
0xf9: {  	[sflag:s2] =	ssyncset.done @!p5 $0x0  }
0xfa: {  	[sflag:s2] =	ssyncadd.s32 @!p5 $0xFFFFF000;
	s2 =	simm.s32 @p3 $0x9  }
0xfb: {  	_ =	swait.ge @p3 [sflag:s2], $0x3000  }
0xfc: {  	[sflag:s2] =	ssyncset.done @p3 $0x0  }
0xfd: {  	p2 =	sgt.s32 @!p1 s21, $0x823;
	[sflag:s2] =	ssyncadd.s32 @p3 $0xFFFFD000;
	s2 =	simm.s32 @p3 $0xC  }
0xfe: {  	p2 =	por p1, p2;
	_ =	swait.ge @p3 [sflag:s2], $0x3000  }
.Ltmp6:
0xff: {  	[sflag:s2] =	ssyncset.done @p3 $0x0;
	(pc) =	sbr.rel @p2 .LBB2_10-.Ltmp6, $4  }
0x100: {  	[sflag:s2] =	ssyncadd.s32 @p3 $0xFFFFD000;
	s2 =	simm.s32 @p3 $0x6  }
0x101: {  	_ =	swait.ge @p3 [sflag:s2], $0x3000  }
0x102: {  	[sflag:s2] =	ssyncset.done @p3 $0x0  }
0x103: {  	[sflag:s2] =	ssyncadd.s32 @p3 $0xFFFFD000  }
0x104: {  	s24 =	simm.s32 $0x0  }
0x105: {  	v10 =	vld [tilespmem:s24+$0x18060]  }
0x106: {  	v11 =	vld [tilespmem:s24+$0x18050]  }
0x107: {  	v12 =	vld [tilespmem:s24+$0x18040]  }
0x108: {  	v13 =	vld [tilespmem:s24+$0x18030]  }
0x109: {  	v14 =	vld [tilespmem:s24+$0x18020]  }
0x10a: {  	v15 =	vld [tilespmem:s24+$0x18010]  }
0x10b: {  	v16 =	vld [tilespmem:s24+$0x18000]  }
0x10c: {  	v17 =	vld [tilespmem:s24+$0xF000]  }
0x10d: {  	v18 =	vld [tilespmem:s24+$0x6000]  }
0x10e: {  	v19 =	vld [tilespmem:s24+$0x6010]  }
0x10f: {  	v20 =	vld [tilespmem:s24+$0xF010]  }
0x110: {  	v21 =	vld [tilespmem:s24+$0x6020]  }
0x111: {  	v22 =	vld [tilespmem:s24+$0xF020]  }
0x112: {  	v45 =	vld [tilespmem:s24+$0x6030];
	v17 =	vadd.f32 v17, v18  }
0x113: {  	v23 =	vld [tilespmem:s24+$0xF030]  }
0x114: {  	v47 =	vld [tilespmem:s24+$0x6040];
	v46 =	vadd.f32 v20, v19;
	v16 =	vadd.f32 v16, v17  }
0x115: {  	v48 =	vld [tilespmem:s24+$0xF040]  }
0x116: {  	v50 =	vld [tilespmem:s24+$0x6050];
	v49 =	vadd.f32 v22, v21;
	v15 =	vadd.f32 v15, v46;
	v16 =	vmax.f32 v16, $0.0e+00  }
0x117: {  	v51 =	vld [tilespmem:s24+$0xF050];
	v16 =	vmul.f32 v16, v1  }
0x118: {  	v53 =	vld [tilespmem:s24+$0x6060];
	v52 =	vadd.f32 v23, v45;
	v14 =	vadd.f32 v14, v49;
	v15 =	vmax.f32 v15, $0.0e+00  }
0x119: {  	v54 =	vld [tilespmem:s24+$0xF060];
	v15 =	vmul.f32 v15, v2;
	v16 =	vadd.f32 $0.0e+00, v16  }
0x11a: {  	v56 =	vld [tilespmem:s24+$0x6070];
	v55 =	vadd.f32 v48, v47;
	v13 =	vadd.f32 v13, v52;
	v14 =	vmax.f32 v14, $0.0e+00  }
0x11b: {  	v57 =	vld [tilespmem:s24+$0xF070];
	v14 =	vmul.f32 v14, v3;
	v15 =	vadd.f32 v15, v16  }
0x11c: {  	v58 =	vadd.f32 v51, v50;
	v12 =	vadd.f32 v12, v55;
	v13 =	vmax.f32 v13, $0.0e+00  }
0x11d: {  	v59 =	vld [tilespmem:s24+$0x18070];
	v13 =	vmul.f32 v13, v4;
	v14 =	vadd.f32 v14, v15  }
0x11e: {  	v60 =	vadd.f32 v54, v53;
	v11 =	vadd.f32 v11, v58;
	v12 =	vmax.f32 v12, $0.0e+00  }
0x11f: {  	v12 =	vmul.f32 v12, v5;
	v13 =	vadd.f32 v13, v14  }
0x120: {  	v61 =	vadd.f32 v57, v56;
	v10 =	vadd.f32 v10, v60;
	v11 =	vmax.f32 v11, $0.0e+00  }
0x121: {  	v11 =	vmul.f32 v11, v6;
	v12 =	vadd.f32 v12, v13  }
0x122: {  	v62 =	vadd.f32 v59, v61;
	v10 =	vmax.f32 v10, $0.0e+00  }
0x123: {  	v10 =	vmul.f32 v10, v7;
	v11 =	vadd.f32 v11, v12  }
0x124: {  	v63 =	vmax.f32 v62, $0.0e+00  }
0x125: {  	v10 =	vadd.f32 v10, v11;
	v11 =	vmul.f32 v63, v8;
	_ =	sdelay $0x1  }
0x126: {  	v10 =	vadd.f32 v11, v10;
	_ =	sdelay $0x1  }
0x127: {  	(xrf2) =	vadd.scan.msk.f32 $0xffff, v10;
	_ =	sdelay $0x3  }
0x128: {  	s2 =	simm.s32 @!p4 $0x0  }
0x129: {  	s2 =	simm.s32 @p4 $0x1  }
0x12a: {  	p2 =	seq.s32 s21, $0x823;
	[smem:$0x7FA] =	sst s2;
	s2 =	simm.s32 $0x4000  }
0x12b: {  	s2 =	simm.s32 @!p2 $0xC000  }
0x12c: {  	p4 =	sne.s32 s2, $0x200  }
.Ltmp7:
0x12d: {  	s9 =	simm.s32 $0xFFFFFFF0;
	(pc) =	sbr.rel @!p4 .LBB2_9-.Ltmp7, $4  }
0x12e: {  	s9 =	sand.u32 $0xF, s9;
	v10, _, _ =	vpop (xrf2)  }
0x12f: {  	v11 =	vmov s9;
	v10 =	vbroadcast v10, $0xF  }
0x130: {  	s12 =	simm.s32 $0xFFFFFFF1;
	p2 =	sne.s32 s9, $0xF;
	vm0 =	veq.s32 v11, v0  }
0x131: {  	s11 =	simm.s32 $0x200;
	s13 =	sand.u32 @!p2 $0x7FFFFFF0, s12;
	v10 =	vsel vm0, v10, v9  }
.LBB2_8:
0x132: {  	s9 =	sshra.s32 s11, $0x2;
	[tilespmem:s13+$0x1B500] =	vst @!p2 v10;
	v10 =	vpsel p2, v10, v9  }
0x133: {  	v11 =	vld [tilespmem:s9+$0x18060]  }
0x134: {  	v12 =	vld [tilespmem:s9+$0x18050]  }
0x135: {  	v13 =	vld [tilespmem:s9+$0x18040]  }
0x136: {  	v14 =	vld [tilespmem:s9+$0x18030]  }
0x137: {  	v15 =	vld [tilespmem:s9+$0x18020]  }
0x138: {  	v16 =	vld [tilespmem:s9+$0x18010]  }
0x139: {  	v17 =	vld [tilespmem:s9+$0x18000]  }
0x13a: {  	s11 =	sadd.s32 $0x200, s11;
	v18 =	vld [tilespmem:s9+$0xF000]  }
0x13b: {  	p4 =	sne.s32 s2, s11;
	v19 =	vld [tilespmem:s9+$0x6000]  }
0x13c: {  	v20 =	vld [tilespmem:s9+$0x6010]  }
0x13d: {  	v21 =	vld [tilespmem:s9+$0xF010]  }
0x13e: {  	v22 =	vld [tilespmem:s9+$0x6020]  }
0x13f: {  	v23 =	vld [tilespmem:s9+$0xF020]  }
0x140: {  	v18 =	vadd.f32 v18, v19;
	v19 =	vld [tilespmem:s9+$0x6030]  }
0x141: {  	v24 =	vld [tilespmem:s9+$0xF030]  }
0x142: {  	v17 =	vadd.f32 v17, v18;
	v18 =	vadd.f32 v21, v20;
	v20 =	vld [tilespmem:s9+$0x6040]  }
0x143: {  	v21 =	vld [tilespmem:s9+$0xF040]  }
0x144: {  	v17 =	vmax.f32 v17, $0.0e+00;
	v16 =	vadd.f32 v16, v18;
	v18 =	vadd.f32 v23, v22;
	v22 =	vld [tilespmem:s9+$0x6050]  }
0x145: {  	v17 =	vmul.f32 v17, v1;
	v23 =	vld [tilespmem:s9+$0xF050]  }
0x146: {  	v16 =	vmax.f32 v16, $0.0e+00;
	v15 =	vadd.f32 v15, v18;
	v18 =	vadd.f32 v24, v19;
	v19 =	vld [tilespmem:s9+$0x6060]  }
0x147: {  	v17 =	vadd.f32 $0.0e+00, v17;
	v16 =	vmul.f32 v16, v2;
	v24 =	vld [tilespmem:s9+$0xF060]  }
0x148: {  	v15 =	vmax.f32 v15, $0.0e+00;
	v14 =	vadd.f32 v14, v18;
	v18 =	vadd.f32 v21, v20;
	v20 =	vld [tilespmem:s9+$0x6070]  }
0x149: {  	v16 =	vadd.f32 v16, v17;
	v15 =	vmul.f32 v15, v3;
	v17 =	vld [tilespmem:s9+$0xF070]  }
0x14a: {  	v14 =	vmax.f32 v14, $0.0e+00;
	v13 =	vadd.f32 v13, v18;
	v18 =	vadd.f32 v23, v22  }
0x14b: {  	v15 =	vadd.f32 v15, v16;
	v14 =	vmul.f32 v14, v4;
	v16 =	vld [tilespmem:s9+$0x18070]  }
0x14c: {  	v13 =	vmax.f32 v13, $0.0e+00;
	v12 =	vadd.f32 v12, v18;
	v18 =	vadd.f32 v24, v19  }
0x14d: {  	v14 =	vadd.f32 v14, v15;
	v13 =	vmul.f32 v13, v5  }
0x14e: {  	v12 =	vmax.f32 v12, $0.0e+00;
	v11 =	vadd.f32 v11, v18;
	v15 =	vadd.f32 v17, v20  }
0x14f: {  	v13 =	vadd.f32 v13, v14;
	v12 =	vmul.f32 v12, v6  }
0x150: {  	v11 =	vmax.f32 v11, $0.0e+00;
	v14 =	vadd.f32 v16, v15  }
0x151: {  	v12 =	vadd.f32 v12, v13;
	v11 =	vmul.f32 v11, v7  }
0x152: {  	v13 =	vmax.f32 v14, $0.0e+00  }
0x153: {  	v11 =	vadd.f32 v11, v12;
	v12 =	vmul.f32 v13, v8;
	_ =	sdelay $0x1  }
0x154: {  	v11 =	vadd.f32 v12, v11;
	_ =	sdelay $0x1  }
0x155: {  	(xrf2) =	vadd.scan.msk.f32 $0xffff, v11;
	_ =	sdelay $0x7  }
0x156: {  	s12 =	sadd.s32 $0x1, s12  }
.Ltmp8:
0x157: {  	s9 =	sadd.s32 $0xFFFFFFFF, s12;
	(pc) =	sbr.rel @p4 .LBB2_8-.Ltmp8, $4  }
0x158: {  	s9 =	sand.u32 $0xF, s9;
	v11, _, _ =	vpop (xrf2)  }
0x159: {  	v12 =	vmov s9;
	v11 =	vbroadcast v11, $0xF  }
0x15a: {  	p2 =	sne.s32 s9, $0xF;
	vm0 =	veq.s32 v12, v0  }
0x15b: {  	s13 =	sand.u32 @!p2 $0x7FFFFFF0, s12;
	v10 =	vsel vm0, v11, v10  }
.LBB2_9:
0x15c: {  	s2 =	sld [smem:$0x7FA];
	_ =	sdelay $0x2  }
0x15d: {  	[tilespmem:s13+$0x1B500] =	vst @!p2 v10;
	p4 =	seq.s32 s2, $0x1  }
.LBB2_10:
0x15e: {  	s2 =	simm.s32 @!p5 $0x0;
	s9 =	simm.s32 @!p5 $0x1B500;
	s11 =	smul.u32 @p3 $0x60, s21  }
0x15f: {  	[hbm4b:s18+s2] =	stream.linear.scatter @!p5 [tilespmem:s9], [sflag:$0xF], $0x20, $0x38;
	[tilespmem:$0x1B700] =	vst v63  }
0x160: {  	s2 =	sshrl.u32 @p3 s11, $0x3  }
0x161: {  	s9 =	simm.s32 @p3 $0x0;
	s11 =	simm.s32 @p3 $0x1B500;
	s2 =	sadd.s32 @p3 s1, s2  }
0x162: {  	[hbm4b:s2+s9] =	stream.linear.scatter @p3 [tilespmem:s11], [sflag:$0xF], $0x60, $0x38;
	[tilespmem:$0x1B700] =	vst v63  }
0x163: {  	s2 =	simm.s32 @!p0 $0x2  }
0x164: {  	_ =	swait.ge @!p0 [sflag:s2], $0x20  }
0x165: {  	[sflag:s2] =	ssyncset.done @!p0 $0x0  }
0x166: {  	[sflag:s2] =	ssyncadd.s32 @!p0 $0xFFFFFFE0  }
0x167: {  	_ =	swait.ge @!p0 [sflag:s2], $0x20  }
0x168: {  	[sflag:s2] =	ssyncset.done @!p0 $0x0  }
0x169: {  	s9 =	simm.s32 @!p0 $0x3000;
	[sflag:s2] =	ssyncadd.s32 @!p0 $0xFFFFFFE0;
	s2 =	simm.s32 @!p0 $0x20  }
0x16a: {  	[tilespmem:s9], [sflag:$0x8] =	stream.indirect.gather @!p0 [hbm4b:s4+s2], $0x80, s0, s2, $0xb8;
	[tilespmem:$0x1B700] =	vst v63  }
0x16b: {  	s0 =	simm.s32 @!p0 $0xC000  }
0x16c: {  	[tilespmem:s0], [sflag:$0xB] =	stream.indirect.gather @!p0 [hbm4b:s5+s2], $0x80, s25, s2, $0xb8;
	[tilespmem:$0x1B700] =	vst v63  }
0x16d: {  	s0 =	simm.s32 @!p6 $0x2  }
0x16e: {  	_ =	swait.ge @!p6 [sflag:s0], $0x60  }
0x16f: {  	[sflag:s0] =	ssyncset.done @!p6 $0x0  }
0x170: {  	[sflag:s0] =	ssyncadd.s32 @!p6 $0xFFFFFFA0  }
0x171: {  	_ =	swait.ge @!p6 [sflag:s0], $0x60  }
0x172: {  	[sflag:s0] =	ssyncset.done @!p6 $0x0  }
0x173: {  	s2 =	simm.s32 @!p6 $0x3000;
	[sflag:s0] =	ssyncadd.s32 @!p6 $0xFFFFFFA0;
	s0 =	simm.s32 @!p6 $0x60  }
0x174: {  	[tilespmem:s2], [sflag:$0x8] =	stream.indirect.gather @!p6 [hbm4b:s4+s0], $0x80, s30, s0, $0xb8;
	[tilespmem:$0x1B700] =	vst v63  }
0x175: {  	s30 =	sld [smem:$0x7FC]  }
0x176: {  	s25 =	rddreg [dreg:$0x8];
	s2 =	simm.s32 @!p6 $0xC000  }
0x177: {  	[tilespmem:s2], [sflag:$0xB] =	stream.indirect.gather @!p6 [hbm4b:s5+s0], $0x80, s31, s0, $0xb8;
	[tilespmem:$0x1B700] =	vst v63  }
0x178: {  	s0 =	sadd.s32 s25, s19;
	p1 =	seq.s32 s30, $0x1  }
0x179: {  	p0 =	sgt.u32 @!p1 s0, $0x823  }
0x17a: {  	p2 =	por p0, p1  }
0x17b: {  	p0 =	sgt.u32 s0, $0x822;
	s2 =	simm.s32 @!p2 $0xF  }
0x17c: {  	p3 =	sne.s32 @p0 s0, $0x823;
	_ =	swait.ge @!p2 [sflag:s2], $0x60  }
0x17d: {  	p3 =	por p3, !p0;
	[sflag:s2] =	ssyncset.done @!p2 $0x0  }
0x17e: {  	s9 =	simm.s32 @!p3 $0x1B100;
	[sflag:s2] =	ssyncadd.s32 @!p2 $0xFFFFFFA0;
	s2 =	simm.s32 @!p3 $0x0  }
0x17f: {  	[tilespmem:s9], [sflag:$0x3] =	stream.linear.gather @!p3 [hbm4b:s14+s2], $0x20, $0x38;
	[tilespmem:$0x1B700] =	vst v63  }
0x180: {  	s31 =	sld [smem:$0x7FB];
	s9 =	simm.s32 @!p3 $0x1B300  }
0x181: {  	[tilespmem:s9], [sflag:$0x3] =	stream.linear.gather @!p3 [hbm4b:s16+s2], $0x20, $0x38;
	[tilespmem:$0x1B700] =	vst v63  }
0x182: {  	s11 =	smul.u32 @!p0 $0xC, s0;
	s12 =	simm.s32 @!p0 $0x1B100;
	s9 =	simm.s32 @!p3 $0x18000  }
0x183: {  	[tilespmem:s9], [sflag:$0x6] =	stream.linear.gather @!p3 [hbm4b:s17+s2], $0x1000, $0x38;
	[tilespmem:$0x1B700] =	vst v63  }
0x184: {  	p1 =	seq.s32 s31, $0x1;
	s2 =	sadd.s32 @!p0 s6, s11;
	s9 =	simm.s32 @!p0 $0x0  }
0x185: {  	[tilespmem:s12], [sflag:$0x3] =	stream.linear.gather @!p0 [hbm4b:s2+s9], $0x60, $0x38;
	[tilespmem:$0x1B700] =	vst v63  }
.Ltmp9:
0x186: {  	_ = 	snop;
	(pc) =	sbr.rel @p1 .LBB2_12-.Ltmp9, $4  }
0x187: {  	s0 =	smul.u32 @!p0 $0x600, s0;
	s2 =	sadd.s32 @!p0 s7, s11;
	s11 =	simm.s32 @!p0 $0x1B300  }
0x188: {  	[tilespmem:s11], [sflag:$0x3] =	stream.linear.gather @!p0 [hbm4b:s2+s9], $0x60, $0x38;
	[tilespmem:$0x1B700] =	vst v63  }
0x189: {  	s0 =	sadd.s32 @!p0 s8, s0;
	s2 =	simm.s32 @!p0 $0x18000  }
0x18a: {  	[tilespmem:s2], [sflag:$0x6] =	stream.linear.gather @!p0 [hbm4b:s0+s9], $0x3000, $0x38;
	[tilespmem:$0x1B700] =	vst v63  }
0x18b: {  	_ =	swait.ge [sflag:s26], $0x3000  }
0x18c: {  	[sflag:s26] =	ssyncset.done $0x0  }
0x18d: {  	[sflag:s26] =	ssyncadd.s32 $0xFFFFD000  }
0x18e: {  	_ =	swait.ge [sflag:s28], $0x3000  }
.Ltmp10:
0x18f: {  	[sflag:s28] =	ssyncset.done $0x0;
	(pc) =	sbr.rel .LBB2_14-.Ltmp10, $4  }
0x190: {  	[sflag:s28] =	ssyncadd.s32 $0xFFFFD000  }
0x191: {  	_ =	swait.ge [sflag:s29], $0x3000  }
0x192: {  	[sflag:s29] =	ssyncset.done $0x0  }
0x193: {  	[sflag:s29] =	ssyncadd.s32 $0xFFFFD000  }
.LBB2_12:
0x194: {  	p0 =	sne.s32 s10, $0x823  }
.Ltmp11:
0x195: {  	_ = 	snop;
	(pc) =	sbr.rel @p0 .LBB2_17-.Ltmp11, $1  }
0x196: {  	_ =	sdelay $0x3  }
0x197: {  	_ =	swait.ge [sflag:s26], $0x1000  }
0x198: {  	[sflag:s26] =	ssyncset.done $0x0  }
0x199: {  	[sflag:s26] =	ssyncadd.s32 $0xFFFFF000  }
0x19a: {  	_ =	swait.ge [sflag:s28], $0x1000  }
0x19b: {  	[sflag:s28] =	ssyncset.done $0x0  }
0x19c: {  	[sflag:s28] =	ssyncadd.s32 $0xFFFFF000  }
0x19d: {  	_ =	swait.ge [sflag:s29], $0x1000  }
0x19e: {  	[sflag:s29] =	ssyncset.done $0x0  }
0x19f: {  	[sflag:s29] =	ssyncadd.s32 $0xFFFFF000  }
.LBB2_14:
0x1a0: {  	s9 =	simm.s32 $0x12040  }
0x1a1: {  	v10 =	vld [tilespmem:s9+$0x20]  }
0x1a2: {  	v11 =	vld [tilespmem:s9+$0x10]  }
0x1a3: {  	v12 =	vld [tilespmem:s9+$0x0]  }
0x1a4: {  	v13 =	vld [tilespmem:s9+$0xFFFFFFF0]  }
0x1a5: {  	v14 =	vld [tilespmem:s9+$0xFFFFFFE0]  }
0x1a6: {  	v15 =	vld [tilespmem:s9+$0xFFFFFFD0]  }
0x1a7: {  	s0 =	simm.s32 $0x9040;
	v16 =	vld [tilespmem:s9+$0xFFFFFFC0]  }
0x1a8: {  	s2 =	simm.s32 $0x40;
	v17 =	vld [tilespmem:s0+$0xFFFFFFC0]  }
0x1a9: {  	v18 =	vld [tilespmem:s2+$0xFFFFFFC0]  }
0x1aa: {  	v19 =	vld [tilespmem:s2+$0xFFFFFFD0]  }
0x1ab: {  	v20 =	vld [tilespmem:s0+$0xFFFFFFD0]  }
0x1ac: {  	v21 =	vld [tilespmem:s2+$0xFFFFFFE0]  }
0x1ad: {  	v22 =	vld [tilespmem:s0+$0xFFFFFFE0]  }
0x1ae: {  	v45 =	vld [tilespmem:s2+$0xFFFFFFF0];
	v17 =	vadd.f32 v17, v18  }
0x1af: {  	v23 =	vld [tilespmem:s0+$0xFFFFFFF0]  }
0x1b0: {  	v47 =	vld [tilespmem:s2+$0x0];
	v46 =	vadd.f32 v20, v19;
	v16 =	vadd.f32 v16, v17  }
0x1b1: {  	v48 =	vld [tilespmem:s0+$0x0]  }
0x1b2: {  	v50 =	vld [tilespmem:s2+$0x10];
	v49 =	vadd.f32 v22, v21;
	v15 =	vadd.f32 v15, v46;
	v16 =	vmax.f32 v16, $0.0e+00  }
0x1b3: {  	v51 =	vld [tilespmem:s0+$0x10];
	v16 =	vmul.f32 v16, v1  }
0x1b4: {  	v53 =	vld [tilespmem:s2+$0x20];
	v52 =	vadd.f32 v23, v45;
	v14 =	vadd.f32 v14, v49;
	v15 =	vmax.f32 v15, $0.0e+00  }
0x1b5: {  	v54 =	vld [tilespmem:s0+$0x20];
	v15 =	vmul.f32 v15, v2;
	v16 =	vadd.f32 $0.0e+00, v16  }
0x1b6: {  	v56 =	vld [tilespmem:s2+$0x30];
	v55 =	vadd.f32 v48, v47;
	v13 =	vadd.f32 v13, v52;
	v14 =	vmax.f32 v14, $0.0e+00  }
0x1b7: {  	v57 =	vld [tilespmem:s0+$0x30];
	v14 =	vmul.f32 v14, v3;
	v15 =	vadd.f32 v15, v16  }
0x1b8: {  	v58 =	vadd.f32 v51, v50;
	v12 =	vadd.f32 v12, v55;
	v13 =	vmax.f32 v13, $0.0e+00  }
0x1b9: {  	v59 =	vld [tilespmem:s9+$0x30];
	v13 =	vmul.f32 v13, v4;
	v14 =	vadd.f32 v14, v15  }
0x1ba: {  	v60 =	vadd.f32 v54, v53;
	v11 =	vadd.f32 v11, v58;
	v12 =	vmax.f32 v12, $0.0e+00  }
0x1bb: {  	v12 =	vmul.f32 v12, v5;
	v13 =	vadd.f32 v13, v14  }
0x1bc: {  	v61 =	vadd.f32 v57, v56;
	v10 =	vadd.f32 v10, v60;
	v11 =	vmax.f32 v11, $0.0e+00  }
0x1bd: {  	v11 =	vmul.f32 v11, v6;
	v12 =	vadd.f32 v12, v13  }
0x1be: {  	v62 =	vadd.f32 v59, v61;
	v10 =	vmax.f32 v10, $0.0e+00  }
0x1bf: {  	v10 =	vmul.f32 v10, v7;
	v11 =	vadd.f32 v11, v12  }
0x1c0: {  	v63 =	vmax.f32 v62, $0.0e+00  }
0x1c1: {  	v10 =	vadd.f32 v10, v11;
	v11 =	vmul.f32 v63, v8;
	_ =	sdelay $0x1  }
0x1c2: {  	v10 =	vadd.f32 v11, v10;
	_ =	sdelay $0x1  }
0x1c3: {  	(xrf2) =	vadd.scan.msk.f32 $0xffff, v10;
	_ =	sdelay $0x6  }
0x1c4: {  	p0 =	seq.s32 s10, $0x823;
	s10 =	simm.s32 $0x20  }
0x1c5: {  	s10 =	simm.s32 @!p0 $0x60  }
0x1c6: {  	s31 =	simm.s32 $0x0;
	p0 =	sne.s32 s10, $0x1  }
.Ltmp12:
0x1c7: {  	s9 =	sand.u32 $0xF, s31;
	v10, _, _ =	vpop (xrf2);
	(pc) =	sbr.rel @!p0 .LBB2_16-.Ltmp12, $4  }
0x1c8: {  	v11 =	vmov s9;
	v10 =	vbroadcast v10, $0xF  }
0x1c9: {  	vm0 =	veq.s32 v11, v0  }
0x1ca: {  	s12 =	simm.s32 $0x1B3F1;
	p2 =	sne.s32 s9, $0xF;
	v10 =	vsel vm0, v10, v9  }
0x1cb: {  	s19 =	simm.s32 $0x1;
	s11 =	simm.s32 $0x120C0;
	[tilespmem:s12+$0x0] =	vst @!p2 v10;
	v10 =	vpsel p2, v10, v9  }
.LBB2_15:
0x1cc: {  	v11 =	vld [tilespmem:s11+$0x20];
	s9 =	smov.u32 s19  }
0x1cd: {  	v12 =	vld [tilespmem:s11+$0x10]  }
0x1ce: {  	v13 =	vld [tilespmem:s11+$0x0]  }
0x1cf: {  	v14 =	vld [tilespmem:s11+$0xFFFFFFF0]  }
0x1d0: {  	v15 =	vld [tilespmem:s11+$0xFFFFFFE0]  }
0x1d1: {  	v16 =	vld [tilespmem:s11+$0xFFFFFFD0]  }
0x1d2: {  	s0 =	sadd.s32 $0x80, s0;
	v17 =	vld [tilespmem:s11+$0xFFFFFFC0]  }
0x1d3: {  	s2 =	sadd.s32 $0x80, s2;
	v18 =	vld [tilespmem:s0+$0xFFFFFFC0]  }
0x1d4: {  	s19 =	sadd.s32 $0x1, s19;
	v19 =	vld [tilespmem:s2+$0xFFFFFFC0]  }
0x1d5: {  	p0 =	sne.s32 s10, s19;
	v20 =	vld [tilespmem:s2+$0xFFFFFFD0]  }
0x1d6: {  	v21 =	vld [tilespmem:s0+$0xFFFFFFD0]  }
0x1d7: {  	v22 =	vld [tilespmem:s2+$0xFFFFFFE0]  }
0x1d8: {  	v23 =	vld [tilespmem:s0+$0xFFFFFFE0]  }
0x1d9: {  	v18 =	vadd.f32 v18, v19;
	v19 =	vld [tilespmem:s2+$0xFFFFFFF0]  }
0x1da: {  	v24 =	vld [tilespmem:s0+$0xFFFFFFF0]  }
0x1db: {  	v17 =	vadd.f32 v17, v18;
	v18 =	vadd.f32 v21, v20;
	v20 =	vld [tilespmem:s2+$0x0]  }
0x1dc: {  	v21 =	vld [tilespmem:s0+$0x0]  }
0x1dd: {  	v17 =	vmax.f32 v17, $0.0e+00;
	v16 =	vadd.f32 v16, v18;
	v18 =	vadd.f32 v23, v22;
	v22 =	vld [tilespmem:s2+$0x10]  }
0x1de: {  	v17 =	vmul.f32 v17, v1;
	v23 =	vld [tilespmem:s0+$0x10]  }
0x1df: {  	v16 =	vmax.f32 v16, $0.0e+00;
	v15 =	vadd.f32 v15, v18;
	v18 =	vadd.f32 v24, v19;
	v19 =	vld [tilespmem:s2+$0x20]  }
0x1e0: {  	v17 =	vadd.f32 $0.0e+00, v17;
	v16 =	vmul.f32 v16, v2;
	v24 =	vld [tilespmem:s0+$0x20]  }
0x1e1: {  	v15 =	vmax.f32 v15, $0.0e+00;
	v14 =	vadd.f32 v14, v18;
	v18 =	vadd.f32 v21, v20;
	v20 =	vld [tilespmem:s2+$0x30]  }
0x1e2: {  	v16 =	vadd.f32 v16, v17;
	v15 =	vmul.f32 v15, v3;
	v17 =	vld [tilespmem:s0+$0x30]  }
0x1e3: {  	v14 =	vmax.f32 v14, $0.0e+00;
	v13 =	vadd.f32 v13, v18;
	v18 =	vadd.f32 v23, v22  }
0x1e4: {  	v15 =	vadd.f32 v15, v16;
	v14 =	vmul.f32 v14, v4;
	v16 =	vld [tilespmem:s11+$0x30]  }
0x1e5: {  	v13 =	vmax.f32 v13, $0.0e+00;
	v12 =	vadd.f32 v12, v18;
	v18 =	vadd.f32 v24, v19  }
0x1e6: {  	v14 =	vadd.f32 v14, v15;
	v13 =	vmul.f32 v13, v5  }
0x1e7: {  	v12 =	vmax.f32 v12, $0.0e+00;
	v11 =	vadd.f32 v11, v18;
	v15 =	vadd.f32 v17, v20  }
0x1e8: {  	v13 =	vadd.f32 v13, v14;
	v12 =	vmul.f32 v12, v6  }
0x1e9: {  	v11 =	vmax.f32 v11, $0.0e+00;
	v14 =	vadd.f32 v16, v15  }
0x1ea: {  	v12 =	vadd.f32 v12, v13;
	v11 =	vmul.f32 v11, v7  }
0x1eb: {  	v13 =	vmax.f32 v14, $0.0e+00  }
0x1ec: {  	v11 =	vadd.f32 v11, v12;
	v12 =	vmul.f32 v13, v8;
	_ =	sdelay $0x1  }
0x1ed: {  	v11 =	vadd.f32 v12, v11;
	_ =	sdelay $0x1  }
0x1ee: {  	(xrf2) =	vadd.scan.msk.f32 $0xffff, v11;
	_ =	sdelay $0x9  }
.Ltmp13:
0x1ef: {  	s9 =	sand.u32 $0xF, s9;
	v11, _, _ =	vpop (xrf2);
	(pc) =	sbr.rel @p0 .LBB2_15-.Ltmp13, $4  }
0x1f0: {  	v12 =	vmov s9;
	v11 =	vbroadcast v11, $0xF  }
0x1f1: {  	vm0 =	veq.s32 v12, v0  }
0x1f2: {  	s12 =	sadd.s32 $0x1, s12;
	p2 =	sne.s32 s9, $0xF;
	v10 =	vsel vm0, v11, v10  }
0x1f3: {  	s11 =	sadd.s32 $0x80, s11;
	[tilespmem:s12+$0x0] =	vst @!p2 v10;
	v10 =	vpsel p2, v10, v9  }
.Ltmp14:
0x1f4: {  	_ = 	snop;
	(pc) =	sbr.rel .LBB2_16-.Ltmp14, $1  }
0x1f5: {  	_ =	sdelay $0x3  }
.LBB2_19:
0x1f6: {  	_ =	sfence.sel $0x180000  }
0x1f7: {  	[bflag:$0x0] =	sbarrier.arrive $0xFFFF  }
0x1f8: {  	_ =	strace $0x9000004A  }
0x1f9: {  	s0 =	stileid.u32;
	[bflag:$0x2] =	sbarrier.arrive $0xFFFF  }
0x1fa: {  	p0 =	sne.s32 s0, $0x0;
	s0 =	rddreg [dreg:$0x2]  }
0x1fb: {  	s0 =	sadd.s32 @!p0 $0x100000, s0  }
0x1fc: {  	[sflag:s0] =	ssyncadd.tile.s32 @!p0 $0x1;
	_ =	shalt  }
.Lfunc_end2:
_tile_overlayer_lowered:
.L_overlay_start_2:
0x1fd: {  	(tag) =	ssettag $0x2  }
0x1fe: {  	s0 =	rddreg [dreg:$0x0];
	s2 =	stileid.u32  }
0x1ff: {  	s1 =	rddreg [dreg:$0x1];
	p0 =	sne.s32 s2, $0x0  }
0x200: {  	s3 =	rddreg [dreg:$0x2];
	[bflag:$0x3] =	sbarrier.arrive $0xFFFF;
	s2 =	simm.s32 @!p0 $0x1C10  }
0x201: {  	[timem:s3], [sflag:s2] =	dma.local @!p0 [hbm:s0], s1  }
0x202: {  	s0 =	simm.s32 @!p0 $0x10  }
0x203: {  	_ =	swait.ge @!p0 [sflag:s0], s1  }
0x204: {  	s1 =	ssub.s32 @!p0 $0x0, s1;
	[sflag:s0] =	ssyncset.done @!p0 $0x0  }
0x205: {  	[sflag:s0] =	ssyncadd.s32 @!p0 s1  }
0x206: {  	[bflag:$0x3] =	sbarrier.arrive $0xFFFF  }
0x207: {  	_ =	shalt  }

// kernel: kernel.7.cloned.1.call-start
scs
__scs_entry_jumppad:
0x0: {  	(pc) =	sbr.rel $0x88, $3  }
0x1: {  	(tag) =	ssettag $0x0;
	lr =	simm.s32 $0x1  }
0x2: {  	[smem:$0x3F94] =	sst lr;
	_ =	strace $0xD0000000  }
0x3: {  	_ = 	snop  }
0x4: {  	_ = 	snop  }
0x5: {  	_ = 	snop  }
0x6: {  	_ = 	snop  }
0x7: {  	_ = 	snop  }
__scs_overlays_trampoline_lowered:
0x8: {  	[smem:$0x3FA3] =	sst s0  }
0x9: {  	[smem:$0x3FA4] =	sst s1  }
0xa: {  	[smem:$0x3FA5] =	sst s2  }
0xb: {  	[smem:$0x3FA6] =	sst s3  }
0xc: {  	[smem:$0x3FA7] =	sst s4  }
0xd: {  	[smem:$0x3FA8] =	sst s5  }
0xe: {  	[smem:$0x3FA9] =	sst s6  }
0xf: {  	[smem:$0x3FAA] =	sst s7  }
0x10: {  	[smem:$0x3FAB] =	sst s8  }
0x11: {  	[smem:$0x3FAC] =	sst s9;
	s0 =	simm.s32 @!p0 $0x0  }
0x12: {  	s1 =	sld [smem:$0x3F92];
	s0 =	simm.s32 @p0 $0x1  }
0x13: {  	[smem:$0x3FAD] =	sst s0;
	s0 =	simm.s32 @!p1 $0x0  }
0x14: {  	s2 =	sld [smem:$0x3F91];
	s0 =	simm.s32 @p1 $0x1  }
0x15: {  	[smem:$0x3FAE] =	sst s0;
	s0 =	simm.s32 @!p2 $0x0  }
0x16: {  	s3 =	sld [smem:$0x3FDB];
	s0 =	simm.s32 @p2 $0x1  }
0x17: {  	s4 =	simm.s32 $0x1BF5;
	[smem:$0x3FB0] =	sst s0  }
0x18: {  	s0 =	sld [smem:$0x3F93];
	_ =	swait.ge [sflag:s4], $0x0  }
0x19: {  	s7 =	sld [smem:$0x3F94]  }
0x1a: {  	s8 =	sadd.s32 $0xFFFFE003, lr  }
0x1b: {  	s9 =	sadd.s32 $0xFFFFFEF7, lr;
	s5 =	simm.s32 $0xFFFFFFFF;
	p2 =	slt.u32 s8, $0xFFFFF086  }
0x1c: {  	p1 =	slt.u32 s9, $0xF7A;
	s5 =	simm.s32 @!p2 $0x0  }
0x1d: {  	s5 =	simm.s32 @p1 $0x1;
	p0 =	seq.s32 s7, s2  }
0x1e: {  	s7 =	smul.u32 @!p0 $0xF7A, s2;
	p2 =	seq.s32 @!p0 s5, $0x0  }
0x1f: {  	s9 =	smul.u32 $0xF7A, s1;
	s8 =	simm.s32 @!p0 $0x1BF5;
	p2 =	por !p2, p0  }
0x20: {  	[sflag:s8] =	ssyncset.s32 @!p0 $0xFFFFF086;
	s6 =	sadd.s32 @!p0 s3, s7;
	s7 =	simm.s32 @!p0 $0x108  }
0x21: {  	s3 =	sadd.s32 s3, s9;
	s6 =	sadd.s32 @!p0 $0x88, s6;
	s7 =	simm.s32 @p2 $0x1082  }
0x22: {  	[simem:s7], [sflag:s8] =	dma.local @!p0 [hbm:s6], $0xF7A  }
0x23: {  	s9 =	sor.u32 $0xD0000000, s2;
	s6 =	simm.s32 $0x108;
	_ =	swait.ge @!p0 [sflag:s8], $0x0  }
0x24: {  	s3 =	sadd.s32 $0x88, s3;
	s6 =	simm.s32 @!p1 $0x1082;
	[sflag:s4] =	ssyncset.s32 $0xFFFFF086  }
0x25: {  	[simem:s6], [sflag:s4] =	dma.local [hbm:s3], $0xF7A  }
0x26: {  	[smem:$0x3F94] =	sst s1;
	(tag) =	ssettag s2;
	_ =	strace s9  }
0x27: {  	s1 =	sld [smem:$0x3FA4]  }
0x28: {  	s2 =	sld [smem:$0x3FA5]  }
0x29: {  	s4 =	sld [smem:$0x3FA7]  }
0x2a: {  	p0 =	seq.s32 s5, $0x0;
	s5 =	sld [smem:$0x3FA8]  }
0x2b: {  	s6 =	sld [smem:$0x3FA9]  }
0x2c: {  	s7 =	sld [smem:$0x3FAA]  }
0x2d: {  	s3 =	simm.s32 $0x108;
	s8 =	sld [smem:$0x3FAB]  }
0x2e: {  	s3 =	simm.s32 @!p0 $0x1082;
	s9 =	sld [smem:$0x3FAC]  }
0x2f: {  	lr =	sadd.s32 s0, s3;
	s0 =	sld [smem:$0x3FA3]  }
0x30: {  	s3 =	sld [smem:$0x3FA6]  }
0x31: {  	[smem:$0x3FAF] =	sst s10  }
0x32: {  	s10 =	sld [smem:$0x3FAD];
	_ =	sdelay $0x3  }
0x33: {  	p0 =	seq.s32 s10, $0x1;
	s10 =	sld [smem:$0x3FAF];
	_ =	sdelay $0x3  }
0x34: {  	[smem:$0x3FAF] =	sst s10  }
0x35: {  	s10 =	sld [smem:$0x3FAE];
	_ =	sdelay $0x3  }
0x36: {  	p1 =	seq.s32 s10, $0x1;
	s10 =	sld [smem:$0x3FAF];
	_ =	sdelay $0x3  }
0x37: {  	[smem:$0x3FAF] =	sst s10  }
0x38: {  	s10 =	sld [smem:$0x3FB0]  }
0x39: {  	_ = 	snop;
	(pc) =	sbr.ind lr, $3  }
0x3a: {  	_ = 	snop  }
0x3b: {  	_ = 	snop  }
0x3c: {  	p2 =	seq.s32 s10, $0x1;
	s10 =	sld [smem:$0x3FAF]  }
0x3d: {  	_ =	shalt  }
0x3e: {  	_ =	shalt  }
0x3f: {  	_ =	shalt  }
0x40: {  	_ =	shalt  }
0x41: {  	_ =	shalt  }
0x42: {  	_ =	shalt  }
0x43: {  	_ =	shalt  }
0x44: {  	_ =	shalt  }
0x45: {  	_ =	shalt  }
0x46: {  	_ =	shalt  }
0x47: {  	_ =	shalt  }
0x48: {  	_ =	shalt  }
0x49: {  	_ =	shalt  }
0x4a: {  	_ =	shalt  }
0x4b: {  	_ =	shalt  }
0x4c: {  	_ =	shalt  }
0x4d: {  	_ =	shalt  }
0x4e: {  	_ =	shalt  }
0x4f: {  	_ =	shalt  }
0x50: {  	_ =	shalt  }
0x51: {  	_ =	shalt  }
0x52: {  	_ =	shalt  }
0x53: {  	_ =	shalt  }
0x54: {  	_ =	shalt  }
0x55: {  	_ =	shalt  }
0x56: {  	_ =	shalt  }
0x57: {  	_ =	shalt  }
0x58: {  	_ =	shalt  }
0x59: {  	_ =	shalt  }
0x5a: {  	_ =	shalt  }
0x5b: {  	_ =	shalt  }
0x5c: {  	_ =	shalt  }
0x5d: {  	_ =	shalt  }
0x5e: {  	_ =	shalt  }
0x5f: {  	_ =	shalt  }
0x60: {  	_ =	shalt  }
0x61: {  	_ =	shalt  }
0x62: {  	_ =	shalt  }
0x63: {  	_ =	shalt  }
0x64: {  	_ =	shalt  }
0x65: {  	_ =	shalt  }
0x66: {  	_ =	shalt  }
0x67: {  	_ =	shalt  }
0x68: {  	_ =	shalt  }
0x69: {  	_ =	shalt  }
0x6a: {  	_ =	shalt  }
0x6b: {  	_ =	shalt  }
0x6c: {  	_ =	shalt  }
0x6d: {  	_ =	shalt  }
0x6e: {  	_ =	shalt  }
0x6f: {  	_ =	shalt  }
0x70: {  	_ =	shalt  }
0x71: {  	_ =	shalt  }
0x72: {  	_ =	shalt  }
0x73: {  	_ =	shalt  }
0x74: {  	_ =	shalt  }
0x75: {  	_ =	shalt  }
0x76: {  	_ =	shalt  }
0x77: {  	_ =	shalt  }
0x78: {  	_ =	shalt  }
0x79: {  	_ =	shalt  }
0x7a: {  	_ =	shalt  }
0x7b: {  	_ =	shalt  }
0x7c: {  	_ =	shalt  }
0x7d: {  	_ =	shalt  }
0x7e: {  	_ =	shalt  }
0x7f: {  	_ =	shalt  }
0x80: {  	_ =	shalt  }
0x81: {  	_ =	shalt  }
0x82: {  	_ =	shalt  }
0x83: {  	_ =	shalt  }
0x84: {  	_ =	shalt  }
0x85: {  	_ =	shalt  }
0x86: {  	_ =	shalt  }
0x87: {  	_ =	shalt  }
.Lfunc_end0:
.L_simem_size_0:
called_computation_lowered:
.L_overlay_start_0:
0x88: {  	s2 =	sld [smem:$0x3FD9]  }
0x89: {  	s3 =	sld [smem:$0x3FFE];
	_ =	sdelay $0x1  }
0x8a: {  	s1 =	srdreg.scid  }
0x8b: {  	s0 =	sand.u32 $0x1, s1  }
0x8c: {  	s17 =	sshll.u32 s0, $0xA;
	s2 =	sadd.s32 s3, s2  }
0x8d: {  	s2 =	sadd.s32 s2, s17  }
0x8e: {  	[smem:$0x3FBB] =	sst s2  }
0x8f: {  	_ = 	snop  }
0x90: {  	s2 =	sld [smem:$0x3FC9]  }
0x91: {  	s18 =	sld [smem:$0x3FD0];
	(tm) =	ssettm $0x1  }
0x92: {  	s4 =	sld [smem:$0x3FFB];
	_ =	sdelay $0x3  }
0x93: {  	_ =	strace s4  }
0x94: {  	s4 =	sld [smem:$0x3FFC];
	_ =	sdelay $0x3  }
0x95: {  	_ =	strace s4  }
0x96: {  	s4 =	sld [smem:$0x3FFD];
	_ =	sdelay $0x3  }
0x97: {  	_ =	strace s4  }
0x98: {  	_ =	strace $0x8FFFFFFF  }
0x99: {  	s19 =	sld [smem:$0x3FDB];
	_ =	sdelay $0x1  }
0x9a: {  	s5 =	simm.s32 $_scs_section_size  }
0x9b: {  	s6 =	simm.s32 $_size__tile_overlayer_lowered;
	s7 =	simm.s32 $_tile_overlayer_lowered  }
0x9c: {  	s22 =	simm.s32 $0x1BFF;
	s21 =	sshll.u32 s7, $0x1;
	s4 =	sadd.s32 s5, s19  }
0x9d: {  	s8 =	simm.s32 $0x0;
	s20 =	sshll.u32 s6, $0x1;
	s6 =	sadd.s32 s21, s4  }
0x9e: {  	[timem:s8], [sflag:s22] =	dma.local [hbm:s6], s20  }
0x9f: {  	_ =	swait.ge [sflag:s22], s20  }
0xa0: {  	s5 =	ssub.s32 $0x0, s20;
	[sflag:s22] =	ssyncset.done $0x0  }
0xa1: {  	[sflag:s22] =	ssyncadd.s32 s5;
	_ =	sdelay $0x1  }
0xa2: {  	s23 =	simm.s32 $0x1B8B  }
0xa3: {  	_ =	swait.ge [sflag:s23], $0x1  }
0xa4: {  	[sflag:s23] =	ssyncset.done $0x0  }
0xa5: {  	s25 =	simm.s32 $0x1B8E;
	s24 =	sld [smem:$0x3FFE];
	[sflag:s23] =	ssyncadd.s32 $0xFFFFFFFF  }
0xa6: {  	s26 =	simm.s32 $execute0_lowered;
	[smem:$0x3FD2] =	sst s25  }
0xa7: {  	s6 =	sshll.u32 s26, $0x1;
	_ =	strace $0x80000046;
	[dreg:$0x1] =	wrdreg $0xFFFFFFFF  }
0xa8: {  	s28 =	simm.s32 $_size_execute0_lowered;
	s4 =	sadd.s32 s4, s6;
	[dreg:$0x0] =	wrdreg $0x0  }
0xa9: {  	s6 =	sshll.u32 s28, $0x1;
	[dreg:$0x2] =	wrdreg s4  }
0xaa: {  	[dreg:$0x3] =	wrdreg s6  }
0xab: {  	[dreg:$0x4] =	wrdreg $0xC0  }
0xac: {  	_ =	task [dreg:s8], $0x5FFFF  }
0xad: {  	[dreg:$0x1] =	wrdreg $0xFFFFFFFF  }
0xae: {  	[dreg:$0x0] =	wrdreg $0x60  }
0xaf: {  	[dreg:$0x2] =	wrdreg s2  }
0xb0: {  	[dreg:$0x3] =	wrdreg s24  }
0xb1: {  	[dreg:$0x4] =	wrdreg s18  }
0xb2: {  	[dreg:$0x5] =	wrdreg $0xC4000  }
0xb3: {  	[dreg:$0x6] =	wrdreg $0x9  }
0xb4: {  	_ =	task.clear_ibuf [dreg:s8], $0x7FFFF;
	_ =	strace $0x90000046  }
0xb5: {  	s29 =	simm.s32 $0x9;
	_ =	strace $0x80000048  }
0xb6: {  	_ =	swait.ge [sflag:s29], $0x1  }
0xb7: {  	[sflag:s29] =	ssyncadd.s32 $0xFFFFFFFF  }
0xb8: {  	_ =	strace $0x90000048  }
0xb9: {  	_ =	sfence  }
0xba: {  	s30 =	sld [smem:$0x0];
	_ =	sdelay $0x2  }
0xbb: {  	s31 =	sshll.u32 s1, $0xD;
	s1 =	sshrl.u32 s1, $0x2  }
0xbc: {  	s3 =	sand.u32 $0x4000, s31;
	s1 =	sadd.s32 s1, s30  }
0xbd: {  	s0 =	sor.u32 s3, s0;
	s1 =	sshll.u32 s1, $0x11  }
0xbe: {  	s0 =	sor.u32 s1, s0  }
0xbf: {  	s0 =	sadd.s32 $0x8F2B, s0  }
0xc0: {  	[sflag:s0] =	ssyncadd.remote.s32 $0x1  }
0xc1: {  	_ =	sfence.sel $0xFFFF  }
0xc2: {  	[dreg:$0x0] =	wrdreg $0xFFFFFFFF;
	(pc) =	sbr.abs _section_cstart, $3  }
0xc3: {  	[dreg:$0x1] =	wrdreg $0xFFFFFFFF  }
0xc4: {  	_ =	task.clear_ibuf [dreg:s8], $0x2FFFF;
	_ =	strace $0x9FFFFFFF  }
0xc5: {  	(tm) =	ssettm $0x7FFFFFFF  }
tec
execute0_lowered:
.L_overlay_start_1:
0x0: {  	(tag) =	ssettag $0x1  }
0x1: {  	s1 =	srdreg.scid;
	s0 =	rddreg [dreg:$0x0]  }
0x2: {  	s4 =	rddreg [dreg:$0x1];
	s22 =	stileid.u32;
	s29 =	simm.s32 $0xD  }
0x3: {  	s30 =	simm.s32 $0x6;
	s2 =	sand.u32 $0x1, s1;
	s1 =	simm.s32 $0x0  }
0x4: {  	s7 =	sadd.s32 $0x15200, s4;
	s20 =	sshll.u32 s22, $0x1;
	s9 =	sshll.u32 s22, $0xD  }
0x5: {  	s18 =	sor.u32 $0x90, s22;
	s3 =	ssub.s32 $0x2, s2;
	[smem:$0x7FF] =	sst s1  }
0x6: {  	s6 =	smul.u32 $0x138800, s2;
	s10 =	sor.u32 $0x40000, s9;
	s11 =	sor.u32 $0x60000, s9  }
0x7: {  	s12 =	sor.u32 $0x80000, s9;
	s13 =	sor.u32 $0xA0000, s9;
	s5 =	sshrl.u32 s3, $0x1  }
0x8: {  	s15 =	sor.u32 $0xC0000, s9;
	s16 =	sor.u32 $0xE0000, s9;
	s5 =	ssub.s32 s3, s5  }
0x9: {  	s8 =	sshrl.u32 s6, $0x3;
	s3 =	sor.u32 s2, s20;
	s14 =	sadd.s32 s6, s9  }
0xa: {  	s23 =	sadd.s32 s6, s10;
	s24 =	sadd.s32 s6, s11;
	s19 =	sadd.s32 s6, s12  }
0xb: {  	s20 =	sadd.s32 s6, s16;
	s2 =	sadd.s32 s7, s8;
	s8 =	sor.u32 $0x20000, s9  }
0xc: {  	s14 =	sshrl.u32 s14, $0x3;
	s26 =	sshrl.u32 s19, $0x3;
	s17 =	sadd.s32 s6, s8  }
0xd: {  	s19 =	sadd.s32 s6, s15;
	s14 =	sadd.s32 s7, s14;
	s21 =	sshrl.u32 s17, $0x3  }
0xe: {  	[dreg:$0x5] =	wrdreg s14;
	s17 =	sshrl.u32 s24, $0x3;
	s14 =	sadd.s32 s7, s21  }
0xf: {  	s25 =	sadd.s32 s7, s17;
	[dreg:$0x6] =	wrdreg s14;
	s14 =	sshrl.u32 s23, $0x3  }
0x10: {  	s17 =	sadd.s32 s6, s13;
	[dreg:$0x8] =	wrdreg s25;
	s14 =	sadd.s32 s7, s14  }
0x11: {  	s23 =	sshrl.u32 s20, $0x3;
	[dreg:$0x7] =	wrdreg s14;
	s14 =	sadd.s32 s7, s26  }
0x12: {  	s20 =	sor.u32 $0x100000, s9;
	[dreg:$0x9] =	wrdreg s14;
	s14 =	sshrl.u32 s17, $0x3  }
0x13: {  	s24 =	sadd.s32 s6, s20;
	s17 =	sshrl.u32 s19, $0x3;
	s14 =	sadd.s32 s7, s14  }
0x14: {  	s25 =	sshrl.u32 s24, $0x3;
	s21 =	sadd.s32 s7, s17;
	[dreg:$0xa] =	wrdreg s14  }
0x15: {  	s17 =	sadd.s32 s7, s25;
	[dreg:$0xb] =	wrdreg s21;
	s21 =	sshll.u32 s18, $0xD  }
0x16: {  	s14 =	sadd.s32 s7, s23;
	[dreg:$0xd] =	wrdreg s17;
	s6 =	sadd.s32 s6, s21  }
0x17: {  	p0 =	sgt.u32 s18, $0x9B;
	[dreg:$0xc] =	wrdreg s14;
	s6 =	sshrl.u32 s6, $0x3  }
0x18: {  	p1 =	sne.s32 @p0 s22, $0xF;
	s14 =	rddreg [dreg:$0x3];
	s6 =	sadd.s32 s7, s6  }
0x19: {  	s22 =	simm.s32 $0x6000;
	s2 =	sadd.s32 $0x27000, s2;
	[dreg:$0xe] =	wrdreg s6  }
0x1a: {  	s26 =	smax.u32 s5, $0x1;
	_ =	strace $0x80000047;
	[dreg:$0xf] =	wrdreg s2  }
0x1b: {  	s5 =	sadd.s32 s10, s14;
	s10 =	simm.s32 $0x0;
	[dreg:$0x10] =	wrdreg s26  }
0x1c: {  	p1 =	por p1, !p0;
	s23 =	sadd.s32 s9, s14;
	[dreg:$0x1c] =	wrdreg s10  }
0x1d: {  	s24 =	simm.s32 $0x1;
	s19 =	sadd.s32 $0x4F7200, s4;
	[dreg:$0x11] =	wrdreg s23  }
0x1e: {  	s25 =	simm.s32 $0xB;
	s9 =	sadd.s32 s11, s14;
	[dreg:$0x13] =	wrdreg s5  }
0x1f: {  	s17 =	sadd.s32 $0xB400, s4;
	s31 =	sadd.s32 s12, s14;
	[dreg:$0x14] =	wrdreg s9  }
0x20: {  	s18 =	sadd.s32 $0x1600, s4;
	s28 =	sadd.s32 s13, s14;
	[dreg:$0x15] =	wrdreg s31  }
0x21: {  	s4 =	sor.u32 $0x40, s3;
	s11 =	sadd.s32 s15, s14;
	[dreg:$0x16] =	wrdreg s28  }
0x22: {  	s15 =	sadd.s32 s16, s14;
	s16 =	sadd.s32 s20, s14;
	[dreg:$0x17] =	wrdreg s11  }
.Ltmp0:
0x23: {  	s13 =	sadd.s32 s21, s14;
	[dreg:$0x18] =	wrdreg s15;
	(pc) =	sbr.rel .LBB2_1-.Ltmp0, $4  }
0x24: {  	s20 =	simm.s32 $0x8;
	s21 =	simm.s32 $0x5;
	[dreg:$0x19] =	wrdreg s16  }
0x25: {  	s12 =	simm.s32 $0x2;
	s6 =	sadd.s32 $0x138000, s14;
	[dreg:$0x1a] =	wrdreg s13  }
0x26: {  	s7 =	simm.s32 $0x3;
	s26 =	sadd.s32 s8, s14;
	[dreg:$0x1b] =	wrdreg s6  }
0x27: {  	s2 =	sor.u32 $0x20, s3;
	s8 =	simm.s32 $0x40;
	[dreg:$0x12] =	wrdreg s26  }
.LBB2_29:
0x28: {  	s0 =	simm.s32 $0xA  }
0x29: {  	_ =	swait.ge [sflag:s0], $0x2000  }
0x2a: {  	[sflag:s0] =	ssyncset.done $0x0  }
0x2b: {  	[sflag:s0] =	ssyncadd.s32 $0xFFFFE000  }
0x2c: {  	_ =	swait.ge [sflag:s25], $0x2000  }
0x2d: {  	[sflag:s25] =	ssyncset.done $0x0  }
0x2e: {  	s5 =	simm.s32 $0xC;
	[sflag:s25] =	ssyncadd.s32 $0xFFFFE000  }
0x2f: {  	_ =	swait.ge [sflag:s5], $0x2000  }
0x30: {  	[sflag:s5] =	ssyncset.done $0x0  }
0x31: {  	[sflag:s5] =	ssyncadd.s32 $0xFFFFE000  }
0x32: {  	s10 =	stileid.u32;
	[bflag:$0x0] =	sbarrier.arrive $0xFFFF  }
0x33: {  	s10 =	sshll.u32 s10, $0x6;
	s0 =	rddreg [dreg:$0x11]  }
0x34: {  	s10 =	sor.u32 $0x1C0D, s10;
	s16 =	rddreg [dreg:$0x5];
	s15 =	sshrl.u32 s0, $0x3  }
0x35: {  	[hbm:s16], [sflag:s10] =	dma.local [spmem:s15], $0x400  }
0x36: {  	_ =	swait.ge [sflag:s29], $0x400  }
0x37: {  	[sflag:s29] =	ssyncset.done $0x0;
	s26 =	rddreg [dreg:$0x12]  }
0x38: {  	s9 =	rddreg [dreg:$0x6];
	[sflag:s29] =	ssyncadd.s32 $0xFFFFFC00;
	s6 =	sshrl.u32 s26, $0x3  }
0x39: {  	[hbm:s9], [sflag:s10] =	dma.local [spmem:s6], $0x400  }
0x3a: {  	_ =	swait.ge [sflag:s29], $0x400  }
0x3b: {  	[sflag:s29] =	ssyncset.done $0x0;
	s5 =	rddreg [dreg:$0x13]  }
0x3c: {  	s13 =	rddreg [dreg:$0x7];
	[sflag:s29] =	ssyncadd.s32 $0xFFFFFC00;
	s11 =	sshrl.u32 s5, $0x3  }
0x3d: {  	[hbm:s13], [sflag:s10] =	dma.local [spmem:s11], $0x400  }
0x3e: {  	_ =	swait.ge [sflag:s29], $0x400  }
0x3f: {  	[sflag:s29] =	ssyncset.done $0x0;
	s9 =	rddreg [dreg:$0x14]  }
0x40: {  	s22 =	rddreg [dreg:$0x8];
	[sflag:s29] =	ssyncadd.s32 $0xFFFFFC00;
	s16 =	sshrl.u32 s9, $0x3  }
0x41: {  	[hbm:s22], [sflag:s10] =	dma.local [spmem:s16], $0x400  }
0x42: {  	_ =	swait.ge [sflag:s29], $0x400  }
0x43: {  	[sflag:s29] =	ssyncset.done $0x0;
	s31 =	rddreg [dreg:$0x15]  }
0x44: {  	s6 =	rddreg [dreg:$0x9];
	[sflag:s29] =	ssyncadd.s32 $0xFFFFFC00;
	s23 =	sshrl.u32 s31, $0x3  }
0x45: {  	[hbm:s6], [sflag:s10] =	dma.local [spmem:s23], $0x400  }
0x46: {  	_ =	swait.ge [sflag:s29], $0x400  }
0x47: {  	[sflag:s29] =	ssyncset.done $0x0;
	s28 =	rddreg [dreg:$0x16]  }
0x48: {  	s13 =	rddreg [dreg:$0xa];
	[sflag:s29] =	ssyncadd.s32 $0xFFFFFC00;
	s11 =	sshrl.u32 s28, $0x3  }
0x49: {  	[hbm:s13], [sflag:s10] =	dma.local [spmem:s11], $0x400  }
0x4a: {  	_ =	swait.ge [sflag:s29], $0x400  }
0x4b: {  	[sflag:s29] =	ssyncset.done $0x0;
	s11 =	rddreg [dreg:$0x17]  }
0x4c: {  	s23 =	rddreg [dreg:$0xb];
	[sflag:s29] =	ssyncadd.s32 $0xFFFFFC00;
	s22 =	sshrl.u32 s11, $0x3  }
0x4d: {  	[hbm:s23], [sflag:s10] =	dma.local [spmem:s22], $0x400  }
0x4e: {  	_ =	swait.ge [sflag:s29], $0x400  }
0x4f: {  	[sflag:s29] =	ssyncset.done $0x0;
	s22 =	rddreg [dreg:$0x18]  }
0x50: {  	s13 =	rddreg [dreg:$0xc];
	[sflag:s29] =	ssyncadd.s32 $0xFFFFFC00;
	s6 =	sshrl.u32 s22, $0x3  }
0x51: {  	[hbm:s13], [sflag:s10] =	dma.local [spmem:s6], $0x400  }
0x52: {  	_ =	swait.ge [sflag:s29], $0x400  }
0x53: {  	[sflag:s29] =	ssyncset.done $0x0  }
0x54: {  	[sflag:s29] =	ssyncadd.s32 $0xFFFFFC00;
	s29 =	smov.u32 s14;
	s14 =	rddreg [dreg:$0x19]  }
0x55: {  	s6 =	simm.s32 $0xD;
	s23 =	rddreg [dreg:$0xd];
	s16 =	sshrl.u32 s14, $0x3  }
0x56: {  	[hbm:s23], [sflag:s10] =	dma.local [spmem:s16], $0x400  }
0x57: {  	_ =	swait.ge [sflag:s6], $0x400  }
0x58: {  	[sflag:s6] =	ssyncset.done $0x0  }
0x59: {  	[sflag:s6] =	ssyncadd.s32 $0xFFFFFC00;
	s6 =	rddreg [dreg:$0x1b]  }
0x5a: {  	s16 =	simm.s32 @!p1 $0x1FCD;
	s23 =	rddreg [dreg:$0xf];
	s15 =	sshrl.u32 @!p1 s6, $0x3  }
0x5b: {  	[hbm:s23], [sflag:s16] =	dma.local @!p1 [spmem:s15], $0x100  }
0x5c: {  	s15 =	simm.s32 @!p1 $0xD  }
0x5d: {  	s23 =	smov.u32 s0;
	s0 =	rddreg [dreg:$0x0];
	_ =	swait.ge @!p1 [sflag:s15], $0x100  }
0x5e: {  	[sflag:s15] =	ssyncset.done @!p1 $0x0;
	s13 =	rddreg [dreg:$0x1a]  }
0x5f: {  	s16 =	rddreg [dreg:$0xe];
	[sflag:s15] =	ssyncadd.s32 @!p1 $0xFFFFFF00;
	s15 =	sshrl.u32 @!p0 s13, $0x3  }
0x60: {  	[hbm:s16], [sflag:s10] =	dma.local @!p0 [spmem:s15], $0x400  }
0x61: {  	s10 =	simm.s32 @!p0 $0xD  }
0x62: {  	_ =	swait.ge @!p0 [sflag:s10], $0x400  }
0x63: {  	s30 =	rddreg [dreg:$0x1c]  }
0x64: {  	s15 =	rddreg [dreg:$0x10];
	s30 =	sadd.s32 $0x1, s30  }
0x65: {  	p2 =	sne.s32 s30, s15  }
.Ltmp1:
0x66: {  	_ = 	snop;
	(pc) =	sbr.rel @!p2 .LBB2_30-.Ltmp1, $4  }
0x67: {  	_ = 	snop  }
0x68: {  	s16 =	smov.u32 s14;
	s14 =	smov.u32 s29;
	[sflag:s10] =	ssyncset.done @!p0 $0x0  }
0x69: {  	s29 =	simm.s32 $0xD;
	[sflag:s10] =	ssyncadd.s32 @!p0 $0xFFFFFC00;
	[dreg:$0x1c] =	wrdreg s30  }
0x6a: {  	s30 =	simm.s32 $0x6;
	s15 =	smov.u32 s22;
	s22 =	simm.s32 $0x6000  }
.LBB2_1:
0x6b: {  	s10 =	rddreg [dreg:$0x2]  }
0x6c: {  	[tilespmem:s22], [sflag:$0xD] =	stream.linear.gather [hbm4b:s10+s1], $0x2000, $0x38;
	[tilespmem:$0x1FC80] =	vst v63  }
0x6d: {  	_ =	swait.ge [sflag:s29], $0x2000  }
0x6e: {  	[sflag:s29] =	ssyncset.done $0x0  }
0x6f: {  	[sflag:s29] =	ssyncadd.s32 $0xFFFFE000  }
0x70: {  	[spmem:s23] =	stream.linear.scatter [tilespmem:s22], [sflag:$0xD], $0x2000, $0x38;
	[tilespmem:$0x1FC80] =	vst v63  }
0x71: {  	_ =	swait.ge [sflag:s29], $0x2000  }
0x72: {  	[sflag:s29] =	ssyncset.done $0x0  }
0x73: {  	[sflag:s29] =	ssyncadd.s32 $0xFFFFE000  }
0x74: {  	[spmem:s26] =	stream.linear.scatter [tilespmem:s22], [sflag:$0xD], $0x2000, $0x38;
	[tilespmem:$0x1FC80] =	vst v63  }
0x75: {  	_ =	swait.ge [sflag:s29], $0x2000  }
0x76: {  	[sflag:s29] =	ssyncset.done $0x0  }
0x77: {  	[sflag:s29] =	ssyncadd.s32 $0xFFFFE000  }
0x78: {  	[spmem:s5] =	stream.linear.scatter [tilespmem:s22], [sflag:$0xD], $0x2000, $0x38;
	[tilespmem:$0x1FC80] =	vst v63  }
0x79: {  	_ =	swait.ge [sflag:s29], $0x2000  }
0x7a: {  	[sflag:s29] =	ssyncset.done $0x0  }
0x7b: {  	[sflag:s29] =	ssyncadd.s32 $0xFFFFE000  }
0x7c: {  	[spmem:s9] =	stream.linear.scatter [tilespmem:s22], [sflag:$0xD], $0x2000, $0x38;
	[tilespmem:$0x1FC80] =	vst v63  }
0x7d: {  	_ =	swait.ge [sflag:s29], $0x2000  }
0x7e: {  	[sflag:s29] =	ssyncset.done $0x0  }
0x7f: {  	[sflag:s29] =	ssyncadd.s32 $0xFFFFE000  }
0x80: {  	[spmem:s31] =	stream.linear.scatter [tilespmem:s22], [sflag:$0xD], $0x2000, $0x38;
	[tilespmem:$0x1FC80] =	vst v63  }
0x81: {  	_ =	swait.ge [sflag:s29], $0x2000  }
0x82: {  	[sflag:s29] =	ssyncset.done $0x0  }
0x83: {  	[sflag:s29] =	ssyncadd.s32 $0xFFFFE000  }
0x84: {  	[spmem:s28] =	stream.linear.scatter [tilespmem:s22], [sflag:$0xD], $0x2000, $0x38;
	[tilespmem:$0x1FC80] =	vst v63  }
0x85: {  	_ =	swait.ge [sflag:s29], $0x2000  }
0x86: {  	[sflag:s29] =	ssyncset.done $0x0  }
0x87: {  	[sflag:s29] =	ssyncadd.s32 $0xFFFFE000  }
0x88: {  	[spmem:s11] =	stream.linear.scatter [tilespmem:s22], [sflag:$0xD], $0x2000, $0x38;
	[tilespmem:$0x1FC80] =	vst v63  }
0x89: {  	_ =	swait.ge [sflag:s29], $0x2000  }
0x8a: {  	[sflag:s29] =	ssyncset.done $0x0  }
0x8b: {  	[sflag:s29] =	ssyncadd.s32 $0xFFFFE000  }
0x8c: {  	[spmem:s15] =	stream.linear.scatter [tilespmem:s22], [sflag:$0xD], $0x2000, $0x38;
	[tilespmem:$0x1FC80] =	vst v63  }
0x8d: {  	_ =	swait.ge [sflag:s29], $0x2000  }
0x8e: {  	[sflag:s29] =	ssyncset.done $0x0  }
0x8f: {  	[sflag:s29] =	ssyncadd.s32 $0xFFFFE000  }
0x90: {  	[spmem:s16] =	stream.linear.scatter [tilespmem:s22], [sflag:$0xD], $0x2000, $0x38;
	[tilespmem:$0x1FC80] =	vst v63  }
0x91: {  	_ =	swait.ge [sflag:s29], $0x2000  }
0x92: {  	[sflag:s29] =	ssyncset.done $0x0  }
0x93: {  	s10 =	simm.s32 @!p1 $0x6000;
	[sflag:s29] =	ssyncadd.s32 $0xFFFFE000  }
0x94: {  	[spmem:s6] =	stream.linear.scatter @!p1 [tilespmem:s10], [sflag:$0xD], $0x800, $0x38;
	[tilespmem:$0x1FC80] =	vst v63  }
0x95: {  	s10 =	simm.s32 @!p1 $0xD  }
0x96: {  	_ =	swait.ge @!p1 [sflag:s10], $0x800  }
0x97: {  	[sflag:s10] =	ssyncset.done @!p1 $0x0  }
0x98: {  	[sflag:s10] =	ssyncadd.s32 @!p1 $0xFFFFF800;
	s10 =	simm.s32 @!p0 $0x6000  }
0x99: {  	[spmem:s13] =	stream.linear.scatter @!p0 [tilespmem:s10], [sflag:$0xD], $0x2000, $0x38;
	[tilespmem:$0x1FC80] =	vst v63  }
0x9a: {  	s10 =	simm.s32 @!p0 $0xD  }
.Ltmp2:
0x9b: {  	_ =	swait.ge @!p0 [sflag:s10], $0x2000;
	(pc) =	sbr.rel .LBB2_2-.Ltmp2, $4  }
0x9c: {  	[sflag:s10] =	ssyncset.done @!p0 $0x0  }
0x9d: {  	s5 =	simm.s32 $0xC100;
	s31 =	simm.s32 $0x8000;
	[sflag:s10] =	ssyncadd.s32 @!p0 $0xFFFFE000  }
0x9e: {  	s28 =	simm.s32 $0xC280;
	s11 =	simm.s32 $0xC000;
	[bflag:$0x0] =	sbarrier.arrive $0xFFFF  }
0x9f: {  	s16 =	simm.s32 $0x0;
	s6 =	simm.s32 $0xA000;
	s13 =	simm.s32 $0xC200  }
.LBB2_28:
0xa0: {  	s16 =	sadd.s32 $0x1, s16  }
0xa1: {  	p2 =	sne.s32 s16, $0x35  }
.Ltmp3:
0xa2: {  	_ = 	snop;
	(pc) =	sbr.rel @!p2 .LBB2_29-.Ltmp3, $1  }
0xa3: {  	_ =	sdelay $0x3  }
.LBB2_2:
0xa4: {  	p2 =	seq.s32 s16, $0x0  }
.Ltmp4:
0xa5: {  	_ = 	snop;
	(pc) =	sbr.rel @p2 .LBB2_5-.Ltmp4, $2  }
0xa6: {  	_ =	sdelay $0x2  }
0xa7: {  	s10 =	smul.u32 $0x60, s16;
	s15 =	smov.u32 s3  }
0xa8: {  	_ = 	snop  }
0xa9: {  	_ =	swait.ge [sflag:s7], $0x40;
	s15 =	sor.u32 s3, s10  }
0xaa: {  	[sflag:s7] =	ssyncset.done $0x0;
	p3 =	sgt.u32 s15, $0x1387  }
.Ltmp5:
0xab: {  	[sflag:s7] =	ssyncadd.s32 $0xFFFFFFC0;
	(pc) =	sbr.rel @p3 .LBB2_6-.Ltmp5, $4  }
0xac: {  	_ =	swait.ge [sflag:s7], $0x40  }
0xad: {  	[sflag:s7] =	ssyncset.done $0x0  }
0xae: {  	p4 =	por $0x0, $0x0;
	[sflag:s7] =	ssyncadd.s32 $0xFFFFFFC0  }
0xaf: {  	[tilespmem:s6], [sflag:$0x9] =	stream.indirect.gather [hbm4b:s0+s8], $0x80, s5, s8, $0xb8;
	[tilespmem:$0x1FC80] =	vst v63  }
0xb0: {  	s9 =	simm.s32 $0xA  }
0xb1: {  	_ =	swait.ge [sflag:s9], $0x2000  }
0xb2: {  	[sflag:s9] =	ssyncset.done $0x0  }
0xb3: {  	[sflag:s9] =	ssyncadd.s32 $0xFFFFE000  }
.LBB2_5:
0xb4: {  	s23 =	sshll.u32 s15, $0x3  }
0xb5: {  	s26 =	sadd.s32 s17, s23  }
0xb6: {  	[tilespmem:s11], [sflag:$0x1] =	stream.linear.gather [hbm4b:s26+s1], $0x40, $0x38;
	[tilespmem:$0x1FC80] =	vst v63  }
.Ltmp6:
0xb7: {  	_ = 	snop;
	(pc) =	sbr.rel @p2 .LBB2_9-.Ltmp6, $4  }
0xb8: {  	s23 =	sadd.s32 s18, s23;
	s26 =	sshll.u32 s15, $0xA  }
0xb9: {  	[tilespmem:s13], [sflag:$0x1] =	stream.linear.gather [hbm4b:s23+s1], $0x40, $0x38;
	[tilespmem:$0x1FC80] =	vst v63  }
0xba: {  	p4 =	por $0x1, $0x1;
	s15 =	sadd.s32 s19, s26  }
0xbb: {  	[tilespmem:s1], [sflag:$0x4] =	stream.linear.gather [hbm4b:s15+s1], $0x2000, $0x38;
	[tilespmem:$0x1FC80] =	vst v63  }
.LBB2_6:
0xbc: {  	_ =	swait.ge [sflag:s20], $0x2000  }
0xbd: {  	[sflag:s20] =	ssyncset.done $0x0  }
0xbe: {  	[sflag:s20] =	ssyncadd.s32 $0xFFFFE000  }
0xbf: {  	_ =	swait.ge [sflag:s21], $0x2000  }
0xc0: {  	[sflag:s21] =	ssyncset.done $0x0  }
0xc1: {  	s23 =	simm.s32 $0x0;
	[sflag:s21] =	ssyncadd.s32 $0xFFFFE000  }
0xc2: {  	v6 =	vld [tilespmem:s23+$0x2000]  }
0xc3: {  	v11 =	vld [tilespmem:s23+$0x2010]  }
0xc4: {  	v5 =	vld [tilespmem:s23+$0x2020]  }
0xc5: {  	v4 =	vld [tilespmem:s23+$0x2030]  }
0xc6: {  	v3 =	vld [tilespmem:s23+$0x2040]  }
0xc7: {  	v2 =	vld [tilespmem:s23+$0x2050]  }
0xc8: {  	v1 =	vld [tilespmem:s23+$0x2060]  }
0xc9: {  	v0 =	vld [tilespmem:s23+$0x2070]  }
0xca: {  	v12 =	vld [tilespmem:s23+$0x8000]  }
0xcb: {  	v13 =	vld [tilespmem:s23+$0x8010]  }
0xcc: {  	v10 =	vld [tilespmem:s23+$0x8020]  }
0xcd: {  	v9 =	vld [tilespmem:s23+$0x8030]  }
0xce: {  	v8 =	vld [tilespmem:s23+$0x8040]  }
0xcf: {  	v7 =	vld [tilespmem:s23+$0x8050];
	v12 =	vadd.f32 v6, v12  }
0xd0: {  	s15 =	simm.s32 $0x200;
	v11 =	vadd.f32 v11, v13;
	v6 =	vld [tilespmem:s23+$0x8060]  }
.LBB2_7:
0xd1: {  	s26 =	sshra.s32 s15, $0x2;
	p3 =	sne.s32 s15, $0x7E00;
	v12 =	vmax.f32 v12, $0.0e+00;
	v5 =	vadd.f32 v5, v10;
	v10 =	vld [tilespmem:s23+$0x8070]  }
0xd2: {  	v13 =	vld [tilespmem:s26+$0x2000];
	[tilespmem:s23+$0x8000] =	vst v12;
	v11 =	vmax.f32 v11, $0.0e+00;
	v4 =	vadd.f32 v4, v9  }
0xd3: {  	v14 =	vld [tilespmem:s26+$0x2010];
	[tilespmem:s23+$0x8010] =	vst v11;
	v9 =	vmax.f32 v5, $0.0e+00;
	v3 =	vadd.f32 v3, v8  }
0xd4: {  	v5 =	vld [tilespmem:s26+$0x2020];
	[tilespmem:s23+$0x8020] =	vst v9;
	v8 =	vmax.f32 v4, $0.0e+00;
	v2 =	vadd.f32 v2, v7  }
0xd5: {  	v4 =	vld [tilespmem:s26+$0x2030];
	[tilespmem:s23+$0x8030] =	vst v8;
	v7 =	vmax.f32 v3, $0.0e+00;
	v1 =	vadd.f32 v1, v6  }
0xd6: {  	v3 =	vld [tilespmem:s26+$0x2040];
	[tilespmem:s23+$0x8040] =	vst v7;
	v6 =	vmax.f32 v2, $0.0e+00;
	v0 =	vadd.f32 v0, v10  }
0xd7: {  	v2 =	vld [tilespmem:s26+$0x2050];
	[tilespmem:s23+$0x8050] =	vst v6;
	v6 =	vmax.f32 v1, $0.0e+00  }
0xd8: {  	v1 =	vld [tilespmem:s26+$0x2060];
	[tilespmem:s23+$0x8060] =	vst v6;
	v6 =	vmax.f32 v0, $0.0e+00  }
0xd9: {  	v0 =	vld [tilespmem:s26+$0x2070];
	[tilespmem:s23+$0x8070] =	vst v6;
	s23 =	smov.u32 s26  }
0xda: {  	v6 =	vld [tilespmem:s23+$0x8000]  }
0xdb: {  	v11 =	vld [tilespmem:s23+$0x8010]  }
.Ltmp7:
0xdc: {  	v10 =	vld [tilespmem:s23+$0x8020];
	(pc) =	sbr.rel @p3 .LBB2_7-.Ltmp7, $4  }
0xdd: {  	v9 =	vld [tilespmem:s23+$0x8030]  }
0xde: {  	v8 =	vld [tilespmem:s23+$0x8040]  }
0xdf: {  	v12 =	vadd.f32 v13, v6;
	v7 =	vld [tilespmem:s23+$0x8050]  }
0xe0: {  	s15 =	sadd.s32 $0x200, s15;
	v11 =	vadd.f32 v14, v11;
	v6 =	vld [tilespmem:s23+$0x8060]  }
0xe1: {  	v12 =	vmax.f32 v12, $0.0e+00;
	v5 =	vadd.f32 v5, v10;
	v63 =	vld [tilespmem:s23+$0x8070]  }
0xe2: {  	[tilespmem:s23+$0x8000] =	vst v12;
	v11 =	vmax.f32 v11, $0.0e+00;
	v4 =	vadd.f32 v4, v9  }
0xe3: {  	[tilespmem:s23+$0x8010] =	vst v11;
	v5 =	vmax.f32 v5, $0.0e+00;
	v3 =	vadd.f32 v3, v8  }
0xe4: {  	[tilespmem:s23+$0x8020] =	vst v5;
	v4 =	vmax.f32 v4, $0.0e+00;
	v2 =	vadd.f32 v2, v7  }
0xe5: {  	[tilespmem:s23+$0x8030] =	vst v4;
	v3 =	vmax.f32 v3, $0.0e+00;
	v1 =	vadd.f32 v1, v6  }
.Ltmp8:
0xe6: {  	[tilespmem:s23+$0x8040] =	vst v3;
	v2 =	vmax.f32 v2, $0.0e+00;
	v0 =	vadd.f32 v0, v63;
	(pc) =	sbr.rel @!p4 .LBB2_10-.Ltmp8, $4  }
0xe7: {  	[tilespmem:s23+$0x8050] =	vst v2;
	v1 =	vmax.f32 v1, $0.0e+00  }
0xe8: {  	[tilespmem:s23+$0x8060] =	vst v1;
	v0 =	vmax.f32 v0, $0.0e+00  }
0xe9: {  	p3 =	por $0x0, $0x0;
	[tilespmem:s23+$0x8070] =	vst v0  }
0xea: {  	[spmem:s14] =	stream.indirect.scatter.add.f32 [tilespmem:s31], [sflag:$0xB], $0x80, s28, s8, $0xb8;
	[tilespmem:$0x1FC80] =	vst v63  }
.LBB2_9:
0xeb: {  	_ =	swait.ge [sflag:s24], $0x40  }
0xec: {  	[sflag:s24] =	ssyncset.done $0x0  }
0xed: {  	[sflag:s24] =	ssyncadd.s32 $0xFFFFFFC0  }
0xee: {  	_ =	swait.ge [sflag:s24], $0x40  }
0xef: {  	[sflag:s24] =	ssyncset.done $0x0  }
0xf0: {  	p3 =	por $0x1, $0x1;
	[sflag:s24] =	ssyncadd.s32 $0xFFFFFFC0  }
0xf1: {  	[tilespmem:s22], [sflag:$0x7] =	stream.indirect.gather [hbm4b:s0+s8], $0x80, s11, s8, $0xb8;
	[tilespmem:$0x1FC80] =	vst v63  }
.LBB2_10:
0xf2: {  	s15 =	sadd.s32 s2, s10  }
0xf3: {  	p4 =	sgt.u32 @!p2 s15, $0x1387  }
0xf4: {  	p4 =	por p2, p4  }
.Ltmp9:
0xf5: {  	_ = 	snop;
	(pc) =	sbr.rel @p4 .LBB2_12-.Ltmp9, $1  }
0xf6: {  	_ =	sdelay $0x3  }
0xf7: {  	_ =	swait.ge [sflag:s25], $0x2000  }
0xf8: {  	[sflag:s25] =	ssyncset.done $0x0  }
0xf9: {  	[sflag:s25] =	ssyncadd.s32 $0xFFFFE000  }
.LBB2_13:
0xfa: {  	s23 =	sshll.u32 s15, $0x3  }
0xfb: {  	s9 =	simm.s32 $0xC080;
	s26 =	sadd.s32 s17, s23  }
0xfc: {  	[tilespmem:s9], [sflag:$0x2] =	stream.linear.gather [hbm4b:s26+s1], $0x40, $0x38;
	[tilespmem:$0x1FC80] =	vst v63  }
0xfd: {  	s23 =	sadd.s32 s18, s23  }
0xfe: {  	[tilespmem:s28], [sflag:$0x2] =	stream.linear.gather [hbm4b:s23+s1], $0x40, $0x38;
	[tilespmem:$0x1FC80] =	vst v63  }
0xff: {  	s23 =	sshll.u32 s15, $0xA  }
0x100: {  	p4 =	por $0x1, $0x1;
	s26 =	simm.s32 $0x2000;
	s15 =	sadd.s32 s19, s23  }
0x101: {  	[tilespmem:s26], [sflag:$0x5] =	stream.linear.gather [hbm4b:s15+s1], $0x2000, $0x38;
	[tilespmem:$0x1FC80] =	vst v63  }
.LBB2_14:
.Ltmp10:
0x102: {  	(pc) =	sbr.rel @p2 .LBB2_18-.Ltmp10, $1  }
0x103: {  	_ =	sdelay $0x3  }
0x104: {  	s9 =	simm.s32 $0x9  }
0x105: {  	_ =	swait.ge [sflag:s9], $0x2000  }
0x106: {  	[sflag:s9] =	ssyncset.done $0x0  }
0x107: {  	[sflag:s9] =	ssyncadd.s32 $0xFFFFE000  }
0x108: {  	_ =	swait.ge [sflag:s30], $0x2000  }
0x109: {  	[sflag:s30] =	ssyncset.done $0x0  }
0x10a: {  	s23 =	simm.s32 $0x0;
	[sflag:s30] =	ssyncadd.s32 $0xFFFFE000  }
0x10b: {  	v6 =	vld [tilespmem:s23+$0x4000]  }
0x10c: {  	v11 =	vld [tilespmem:s23+$0x4010]  }
0x10d: {  	v5 =	vld [tilespmem:s23+$0x4020]  }
0x10e: {  	v4 =	vld [tilespmem:s23+$0x4030]  }
0x10f: {  	v3 =	vld [tilespmem:s23+$0x4040]  }
0x110: {  	v2 =	vld [tilespmem:s23+$0x4050]  }
0x111: {  	v1 =	vld [tilespmem:s23+$0x4060]  }
0x112: {  	v0 =	vld [tilespmem:s23+$0x4070]  }
0x113: {  	v12 =	vld [tilespmem:s23+$0xA000]  }
0x114: {  	v13 =	vld [tilespmem:s23+$0xA010]  }
0x115: {  	v10 =	vld [tilespmem:s23+$0xA020]  }
0x116: {  	v9 =	vld [tilespmem:s23+$0xA030]  }
0x117: {  	v8 =	vld [tilespmem:s23+$0xA040]  }
0x118: {  	v7 =	vld [tilespmem:s23+$0xA050];
	v12 =	vadd.f32 v6, v12  }
0x119: {  	s15 =	simm.s32 $0x200;
	v11 =	vadd.f32 v11, v13;
	v6 =	vld [tilespmem:s23+$0xA060]  }
.LBB2_16:
0x11a: {  	s26 =	sshra.s32 s15, $0x2;
	p5 =	sne.s32 s15, $0x7E00;
	v12 =	vmax.f32 v12, $0.0e+00;
	v5 =	vadd.f32 v5, v10;
	v10 =	vld [tilespmem:s23+$0xA070]  }
0x11b: {  	v13 =	vld [tilespmem:s26+$0x4000];
	[tilespmem:s23+$0xA000] =	vst v12;
	v11 =	vmax.f32 v11, $0.0e+00;
	v4 =	vadd.f32 v4, v9  }
0x11c: {  	v14 =	vld [tilespmem:s26+$0x4010];
	[tilespmem:s23+$0xA010] =	vst v11;
	v9 =	vmax.f32 v5, $0.0e+00;
	v3 =	vadd.f32 v3, v8  }
0x11d: {  	v5 =	vld [tilespmem:s26+$0x4020];
	[tilespmem:s23+$0xA020] =	vst v9;
	v8 =	vmax.f32 v4, $0.0e+00;
	v2 =	vadd.f32 v2, v7  }
0x11e: {  	v4 =	vld [tilespmem:s26+$0x4030];
	[tilespmem:s23+$0xA030] =	vst v8;
	v7 =	vmax.f32 v3, $0.0e+00;
	v1 =	vadd.f32 v1, v6  }
0x11f: {  	v3 =	vld [tilespmem:s26+$0x4040];
	[tilespmem:s23+$0xA040] =	vst v7;
	v6 =	vmax.f32 v2, $0.0e+00;
	v0 =	vadd.f32 v0, v10  }
0x120: {  	v2 =	vld [tilespmem:s26+$0x4050];
	[tilespmem:s23+$0xA050] =	vst v6;
	v6 =	vmax.f32 v1, $0.0e+00  }
0x121: {  	v1 =	vld [tilespmem:s26+$0x4060];
	[tilespmem:s23+$0xA060] =	vst v6;
	v6 =	vmax.f32 v0, $0.0e+00  }
0x122: {  	v0 =	vld [tilespmem:s26+$0x4070];
	[tilespmem:s23+$0xA070] =	vst v6;
	s23 =	smov.u32 s26  }
0x123: {  	v6 =	vld [tilespmem:s23+$0xA000]  }
0x124: {  	v11 =	vld [tilespmem:s23+$0xA010]  }
.Ltmp11:
0x125: {  	v10 =	vld [tilespmem:s23+$0xA020];
	(pc) =	sbr.rel @p5 .LBB2_16-.Ltmp11, $4  }
0x126: {  	v9 =	vld [tilespmem:s23+$0xA030]  }
0x127: {  	v8 =	vld [tilespmem:s23+$0xA040]  }
0x128: {  	v12 =	vadd.f32 v13, v6;
	v7 =	vld [tilespmem:s23+$0xA050]  }
0x129: {  	s15 =	sadd.s32 $0x200, s15;
	v11 =	vadd.f32 v14, v11;
	v6 =	vld [tilespmem:s23+$0xA060]  }
0x12a: {  	v12 =	vmax.f32 v12, $0.0e+00;
	v5 =	vadd.f32 v5, v10;
	v63 =	vld [tilespmem:s23+$0xA070]  }
0x12b: {  	[tilespmem:s23+$0xA000] =	vst v12;
	v11 =	vmax.f32 v11, $0.0e+00;
	v4 =	vadd.f32 v4, v9  }
0x12c: {  	[tilespmem:s23+$0xA010] =	vst v11;
	v5 =	vmax.f32 v5, $0.0e+00;
	v3 =	vadd.f32 v3, v8  }
0x12d: {  	[tilespmem:s23+$0xA020] =	vst v5;
	v4 =	vmax.f32 v4, $0.0e+00;
	v2 =	vadd.f32 v2, v7  }
0x12e: {  	[tilespmem:s23+$0xA030] =	vst v4;
	v3 =	vmax.f32 v3, $0.0e+00;
	v1 =	vadd.f32 v1, v6  }
.Ltmp12:
0x12f: {  	[tilespmem:s23+$0xA040] =	vst v3;
	v2 =	vmax.f32 v2, $0.0e+00;
	v0 =	vadd.f32 v0, v63;
	(pc) =	sbr.rel @p4 .LBB2_19-.Ltmp12, $4  }
.Ltmp13:
0x130: {  	[tilespmem:s23+$0xA050] =	vst v2;
	v1 =	vmax.f32 v1, $0.0e+00;
	(pc) =	sbr.rel @!p4 .LBB2_20-.Ltmp13, $4  }
0x131: {  	[tilespmem:s23+$0xA060] =	vst v1;
	v0 =	vmax.f32 v0, $0.0e+00  }
0x132: {  	s9 =	simm.s32 $0xC300;
	[tilespmem:s23+$0xA070] =	vst v0  }
0x133: {  	[spmem:s14] =	stream.indirect.scatter.add.f32 [tilespmem:s6], [sflag:$0xC], $0x80, s9, s8, $0xb8;
	[tilespmem:$0x1FC80] =	vst v63  }
0x134: {  	_ = 	snop  }
.LBB2_18:
.Ltmp14:
0x135: {  	(pc) =	sbr.rel @!p4 .LBB2_23-.Ltmp14, $2  }
0x136: {  	_ =	sdelay $0x2  }
0x137: {  	s15 =	smov.u32 s4  }
.LBB2_19:
0x138: {  	_ =	swait.ge [sflag:s12], $0x40  }
0x139: {  	[sflag:s12] =	ssyncset.done $0x0  }
0x13a: {  	[sflag:s12] =	ssyncadd.s32 $0xFFFFFFC0  }
0x13b: {  	_ =	swait.ge [sflag:s12], $0x40  }
0x13c: {  	[sflag:s12] =	ssyncset.done $0x0  }
0x13d: {  	s9 =	simm.s32 $0xC080;
	[sflag:s12] =	ssyncadd.s32 $0xFFFFFFC0  }
0x13e: {  	[tilespmem:s31], [sflag:$0x8] =	stream.indirect.gather [hbm4b:s0+s8], $0x80, s9, s8, $0xb8;
	[tilespmem:$0x1FC80] =	vst v63  }
.LBB2_20:
0x13f: {  	s15 =	sadd.s32 s4, s10  }
0x140: {  	p4 =	sgt.u32 @!p2 s15, $0x1387  }
0x141: {  	p2 =	por p2, p4  }
.Ltmp15:
0x142: {  	_ = 	snop;
	(pc) =	sbr.rel @p2 .LBB2_22-.Ltmp15, $1  }
0x143: {  	_ =	sdelay $0x3  }
0x144: {  	s9 =	simm.s32 $0xC  }
0x145: {  	_ =	swait.ge [sflag:s9], $0x2000  }
0x146: {  	[sflag:s9] =	ssyncset.done $0x0  }
0x147: {  	[sflag:s9] =	ssyncadd.s32 $0xFFFFE000  }
.LBB2_23:
0x148: {  	s10 =	sshll.u32 s15, $0x3  }
0x149: {  	s23 =	sadd.s32 s17, s10  }
0x14a: {  	[tilespmem:s5], [sflag:$0x3] =	stream.linear.gather [hbm4b:s23+s1], $0x40, $0x38;
	[tilespmem:$0x1FC80] =	vst v63  }
.Ltmp16:
0x14b: {  	_ = 	snop;
	(pc) =	sbr.rel @!p3 .LBB2_28-.Ltmp16, $4  }
0x14c: {  	s9 =	simm.s32 $0xC300;
	s10 =	sadd.s32 s18, s10;
	s23 =	sshll.u32 s15, $0xA  }
0x14d: {  	[tilespmem:s9], [sflag:$0x3] =	stream.linear.gather [hbm4b:s10+s1], $0x40, $0x38;
	[tilespmem:$0x1FC80] =	vst v63  }
0x14e: {  	s26 =	simm.s32 $0x4000;
	s10 =	sadd.s32 s19, s23  }
0x14f: {  	[tilespmem:s26], [sflag:$0x6] =	stream.linear.gather [hbm4b:s10+s1], $0x2000, $0x38;
	[tilespmem:$0x1FC80] =	vst v63  }
.LBB2_25:
0x150: {  	s9 =	simm.s32 $0x7  }
0x151: {  	_ =	swait.ge [sflag:s9], $0x2000  }
0x152: {  	[sflag:s9] =	ssyncset.done $0x0  }
0x153: {  	s26 =	simm.s32 $0x4;
	[sflag:s9] =	ssyncadd.s32 $0xFFFFE000  }
0x154: {  	_ =	swait.ge [sflag:s26], $0x2000  }
0x155: {  	[sflag:s26] =	ssyncset.done $0x0  }
0x156: {  	s10 =	simm.s32 $0x0;
	[sflag:s26] =	ssyncadd.s32 $0xFFFFE000  }
0x157: {  	v6 =	vld [tilespmem:s10+$0x0]  }
0x158: {  	v11 =	vld [tilespmem:s10+$0x10]  }
0x159: {  	v5 =	vld [tilespmem:s10+$0x20]  }
0x15a: {  	v4 =	vld [tilespmem:s10+$0x30]  }
0x15b: {  	v3 =	vld [tilespmem:s10+$0x40]  }
0x15c: {  	v2 =	vld [tilespmem:s10+$0x50]  }
0x15d: {  	v1 =	vld [tilespmem:s10+$0x60]  }
0x15e: {  	v0 =	vld [tilespmem:s10+$0x70]  }
0x15f: {  	v12 =	vld [tilespmem:s10+$0x6000]  }
0x160: {  	v13 =	vld [tilespmem:s10+$0x6010]  }
0x161: {  	v10 =	vld [tilespmem:s10+$0x6020]  }
0x162: {  	v9 =	vld [tilespmem:s10+$0x6030]  }
0x163: {  	v8 =	vld [tilespmem:s10+$0x6040]  }
0x164: {  	v7 =	vld [tilespmem:s10+$0x6050];
	v12 =	vadd.f32 v6, v12  }
0x165: {  	s15 =	simm.s32 $0x200;
	v11 =	vadd.f32 v11, v13;
	v6 =	vld [tilespmem:s10+$0x6060]  }
.LBB2_26:
0x166: {  	s23 =	sshra.s32 s15, $0x2;
	p2 =	sne.s32 s15, $0x7E00;
	v12 =	vmax.f32 v12, $0.0e+00;
	v5 =	vadd.f32 v5, v10;
	v10 =	vld [tilespmem:s10+$0x6070]  }
0x167: {  	v13 =	vld [tilespmem:s23+$0x0];
	[tilespmem:s10+$0x6000] =	vst v12;
	v11 =	vmax.f32 v11, $0.0e+00;
	v4 =	vadd.f32 v4, v9  }
0x168: {  	v14 =	vld [tilespmem:s23+$0x10];
	[tilespmem:s10+$0x6010] =	vst v11;
	v9 =	vmax.f32 v5, $0.0e+00;
	v3 =	vadd.f32 v3, v8  }
0x169: {  	v5 =	vld [tilespmem:s23+$0x20];
	[tilespmem:s10+$0x6020] =	vst v9;
	v8 =	vmax.f32 v4, $0.0e+00;
	v2 =	vadd.f32 v2, v7  }
0x16a: {  	v4 =	vld [tilespmem:s23+$0x30];
	[tilespmem:s10+$0x6030] =	vst v8;
	v7 =	vmax.f32 v3, $0.0e+00;
	v1 =	vadd.f32 v1, v6  }
0x16b: {  	v3 =	vld [tilespmem:s23+$0x40];
	[tilespmem:s10+$0x6040] =	vst v7;
	v6 =	vmax.f32 v2, $0.0e+00;
	v0 =	vadd.f32 v0, v10  }
0x16c: {  	v2 =	vld [tilespmem:s23+$0x50];
	[tilespmem:s10+$0x6050] =	vst v6;
	v6 =	vmax.f32 v1, $0.0e+00  }
0x16d: {  	v1 =	vld [tilespmem:s23+$0x60];
	[tilespmem:s10+$0x6060] =	vst v6;
	v6 =	vmax.f32 v0, $0.0e+00  }
0x16e: {  	v0 =	vld [tilespmem:s23+$0x70];
	[tilespmem:s10+$0x6070] =	vst v6;
	s10 =	smov.u32 s23  }
0x16f: {  	v6 =	vld [tilespmem:s10+$0x6000]  }
0x170: {  	v11 =	vld [tilespmem:s10+$0x6010]  }
.Ltmp17:
0x171: {  	v10 =	vld [tilespmem:s10+$0x6020];
	(pc) =	sbr.rel @p2 .LBB2_26-.Ltmp17, $4  }
0x172: {  	v9 =	vld [tilespmem:s10+$0x6030]  }
0x173: {  	v8 =	vld [tilespmem:s10+$0x6040]  }
0x174: {  	v12 =	vadd.f32 v13, v6;
	v7 =	vld [tilespmem:s10+$0x6050]  }
0x175: {  	s15 =	sadd.s32 $0x200, s15;
	v11 =	vadd.f32 v14, v11;
	v6 =	vld [tilespmem:s10+$0x6060]  }
0x176: {  	v12 =	vmax.f32 v12, $0.0e+00;
	v5 =	vadd.f32 v5, v10;
	v63 =	vld [tilespmem:s10+$0x6070]  }
0x177: {  	[tilespmem:s10+$0x6000] =	vst v12;
	v11 =	vmax.f32 v11, $0.0e+00;
	v4 =	vadd.f32 v4, v9  }
0x178: {  	[tilespmem:s10+$0x6010] =	vst v11;
	v5 =	vmax.f32 v5, $0.0e+00;
	v3 =	vadd.f32 v3, v8  }
0x179: {  	[tilespmem:s10+$0x6020] =	vst v5;
	v4 =	vmax.f32 v4, $0.0e+00;
	v2 =	vadd.f32 v2, v7  }
0x17a: {  	[tilespmem:s10+$0x6030] =	vst v4;
	v3 =	vmax.f32 v3, $0.0e+00;
	v1 =	vadd.f32 v1, v6  }
.Ltmp18:
0x17b: {  	[tilespmem:s10+$0x6040] =	vst v3;
	v2 =	vmax.f32 v2, $0.0e+00;
	v0 =	vadd.f32 v0, v63;
	(pc) =	sbr.rel .LBB2_28-.Ltmp18, $4  }
0x17c: {  	[tilespmem:s10+$0x6050] =	vst v2;
	v1 =	vmax.f32 v1, $0.0e+00  }
0x17d: {  	[tilespmem:s10+$0x6060] =	vst v1;
	v0 =	vmax.f32 v0, $0.0e+00  }
0x17e: {  	[tilespmem:s10+$0x6070] =	vst v0  }
0x17f: {  	[spmem:s14] =	stream.indirect.scatter.add.f32 [tilespmem:s22], [sflag:$0xA], $0x80, s13, s8, $0xb8;
	[tilespmem:$0x1FC80] =	vst v63  }
.LBB2_12:
0x180: {  	p5 =	sgt.u32 s15, $0x1387  }
.Ltmp19:
0x181: {  	_ = 	snop;
	(pc) =	sbr.rel @p5 .LBB2_14-.Ltmp19, $4  }
.Ltmp20:
0x182: {  	_ = 	snop;
	(pc) =	sbr.rel @!p5 .LBB2_13-.Ltmp20, $4  }
0x183: {  	_ = 	snop  }
0x184: {  	_ = 	snop  }
0x185: {  	p4 =	por $0x0, $0x0  }
0x186: {  	_ = 	snop  }
.LBB2_22:
0x187: {  	p2 =	sgt.u32 s15, $0x1387  }
.Ltmp21:
0x188: {  	_ = 	snop;
	(pc) =	sbr.rel @!p2 .LBB2_23-.Ltmp21, $1  }
0x189: {  	_ =	sdelay $0x3  }
.Ltmp22:
0x18a: {  	(pc) =	sbr.rel @!p3 .LBB2_28-.Ltmp22, $4  }
.Ltmp23:
0x18b: {  	(pc) =	sbr.rel @p3 .LBB2_25-.Ltmp23, $4  }
0x18c: {  	_ = 	snop  }
0x18d: {  	_ = 	snop  }
0x18e: {  	_ = 	snop  }
0x18f: {  	_ = 	snop  }
.LBB2_30:
0x190: {  	_ =	sfence.sel $0x180000  }
0x191: {  	[bflag:$0x0] =	sbarrier.arrive $0xFFFF  }
0x192: {  	_ =	strace $0x90000047  }
0x193: {  	s0 =	stileid.u32;
	[bflag:$0x2] =	sbarrier.arrive $0xFFFF  }
0x194: {  	p0 =	sne.s32 s0, $0x0;
	s0 =	rddreg [dreg:$0x4]  }
0x195: {  	s0 =	sadd.s32 @!p0 $0x100000, s0  }
0x196: {  	[sflag:s0] =	ssyncadd.tile.s32 @!p0 $0x1;
	_ =	shalt  }
.Lfunc_end2:
_tile_overlayer_lowered:
.L_overlay_start_2:
0x197: {  	(tag) =	ssettag $0x2  }
0x198: {  	s0 =	rddreg [dreg:$0x0];
	s2 =	stileid.u32  }
0x199: {  	s1 =	rddreg [dreg:$0x1];
	p0 =	sne.s32 s2, $0x0  }
0x19a: {  	s3 =	rddreg [dreg:$0x2];
	[bflag:$0x3] =	sbarrier.arrive $0xFFFF;
	s2 =	simm.s32 @!p0 $0x1C0D  }
0x19b: {  	[timem:s3], [sflag:s2] =	dma.local @!p0 [hbm:s0], s1  }
0x19c: {  	s0 =	simm.s32 @!p0 $0xD  }
0x19d: {  	_ =	swait.ge @!p0 [sflag:s0], s1  }
0x19e: {  	s1 =	ssub.s32 @!p0 $0x0, s1;
	[sflag:s0] =	ssyncset.done @!p0 $0x0  }
0x19f: {  	[sflag:s0] =	ssyncadd.s32 @!p0 s1  }
0x1a0: {  	[bflag:$0x3] =	sbarrier.arrive $0xFFFF  }
0x1a1: {  	_ =	shalt  }

</sc_bundles>
